<compile_context>
chip_gen: v7x
topology: tpu7x:2x2x1
jax: 0.10.2.dev20260603
libtpu: 0.0.44.dev20260713+nightly
codegen_flags: <defaults>
</compile_context>

<pallas_src>
import functools
import math

import numpy as np

import jax
import jax.numpy as jnp
from jax import lax
from jax.experimental import pallas as pl
from jax.experimental.pallas import tpu as pltpu
from jax.experimental.pallas import tpu_sc as plsc

N = 10000
NOUT = 128
FAN = 64
NP = 10240
NW = 32
RPT = NP // NW
CSZ = 64
TAU = 20.0
THR = 1.0
DECAY = float(np.float32(math.exp(-1.0 / 20.0)))

_MESH = plsc.VectorSubcoreMesh(core_axis_name="c", subcore_axis_name="s")


def _vgather(x, idx):
    return lax.gather(
        x, idx[:, None],
        lax.GatherDimensionNumbers(offset_dims=(), collapsed_slice_dims=(0,),
                                   start_index_map=(0,)),
        (1,), mode=lax.GatherScatterMode.PROMISE_IN_BOUNDS)


def _zero_acc(zb_v, acc_sh, sid):
    zeros = jnp.zeros((16,), jnp.float32)
    for i in range(zb_v.shape[0] // 16):
        zb_v[pl.ds(i * 16, 16)] = zeros
    span = NP // 16
    pltpu.sync_copy(zb_v, acc_sh.at[pl.ds(sid * span, span)])


def _copy_out(acc_sh, out_hbm, cid, sid):
    span = NP // 16
    pltpu.sync_copy(acc_sh.at[pl.ds(sid * span, span)],
                    out_hbm.at[pl.ds(cid * NP + sid * span, span)])


@functools.partial(
    pl.kernel, mesh=_MESH,
    out_type=jax.ShapeDtypeStruct((2 * NP,), jnp.float32),
    scratch_types=[
        pltpu.VMEM((RPT * FAN,), jnp.int32),
        pltpu.VMEM((RPT * FAN,), jnp.float32),
        pltpu.VMEM((RPT,), jnp.float32),
        pltpu.VMEM((NP // 16,), jnp.float32),
        pltpu.VMEM_SHARED((NP,), jnp.float32),
        pltpu.SemaphoreType.DMA,
    ],
)
def _stage_a(sp_hbm, t_hbm, w_hbm, out_hbm, idx_v, w_v, sp_v, zb_v, acc_sh,
             sem):
    cid = lax.axis_index("c")
    sid = lax.axis_index("s")
    wid = cid * 16 + sid
    h_idx = pltpu.async_copy(t_hbm.at[wid], idx_v, sem)
    h_w = pltpu.async_copy(w_hbm.at[wid], w_v, sem)
    _zero_acc(zb_v, acc_sh, sid)
    pltpu.sync_copy(sp_hbm.at[wid], sp_v)
    h_idx.wait()
    h_w.wait()
    plsc.subcore_barrier()

    def mul_body(r, carry):
        base = pl.multiple_of(r - lax.rem(r, 16), 16)
        spv = sp_v[pl.ds(base, 16)]
        bval = _vgather(spv, jnp.full((16,), lax.rem(r, 16), jnp.int32))
        for q in range(FAN // 16):
            s = pl.ds(r * FAN + q * 16, 16)
            w_v[s] = w_v[s] * bval
        return carry

    lax.fori_loop(0, RPT, mul_body, 0)

    pltpu.sync_copy(w_v, acc_sh.at[idx_v], add=True)
    plsc.subcore_barrier()
    _copy_out(acc_sh, out_hbm, cid, sid)


SPT = 2 * RPT


@functools.partial(
    pl.kernel, mesh=_MESH,
    out_type=[jax.ShapeDtypeStruct((NOUT,), jnp.int32),
              jax.ShapeDtypeStruct((NOUT,), jnp.float32)],
    scratch_types=[
        pltpu.VMEM((SPT + CSZ,), jnp.int32),
        pltpu.VMEM((CSZ, 2 * FAN), jnp.float32),
        pltpu.VMEM((CSZ, FAN), jnp.int32),
        pltpu.VMEM((SPT,), jnp.float32),
        pltpu.VMEM((SPT,), jnp.float32),
        pltpu.VMEM((NP // 16,), jnp.float32),
        pltpu.VMEM((SPT,), jnp.int32),
        pltpu.VMEM((SPT,), jnp.float32),
        pltpu.VMEM((16,), jnp.float32),
        pltpu.VMEM((NOUT,), jnp.int32),
        pltpu.VMEM((NOUT,), jnp.float32),
        pltpu.VMEM_SHARED((NP,), jnp.float32),
        pltpu.VMEM_SHARED((NOUT,), jnp.float32),
        pltpu.SemaphoreType.DMA,
    ],
)
def _stage_bcd(p_hbm, tw_hbm, t2_hbm, w2_hbm, m_hbm, ot_hbm, pv_hbm,
               rid_v, gb_v, tg_v, p0_v, p1_v, zb_v, c_idx, c_w, m_v,
               ot_v, pv_v, acc_sh, acc3_sh, sem):
    cid = lax.axis_index("c")
    sid = lax.axis_index("s")

    @pl.when(cid == 0)
    def _():
        base = sid * SPT
        h0 = pltpu.async_copy(p_hbm.at[pl.ds(base, SPT)], p0_v, sem)
        h1 = pltpu.async_copy(p_hbm.at[pl.ds(NP + base, SPT)], p1_v, sem)
        h_t2 = pltpu.async_copy(t2_hbm.at[pl.ds(base, SPT)], c_idx, sem)
        h_w2 = pltpu.async_copy(w2_hbm.at[pl.ds(base, SPT)], c_w, sem)
        _zero_acc(zb_v, acc_sh, sid)

        @pl.when(sid == 0)
        def _():
            zeros = jnp.zeros((16,), jnp.float32)
            for i in range(NOUT // 16):
                pv_v[pl.ds(i * 16, 16)] = zeros
            pltpu.sync_copy(pv_v, acc3_sh)

        h0.wait()
        h1.wait()
        h_t2.wait()
        h_w2.wait()

        iota = lax.iota(jnp.int32, 16)
        for i in range((SPT + CSZ) // 16):
            rid_v[pl.ds(i * 16, 16)] = N + lax.rem(iota + i * 16, NP - N)

        def build_body(i, cnt):
            s = pl.ds(i * 16, 16)
            p = (p0_v[s] + p1_v[s]) * DECAY
            m = p >= THR
            c = jnp.where(m, 1, 0).astype(jnp.int32)
            for d in (1, 2, 4, 8):
                g = _vgather(c, jnp.maximum(iota - d, 0))
                c = c + jnp.where(iota >= d, g, 0)
            k = c[15]
            lo = jnp.zeros((16,), jnp.int32)
            for step in (8, 4, 2, 1):
                t = lo + step
                v = _vgather(c, t - 1)
                lo = jnp.where(v < iota + 1, t, lo)
            rid = jnp.where(iota < k, base + i * 16 + lo,
                            N + lax.rem(iota + i * 16, NP - N))
            rid_v[pl.ds(cnt, 16)] = rid
            return cnt + k

        cnt = lax.fori_loop(0, SPT // 16, build_body, jnp.int32(0))
        nchunk = lax.div(cnt + (CSZ - 1), CSZ)
        plsc.subcore_barrier()

        def chunk_body(c, carry):
            rid_c = rid_v.at[pl.ds(c * CSZ, CSZ)]
            pltpu.async_copy(tw_hbm.at[rid_c], gb_v, sem).wait()

            def conv_body(r, carry2):
                for q in range(FAN // 16):
                    s = pl.ds(q * 16, 16)
                    tg_v[r, s] = gb_v[r, s].astype(jnp.int32)
                return carry2

            lax.fori_loop(0, CSZ, conv_body, 0)

            def sc_body(g, carry2):
                hs = [pltpu.async_copy(gb_v.at[g * 16 + r, pl.ds(FAN, FAN)],
                                       acc_sh.at[tg_v.at[g * 16 + r]], sem,
                                       add=True) for r in range(16)]
                for h in hs:
                    h.wait()
                return carry2

            lax.fori_loop(0, CSZ // 16, sc_body, 0)
            return carry

        lax.fori_loop(0, nchunk, chunk_body, 0)
        plsc.subcore_barrier()

        pltpu.sync_copy(acc_sh.at[pl.ds(base, SPT)], p0_v)
        for i in range(SPT // 16):
            s = pl.ds(i * 16, 16)
            p = p0_v[s] * DECAY
            c_w[s] = jnp.where(p >= THR, c_w[s], 0.0)
        pltpu.sync_copy(c_w, acc3_sh.at[c_idx], add=True)
        plsc.subcore_barrier()

        @pl.when(sid == 0)
        def _():
            pltpu.sync_copy(acc3_sh, pv_v)
            pltpu.sync_copy(m_hbm, m_v)
            mv = m_v[pl.ds(0, 16)]
            valid = mv >= 3.0
            factor = jnp.where(valid, jnp.exp(-(mv - 2.0) / TAU), 0.0)
            for g in range(NOUT // 16):
                s = pl.ds(g * 16, 16)
                acc = pv_v[s]
                fire = valid & ((acc * DECAY) >= THR)
                ot_v[s] = jnp.where(fire, 2, -1).astype(jnp.int32)
                pv_v[s] = acc * factor
            pltpu.sync_copy(ot_v, ot_hbm)
            pltpu.sync_copy(pv_v, pv_hbm)

    @pl.when(cid != 0)
    def _():
        plsc.subcore_barrier()
        plsc.subcore_barrier()
        plsc.subcore_barrier()


def _pad_tw(T, W, n_targets):
    fan = T.shape[1]
    pad = NP - N
    pad_idx = (lax.iota(jnp.int32, pad * fan) % n_targets).reshape(pad, fan)
    Tp = jnp.concatenate([T.astype(jnp.int32), pad_idx], axis=0)
    Wp = jnp.concatenate([W, jnp.zeros((pad, fan), jnp.float32)], axis=0)
    return Tp, Wp


def kernel(input_spikes, max_timesteps, T0, W0, T1, W1, T2, W2):
    T0p, W0p = _pad_tw(T0, W0, N)
    T1p, W1p = _pad_tw(T1, W1, N)
    T2p, W2p = _pad_tw(T2, W2, NOUT)
    sp2 = jnp.concatenate([input_spikes.astype(jnp.float32) * 2.0,
                           jnp.zeros((NP - N,), jnp.float32)]).reshape(NW, RPT)
    mvec = jnp.full((16,), max_timesteps, jnp.float32)

    partials1 = _stage_a(sp2, T0p.reshape(NW, RPT * FAN),
                         W0p.reshape(NW, RPT * FAN))
    tw1 = jnp.concatenate([T1p.astype(jnp.float32), W1p], axis=1)
    out_times, pots = _stage_bcd(partials1, tw1, T2p.reshape(NP),
                                 W2p.reshape(NP), mvec)
    return out_times, pots

# --- scband reference (transcript-rebuilt; emitter-appended) ---
"""Pipeline reference for scband-spiking-network-78778290143907 (READ-ONLY COPY).

The authoritative reference and input builder live on the scoring server;
editing this copy changes nothing except your own understanding.
"""

import jax, jax.numpy as jnp
import numpy as np

LAYER_SIZES = [10000, 10000, 10000, 128]
FAN_OUT_RATIO = 0.0064
TAU = 20.0
THRESHOLD = 1.0
SCALE = 25.0


def _fan_outs():
    return [max(1, int(FAN_OUT_RATIO * LAYER_SIZES[i + 1])) for i in range(len(LAYER_SIZES) - 1)]


@jax.custom_vjp
def surrogate_spike(v):
    return (v >= THRESHOLD).astype(jnp.float32)


def _ss_fwd(v):
    return surrogate_spike(v), v


def _ss_bwd(v, g):
    x = SCALE * (v - THRESHOLD)
    s = jax.nn.sigmoid(x)
    return (g * SCALE * s * (1.0 - s),)


surrogate_spike.defvjp(_ss_fwd, _ss_bwd)


def setup_inputs(seed: int = 0) -> dict:
    key = jax.random.key(seed)
    fo = _fan_outs()
    ks = jax.random.split(key, 1 + 2 * len(fo))
    inp = {}
    inp["input_spikes"] = jax.random.uniform(ks[0], (LAYER_SIZES[0],), dtype=jnp.float32)
    inp["max_timesteps"] = 10
    for i, f in enumerate(fo):
        inp[f"T{i}"] = jax.random.randint(ks[1 + 2 * i], (LAYER_SIZES[i], f), 0, LAYER_SIZES[i + 1])
        inp[f"W{i}"] = jax.random.normal(ks[2 + 2 * i], (LAYER_SIZES[i], f), dtype=jnp.float32) * 0.2
    return inp


def reference(input_spikes, max_timesteps, T0, W0, T1, W1, T2, W2):
    Ts = [T0, T1, T2]
    Ws = [W0, W1, W2]
    decay = jnp.exp(jnp.asarray(-1.0 / TAU, dtype=jnp.float32))
    spikes = [input_spikes.astype(jnp.float32) * 2.0] + [jnp.zeros((s,), dtype=jnp.float32) for s in LAYER_SIZES[1:]]
    pots = [jnp.zeros((s,), dtype=jnp.float32) for s in LAYER_SIZES]
    out_times = jnp.full((LAYER_SIZES[-1],), -1, dtype=jnp.int32)
    fired = jnp.zeros((LAYER_SIZES[-1],), dtype=bool)
    n_layers = len(LAYER_SIZES)

    def body(t, carry):
        spikes, pots, out_times, fired = carry
        spikes = list(spikes)
        pots = list(pots)
        # propagate spikes along fan-out connections via scatter-add
        for i in range(n_layers - 1):
            contrib = spikes[i][:, None] * Ws[i]
            pots[i + 1] = pots[i + 1].at[Ts[i].reshape(-1)].add(contrib.reshape(-1))
        # decay, spike, reset
        for i in range(1, n_layers):
            p = pots[i] * decay
            if i < n_layers - 1:
                s = surrogate_spike(p)
                spikes[i] = s
                pots[i] = p * (1.0 - s)
            else:
                pots[i] = p
                above = p >= THRESHOLD
                new = above & (~fired)
                out_times = jnp.where(new, t.astype(jnp.int32), out_times)
                fired = fired | above
        spikes[0] = jnp.where(t == 0, jnp.zeros_like(spikes[0]), spikes[0])
        return (tuple(spikes), tuple(pots), out_times, fired)

    carry = (tuple(spikes), tuple(pots), out_times, fired)
    carry = jax.lax.fori_loop(0, max_timesteps, body, carry)
    spikes, pots, out_times, fired = carry
    return out_times, pots[-1]

if __name__ == "__main__":
    import jax
    _d = setup_inputs()
    print(jax.jit(kernel)(*tuple(_d.values())))

</pallas_src>

<mosaic_0001>
#map = affine_map<(d0, d1) -> (0, 0)>
#map1 = affine_map<(d0, d1) -> (0)>
module attributes {stable_mosaic.version = 14 : i64} {
  func.func @_stage_a(%arg0: i32, %arg1: i32, %arg2: memref<32x320xf32, #tpu.memory_space<hbm>>, %arg3: memref<32x20480xi32, #tpu.memory_space<hbm>>, %arg4: memref<32x20480xf32, #tpu.memory_space<hbm>>, %arg5: memref<20480xf32, #tpu.memory_space<hbm>>, %arg6: memref<20480xi32, #tpu.memory_space<vmem>>, %arg7: memref<20480xf32, #tpu.memory_space<vmem>>, %arg8: memref<320xf32, #tpu.memory_space<vmem>>, %arg9: memref<640xf32, #tpu.memory_space<vmem>>, %arg10: memref<10240xf32, #tpu.memory_space<vmem_shared>>, %arg11: memref<!tpu.dma_semaphore, #tpu.memory_space<semaphore_mem>>) attributes {dimension_semantics = [#tpu.dimension_semantics<core_parallel>, #tpu.dimension_semantics<subcore_parallel>], iteration_bounds = array<i64: 2, 16>, scalar_prefetch = 0 : i64, scratch_operands = 6 : i64, tpu.core_type = #tpu.core_type<sc_vector_subcore>, window_params = [{transform_indices = #map}, {transform_indices = #map}, {transform_indices = #map}, {transform_indices = #map1}]} {
    %mul3A = arith.constant 16 : i32
    %mul3A_0 = arith.muli %arg0, %mul3A : i32
    %add3A = arith.addi %mul3A_0, %arg1 : i32
    %dma_start3A = arith.constant 0 : i32
    %dma_start3A_1 = tpu.memref_slice %arg3[%add3A, %dma_start3A] : memref<32x20480xi32, #tpu.memory_space<hbm>> -> memref<1x20480xi32, #tpu.memory_space<hbm>>
    %dma_start3A_2 = tpu.memref_squeeze %dma_start3A_1 : memref<1x20480xi32, #tpu.memory_space<hbm>> -> memref<20480xi32, #tpu.memory_space<hbm>>
    %dma_start3A_3 = arith.constant 0 : i32
    %dma_start3A_4 = tpu.memref_slice %arg3[%add3A, %dma_start3A_3] : memref<32x20480xi32, #tpu.memory_space<hbm>> -> memref<1x20480xi32, #tpu.memory_space<hbm>>
    %dma_start3A_5 = tpu.memref_squeeze %dma_start3A_4 : memref<1x20480xi32, #tpu.memory_space<hbm>> -> memref<20480xi32, #tpu.memory_space<hbm>>
    tpu.enqueue_dma source(%dma_start3A_5 : memref<20480xi32, #tpu.memory_space<hbm>>) target(%arg6 : memref<20480xi32, #tpu.memory_space<vmem>>) target_semaphore(%arg11 : memref<!tpu.dma_semaphore, #tpu.memory_space<semaphore_mem>>)
    %dma_start3A_6 = arith.constant 0 : i32
    %dma_start3A_7 = tpu.memref_slice %arg4[%add3A, %dma_start3A_6] : memref<32x20480xf32, #tpu.memory_space<hbm>> -> memref<1x20480xf32, #tpu.memory_space<hbm>>
    %dma_start3A_8 = tpu.memref_squeeze %dma_start3A_7 : memref<1x20480xf32, #tpu.memory_space<hbm>> -> memref<20480xf32, #tpu.memory_space<hbm>>
    %dma_start3A_9 = arith.constant 0 : i32
    %dma_start3A_10 = tpu.memref_slice %arg4[%add3A, %dma_start3A_9] : memref<32x20480xf32, #tpu.memory_space<hbm>> -> memref<1x20480xf32, #tpu.memory_space<hbm>>
    %dma_start3A_11 = tpu.memref_squeeze %dma_start3A_10 : memref<1x20480xf32, #tpu.memory_space<hbm>> -> memref<20480xf32, #tpu.memory_space<hbm>>
    tpu.enqueue_dma source(%dma_start3A_11 : memref<20480xf32, #tpu.memory_space<hbm>>) target(%arg7 : memref<20480xf32, #tpu.memory_space<vmem>>) target_semaphore(%arg11 : memref<!tpu.dma_semaphore, #tpu.memory_space<semaphore_mem>>)
    %broadcast_in_dim3A = arith.constant 0.000000e+00 : f32
    %broadcast_in_dim3A_12 = vector.broadcast %broadcast_in_dim3A : f32 to vector<16xf32>
    %swap3A = arith.constant 0 : index
    %swap3A_13 = tpu.vector_load %arg9[%swap3A] {strides = array<i32>} : memref<640xf32, #tpu.memory_space<vmem>>, vector<16xf32>,
    %swap3A_14 = vector.shape_cast %swap3A_13 : vector<16xf32> to vector<16xf32>
    %swap3A_15 = vector.shape_cast %broadcast_in_dim3A_12 : vector<16xf32> to vector<16xf32>
    tpu.vector_store %arg9[%swap3A], %swap3A_15 {strides = array<i32>} : memref<640xf32, #tpu.memory_space<vmem>>, vector<16xf32>,
    %swap3A_16 = arith.constant 16 : index
    %swap3A_17 = tpu.vector_load %arg9[%swap3A_16] {strides = array<i32>} : memref<640xf32, #tpu.memory_space<vmem>>, vector<16xf32>,
    %swap3A_18 = vector.shape_cast %swap3A_17 : vector<16xf32> to vector<16xf32>
    %swap3A_19 = vector.shape_cast %broadcast_in_dim3A_12 : vector<16xf32> to vector<16xf32>
    tpu.vector_store %arg9[%swap3A_16], %swap3A_19 {strides = array<i32>} : memref<640xf32, #tpu.memory_space<vmem>>, vector<16xf32>,
    %swap3A_20 = arith.constant 32 : index
    %swap3A_21 = tpu.vector_load %arg9[%swap3A_20] {strides = array<i32>} : memref<640xf32, #tpu.memory_space<vmem>>, vector<16xf32>,
    %swap3A_22 = vector.shape_cast %swap3A_21 : vector<16xf32> to vector<16xf32>
    %swap3A_23 = vector.shape_cast %broadcast_in_dim3A_12 : vector<16xf32> to vector<16xf32>
    tpu.vector_store %arg9[%swap3A_20], %swap3A_23 {strides = array<i32>} : memref<640xf32, #tpu.memory_space<vmem>>, vector<16xf32>,
    %swap3A_24 = arith.constant 48 : index
    %swap3A_25 = tpu.vector_load %arg9[%swap3A_24] {strides = array<i32>} : memref<640xf32, #tpu.memory_space<vmem>>, vector<16xf32>,
    %swap3A_26 = vector.shape_cast %swap3A_25 : vector<16xf32> to vector<16xf32>
    %swap3A_27 = vector.shape_cast %broadcast_in_dim3A_12 : vector<16xf32> to vector<16xf32>
    tpu.vector_store %arg9[%swap3A_24], %swap3A_27 {strides = array<i32>} : memref<640xf32, #tpu.memory_space<vmem>>, vector<16xf32>,
    %swap3A_28 = arith.constant 64 : index
    %swap3A_29 = tpu.vector_load %arg9[%swap3A_28] {strides = array<i32>} : memref<640xf32, #tpu.memory_space<vmem>>, vector<16xf32>,
    %swap3A_30 = vector.shape_cast %swap3A_29 : vector<16xf32> to vector<16xf32>
    %swap3A_31 = vector.shape_cast %broadcast_in_dim3A_12 : vector<16xf32> to vector<16xf32>
    tpu.vector_store %arg9[%swap3A_28], %swap3A_31 {strides = array<i32>} : memref<640xf32, #tpu.memory_space<vmem>>, vector<16xf32>,
    %swap3A_32 = arith.constant 80 : index
    %swap3A_33 = tpu.vector_load %arg9[%swap3A_32] {strides = array<i32>} : memref<640xf32, #tpu.memory_space<vmem>>, vector<16xf32>,
    %swap3A_34 = vector.shape_cast %swap3A_33 : vector<16xf32> to vector<16xf32>
    %swap3A_35 = vector.shape_cast %broadcast_in_dim3A_12 : vector<16xf32> to vector<16xf32>
    tpu.vector_store %arg9[%swap3A_32], %swap3A_35 {strides = array<i32>} : memref<640xf32, #tpu.memory_space<vmem>>, vector<16xf32>,
    %swap3A_36 = arith.constant 96 : index
    %swap3A_37 = tpu.vector_load %arg9[%swap3A_36] {strides = array<i32>} : memref<640xf32, #tpu.memory_space<vmem>>, vector<16xf32>,
    %swap3A_38 = vector.shape_cast %swap3A_37 : vector<16xf32> to vector<16xf32>
    %swap3A_39 = vector.shape_cast %broadcast_in_dim3A_12 : vector<16xf32> to vector<16xf32>
    tpu.vector_store %arg9[%swap3A_36], %swap3A_39 {strides = array<i32>} : memref<640xf32, #tpu.memory_space<vmem>>, vector<16xf32>,
    %swap3A_40 = arith.constant 112 : index
    %swap3A_41 = tpu.vector_load %arg9[%swap3A_40] {strides = array<i32>} : memref<640xf32, #tpu.memory_space<vmem>>, vector<16xf32>,
    %swap3A_42 = vector.shape_cast %swap3A_41 : vector<16xf32> to vector<16xf32>
    %swap3A_43 = vector.shape_cast %broadcast_in_dim3A_12 : vector<16xf32> to vector<16xf32>
    tpu.vector_store %arg9[%swap3A_40], %swap3A_43 {strides = array<i32>} : memref<640xf32, #tpu.memory_space<vmem>>, vector<16xf32>,
    %swap3A_44 = arith.constant 128 : index
    %swap3A_45 = tpu.vector_load %arg9[%swap3A_44] {strides = array<i32>} : memref<640xf32, #tpu.memory_space<vmem>>, vector<16xf32>,
    %swap3A_46 = vector.shape_cast %swap3A_45 : vector<16xf32> to vector<16xf32>
    %swap3A_47 = vector.shape_cast %broadcast_in_dim3A_12 : vector<16xf32> to vector<16xf32>
    tpu.vector_store %arg9[%swap3A_44], %swap3A_47 {strides = array<i32>} : memref<640xf32, #tpu.memory_space<vmem>>, vector<16xf32>,
    %swap3A_48 = arith.constant 144 : index
    %swap3A_49 = tpu.vector_load %arg9[%swap3A_48] {strides = array<i32>} : memref<640xf32, #tpu.memory_space<vmem>>, vector<16xf32>,
    %swap3A_50 = vector.shape_cast %swap3A_49 : vector<16xf32> to vector<16xf32>
    %swap3A_51 = vector.shape_cast %broadcast_in_dim3A_12 : vector<16xf32> to vector<16xf32>
    tpu.vector_store %arg9[%swap3A_48], %swap3A_51 {strides = array<i32>} : memref<640xf32, #tpu.memory_space<vmem>>, vector<16xf32>,
    %swap3A_52 = arith.constant 160 : index
    %swap3A_53 = tpu.vector_load %arg9[%swap3A_52] {strides = array<i32>} : memref<640xf32, #tpu.memory_space<vmem>>, vector<16xf32>,
    %swap3A_54 = vector.shape_cast %swap3A_53 : vector<16xf32> to vector<16xf32>
    %swap3A_55 = vector.shape_cast %broadcast_in_dim3A_12 : vector<16xf32> to vector<16xf32>
    tpu.vector_store %arg9[%swap3A_52], %swap3A_55 {strides = array<i32>} : memref<640xf32, #tpu.memory_space<vmem>>, vector<16xf32>,
    %swap3A_56 = arith.constant 176 : index
    %swap3A_57 = tpu.vector_load %arg9[%swap3A_56] {strides = array<i32>} : memref<640xf32, #tpu.memory_space<vmem>>, vector<16xf32>,
    %swap3A_58 = vector.shape_cast %swap3A_57 : vector<16xf32> to vector<16xf32>
    %swap3A_59 = vector.shape_cast %broadcast_in_dim3A_12 : vector<16xf32> to vector<16xf32>
    tpu.vector_store %arg9[%swap3A_56], %swap3A_59 {strides = array<i32>} : memref<640xf32, #tpu.memory_space<vmem>>, vector<16xf32>,
    %swap3A_60 = arith.constant 192 : index
    %swap3A_61 = tpu.vector_load %arg9[%swap3A_60] {strides = array<i32>} : memref<640xf32, #tpu.memory_space<vmem>>, vector<16xf32>,
    %swap3A_62 = vector.shape_cast %swap3A_61 : vector<16xf32> to vector<16xf32>
    %swap3A_63 = vector.shape_cast %broadcast_in_dim3A_12 : vector<16xf32> to vector<16xf32>
    tpu.vector_store %arg9[%swap3A_60], %swap3A_63 {strides = array<i32>} : memref<640xf32, #tpu.memory_space<vmem>>, vector<16xf32>,
    %swap3A_64 = arith.constant 208 : index
    %swap3A_65 = tpu.vector_load %arg9[%swap3A_64] {strides = array<i32>} : memref<640xf32, #tpu.memory_space<vmem>>, vector<16xf32>,
    %swap3A_66 = vector.shape_cast %swap3A_65 : vector<16xf32> to vector<16xf32>
    %swap3A_67 = vector.shape_cast %broadcast_in_dim3A_12 : vector<16xf32> to vector<16xf32>
    tpu.vector_store %arg9[%swap3A_64], %swap3A_67 {strides = array<i32>} : memref<640xf32, #tpu.memory_space<vmem>>, vector<16xf32>,
    %swap3A_68 = arith.constant 224 : index
    %swap3A_69 = tpu.vector_load %arg9[%swap3A_68] {strides = array<i32>} : memref<640xf32, #tpu.memory_space<vmem>>, vector<16xf32>,
    %swap3A_70 = vector.shape_cast %swap3A_69 : vector<16xf32> to vector<16xf32>
    %swap3A_71 = vector.shape_cast %broadcast_in_dim3A_12 : vector<16xf32> to vector<16xf32>
    tpu.vector_store %arg9[%swap3A_68], %swap3A_71 {strides = array<i32>} : memref<640xf32, #tpu.memory_space<vmem>>, vector<16xf32>,
    %swap3A_72 = arith.constant 240 : index
    %swap3A_73 = tpu.vector_load %arg9[%swap3A_72] {strides = array<i32>} : memref<640xf32, #tpu.memory_space<vmem>>, vector<16xf32>,
    %swap3A_74 = vector.shape_cast %swap3A_73 : vector<16xf32> to vector<16xf32>
    %swap3A_75 = vector.shape_cast %broadcast_in_dim3A_12 : vector<16xf32> to vector<16xf32>
    tpu.vector_store %arg9[%swap3A_72], %swap3A_75 {strides = array<i32>} : memref<640xf32, #tpu.memory_space<vmem>>, vector<16xf32>,
    %swap3A_76 = arith.constant 256 : index
    %swap3A_77 = tpu.vector_load %arg9[%swap3A_76] {strides = array<i32>} : memref<640xf32, #tpu.memory_space<vmem>>, vector<16xf32>,
    %swap3A_78 = vector.shape_cast %swap3A_77 : vector<16xf32> to vector<16xf32>
    %swap3A_79 = vector.shape_cast %broadcast_in_dim3A_12 : vector<16xf32> to vector<16xf32>
    tpu.vector_store %arg9[%swap3A_76], %swap3A_79 {strides = array<i32>} : memref<640xf32, #tpu.memory_space<vmem>>, vector<16xf32>,
    %swap3A_80 = arith.constant 272 : index
    %swap3A_81 = tpu.vector_load %arg9[%swap3A_80] {strides = array<i32>} : memref<640xf32, #tpu.memory_space<vmem>>, vector<16xf32>,
    %swap3A_82 = vector.shape_cast %swap3A_81 : vector<16xf32> to vector<16xf32>
    %swap3A_83 = vector.shape_cast %broadcast_in_dim3A_12 : vector<16xf32> to vector<16xf32>
    tpu.vector_store %arg9[%swap3A_80], %swap3A_83 {strides = array<i32>} : memref<640xf32, #tpu.memory_space<vmem>>, vector<16xf32>,
    %swap3A_84 = arith.constant 288 : index
    %swap3A_85 = tpu.vector_load %arg9[%swap3A_84] {strides = array<i32>} : memref<640xf32, #tpu.memory_space<vmem>>, vector<16xf32>,
    %swap3A_86 = vector.shape_cast %swap3A_85 : vector<16xf32> to vector<16xf32>
    %swap3A_87 = vector.shape_cast %broadcast_in_dim3A_12 : vector<16xf32> to vector<16xf32>
    tpu.vector_store %arg9[%swap3A_84], %swap3A_87 {strides = array<i32>} : memref<640xf32, #tpu.memory_space<vmem>>, vector<16xf32>,
    %swap3A_88 = arith.constant 304 : index
    %swap3A_89 = tpu.vector_load %arg9[%swap3A_88] {strides = array<i32>} : memref<640xf32, #tpu.memory_space<vmem>>, vector<16xf32>,
    %swap3A_90 = vector.shape_cast %swap3A_89 : vector<16xf32> to vector<16xf32>
    %swap3A_91 = vector.shape_cast %broadcast_in_dim3A_12 : vector<16xf32> to vector<16xf32>
    tpu.vector_store %arg9[%swap3A_88], %swap3A_91 {strides = array<i32>} : memref<640xf32, #tpu.memory_space<vmem>>, vector<16xf32>,
    %swap3A_92 = arith.constant 320 : index
    %swap3A_93 = tpu.vector_load %arg9[%swap3A_92] {strides = array<i32>} : memref<640xf32, #tpu.memory_space<vmem>>, vector<16xf32>,
    %swap3A_94 = vector.shape_cast %swap3A_93 : vector<16xf32> to vector<16xf32>
    %swap3A_95 = vector.shape_cast %broadcast_in_dim3A_12 : vector<16xf32> to vector<16xf32>
    tpu.vector_store %arg9[%swap3A_92], %swap3A_95 {strides = array<i32>} : memref<640xf32, #tpu.memory_space<vmem>>, vector<16xf32>,
    %swap3A_96 = arith.constant 336 : index
    %swap3A_97 = tpu.vector_load %arg9[%swap3A_96] {strides = array<i32>} : memref<640xf32, #tpu.memory_space<vmem>>, vector<16xf32>,
    %swap3A_98 = vector.shape_cast %swap3A_97 : vector<16xf32> to vector<16xf32>
    %swap3A_99 = vector.shape_cast %broadcast_in_dim3A_12 : vector<16xf32> to vector<16xf32>
    tpu.vector_store %arg9[%swap3A_96], %swap3A_99 {strides = array<i32>} : memref<640xf32, #tpu.memory_space<vmem>>, vector<16xf32>,
    %swap3A_100 = arith.constant 352 : index
    %swap3A_101 = tpu.vector_load %arg9[%swap3A_100] {strides = array<i32>} : memref<640xf32, #tpu.memory_space<vmem>>, vector<16xf32>,
    %swap3A_102 = vector.shape_cast %swap3A_101 : vector<16xf32> to vector<16xf32>
    %swap3A_103 = vector.shape_cast %broadcast_in_dim3A_12 : vector<16xf32> to vector<16xf32>
    tpu.vector_store %arg9[%swap3A_100], %swap3A_103 {strides = array<i32>} : memref<640xf32, #tpu.memory_space<vmem>>, vector<16xf32>,
    %swap3A_104 = arith.constant 368 : index
    %swap3A_105 = tpu.vector_load %arg9[%swap3A_104] {strides = array<i32>} : memref<640xf32, #tpu.memory_space<vmem>>, vector<16xf32>,
    %swap3A_106 = vector.shape_cast %swap3A_105 : vector<16xf32> to vector<16xf32>
    %swap3A_107 = vector.shape_cast %broadcast_in_dim3A_12 : vector<16xf32> to vector<16xf32>
    tpu.vector_store %arg9[%swap3A_104], %swap3A_107 {strides = array<i32>} : memref<640xf32, #tpu.memory_space<vmem>>, vector<16xf32>,
    %swap3A_108 = arith.constant 384 : index
    %swap3A_109 = tpu.vector_load %arg9[%swap3A_108] {strides = array<i32>} : memref<640xf32, #tpu.memory_space<vmem>>, vector<16xf32>,
    %swap3A_110 = vector.shape_cast %swap3A_109 : vector<16xf32> to vector<16xf32>
    %swap3A_111 = vector.shape_cast %broadcast_in_dim3A_12 : vector<16xf32> to vector<16xf32>
    tpu.vector_store %arg9[%swap3A_108], %swap3A_111 {strides = array<i32>} : memref<640xf32, #tpu.memory_space<vmem>>, vector<16xf32>,
    %swap3A_112 = arith.constant 400 : index
    %swap3A_113 = tpu.vector_load %arg9[%swap3A_112] {strides = array<i32>} : memref<640xf32, #tpu.memory_space<vmem>>, vector<16xf32>,
    %swap3A_114 = vector.shape_cast %swap3A_113 : vector<16xf32> to vector<16xf32>
    %swap3A_115 = vector.shape_cast %broadcast_in_dim3A_12 : vector<16xf32> to vector<16xf32>
    tpu.vector_store %arg9[%swap3A_112], %swap3A_115 {strides = array<i32>} : memref<640xf32, #tpu.memory_space<vmem>>, vector<16xf32>,
    %swap3A_116 = arith.constant 416 : index
    %swap3A_117 = tpu.vector_load %arg9[%swap3A_116] {strides = array<i32>} : memref<640xf32, #tpu.memory_space<vmem>>, vector<16xf32>,
    %swap3A_118 = vector.shape_cast %swap3A_117 : vector<16xf32> to vector<16xf32>
    %swap3A_119 = vector.shape_cast %broadcast_in_dim3A_12 : vector<16xf32> to vector<16xf32>
    tpu.vector_store %arg9[%swap3A_116], %swap3A_119 {strides = array<i32>} : memref<640xf32, #tpu.memory_space<vmem>>, vector<16xf32>,
    %swap3A_120 = arith.constant 432 : index
    %swap3A_121 = tpu.vector_load %arg9[%swap3A_120] {strides = array<i32>} : memref<640xf32, #tpu.memory_space<vmem>>, vector<16xf32>,
    %swap3A_122 = vector.shape_cast %swap3A_121 : vector<16xf32> to vector<16xf32>
    %swap3A_123 = vector.shape_cast %broadcast_in_dim3A_12 : vector<16xf32> to vector<16xf32>
    tpu.vector_store %arg9[%swap3A_120], %swap3A_123 {strides = array<i32>} : memref<640xf32, #tpu.memory_space<vmem>>, vector<16xf32>,
    %swap3A_124 = arith.constant 448 : index
    %swap3A_125 = tpu.vector_load %arg9[%swap3A_124] {strides = array<i32>} : memref<640xf32, #tpu.memory_space<vmem>>, vector<16xf32>,
    %swap3A_126 = vector.shape_cast %swap3A_125 : vector<16xf32> to vector<16xf32>
    %swap3A_127 = vector.shape_cast %broadcast_in_dim3A_12 : vector<16xf32> to vector<16xf32>
    tpu.vector_store %arg9[%swap3A_124], %swap3A_127 {strides = array<i32>} : memref<640xf32, #tpu.memory_space<vmem>>, vector<16xf32>,
    %swap3A_128 = arith.constant 464 : index
    %swap3A_129 = tpu.vector_load %arg9[%swap3A_128] {strides = array<i32>} : memref<640xf32, #tpu.memory_space<vmem>>, vector<16xf32>,
    %swap3A_130 = vector.shape_cast %swap3A_129 : vector<16xf32> to vector<16xf32>
    %swap3A_131 = vector.shape_cast %broadcast_in_dim3A_12 : vector<16xf32> to vector<16xf32>
    tpu.vector_store %arg9[%swap3A_128], %swap3A_131 {strides = array<i32>} : memref<640xf32, #tpu.memory_space<vmem>>, vector<16xf32>,
    %swap3A_132 = arith.constant 480 : index
    %swap3A_133 = tpu.vector_load %arg9[%swap3A_132] {strides = array<i32>} : memref<640xf32, #tpu.memory_space<vmem>>, vector<16xf32>,
    %swap3A_134 = vector.shape_cast %swap3A_133 : vector<16xf32> to vector<16xf32>
    %swap3A_135 = vector.shape_cast %broadcast_in_dim3A_12 : vector<16xf32> to vector<16xf32>
    tpu.vector_store %arg9[%swap3A_132], %swap3A_135 {strides = array<i32>} : memref<640xf32, #tpu.memory_space<vmem>>, vector<16xf32>,
    %swap3A_136 = arith.constant 496 : index
    %swap3A_137 = tpu.vector_load %arg9[%swap3A_136] {strides = array<i32>} : memref<640xf32, #tpu.memory_space<vmem>>, vector<16xf32>,
    %swap3A_138 = vector.shape_cast %swap3A_137 : vector<16xf32> to vector<16xf32>
    %swap3A_139 = vector.shape_cast %broadcast_in_dim3A_12 : vector<16xf32> to vector<16xf32>
    tpu.vector_store %arg9[%swap3A_136], %swap3A_139 {strides = array<i32>} : memref<640xf32, #tpu.memory_space<vmem>>, vector<16xf32>,
    %swap3A_140 = arith.constant 512 : index
    %swap3A_141 = tpu.vector_load %arg9[%swap3A_140] {strides = array<i32>} : memref<640xf32, #tpu.memory_space<vmem>>, vector<16xf32>,
    %swap3A_142 = vector.shape_cast %swap3A_141 : vector<16xf32> to vector<16xf32>
    %swap3A_143 = vector.shape_cast %broadcast_in_dim3A_12 : vector<16xf32> to vector<16xf32>
    tpu.vector_store %arg9[%swap3A_140], %swap3A_143 {strides = array<i32>} : memref<640xf32, #tpu.memory_space<vmem>>, vector<16xf32>,
    %swap3A_144 = arith.constant 528 : index
    %swap3A_145 = tpu.vector_load %arg9[%swap3A_144] {strides = array<i32>} : memref<640xf32, #tpu.memory_space<vmem>>, vector<16xf32>,
    %swap3A_146 = vector.shape_cast %swap3A_145 : vector<16xf32> to vector<16xf32>
    %swap3A_147 = vector.shape_cast %broadcast_in_dim3A_12 : vector<16xf32> to vector<16xf32>
    tpu.vector_store %arg9[%swap3A_144], %swap3A_147 {strides = array<i32>} : memref<640xf32, #tpu.memory_space<vmem>>, vector<16xf32>,
    %swap3A_148 = arith.constant 544 : index
    %swap3A_149 = tpu.vector_load %arg9[%swap3A_148] {strides = array<i32>} : memref<640xf32, #tpu.memory_space<vmem>>, vector<16xf32>,
    %swap3A_150 = vector.shape_cast %swap3A_149 : vector<16xf32> to vector<16xf32>
    %swap3A_151 = vector.shape_cast %broadcast_in_dim3A_12 : vector<16xf32> to vector<16xf32>
    tpu.vector_store %arg9[%swap3A_148], %swap3A_151 {strides = array<i32>} : memref<640xf32, #tpu.memory_space<vmem>>, vector<16xf32>,
    %swap3A_152 = arith.constant 560 : index
    %swap3A_153 = tpu.vector_load %arg9[%swap3A_152] {strides = array<i32>} : memref<640xf32, #tpu.memory_space<vmem>>, vector<16xf32>,
    %swap3A_154 = vector.shape_cast %swap3A_153 : vector<16xf32> to vector<16xf32>
    %swap3A_155 = vector.shape_cast %broadcast_in_dim3A_12 : vector<16xf32> to vector<16xf32>
    tpu.vector_store %arg9[%swap3A_152], %swap3A_155 {strides = array<i32>} : memref<640xf32, #tpu.memory_space<vmem>>, vector<16xf32>,
    %swap3A_156 = arith.constant 576 : index
    %swap3A_157 = tpu.vector_load %arg9[%swap3A_156] {strides = array<i32>} : memref<640xf32, #tpu.memory_space<vmem>>, vector<16xf32>,
    %swap3A_158 = vector.shape_cast %swap3A_157 : vector<16xf32> to vector<16xf32>
    %swap3A_159 = vector.shape_cast %broadcast_in_dim3A_12 : vector<16xf32> to vector<16xf32>
    tpu.vector_store %arg9[%swap3A_156], %swap3A_159 {strides = array<i32>} : memref<640xf32, #tpu.memory_space<vmem>>, vector<16xf32>,
    %swap3A_160 = arith.constant 592 : index
    %swap3A_161 = tpu.vector_load %arg9[%swap3A_160] {strides = array<i32>} : memref<640xf32, #tpu.memory_space<vmem>>, vector<16xf32>,
    %swap3A_162 = vector.shape_cast %swap3A_161 : vector<16xf32> to vector<16xf32>
    %swap3A_163 = vector.shape_cast %broadcast_in_dim3A_12 : vector<16xf32> to vector<16xf32>
    tpu.vector_store %arg9[%swap3A_160], %swap3A_163 {strides = array<i32>} : memref<640xf32, #tpu.memory_space<vmem>>, vector<16xf32>,
    %swap3A_164 = arith.constant 608 : index
    %swap3A_165 = tpu.vector_load %arg9[%swap3A_164] {strides = array<i32>} : memref<640xf32, #tpu.memory_space<vmem>>, vector<16xf32>,
    %swap3A_166 = vector.shape_cast %swap3A_165 : vector<16xf32> to vector<16xf32>
    %swap3A_167 = vector.shape_cast %broadcast_in_dim3A_12 : vector<16xf32> to vector<16xf32>
    tpu.vector_store %arg9[%swap3A_164], %swap3A_167 {strides = array<i32>} : memref<640xf32, #tpu.memory_space<vmem>>, vector<16xf32>,
    %swap3A_168 = arith.constant 624 : index
    %swap3A_169 = tpu.vector_load %arg9[%swap3A_168] {strides = array<i32>} : memref<640xf32, #tpu.memory_space<vmem>>, vector<16xf32>,
    %swap3A_170 = vector.shape_cast %swap3A_169 : vector<16xf32> to vector<16xf32>
    %swap3A_171 = vector.shape_cast %broadcast_in_dim3A_12 : vector<16xf32> to vector<16xf32>
    tpu.vector_store %arg9[%swap3A_168], %swap3A_171 {strides = array<i32>} : memref<640xf32, #tpu.memory_space<vmem>>, vector<16xf32>,
    %mul3A_172 = arith.constant 640 : i32
    %mul3A_173 = arith.muli %arg1, %mul3A_172 : i32
    "tpu.region"() ({
      %run_scoped3A = tpu.sem_alloc : memref<!tpu.dma_semaphore, #tpu.memory_space<semaphore_mem>>
      %dma_start3A_198 = tpu.memref_slice %arg10[%mul3A_173] : memref<10240xf32, #tpu.memory_space<vmem_shared>> -> memref<640xf32, #tpu.memory_space<vmem_shared>>
      %dma_start3A_199 = tpu.memref_slice %arg10[%mul3A_173] : memref<10240xf32, #tpu.memory_space<vmem_shared>> -> memref<640xf32, #tpu.memory_space<vmem_shared>>
      tpu.enqueue_dma source(%arg9 : memref<640xf32, #tpu.memory_space<vmem>>) target(%dma_start3A_199 : memref<640xf32, #tpu.memory_space<vmem_shared>>) target_semaphore(%run_scoped3A : memref<!tpu.dma_semaphore, #tpu.memory_space<semaphore_mem>>)
      %dma_wait3A_200 = tpu.memref_slice %arg10[%mul3A_173] : memref<10240xf32, #tpu.memory_space<vmem_shared>> -> memref<640xf32, #tpu.memory_space<vmem_shared>>
      %dma_wait3A_201 = tpu.memref_slice %arg10[%mul3A_173] : memref<10240xf32, #tpu.memory_space<vmem_shared>> -> memref<640xf32, #tpu.memory_space<vmem_shared>>
      tpu.wait_dma2 semaphore(%run_scoped3A : memref<!tpu.dma_semaphore, #tpu.memory_space<semaphore_mem>>) src(%arg9 : memref<640xf32, #tpu.memory_space<vmem>>) dst(%dma_wait3A_201 : memref<640xf32, #tpu.memory_space<vmem_shared>>)
      tpu.yield
    }) : () -> ()
    "tpu.region"() ({
      %run_scoped3A = tpu.sem_alloc : memref<!tpu.dma_semaphore, #tpu.memory_space<semaphore_mem>>
      %dma_start3A_198 = arith.constant 0 : i32
      %dma_start3A_199 = tpu.memref_slice %arg2[%add3A, %dma_start3A_198] : memref<32x320xf32, #tpu.memory_space<hbm>> -> memref<1x320xf32, #tpu.memory_space<hbm>>
      %dma_start3A_200 = tpu.memref_squeeze %dma_start3A_199 : memref<1x320xf32, #tpu.memory_space<hbm>> -> memref<320xf32, #tpu.memory_space<hbm>>
      %dma_start3A_201 = arith.constant 0 : i32
      %dma_start3A_202 = tpu.memref_slice %arg2[%add3A, %dma_start3A_201] : memref<32x320xf32, #tpu.memory_space<hbm>> -> memref<1x320xf32, #tpu.memory_space<hbm>>
      %dma_start3A_203 = tpu.memref_squeeze %dma_start3A_202 : memref<1x320xf32, #tpu.memory_space<hbm>> -> memref<320xf32, #tpu.memory_space<hbm>>
      tpu.enqueue_dma source(%dma_start3A_203 : memref<320xf32, #tpu.memory_space<hbm>>) target(%arg8 : memref<320xf32, #tpu.memory_space<vmem>>) target_semaphore(%run_scoped3A : memref<!tpu.dma_semaphore, #tpu.memory_space<semaphore_mem>>)
      %dma_wait3A_204 = arith.constant 0 : i32
      %dma_wait3A_205 = tpu.memref_slice %arg2[%add3A, %dma_wait3A_204] : memref<32x320xf32, #tpu.memory_space<hbm>> -> memref<1x320xf32, #tpu.memory_space<hbm>>
      %dma_wait3A_206 = tpu.memref_squeeze %dma_wait3A_205 : memref<1x320xf32, #tpu.memory_space<hbm>> -> memref<320xf32, #tpu.memory_space<hbm>>
      %dma_wait3A_207 = arith.constant 0 : i32
      %dma_wait3A_208 = tpu.memref_slice %arg2[%add3A, %dma_wait3A_207] : memref<32x320xf32, #tpu.memory_space<hbm>> -> memref<1x320xf32, #tpu.memory_space<hbm>>
      %dma_wait3A_209 = tpu.memref_squeeze %dma_wait3A_208 : memref<1x320xf32, #tpu.memory_space<hbm>> -> memref<320xf32, #tpu.memory_space<hbm>>
      tpu.wait_dma2 semaphore(%run_scoped3A : memref<!tpu.dma_semaphore, #tpu.memory_space<semaphore_mem>>) src(%dma_wait3A_209 : memref<320xf32, #tpu.memory_space<hbm>>) dst(%arg8 : memref<320xf32, #tpu.memory_space<vmem>>)
      tpu.yield
    }) : () -> ()
    %dma_wait3A = arith.constant 0 : i32
    %dma_wait3A_174 = tpu.memref_slice %arg3[%add3A, %dma_wait3A] : memref<32x20480xi32, #tpu.memory_space<hbm>> -> memref<1x20480xi32, #tpu.memory_space<hbm>>
    %dma_wait3A_175 = tpu.memref_squeeze %dma_wait3A_174 : memref<1x20480xi32, #tpu.memory_space<hbm>> -> memref<20480xi32, #tpu.memory_space<hbm>>
    %dma_wait3A_176 = arith.constant 0 : i32
    %dma_wait3A_177 = tpu.memref_slice %arg3[%add3A, %dma_wait3A_176] : memref<32x20480xi32, #tpu.memory_space<hbm>> -> memref<1x20480xi32, #tpu.memory_space<hbm>>
    %dma_wait3A_178 = tpu.memref_squeeze %dma_wait3A_177 : memref<1x20480xi32, #tpu.memory_space<hbm>> -> memref<20480xi32, #tpu.memory_space<hbm>>
    tpu.wait_dma2 semaphore(%arg11 : memref<!tpu.dma_semaphore, #tpu.memory_space<semaphore_mem>>) src(%dma_wait3A_178 : memref<20480xi32, #tpu.memory_space<hbm>>) dst(%arg6 : memref<20480xi32, #tpu.memory_space<vmem>>)
    %dma_wait3A_179 = arith.constant 0 : i32
    %dma_wait3A_180 = tpu.memref_slice %arg4[%add3A, %dma_wait3A_179] : memref<32x20480xf32, #tpu.memory_space<hbm>> -> memref<1x20480xf32, #tpu.memory_space<hbm>>
    %dma_wait3A_181 = tpu.memref_squeeze %dma_wait3A_180 : memref<1x20480xf32, #tpu.memory_space<hbm>> -> memref<20480xf32, #tpu.memory_space<hbm>>
    %dma_wait3A_182 = arith.constant 0 : i32
    %dma_wait3A_183 = tpu.memref_slice %arg4[%add3A, %dma_wait3A_182] : memref<32x20480xf32, #tpu.memory_space<hbm>> -> memref<1x20480xf32, #tpu.memory_space<hbm>>
    %dma_wait3A_184 = tpu.memref_squeeze %dma_wait3A_183 : memref<1x20480xf32, #tpu.memory_space<hbm>> -> memref<20480xf32, #tpu.memory_space<hbm>>
    tpu.wait_dma2 semaphore(%arg11 : memref<!tpu.dma_semaphore, #tpu.memory_space<semaphore_mem>>) src(%dma_wait3A_184 : memref<20480xf32, #tpu.memory_space<hbm>>) dst(%arg7 : memref<20480xf32, #tpu.memory_space<vmem>>)
    %barrier3A = arith.constant 0 : index
    tpu.barrier barrier_id(%barrier3A)
    %scan3A = arith.constant 0 : i32
    %scan3A_185 = arith.constant 0 : i32
    %scan3A_186 = arith.constant 320 : i32
    %scan3A_187 = arith.addi %scan3A_185, %scan3A_186 : i32
    %scan3A_188 = arith.constant 1 : i32
    scf.for %scan3A_198 = %scan3A_185 to %scan3A_187 step %scan3A_188  : i32 {
      %rem3A = arith.constant 16 : i32
      %rem3A_199 = arith.remsi %scan3A_198, %rem3A : i32
      %sub3A = arith.subi %scan3A_198, %rem3A_199 : i32
      %multiple_of3A = tpu.assume_multiple %sub3A, 16 : i32
      %get3A = arith.index_cast %multiple_of3A : i32 to index
      %get3A_200 = tpu.vector_load %arg8[%get3A] {strides = array<i32>} : memref<320xf32, #tpu.memory_space<vmem>>, vector<16xf32>,
      %get3A_201 = vector.shape_cast %get3A_200 : vector<16xf32> to vector<16xf32>
      %rem3A_202 = arith.constant 16 : i32
      %rem3A_203 = arith.remsi %scan3A_198, %rem3A_202 : i32
      %broadcast_in_dim3A_204 = vector.broadcast %rem3A_203 : i32 to vector<16xi32>
      %broadcast_in_dim3A_205 = vector.shape_cast %broadcast_in_dim3A_204 : vector<16xi32> to vector<16x1xi32>
      %gather3A = vector.shape_cast %broadcast_in_dim3A_205 : vector<16x1xi32> to vector<16xi32>
      %gather3A_206 = tpu.dynamic_gather %get3A_201[%gather3A] in [0] : vector<16xf32>, vector<16xi32> -> vector<16xf32>
      %mul3A_207 = arith.constant 64 : i32
      %mul3A_208 = arith.muli %scan3A_198, %mul3A_207 : i32
      %add3A_209 = arith.constant 0 : i32
      %add3A_210 = arith.addi %mul3A_208, %add3A_209 : i32
      %get3A_211 = arith.index_cast %add3A_210 : i32 to index
      %get3A_212 = tpu.vector_load %arg7[%get3A_211] {strides = array<i32>} : memref<20480xf32, #tpu.memory_space<vmem>>, vector<16xf32>,
      %get3A_213 = vector.shape_cast %get3A_212 : vector<16xf32> to vector<16xf32>
      %mul3A_214 = arith.mulf %get3A_213, %gather3A_206 : vector<16xf32>
      %swap3A_215 = arith.index_cast %add3A_210 : i32 to index
      %swap3A_216 = tpu.vector_load %arg7[%swap3A_215] {strides = array<i32>} : memref<20480xf32, #tpu.memory_space<vmem>>, vector<16xf32>,
      %swap3A_217 = vector.shape_cast %swap3A_216 : vector<16xf32> to vector<16xf32>
      %swap3A_218 = vector.shape_cast %mul3A_214 : vector<16xf32> to vector<16xf32>
      tpu.vector_store %arg7[%swap3A_215], %swap3A_218 {strides = array<i32>} : memref<20480xf32, #tpu.memory_space<vmem>>, vector<16xf32>,
      %mul3A_219 = arith.constant 64 : i32
      %mul3A_220 = arith.muli %scan3A_198, %mul3A_219 : i32
      %add3A_221 = arith.constant 16 : i32
      %add3A_222 = arith.addi %mul3A_220, %add3A_221 : i32
      %get3A_223 = arith.index_cast %add3A_222 : i32 to index
      %get3A_224 = tpu.vector_load %arg7[%get3A_223] {strides = array<i32>} : memref<20480xf32, #tpu.memory_space<vmem>>, vector<16xf32>,
      %get3A_225 = vector.shape_cast %get3A_224 : vector<16xf32> to vector<16xf32>
      %mul3A_226 = arith.mulf %get3A_225, %gather3A_206 : vector<16xf32>
      %swap3A_227 = arith.index_cast %add3A_222 : i32 to index
      %swap3A_228 = tpu.vector_load %arg7[%swap3A_227] {strides = array<i32>} : memref<20480xf32, #tpu.memory_space<vmem>>, vector<16xf32>,
      %swap3A_229 = vector.shape_cast %swap3A_228 : vector<16xf32> to vector<16xf32>
      %swap3A_230 = vector.shape_cast %mul3A_226 : vector<16xf32> to vector<16xf32>
      tpu.vector_store %arg7[%swap3A_227], %swap3A_230 {strides = array<i32>} : memref<20480xf32, #tpu.memory_space<vmem>>, vector<16xf32>,
      %mul3A_231 = arith.constant 64 : i32
      %mul3A_232 = arith.muli %scan3A_198, %mul3A_231 : i32
      %add3A_233 = arith.constant 32 : i32
      %add3A_234 = arith.addi %mul3A_232, %add3A_233 : i32
      %get3A_235 = arith.index_cast %add3A_234 : i32 to index
      %get3A_236 = tpu.vector_load %arg7[%get3A_235] {strides = array<i32>} : memref<20480xf32, #tpu.memory_space<vmem>>, vector<16xf32>,
      %get3A_237 = vector.shape_cast %get3A_236 : vector<16xf32> to vector<16xf32>
      %mul3A_238 = arith.mulf %get3A_237, %gather3A_206 : vector<16xf32>
      %swap3A_239 = arith.index_cast %add3A_234 : i32 to index
      %swap3A_240 = tpu.vector_load %arg7[%swap3A_239] {strides = array<i32>} : memref<20480xf32, #tpu.memory_space<vmem>>, vector<16xf32>,
      %swap3A_241 = vector.shape_cast %swap3A_240 : vector<16xf32> to vector<16xf32>
      %swap3A_242 = vector.shape_cast %mul3A_238 : vector<16xf32> to vector<16xf32>
      tpu.vector_store %arg7[%swap3A_239], %swap3A_242 {strides = array<i32>} : memref<20480xf32, #tpu.memory_space<vmem>>, vector<16xf32>,
      %mul3A_243 = arith.constant 64 : i32
      %mul3A_244 = arith.muli %scan3A_198, %mul3A_243 : i32
      %add3A_245 = arith.constant 48 : i32
      %add3A_246 = arith.addi %mul3A_244, %add3A_245 : i32
      %get3A_247 = arith.index_cast %add3A_246 : i32 to index
      %get3A_248 = tpu.vector_load %arg7[%get3A_247] {strides = array<i32>} : memref<20480xf32, #tpu.memory_space<vmem>>, vector<16xf32>,
      %get3A_249 = vector.shape_cast %get3A_248 : vector<16xf32> to vector<16xf32>
      %mul3A_250 = arith.mulf %get3A_249, %gather3A_206 : vector<16xf32>
      %swap3A_251 = arith.index_cast %add3A_246 : i32 to index
      %swap3A_252 = tpu.vector_load %arg7[%swap3A_251] {strides = array<i32>} : memref<20480xf32, #tpu.memory_space<vmem>>, vector<16xf32>,
      %swap3A_253 = vector.shape_cast %swap3A_252 : vector<16xf32> to vector<16xf32>
      %swap3A_254 = vector.shape_cast %mul3A_250 : vector<16xf32> to vector<16xf32>
      tpu.vector_store %arg7[%swap3A_251], %swap3A_254 {strides = array<i32>} : memref<20480xf32, #tpu.memory_space<vmem>>, vector<16xf32>,
    }
    %scan3A_189 = arith.constant 320 : i32
    "tpu.region"() ({
      %run_scoped3A = tpu.sem_alloc : memref<!tpu.dma_semaphore, #tpu.memory_space<semaphore_mem>>
      %dma_start3A_198 = arith.constant 0 : i32
      %dma_start3A_199 = tpu.memref_slice %arg10[%dma_start3A_198] : memref<10240xf32, #tpu.memory_space<vmem_shared>> -> memref<10240xf32, #tpu.memory_space<vmem_shared>>
      tpu.enqueue_indirect_dma source(%arg7 : memref<20480xf32, #tpu.memory_space<vmem>>) target(%dma_start3A_199 : memref<10240xf32, #tpu.memory_space<vmem_shared>>) offsets(%arg6 : memref<20480xi32, #tpu.memory_space<vmem>>) semaphore(%run_scoped3A : memref<!tpu.dma_semaphore, #tpu.memory_space<semaphore_mem>>) {add = true}
      %dma_wait3A_200 = arith.constant 0 : i32
      %dma_wait3A_201 = tpu.memref_slice %arg10[%dma_wait3A_200] : memref<10240xf32, #tpu.memory_space<vmem_shared>> -> memref<10240xf32, #tpu.memory_space<vmem_shared>>
      tpu.wait_indirect_dma semaphore(%run_scoped3A : memref<!tpu.dma_semaphore, #tpu.memory_space<semaphore_mem>>) src(%arg7 : memref<20480xf32, #tpu.memory_space<vmem>>) dst(%dma_wait3A_201 : memref<10240xf32, #tpu.memory_space<vmem_shared>>)
      tpu.yield
    }) : () -> ()
    %barrier3A_190 = arith.constant 0 : index
    tpu.barrier barrier_id(%barrier3A_190)
    %mul3A_191 = arith.constant 640 : i32
    %mul3A_192 = arith.muli %arg1, %mul3A_191 : i32
    %mul3A_193 = arith.constant 10240 : i32
    %mul3A_194 = arith.muli %arg0, %mul3A_193 : i32
    %mul3A_195 = arith.constant 640 : i32
    %mul3A_196 = arith.muli %arg1, %mul3A_195 : i32
    %add3A_197 = arith.addi %mul3A_194, %mul3A_196 : i32
    "tpu.region"() ({
      %run_scoped3A = tpu.sem_alloc : memref<!tpu.dma_semaphore, #tpu.memory_space<semaphore_mem>>
      %dma_start3A_198 = tpu.memref_slice %arg5[%add3A_197] : memref<20480xf32, #tpu.memory_space<hbm>> -> memref<640xf32, #tpu.memory_space<hbm>>
      %dma_start3A_199 = tpu.memref_slice %arg10[%mul3A_192] : memref<10240xf32, #tpu.memory_space<vmem_shared>> -> memref<640xf32, #tpu.memory_space<vmem_shared>>
      tpu.enqueue_dma source(%dma_start3A_199 : memref<640xf32, #tpu.memory_space<vmem_shared>>) target(%dma_start3A_198 : memref<640xf32, #tpu.memory_space<hbm>>) target_semaphore(%run_scoped3A : memref<!tpu.dma_semaphore, #tpu.memory_space<semaphore_mem>>)
      %dma_wait3A_200 = tpu.memref_slice %arg5[%add3A_197] : memref<20480xf32, #tpu.memory_space<hbm>> -> memref<640xf32, #tpu.memory_space<hbm>>
      %dma_wait3A_201 = tpu.memref_slice %arg10[%mul3A_192] : memref<10240xf32, #tpu.memory_space<vmem_shared>> -> memref<640xf32, #tpu.memory_space<vmem_shared>>
      tpu.wait_dma2 semaphore(%run_scoped3A : memref<!tpu.dma_semaphore, #tpu.memory_space<semaphore_mem>>) src(%dma_wait3A_201 : memref<640xf32, #tpu.memory_space<vmem_shared>>) dst(%dma_wait3A_200 : memref<640xf32, #tpu.memory_space<hbm>>)
      tpu.yield
    }) : () -> ()
    return
  }
}

#map = affine_map<(d0, d1) -> (0)>
#map1 = affine_map<(d0, d1) -> (0, 0)>
module attributes {stable_mosaic.version = 14 : i64} {
  func.func @_stage_bcd(%arg0: i32, %arg1: i32, %arg2: memref<20480xf32, #tpu.memory_space<hbm>>, %arg3: memref<10240x128xf32, #tpu.memory_space<hbm>>, %arg4: memref<10240xi32, #tpu.memory_space<hbm>>, %arg5: memref<10240xf32, #tpu.memory_space<hbm>>, %arg6: memref<16xf32, #tpu.memory_space<hbm>>, %arg7: memref<128xi32, #tpu.memory_space<hbm>>, %arg8: memref<128xf32, #tpu.memory_space<hbm>>, %arg9: memref<704xi32, #tpu.memory_space<vmem>>, %arg10: memref<64x128xf32, #tpu.memory_space<vmem>>, %arg11: memref<64x64xi32, #tpu.memory_space<vmem>>, %arg12: memref<640xf32, #tpu.memory_space<vmem>>, %arg13: memref<640xf32, #tpu.memory_space<vmem>>, %arg14: memref<640xf32, #tpu.memory_space<vmem>>, %arg15: memref<640xi32, #tpu.memory_space<vmem>>, %arg16: memref<640xf32, #tpu.memory_space<vmem>>, %arg17: memref<16xf32, #tpu.memory_space<vmem>>, %arg18: memref<128xi32, #tpu.memory_space<vmem>>, %arg19: memref<128xf32, #tpu.memory_space<vmem>>, %arg20: memref<10240xf32, #tpu.memory_space<vmem_shared>>, %arg21: memref<128xf32, #tpu.memory_space<vmem_shared>>, %arg22: memref<!tpu.dma_semaphore, #tpu.memory_space<semaphore_mem>>) attributes {dimension_semantics = [#tpu.dimension_semantics<core_parallel>, #tpu.dimension_semantics<subcore_parallel>], iteration_bounds = array<i64: 2, 16>, scalar_prefetch = 0 : i64, scratch_operands = 14 : i64, tpu.core_type = #tpu.core_type<sc_vector_subcore>, window_params = [{transform_indices = #map}, {transform_indices = #map1}, {transform_indices = #map}, {transform_indices = #map}, {transform_indices = #map}, {transform_indices = #map}, {transform_indices = #map}]} {
    %eq3A = arith.constant 0 : i32
    %eq3A_0 = arith.cmpi eq, %arg0, %eq3A : i32
    %convert_element_type3A = arith.extui %eq3A_0 : i1 to i32
    %cond3A = arith.constant 0 : i32
    %cond3A_1 = arith.cmpi ne, %convert_element_type3A, %cond3A : i32
    scf.if %cond3A_1 {
      %mul3A = arith.constant 640 : i32
      %mul3A_6 = arith.muli %arg1, %mul3A : i32
      %dma_start3A = tpu.memref_slice %arg2[%mul3A_6] : memref<20480xf32, #tpu.memory_space<hbm>> -> memref<640xf32, #tpu.memory_space<hbm>>
      %dma_start3A_7 = tpu.memref_slice %arg2[%mul3A_6] : memref<20480xf32, #tpu.memory_space<hbm>> -> memref<640xf32, #tpu.memory_space<hbm>>
      tpu.enqueue_dma source(%dma_start3A_7 : memref<640xf32, #tpu.memory_space<hbm>>) target(%arg12 : memref<640xf32, #tpu.memory_space<vmem>>) target_semaphore(%arg22 : memref<!tpu.dma_semaphore, #tpu.memory_space<semaphore_mem>>)
      %add3A = arith.constant 10240 : i32
      %add3A_8 = arith.addi %add3A, %mul3A_6 : i32
      %dma_start3A_9 = tpu.memref_slice %arg2[%add3A_8] : memref<20480xf32, #tpu.memory_space<hbm>> -> memref<640xf32, #tpu.memory_space<hbm>>
      %dma_start3A_10 = tpu.memref_slice %arg2[%add3A_8] : memref<20480xf32, #tpu.memory_space<hbm>> -> memref<640xf32, #tpu.memory_space<hbm>>
      tpu.enqueue_dma source(%dma_start3A_10 : memref<640xf32, #tpu.memory_space<hbm>>) target(%arg13 : memref<640xf32, #tpu.memory_space<vmem>>) target_semaphore(%arg22 : memref<!tpu.dma_semaphore, #tpu.memory_space<semaphore_mem>>)
      %dma_start3A_11 = tpu.memref_slice %arg4[%mul3A_6] : memref<10240xi32, #tpu.memory_space<hbm>> -> memref<640xi32, #tpu.memory_space<hbm>>
      %dma_start3A_12 = tpu.memref_slice %arg4[%mul3A_6] : memref<10240xi32, #tpu.memory_space<hbm>> -> memref<640xi32, #tpu.memory_space<hbm>>
      tpu.enqueue_dma source(%dma_start3A_12 : memref<640xi32, #tpu.memory_space<hbm>>) target(%arg15 : memref<640xi32, #tpu.memory_space<vmem>>) target_semaphore(%arg22 : memref<!tpu.dma_semaphore, #tpu.memory_space<semaphore_mem>>)
      %dma_start3A_13 = tpu.memref_slice %arg5[%mul3A_6] : memref<10240xf32, #tpu.memory_space<hbm>> -> memref<640xf32, #tpu.memory_space<hbm>>
      %dma_start3A_14 = tpu.memref_slice %arg5[%mul3A_6] : memref<10240xf32, #tpu.memory_space<hbm>> -> memref<640xf32, #tpu.memory_space<hbm>>
      tpu.enqueue_dma source(%dma_start3A_14 : memref<640xf32, #tpu.memory_space<hbm>>) target(%arg16 : memref<640xf32, #tpu.memory_space<vmem>>) target_semaphore(%arg22 : memref<!tpu.dma_semaphore, #tpu.memory_space<semaphore_mem>>)
      %broadcast_in_dim3A = arith.constant 0.000000e+00 : f32
      %broadcast_in_dim3A_15 = vector.broadcast %broadcast_in_dim3A : f32 to vector<16xf32>
      %swap3A = arith.constant 0 : index
      %swap3A_16 = tpu.vector_load %arg14[%swap3A] {strides = array<i32>} : memref<640xf32, #tpu.memory_space<vmem>>, vector<16xf32>,
      %swap3A_17 = vector.shape_cast %swap3A_16 : vector<16xf32> to vector<16xf32>
      %swap3A_18 = vector.shape_cast %broadcast_in_dim3A_15 : vector<16xf32> to vector<16xf32>
      tpu.vector_store %arg14[%swap3A], %swap3A_18 {strides = array<i32>} : memref<640xf32, #tpu.memory_space<vmem>>, vector<16xf32>,
      %swap3A_19 = arith.constant 16 : index
      %swap3A_20 = tpu.vector_load %arg14[%swap3A_19] {strides = array<i32>} : memref<640xf32, #tpu.memory_space<vmem>>, vector<16xf32>,
      %swap3A_21 = vector.shape_cast %swap3A_20 : vector<16xf32> to vector<16xf32>
      %swap3A_22 = vector.shape_cast %broadcast_in_dim3A_15 : vector<16xf32> to vector<16xf32>
      tpu.vector_store %arg14[%swap3A_19], %swap3A_22 {strides = array<i32>} : memref<640xf32, #tpu.memory_space<vmem>>, vector<16xf32>,
      %swap3A_23 = arith.constant 32 : index
      %swap3A_24 = tpu.vector_load %arg14[%swap3A_23] {strides = array<i32>} : memref<640xf32, #tpu.memory_space<vmem>>, vector<16xf32>,
      %swap3A_25 = vector.shape_cast %swap3A_24 : vector<16xf32> to vector<16xf32>
      %swap3A_26 = vector.shape_cast %broadcast_in_dim3A_15 : vector<16xf32> to vector<16xf32>
      tpu.vector_store %arg14[%swap3A_23], %swap3A_26 {strides = array<i32>} : memref<640xf32, #tpu.memory_space<vmem>>, vector<16xf32>,
      %swap3A_27 = arith.constant 48 : index
      %swap3A_28 = tpu.vector_load %arg14[%swap3A_27] {strides = array<i32>} : memref<640xf32, #tpu.memory_space<vmem>>, vector<16xf32>,
      %swap3A_29 = vector.shape_cast %swap3A_28 : vector<16xf32> to vector<16xf32>
      %swap3A_30 = vector.shape_cast %broadcast_in_dim3A_15 : vector<16xf32> to vector<16xf32>
      tpu.vector_store %arg14[%swap3A_27], %swap3A_30 {strides = array<i32>} : memref<640xf32, #tpu.memory_space<vmem>>, vector<16xf32>,
      %swap3A_31 = arith.constant 64 : index
      %swap3A_32 = tpu.vector_load %arg14[%swap3A_31] {strides = array<i32>} : memref<640xf32, #tpu.memory_space<vmem>>, vector<16xf32>,
      %swap3A_33 = vector.shape_cast %swap3A_32 : vector<16xf32> to vector<16xf32>
      %swap3A_34 = vector.shape_cast %broadcast_in_dim3A_15 : vector<16xf32> to vector<16xf32>
      tpu.vector_store %arg14[%swap3A_31], %swap3A_34 {strides = array<i32>} : memref<640xf32, #tpu.memory_space<vmem>>, vector<16xf32>,
      %swap3A_35 = arith.constant 80 : index
      %swap3A_36 = tpu.vector_load %arg14[%swap3A_35] {strides = array<i32>} : memref<640xf32, #tpu.memory_space<vmem>>, vector<16xf32>,
      %swap3A_37 = vector.shape_cast %swap3A_36 : vector<16xf32> to vector<16xf32>
      %swap3A_38 = vector.shape_cast %broadcast_in_dim3A_15 : vector<16xf32> to vector<16xf32>
      tpu.vector_store %arg14[%swap3A_35], %swap3A_38 {strides = array<i32>} : memref<640xf32, #tpu.memory_space<vmem>>, vector<16xf32>,
      %swap3A_39 = arith.constant 96 : index
      %swap3A_40 = tpu.vector_load %arg14[%swap3A_39] {strides = array<i32>} : memref<640xf32, #tpu.memory_space<vmem>>, vector<16xf32>,
      %swap3A_41 = vector.shape_cast %swap3A_40 : vector<16xf32> to vector<16xf32>
      %swap3A_42 = vector.shape_cast %broadcast_in_dim3A_15 : vector<16xf32> to vector<16xf32>
      tpu.vector_store %arg14[%swap3A_39], %swap3A_42 {strides = array<i32>} : memref<640xf32, #tpu.memory_space<vmem>>, vector<16xf32>,
      %swap3A_43 = arith.constant 112 : index
      %swap3A_44 = tpu.vector_load %arg14[%swap3A_43] {strides = array<i32>} : memref<640xf32, #tpu.memory_space<vmem>>, vector<16xf32>,
      %swap3A_45 = vector.shape_cast %swap3A_44 : vector<16xf32> to vector<16xf32>
      %swap3A_46 = vector.shape_cast %broadcast_in_dim3A_15 : vector<16xf32> to vector<16xf32>
      tpu.vector_store %arg14[%swap3A_43], %swap3A_46 {strides = array<i32>} : memref<640xf32, #tpu.memory_space<vmem>>, vector<16xf32>,
      %swap3A_47 = arith.constant 128 : index
      %swap3A_48 = tpu.vector_load %arg14[%swap3A_47] {strides = array<i32>} : memref<640xf32, #tpu.memory_space<vmem>>, vector<16xf32>,
      %swap3A_49 = vector.shape_cast %swap3A_48 : vector<16xf32> to vector<16xf32>
      %swap3A_50 = vector.shape_cast %broadcast_in_dim3A_15 : vector<16xf32> to vector<16xf32>
      tpu.vector_store %arg14[%swap3A_47], %swap3A_50 {strides = array<i32>} : memref<640xf32, #tpu.memory_space<vmem>>, vector<16xf32>,
      %swap3A_51 = arith.constant 144 : index
      %swap3A_52 = tpu.vector_load %arg14[%swap3A_51] {strides = array<i32>} : memref<640xf32, #tpu.memory_space<vmem>>, vector<16xf32>,
      %swap3A_53 = vector.shape_cast %swap3A_52 : vector<16xf32> to vector<16xf32>
      %swap3A_54 = vector.shape_cast %broadcast_in_dim3A_15 : vector<16xf32> to vector<16xf32>
      tpu.vector_store %arg14[%swap3A_51], %swap3A_54 {strides = array<i32>} : memref<640xf32, #tpu.memory_space<vmem>>, vector<16xf32>,
      %swap3A_55 = arith.constant 160 : index
      %swap3A_56 = tpu.vector_load %arg14[%swap3A_55] {strides = array<i32>} : memref<640xf32, #tpu.memory_space<vmem>>, vector<16xf32>,
      %swap3A_57 = vector.shape_cast %swap3A_56 : vector<16xf32> to vector<16xf32>
      %swap3A_58 = vector.shape_cast %broadcast_in_dim3A_15 : vector<16xf32> to vector<16xf32>
      tpu.vector_store %arg14[%swap3A_55], %swap3A_58 {strides = array<i32>} : memref<640xf32, #tpu.memory_space<vmem>>, vector<16xf32>,
      %swap3A_59 = arith.constant 176 : index
      %swap3A_60 = tpu.vector_load %arg14[%swap3A_59] {strides = array<i32>} : memref<640xf32, #tpu.memory_space<vmem>>, vector<16xf32>,
      %swap3A_61 = vector.shape_cast %swap3A_60 : vector<16xf32> to vector<16xf32>
      %swap3A_62 = vector.shape_cast %broadcast_in_dim3A_15 : vector<16xf32> to vector<16xf32>
      tpu.vector_store %arg14[%swap3A_59], %swap3A_62 {strides = array<i32>} : memref<640xf32, #tpu.memory_space<vmem>>, vector<16xf32>,
      %swap3A_63 = arith.constant 192 : index
      %swap3A_64 = tpu.vector_load %arg14[%swap3A_63] {strides = array<i32>} : memref<640xf32, #tpu.memory_space<vmem>>, vector<16xf32>,
      %swap3A_65 = vector.shape_cast %swap3A_64 : vector<16xf32> to vector<16xf32>
      %swap3A_66 = vector.shape_cast %broadcast_in_dim3A_15 : vector<16xf32> to vector<16xf32>
      tpu.vector_store %arg14[%swap3A_63], %swap3A_66 {strides = array<i32>} : memref<640xf32, #tpu.memory_space<vmem>>, vector<16xf32>,
      %swap3A_67 = arith.constant 208 : index
      %swap3A_68 = tpu.vector_load %arg14[%swap3A_67] {strides = array<i32>} : memref<640xf32, #tpu.memory_space<vmem>>, vector<16xf32>,
      %swap3A_69 = vector.shape_cast %swap3A_68 : vector<16xf32> to vector<16xf32>
      %swap3A_70 = vector.shape_cast %broadcast_in_dim3A_15 : vector<16xf32> to vector<16xf32>
      tpu.vector_store %arg14[%swap3A_67], %swap3A_70 {strides = array<i32>} : memref<640xf32, #tpu.memory_space<vmem>>, vector<16xf32>,
      %swap3A_71 = arith.constant 224 : index
      %swap3A_72 = tpu.vector_load %arg14[%swap3A_71] {strides = array<i32>} : memref<640xf32, #tpu.memory_space<vmem>>, vector<16xf32>,
      %swap3A_73 = vector.shape_cast %swap3A_72 : vector<16xf32> to vector<16xf32>
      %swap3A_74 = vector.shape_cast %broadcast_in_dim3A_15 : vector<16xf32> to vector<16xf32>
      tpu.vector_store %arg14[%swap3A_71], %swap3A_74 {strides = array<i32>} : memref<640xf32, #tpu.memory_space<vmem>>, vector<16xf32>,
      %swap3A_75 = arith.constant 240 : index
      %swap3A_76 = tpu.vector_load %arg14[%swap3A_75] {strides = array<i32>} : memref<640xf32, #tpu.memory_space<vmem>>, vector<16xf32>,
      %swap3A_77 = vector.shape_cast %swap3A_76 : vector<16xf32> to vector<16xf32>
      %swap3A_78 = vector.shape_cast %broadcast_in_dim3A_15 : vector<16xf32> to vector<16xf32>
      tpu.vector_store %arg14[%swap3A_75], %swap3A_78 {strides = array<i32>} : memref<640xf32, #tpu.memory_space<vmem>>, vector<16xf32>,
      %swap3A_79 = arith.constant 256 : index
      %swap3A_80 = tpu.vector_load %arg14[%swap3A_79] {strides = array<i32>} : memref<640xf32, #tpu.memory_space<vmem>>, vector<16xf32>,
      %swap3A_81 = vector.shape_cast %swap3A_80 : vector<16xf32> to vector<16xf32>
      %swap3A_82 = vector.shape_cast %broadcast_in_dim3A_15 : vector<16xf32> to vector<16xf32>
      tpu.vector_store %arg14[%swap3A_79], %swap3A_82 {strides = array<i32>} : memref<640xf32, #tpu.memory_space<vmem>>, vector<16xf32>,
      %swap3A_83 = arith.constant 272 : index
      %swap3A_84 = tpu.vector_load %arg14[%swap3A_83] {strides = array<i32>} : memref<640xf32, #tpu.memory_space<vmem>>, vector<16xf32>,
      %swap3A_85 = vector.shape_cast %swap3A_84 : vector<16xf32> to vector<16xf32>
      %swap3A_86 = vector.shape_cast %broadcast_in_dim3A_15 : vector<16xf32> to vector<16xf32>
      tpu.vector_store %arg14[%swap3A_83], %swap3A_86 {strides = array<i32>} : memref<640xf32, #tpu.memory_space<vmem>>, vector<16xf32>,
      %swap3A_87 = arith.constant 288 : index
      %swap3A_88 = tpu.vector_load %arg14[%swap3A_87] {strides = array<i32>} : memref<640xf32, #tpu.memory_space<vmem>>, vector<16xf32>,
      %swap3A_89 = vector.shape_cast %swap3A_88 : vector<16xf32> to vector<16xf32>
      %swap3A_90 = vector.shape_cast %broadcast_in_dim3A_15 : vector<16xf32> to vector<16xf32>
      tpu.vector_store %arg14[%swap3A_87], %swap3A_90 {strides = array<i32>} : memref<640xf32, #tpu.memory_space<vmem>>, vector<16xf32>,
      %swap3A_91 = arith.constant 304 : index
      %swap3A_92 = tpu.vector_load %arg14[%swap3A_91] {strides = array<i32>} : memref<640xf32, #tpu.memory_space<vmem>>, vector<16xf32>,
      %swap3A_93 = vector.shape_cast %swap3A_92 : vector<16xf32> to vector<16xf32>
      %swap3A_94 = vector.shape_cast %broadcast_in_dim3A_15 : vector<16xf32> to vector<16xf32>
      tpu.vector_store %arg14[%swap3A_91], %swap3A_94 {strides = array<i32>} : memref<640xf32, #tpu.memory_space<vmem>>, vector<16xf32>,
      %swap3A_95 = arith.constant 320 : index
      %swap3A_96 = tpu.vector_load %arg14[%swap3A_95] {strides = array<i32>} : memref<640xf32, #tpu.memory_space<vmem>>, vector<16xf32>,
      %swap3A_97 = vector.shape_cast %swap3A_96 : vector<16xf32> to vector<16xf32>
      %swap3A_98 = vector.shape_cast %broadcast_in_dim3A_15 : vector<16xf32> to vector<16xf32>
      tpu.vector_store %arg14[%swap3A_95], %swap3A_98 {strides = array<i32>} : memref<640xf32, #tpu.memory_space<vmem>>, vector<16xf32>,
      %swap3A_99 = arith.constant 336 : index
      %swap3A_100 = tpu.vector_load %arg14[%swap3A_99] {strides = array<i32>} : memref<640xf32, #tpu.memory_space<vmem>>, vector<16xf32>,
      %swap3A_101 = vector.shape_cast %swap3A_100 : vector<16xf32> to vector<16xf32>
      %swap3A_102 = vector.shape_cast %broadcast_in_dim3A_15 : vector<16xf32> to vector<16xf32>
      tpu.vector_store %arg14[%swap3A_99], %swap3A_102 {strides = array<i32>} : memref<640xf32, #tpu.memory_space<vmem>>, vector<16xf32>,
      %swap3A_103 = arith.constant 352 : index
      %swap3A_104 = tpu.vector_load %arg14[%swap3A_103] {strides = array<i32>} : memref<640xf32, #tpu.memory_space<vmem>>, vector<16xf32>,
      %swap3A_105 = vector.shape_cast %swap3A_104 : vector<16xf32> to vector<16xf32>
      %swap3A_106 = vector.shape_cast %broadcast_in_dim3A_15 : vector<16xf32> to vector<16xf32>
      tpu.vector_store %arg14[%swap3A_103], %swap3A_106 {strides = array<i32>} : memref<640xf32, #tpu.memory_space<vmem>>, vector<16xf32>,
      %swap3A_107 = arith.constant 368 : index
      %swap3A_108 = tpu.vector_load %arg14[%swap3A_107] {strides = array<i32>} : memref<640xf32, #tpu.memory_space<vmem>>, vector<16xf32>,
      %swap3A_109 = vector.shape_cast %swap3A_108 : vector<16xf32> to vector<16xf32>
      %swap3A_110 = vector.shape_cast %broadcast_in_dim3A_15 : vector<16xf32> to vector<16xf32>
      tpu.vector_store %arg14[%swap3A_107], %swap3A_110 {strides = array<i32>} : memref<640xf32, #tpu.memory_space<vmem>>, vector<16xf32>,
      %swap3A_111 = arith.constant 384 : index
      %swap3A_112 = tpu.vector_load %arg14[%swap3A_111] {strides = array<i32>} : memref<640xf32, #tpu.memory_space<vmem>>, vector<16xf32>,
      %swap3A_113 = vector.shape_cast %swap3A_112 : vector<16xf32> to vector<16xf32>
      %swap3A_114 = vector.shape_cast %broadcast_in_dim3A_15 : vector<16xf32> to vector<16xf32>
      tpu.vector_store %arg14[%swap3A_111], %swap3A_114 {strides = array<i32>} : memref<640xf32, #tpu.memory_space<vmem>>, vector<16xf32>,
      %swap3A_115 = arith.constant 400 : index
      %swap3A_116 = tpu.vector_load %arg14[%swap3A_115] {strides = array<i32>} : memref<640xf32, #tpu.memory_space<vmem>>, vector<16xf32>,
      %swap3A_117 = vector.shape_cast %swap3A_116 : vector<16xf32> to vector<16xf32>
      %swap3A_118 = vector.shape_cast %broadcast_in_dim3A_15 : vector<16xf32> to vector<16xf32>
      tpu.vector_store %arg14[%swap3A_115], %swap3A_118 {strides = array<i32>} : memref<640xf32, #tpu.memory_space<vmem>>, vector<16xf32>,
      %swap3A_119 = arith.constant 416 : index
      %swap3A_120 = tpu.vector_load %arg14[%swap3A_119] {strides = array<i32>} : memref<640xf32, #tpu.memory_space<vmem>>, vector<16xf32>,
      %swap3A_121 = vector.shape_cast %swap3A_120 : vector<16xf32> to vector<16xf32>
      %swap3A_122 = vector.shape_cast %broadcast_in_dim3A_15 : vector<16xf32> to vector<16xf32>
      tpu.vector_store %arg14[%swap3A_119], %swap3A_122 {strides = array<i32>} : memref<640xf32, #tpu.memory_space<vmem>>, vector<16xf32>,
      %swap3A_123 = arith.constant 432 : index
      %swap3A_124 = tpu.vector_load %arg14[%swap3A_123] {strides = array<i32>} : memref<640xf32, #tpu.memory_space<vmem>>, vector<16xf32>,
      %swap3A_125 = vector.shape_cast %swap3A_124 : vector<16xf32> to vector<16xf32>
      %swap3A_126 = vector.shape_cast %broadcast_in_dim3A_15 : vector<16xf32> to vector<16xf32>
      tpu.vector_store %arg14[%swap3A_123], %swap3A_126 {strides = array<i32>} : memref<640xf32, #tpu.memory_space<vmem>>, vector<16xf32>,
      %swap3A_127 = arith.constant 448 : index
      %swap3A_128 = tpu.vector_load %arg14[%swap3A_127] {strides = array<i32>} : memref<640xf32, #tpu.memory_space<vmem>>, vector<16xf32>,
      %swap3A_129 = vector.shape_cast %swap3A_128 : vector<16xf32> to vector<16xf32>
      %swap3A_130 = vector.shape_cast %broadcast_in_dim3A_15 : vector<16xf32> to vector<16xf32>
      tpu.vector_store %arg14[%swap3A_127], %swap3A_130 {strides = array<i32>} : memref<640xf32, #tpu.memory_space<vmem>>, vector<16xf32>,
      %swap3A_131 = arith.constant 464 : index
      %swap3A_132 = tpu.vector_load %arg14[%swap3A_131] {strides = array<i32>} : memref<640xf32, #tpu.memory_space<vmem>>, vector<16xf32>,
      %swap3A_133 = vector.shape_cast %swap3A_132 : vector<16xf32> to vector<16xf32>
      %swap3A_134 = vector.shape_cast %broadcast_in_dim3A_15 : vector<16xf32> to vector<16xf32>
      tpu.vector_store %arg14[%swap3A_131], %swap3A_134 {strides = array<i32>} : memref<640xf32, #tpu.memory_space<vmem>>, vector<16xf32>,
      %swap3A_135 = arith.constant 480 : index
      %swap3A_136 = tpu.vector_load %arg14[%swap3A_135] {strides = array<i32>} : memref<640xf32, #tpu.memory_space<vmem>>, vector<16xf32>,
      %swap3A_137 = vector.shape_cast %swap3A_136 : vector<16xf32> to vector<16xf32>
      %swap3A_138 = vector.shape_cast %broadcast_in_dim3A_15 : vector<16xf32> to vector<16xf32>
      tpu.vector_store %arg14[%swap3A_135], %swap3A_138 {strides = array<i32>} : memref<640xf32, #tpu.memory_space<vmem>>, vector<16xf32>,
      %swap3A_139 = arith.constant 496 : index
      %swap3A_140 = tpu.vector_load %arg14[%swap3A_139] {strides = array<i32>} : memref<640xf32, #tpu.memory_space<vmem>>, vector<16xf32>,
      %swap3A_141 = vector.shape_cast %swap3A_140 : vector<16xf32> to vector<16xf32>
      %swap3A_142 = vector.shape_cast %broadcast_in_dim3A_15 : vector<16xf32> to vector<16xf32>
      tpu.vector_store %arg14[%swap3A_139], %swap3A_142 {strides = array<i32>} : memref<640xf32, #tpu.memory_space<vmem>>, vector<16xf32>,
      %swap3A_143 = arith.constant 512 : index
      %swap3A_144 = tpu.vector_load %arg14[%swap3A_143] {strides = array<i32>} : memref<640xf32, #tpu.memory_space<vmem>>, vector<16xf32>,
      %swap3A_145 = vector.shape_cast %swap3A_144 : vector<16xf32> to vector<16xf32>
      %swap3A_146 = vector.shape_cast %broadcast_in_dim3A_15 : vector<16xf32> to vector<16xf32>
      tpu.vector_store %arg14[%swap3A_143], %swap3A_146 {strides = array<i32>} : memref<640xf32, #tpu.memory_space<vmem>>, vector<16xf32>,
      %swap3A_147 = arith.constant 528 : index
      %swap3A_148 = tpu.vector_load %arg14[%swap3A_147] {strides = array<i32>} : memref<640xf32, #tpu.memory_space<vmem>>, vector<16xf32>,
      %swap3A_149 = vector.shape_cast %swap3A_148 : vector<16xf32> to vector<16xf32>
      %swap3A_150 = vector.shape_cast %broadcast_in_dim3A_15 : vector<16xf32> to vector<16xf32>
      tpu.vector_store %arg14[%swap3A_147], %swap3A_150 {strides = array<i32>} : memref<640xf32, #tpu.memory_space<vmem>>, vector<16xf32>,
      %swap3A_151 = arith.constant 544 : index
      %swap3A_152 = tpu.vector_load %arg14[%swap3A_151] {strides = array<i32>} : memref<640xf32, #tpu.memory_space<vmem>>, vector<16xf32>,
      %swap3A_153 = vector.shape_cast %swap3A_152 : vector<16xf32> to vector<16xf32>
      %swap3A_154 = vector.shape_cast %broadcast_in_dim3A_15 : vector<16xf32> to vector<16xf32>
      tpu.vector_store %arg14[%swap3A_151], %swap3A_154 {strides = array<i32>} : memref<640xf32, #tpu.memory_space<vmem>>, vector<16xf32>,
      %swap3A_155 = arith.constant 560 : index
      %swap3A_156 = tpu.vector_load %arg14[%swap3A_155] {strides = array<i32>} : memref<640xf32, #tpu.memory_space<vmem>>, vector<16xf32>,
      %swap3A_157 = vector.shape_cast %swap3A_156 : vector<16xf32> to vector<16xf32>
      %swap3A_158 = vector.shape_cast %broadcast_in_dim3A_15 : vector<16xf32> to vector<16xf32>
      tpu.vector_store %arg14[%swap3A_155], %swap3A_158 {strides = array<i32>} : memref<640xf32, #tpu.memory_space<vmem>>, vector<16xf32>,
      %swap3A_159 = arith.constant 576 : index
      %swap3A_160 = tpu.vector_load %arg14[%swap3A_159] {strides = array<i32>} : memref<640xf32, #tpu.memory_space<vmem>>, vector<16xf32>,
      %swap3A_161 = vector.shape_cast %swap3A_160 : vector<16xf32> to vector<16xf32>
      %swap3A_162 = vector.shape_cast %broadcast_in_dim3A_15 : vector<16xf32> to vector<16xf32>
      tpu.vector_store %arg14[%swap3A_159], %swap3A_162 {strides = array<i32>} : memref<640xf32, #tpu.memory_space<vmem>>, vector<16xf32>,
      %swap3A_163 = arith.constant 592 : index
      %swap3A_164 = tpu.vector_load %arg14[%swap3A_163] {strides = array<i32>} : memref<640xf32, #tpu.memory_space<vmem>>, vector<16xf32>,
      %swap3A_165 = vector.shape_cast %swap3A_164 : vector<16xf32> to vector<16xf32>
      %swap3A_166 = vector.shape_cast %broadcast_in_dim3A_15 : vector<16xf32> to vector<16xf32>
      tpu.vector_store %arg14[%swap3A_163], %swap3A_166 {strides = array<i32>} : memref<640xf32, #tpu.memory_space<vmem>>, vector<16xf32>,
      %swap3A_167 = arith.constant 608 : index
      %swap3A_168 = tpu.vector_load %arg14[%swap3A_167] {strides = array<i32>} : memref<640xf32, #tpu.memory_space<vmem>>, vector<16xf32>,
      %swap3A_169 = vector.shape_cast %swap3A_168 : vector<16xf32> to vector<16xf32>
      %swap3A_170 = vector.shape_cast %broadcast_in_dim3A_15 : vector<16xf32> to vector<16xf32>
      tpu.vector_store %arg14[%swap3A_167], %swap3A_170 {strides = array<i32>} : memref<640xf32, #tpu.memory_space<vmem>>, vector<16xf32>,
      %swap3A_171 = arith.constant 624 : index
      %swap3A_172 = tpu.vector_load %arg14[%swap3A_171] {strides = array<i32>} : memref<640xf32, #tpu.memory_space<vmem>>, vector<16xf32>,
      %swap3A_173 = vector.shape_cast %swap3A_172 : vector<16xf32> to vector<16xf32>
      %swap3A_174 = vector.shape_cast %broadcast_in_dim3A_15 : vector<16xf32> to vector<16xf32>
      tpu.vector_store %arg14[%swap3A_171], %swap3A_174 {strides = array<i32>} : memref<640xf32, #tpu.memory_space<vmem>>, vector<16xf32>,
      %mul3A_175 = arith.constant 640 : i32
      %mul3A_176 = arith.muli %arg1, %mul3A_175 : i32
      "tpu.region"() ({
        %run_scoped3A = tpu.sem_alloc : memref<!tpu.dma_semaphore, #tpu.memory_space<semaphore_mem>>
        %dma_start3A_1541 = tpu.memref_slice %arg20[%mul3A_176] : memref<10240xf32, #tpu.memory_space<vmem_shared>> -> memref<640xf32, #tpu.memory_space<vmem_shared>>
        %dma_start3A_1542 = tpu.memref_slice %arg20[%mul3A_176] : memref<10240xf32, #tpu.memory_space<vmem_shared>> -> memref<640xf32, #tpu.memory_space<vmem_shared>>
        tpu.enqueue_dma source(%arg14 : memref<640xf32, #tpu.memory_space<vmem>>) target(%dma_start3A_1542 : memref<640xf32, #tpu.memory_space<vmem_shared>>) target_semaphore(%run_scoped3A : memref<!tpu.dma_semaphore, #tpu.memory_space<semaphore_mem>>)
        %dma_wait3A_1543 = tpu.memref_slice %arg20[%mul3A_176] : memref<10240xf32, #tpu.memory_space<vmem_shared>> -> memref<640xf32, #tpu.memory_space<vmem_shared>>
        %dma_wait3A_1544 = tpu.memref_slice %arg20[%mul3A_176] : memref<10240xf32, #tpu.memory_space<vmem_shared>> -> memref<640xf32, #tpu.memory_space<vmem_shared>>
        tpu.wait_dma2 semaphore(%run_scoped3A : memref<!tpu.dma_semaphore, #tpu.memory_space<semaphore_mem>>) src(%arg14 : memref<640xf32, #tpu.memory_space<vmem>>) dst(%dma_wait3A_1544 : memref<640xf32, #tpu.memory_space<vmem_shared>>)
        tpu.yield
      }) : () -> ()
      %eq3A_177 = arith.constant 0 : i32
      %eq3A_178 = arith.cmpi eq, %arg1, %eq3A_177 : i32
      %convert_element_type3A_179 = arith.extui %eq3A_178 : i1 to i32
      %cond3A_180 = arith.constant 0 : i32
      %cond3A_181 = arith.cmpi ne, %convert_element_type3A_179, %cond3A_180 : i32
      scf.if %cond3A_181 {
        %broadcast_in_dim3A_1541 = arith.constant 0.000000e+00 : f32
        %broadcast_in_dim3A_1542 = vector.broadcast %broadcast_in_dim3A_1541 : f32 to vector<16xf32>
        %swap3A_1543 = arith.constant 0 : index
        %swap3A_1544 = tpu.vector_load %arg19[%swap3A_1543] {strides = array<i32>} : memref<128xf32, #tpu.memory_space<vmem>>, vector<16xf32>,
        %swap3A_1545 = vector.shape_cast %swap3A_1544 : vector<16xf32> to vector<16xf32>
        %swap3A_1546 = vector.shape_cast %broadcast_in_dim3A_1542 : vector<16xf32> to vector<16xf32>
        tpu.vector_store %arg19[%swap3A_1543], %swap3A_1546 {strides = array<i32>} : memref<128xf32, #tpu.memory_space<vmem>>, vector<16xf32>,
        %swap3A_1547 = arith.constant 16 : index
        %swap3A_1548 = tpu.vector_load %arg19[%swap3A_1547] {strides = array<i32>} : memref<128xf32, #tpu.memory_space<vmem>>, vector<16xf32>,
        %swap3A_1549 = vector.shape_cast %swap3A_1548 : vector<16xf32> to vector<16xf32>
        %swap3A_1550 = vector.shape_cast %broadcast_in_dim3A_1542 : vector<16xf32> to vector<16xf32>
        tpu.vector_store %arg19[%swap3A_1547], %swap3A_1550 {strides = array<i32>} : memref<128xf32, #tpu.memory_space<vmem>>, vector<16xf32>,
        %swap3A_1551 = arith.constant 32 : index
        %swap3A_1552 = tpu.vector_load %arg19[%swap3A_1551] {strides = array<i32>} : memref<128xf32, #tpu.memory_space<vmem>>, vector<16xf32>,
        %swap3A_1553 = vector.shape_cast %swap3A_1552 : vector<16xf32> to vector<16xf32>
        %swap3A_1554 = vector.shape_cast %broadcast_in_dim3A_1542 : vector<16xf32> to vector<16xf32>
        tpu.vector_store %arg19[%swap3A_1551], %swap3A_1554 {strides = array<i32>} : memref<128xf32, #tpu.memory_space<vmem>>, vector<16xf32>,
        %swap3A_1555 = arith.constant 48 : index
        %swap3A_1556 = tpu.vector_load %arg19[%swap3A_1555] {strides = array<i32>} : memref<128xf32, #tpu.memory_space<vmem>>, vector<16xf32>,
        %swap3A_1557 = vector.shape_cast %swap3A_1556 : vector<16xf32> to vector<16xf32>
        %swap3A_1558 = vector.shape_cast %broadcast_in_dim3A_1542 : vector<16xf32> to vector<16xf32>
        tpu.vector_store %arg19[%swap3A_1555], %swap3A_1558 {strides = array<i32>} : memref<128xf32, #tpu.memory_space<vmem>>, vector<16xf32>,
        %swap3A_1559 = arith.constant 64 : index
        %swap3A_1560 = tpu.vector_load %arg19[%swap3A_1559] {strides = array<i32>} : memref<128xf32, #tpu.memory_space<vmem>>, vector<16xf32>,
        %swap3A_1561 = vector.shape_cast %swap3A_1560 : vector<16xf32> to vector<16xf32>
        %swap3A_1562 = vector.shape_cast %broadcast_in_dim3A_1542 : vector<16xf32> to vector<16xf32>
        tpu.vector_store %arg19[%swap3A_1559], %swap3A_1562 {strides = array<i32>} : memref<128xf32, #tpu.memory_space<vmem>>, vector<16xf32>,
        %swap3A_1563 = arith.constant 80 : index
        %swap3A_1564 = tpu.vector_load %arg19[%swap3A_1563] {strides = array<i32>} : memref<128xf32, #tpu.memory_space<vmem>>, vector<16xf32>,
        %swap3A_1565 = vector.shape_cast %swap3A_1564 : vector<16xf32> to vector<16xf32>
        %swap3A_1566 = vector.shape_cast %broadcast_in_dim3A_1542 : vector<16xf32> to vector<16xf32>
        tpu.vector_store %arg19[%swap3A_1563], %swap3A_1566 {strides = array<i32>} : memref<128xf32, #tpu.memory_space<vmem>>, vector<16xf32>,
        %swap3A_1567 = arith.constant 96 : index
        %swap3A_1568 = tpu.vector_load %arg19[%swap3A_1567] {strides = array<i32>} : memref<128xf32, #tpu.memory_space<vmem>>, vector<16xf32>,
        %swap3A_1569 = vector.shape_cast %swap3A_1568 : vector<16xf32> to vector<16xf32>
        %swap3A_1570 = vector.shape_cast %broadcast_in_dim3A_1542 : vector<16xf32> to vector<16xf32>
        tpu.vector_store %arg19[%swap3A_1567], %swap3A_1570 {strides = array<i32>} : memref<128xf32, #tpu.memory_space<vmem>>, vector<16xf32>,
        %swap3A_1571 = arith.constant 112 : index
        %swap3A_1572 = tpu.vector_load %arg19[%swap3A_1571] {strides = array<i32>} : memref<128xf32, #tpu.memory_space<vmem>>, vector<16xf32>,
        %swap3A_1573 = vector.shape_cast %swap3A_1572 : vector<16xf32> to vector<16xf32>
        %swap3A_1574 = vector.shape_cast %broadcast_in_dim3A_1542 : vector<16xf32> to vector<16xf32>
        tpu.vector_store %arg19[%swap3A_1571], %swap3A_1574 {strides = array<i32>} : memref<128xf32, #tpu.memory_space<vmem>>, vector<16xf32>,
        "tpu.region"() ({
          %run_scoped3A = tpu.sem_alloc : memref<!tpu.dma_semaphore, #tpu.memory_space<semaphore_mem>>
          tpu.enqueue_dma source(%arg19 : memref<128xf32, #tpu.memory_space<vmem>>) target(%arg21 : memref<128xf32, #tpu.memory_space<vmem_shared>>) target_semaphore(%run_scoped3A : memref<!tpu.dma_semaphore, #tpu.memory_space<semaphore_mem>>)
          tpu.wait_dma2 semaphore(%run_scoped3A : memref<!tpu.dma_semaphore, #tpu.memory_space<semaphore_mem>>) src(%arg19 : memref<128xf32, #tpu.memory_space<vmem>>) dst(%arg21 : memref<128xf32, #tpu.memory_space<vmem_shared>>)
          tpu.yield
        }) : () -> ()
      } else {
      }
      %dma_wait3A = tpu.memref_slice %arg2[%mul3A_6] : memref<20480xf32, #tpu.memory_space<hbm>> -> memref<640xf32, #tpu.memory_space<hbm>>
      %dma_wait3A_182 = tpu.memref_slice %arg2[%mul3A_6] : memref<20480xf32, #tpu.memory_space<hbm>> -> memref<640xf32, #tpu.memory_space<hbm>>
      tpu.wait_dma2 semaphore(%arg22 : memref<!tpu.dma_semaphore, #tpu.memory_space<semaphore_mem>>) src(%dma_wait3A_182 : memref<640xf32, #tpu.memory_space<hbm>>) dst(%arg12 : memref<640xf32, #tpu.memory_space<vmem>>)
      %dma_wait3A_183 = tpu.memref_slice %arg2[%add3A_8] : memref<20480xf32, #tpu.memory_space<hbm>> -> memref<640xf32, #tpu.memory_space<hbm>>
      %dma_wait3A_184 = tpu.memref_slice %arg2[%add3A_8] : memref<20480xf32, #tpu.memory_space<hbm>> -> memref<640xf32, #tpu.memory_space<hbm>>
      tpu.wait_dma2 semaphore(%arg22 : memref<!tpu.dma_semaphore, #tpu.memory_space<semaphore_mem>>) src(%dma_wait3A_184 : memref<640xf32, #tpu.memory_space<hbm>>) dst(%arg13 : memref<640xf32, #tpu.memory_space<vmem>>)
      %dma_wait3A_185 = tpu.memref_slice %arg4[%mul3A_6] : memref<10240xi32, #tpu.memory_space<hbm>> -> memref<640xi32, #tpu.memory_space<hbm>>
      %dma_wait3A_186 = tpu.memref_slice %arg4[%mul3A_6] : memref<10240xi32, #tpu.memory_space<hbm>> -> memref<640xi32, #tpu.memory_space<hbm>>
      tpu.wait_dma2 semaphore(%arg22 : memref<!tpu.dma_semaphore, #tpu.memory_space<semaphore_mem>>) src(%dma_wait3A_186 : memref<640xi32, #tpu.memory_space<hbm>>) dst(%arg15 : memref<640xi32, #tpu.memory_space<vmem>>)
      %dma_wait3A_187 = tpu.memref_slice %arg5[%mul3A_6] : memref<10240xf32, #tpu.memory_space<hbm>> -> memref<640xf32, #tpu.memory_space<hbm>>
      %dma_wait3A_188 = tpu.memref_slice %arg5[%mul3A_6] : memref<10240xf32, #tpu.memory_space<hbm>> -> memref<640xf32, #tpu.memory_space<hbm>>
      tpu.wait_dma2 semaphore(%arg22 : memref<!tpu.dma_semaphore, #tpu.memory_space<semaphore_mem>>) src(%dma_wait3A_188 : memref<640xf32, #tpu.memory_space<hbm>>) dst(%arg16 : memref<640xf32, #tpu.memory_space<vmem>>)
      %iota3A = tpu.iota {dimensions = array<i32: 0>} : vector<16xi32>
      %add3A_189 = arith.constant 0 : i32
      %add3A_190 = vector.broadcast %add3A_189 : i32 to vector<16xi32>
      %add3A_191 = arith.addi %iota3A, %add3A_190 : vector<16xi32>
      %rem3A = arith.constant 240 : i32
      %rem3A_192 = vector.broadcast %rem3A : i32 to vector<16xi32>
      %rem3A_193 = arith.remsi %add3A_191, %rem3A_192 : vector<16xi32>
      %add3A_194 = arith.constant 10000 : i32
      %add3A_195 = vector.broadcast %add3A_194 : i32 to vector<16xi32>
      %add3A_196 = arith.addi %add3A_195, %rem3A_193 : vector<16xi32>
      %swap3A_197 = arith.constant 0 : index
      %swap3A_198 = tpu.vector_load %arg9[%swap3A_197] {strides = array<i32>} : memref<704xi32, #tpu.memory_space<vmem>>, vector<16xi32>,
      %swap3A_199 = vector.shape_cast %swap3A_198 : vector<16xi32> to vector<16xi32>
      %swap3A_200 = vector.shape_cast %add3A_196 : vector<16xi32> to vector<16xi32>
      tpu.vector_store %arg9[%swap3A_197], %swap3A_200 {strides = array<i32>} : memref<704xi32, #tpu.memory_space<vmem>>, vector<16xi32>,
      %add3A_201 = arith.constant 16 : i32
      %add3A_202 = vector.broadcast %add3A_201 : i32 to vector<16xi32>
      %add3A_203 = arith.addi %iota3A, %add3A_202 : vector<16xi32>
      %rem3A_204 = arith.constant 240 : i32
      %rem3A_205 = vector.broadcast %rem3A_204 : i32 to vector<16xi32>
      %rem3A_206 = arith.remsi %add3A_203, %rem3A_205 : vector<16xi32>
      %add3A_207 = arith.constant 10000 : i32
      %add3A_208 = vector.broadcast %add3A_207 : i32 to vector<16xi32>
      %add3A_209 = arith.addi %add3A_208, %rem3A_206 : vector<16xi32>
      %swap3A_210 = arith.constant 16 : index
      %swap3A_211 = tpu.vector_load %arg9[%swap3A_210] {strides = array<i32>} : memref<704xi32, #tpu.memory_space<vmem>>, vector<16xi32>,
      %swap3A_212 = vector.shape_cast %swap3A_211 : vector<16xi32> to vector<16xi32>
      %swap3A_213 = vector.shape_cast %add3A_209 : vector<16xi32> to vector<16xi32>
      tpu.vector_store %arg9[%swap3A_210], %swap3A_213 {strides = array<i32>} : memref<704xi32, #tpu.memory_space<vmem>>, vector<16xi32>,
      %add3A_214 = arith.constant 32 : i32
      %add3A_215 = vector.broadcast %add3A_214 : i32 to vector<16xi32>
      %add3A_216 = arith.addi %iota3A, %add3A_215 : vector<16xi32>
      %rem3A_217 = arith.constant 240 : i32
      %rem3A_218 = vector.broadcast %rem3A_217 : i32 to vector<16xi32>
      %rem3A_219 = arith.remsi %add3A_216, %rem3A_218 : vector<16xi32>
      %add3A_220 = arith.constant 10000 : i32
      %add3A_221 = vector.broadcast %add3A_220 : i32 to vector<16xi32>
      %add3A_222 = arith.addi %add3A_221, %rem3A_219 : vector<16xi32>
      %swap3A_223 = arith.constant 32 : index
      %swap3A_224 = tpu.vector_load %arg9[%swap3A_223] {strides = array<i32>} : memref<704xi32, #tpu.memory_space<vmem>>, vector<16xi32>,
      %swap3A_225 = vector.shape_cast %swap3A_224 : vector<16xi32> to vector<16xi32>
      %swap3A_226 = vector.shape_cast %add3A_222 : vector<16xi32> to vector<16xi32>
      tpu.vector_store %arg9[%swap3A_223], %swap3A_226 {strides = array<i32>} : memref<704xi32, #tpu.memory_space<vmem>>, vector<16xi32>,
      %add3A_227 = arith.constant 48 : i32
      %add3A_228 = vector.broadcast %add3A_227 : i32 to vector<16xi32>
      %add3A_229 = arith.addi %iota3A, %add3A_228 : vector<16xi32>
      %rem3A_230 = arith.constant 240 : i32
      %rem3A_231 = vector.broadcast %rem3A_230 : i32 to vector<16xi32>
      %rem3A_232 = arith.remsi %add3A_229, %rem3A_231 : vector<16xi32>
      %add3A_233 = arith.constant 10000 : i32
      %add3A_234 = vector.broadcast %add3A_233 : i32 to vector<16xi32>
      %add3A_235 = arith.addi %add3A_234, %rem3A_232 : vector<16xi32>
      %swap3A_236 = arith.constant 48 : index
      %swap3A_237 = tpu.vector_load %arg9[%swap3A_236] {strides = array<i32>} : memref<704xi32, #tpu.memory_space<vmem>>, vector<16xi32>,
      %swap3A_238 = vector.shape_cast %swap3A_237 : vector<16xi32> to vector<16xi32>
      %swap3A_239 = vector.shape_cast %add3A_235 : vector<16xi32> to vector<16xi32>
      tpu.vector_store %arg9[%swap3A_236], %swap3A_239 {strides = array<i32>} : memref<704xi32, #tpu.memory_space<vmem>>, vector<16xi32>,
      %add3A_240 = arith.constant 64 : i32
      %add3A_241 = vector.broadcast %add3A_240 : i32 to vector<16xi32>
      %add3A_242 = arith.addi %iota3A, %add3A_241 : vector<16xi32>
      %rem3A_243 = arith.constant 240 : i32
      %rem3A_244 = vector.broadcast %rem3A_243 : i32 to vector<16xi32>
      %rem3A_245 = arith.remsi %add3A_242, %rem3A_244 : vector<16xi32>
      %add3A_246 = arith.constant 10000 : i32
      %add3A_247 = vector.broadcast %add3A_246 : i32 to vector<16xi32>
      %add3A_248 = arith.addi %add3A_247, %rem3A_245 : vector<16xi32>
      %swap3A_249 = arith.constant 64 : index
      %swap3A_250 = tpu.vector_load %arg9[%swap3A_249] {strides = array<i32>} : memref<704xi32, #tpu.memory_space<vmem>>, vector<16xi32>,
      %swap3A_251 = vector.shape_cast %swap3A_250 : vector<16xi32> to vector<16xi32>
      %swap3A_252 = vector.shape_cast %add3A_248 : vector<16xi32> to vector<16xi32>
      tpu.vector_store %arg9[%swap3A_249], %swap3A_252 {strides = array<i32>} : memref<704xi32, #tpu.memory_space<vmem>>, vector<16xi32>,
      %add3A_253 = arith.constant 80 : i32
      %add3A_254 = vector.broadcast %add3A_253 : i32 to vector<16xi32>
      %add3A_255 = arith.addi %iota3A, %add3A_254 : vector<16xi32>
      %rem3A_256 = arith.constant 240 : i32
      %rem3A_257 = vector.broadcast %rem3A_256 : i32 to vector<16xi32>
      %rem3A_258 = arith.remsi %add3A_255, %rem3A_257 : vector<16xi32>
      %add3A_259 = arith.constant 10000 : i32
      %add3A_260 = vector.broadcast %add3A_259 : i32 to vector<16xi32>
      %add3A_261 = arith.addi %add3A_260, %rem3A_258 : vector<16xi32>
      %swap3A_262 = arith.constant 80 : index
      %swap3A_263 = tpu.vector_load %arg9[%swap3A_262] {strides = array<i32>} : memref<704xi32, #tpu.memory_space<vmem>>, vector<16xi32>,
      %swap3A_264 = vector.shape_cast %swap3A_263 : vector<16xi32> to vector<16xi32>
      %swap3A_265 = vector.shape_cast %add3A_261 : vector<16xi32> to vector<16xi32>
      tpu.vector_store %arg9[%swap3A_262], %swap3A_265 {strides = array<i32>} : memref<704xi32, #tpu.memory_space<vmem>>, vector<16xi32>,
      %add3A_266 = arith.constant 96 : i32
      %add3A_267 = vector.broadcast %add3A_266 : i32 to vector<16xi32>
      %add3A_268 = arith.addi %iota3A, %add3A_267 : vector<16xi32>
      %rem3A_269 = arith.constant 240 : i32
      %rem3A_270 = vector.broadcast %rem3A_269 : i32 to vector<16xi32>
      %rem3A_271 = arith.remsi %add3A_268, %rem3A_270 : vector<16xi32>
      %add3A_272 = arith.constant 10000 : i32
      %add3A_273 = vector.broadcast %add3A_272 : i32 to vector<16xi32>
      %add3A_274 = arith.addi %add3A_273, %rem3A_271 : vector<16xi32>
      %swap3A_275 = arith.constant 96 : index
      %swap3A_276 = tpu.vector_load %arg9[%swap3A_275] {strides = array<i32>} : memref<704xi32, #tpu.memory_space<vmem>>, vector<16xi32>,
      %swap3A_277 = vector.shape_cast %swap3A_276 : vector<16xi32> to vector<16xi32>
      %swap3A_278 = vector.shape_cast %add3A_274 : vector<16xi32> to vector<16xi32>
      tpu.vector_store %arg9[%swap3A_275], %swap3A_278 {strides = array<i32>} : memref<704xi32, #tpu.memory_space<vmem>>, vector<16xi32>,
      %add3A_279 = arith.constant 112 : i32
      %add3A_280 = vector.broadcast %add3A_279 : i32 to vector<16xi32>
      %add3A_281 = arith.addi %iota3A, %add3A_280 : vector<16xi32>
      %rem3A_282 = arith.constant 240 : i32
      %rem3A_283 = vector.broadcast %rem3A_282 : i32 to vector<16xi32>
      %rem3A_284 = arith.remsi %add3A_281, %rem3A_283 : vector<16xi32>
      %add3A_285 = arith.constant 10000 : i32
      %add3A_286 = vector.broadcast %add3A_285 : i32 to vector<16xi32>
      %add3A_287 = arith.addi %add3A_286, %rem3A_284 : vector<16xi32>
      %swap3A_288 = arith.constant 112 : index
      %swap3A_289 = tpu.vector_load %arg9[%swap3A_288] {strides = array<i32>} : memref<704xi32, #tpu.memory_space<vmem>>, vector<16xi32>,
      %swap3A_290 = vector.shape_cast %swap3A_289 : vector<16xi32> to vector<16xi32>
      %swap3A_291 = vector.shape_cast %add3A_287 : vector<16xi32> to vector<16xi32>
      tpu.vector_store %arg9[%swap3A_288], %swap3A_291 {strides = array<i32>} : memref<704xi32, #tpu.memory_space<vmem>>, vector<16xi32>,
      %add3A_292 = arith.constant 128 : i32
      %add3A_293 = vector.broadcast %add3A_292 : i32 to vector<16xi32>
      %add3A_294 = arith.addi %iota3A, %add3A_293 : vector<16xi32>
      %rem3A_295 = arith.constant 240 : i32
      %rem3A_296 = vector.broadcast %rem3A_295 : i32 to vector<16xi32>
      %rem3A_297 = arith.remsi %add3A_294, %rem3A_296 : vector<16xi32>
      %add3A_298 = arith.constant 10000 : i32
      %add3A_299 = vector.broadcast %add3A_298 : i32 to vector<16xi32>
      %add3A_300 = arith.addi %add3A_299, %rem3A_297 : vector<16xi32>
      %swap3A_301 = arith.constant 128 : index
      %swap3A_302 = tpu.vector_load %arg9[%swap3A_301] {strides = array<i32>} : memref<704xi32, #tpu.memory_space<vmem>>, vector<16xi32>,
      %swap3A_303 = vector.shape_cast %swap3A_302 : vector<16xi32> to vector<16xi32>
      %swap3A_304 = vector.shape_cast %add3A_300 : vector<16xi32> to vector<16xi32>
      tpu.vector_store %arg9[%swap3A_301], %swap3A_304 {strides = array<i32>} : memref<704xi32, #tpu.memory_space<vmem>>, vector<16xi32>,
      %add3A_305 = arith.constant 144 : i32
      %add3A_306 = vector.broadcast %add3A_305 : i32 to vector<16xi32>
      %add3A_307 = arith.addi %iota3A, %add3A_306 : vector<16xi32>
      %rem3A_308 = arith.constant 240 : i32
      %rem3A_309 = vector.broadcast %rem3A_308 : i32 to vector<16xi32>
      %rem3A_310 = arith.remsi %add3A_307, %rem3A_309 : vector<16xi32>
      %add3A_311 = arith.constant 10000 : i32
      %add3A_312 = vector.broadcast %add3A_311 : i32 to vector<16xi32>
      %add3A_313 = arith.addi %add3A_312, %rem3A_310 : vector<16xi32>
      %swap3A_314 = arith.constant 144 : index
      %swap3A_315 = tpu.vector_load %arg9[%swap3A_314] {strides = array<i32>} : memref<704xi32, #tpu.memory_space<vmem>>, vector<16xi32>,
      %swap3A_316 = vector.shape_cast %swap3A_315 : vector<16xi32> to vector<16xi32>
      %swap3A_317 = vector.shape_cast %add3A_313 : vector<16xi32> to vector<16xi32>
      tpu.vector_store %arg9[%swap3A_314], %swap3A_317 {strides = array<i32>} : memref<704xi32, #tpu.memory_space<vmem>>, vector<16xi32>,
      %add3A_318 = arith.constant 160 : i32
      %add3A_319 = vector.broadcast %add3A_318 : i32 to vector<16xi32>
      %add3A_320 = arith.addi %iota3A, %add3A_319 : vector<16xi32>
      %rem3A_321 = arith.constant 240 : i32
      %rem3A_322 = vector.broadcast %rem3A_321 : i32 to vector<16xi32>
      %rem3A_323 = arith.remsi %add3A_320, %rem3A_322 : vector<16xi32>
      %add3A_324 = arith.constant 10000 : i32
      %add3A_325 = vector.broadcast %add3A_324 : i32 to vector<16xi32>
      %add3A_326 = arith.addi %add3A_325, %rem3A_323 : vector<16xi32>
      %swap3A_327 = arith.constant 160 : index
      %swap3A_328 = tpu.vector_load %arg9[%swap3A_327] {strides = array<i32>} : memref<704xi32, #tpu.memory_space<vmem>>, vector<16xi32>,
      %swap3A_329 = vector.shape_cast %swap3A_328 : vector<16xi32> to vector<16xi32>
      %swap3A_330 = vector.shape_cast %add3A_326 : vector<16xi32> to vector<16xi32>
      tpu.vector_store %arg9[%swap3A_327], %swap3A_330 {strides = array<i32>} : memref<704xi32, #tpu.memory_space<vmem>>, vector<16xi32>,
      %add3A_331 = arith.constant 176 : i32
      %add3A_332 = vector.broadcast %add3A_331 : i32 to vector<16xi32>
      %add3A_333 = arith.addi %iota3A, %add3A_332 : vector<16xi32>
      %rem3A_334 = arith.constant 240 : i32
      %rem3A_335 = vector.broadcast %rem3A_334 : i32 to vector<16xi32>
      %rem3A_336 = arith.remsi %add3A_333, %rem3A_335 : vector<16xi32>
      %add3A_337 = arith.constant 10000 : i32
      %add3A_338 = vector.broadcast %add3A_337 : i32 to vector<16xi32>
      %add3A_339 = arith.addi %add3A_338, %rem3A_336 : vector<16xi32>
      %swap3A_340 = arith.constant 176 : index
      %swap3A_341 = tpu.vector_load %arg9[%swap3A_340] {strides = array<i32>} : memref<704xi32, #tpu.memory_space<vmem>>, vector<16xi32>,
      %swap3A_342 = vector.shape_cast %swap3A_341 : vector<16xi32> to vector<16xi32>
      %swap3A_343 = vector.shape_cast %add3A_339 : vector<16xi32> to vector<16xi32>
      tpu.vector_store %arg9[%swap3A_340], %swap3A_343 {strides = array<i32>} : memref<704xi32, #tpu.memory_space<vmem>>, vector<16xi32>,
      %add3A_344 = arith.constant 192 : i32
      %add3A_345 = vector.broadcast %add3A_344 : i32 to vector<16xi32>
      %add3A_346 = arith.addi %iota3A, %add3A_345 : vector<16xi32>
      %rem3A_347 = arith.constant 240 : i32
      %rem3A_348 = vector.broadcast %rem3A_347 : i32 to vector<16xi32>
      %rem3A_349 = arith.remsi %add3A_346, %rem3A_348 : vector<16xi32>
      %add3A_350 = arith.constant 10000 : i32
      %add3A_351 = vector.broadcast %add3A_350 : i32 to vector<16xi32>
      %add3A_352 = arith.addi %add3A_351, %rem3A_349 : vector<16xi32>
      %swap3A_353 = arith.constant 192 : index
      %swap3A_354 = tpu.vector_load %arg9[%swap3A_353] {strides = array<i32>} : memref<704xi32, #tpu.memory_space<vmem>>, vector<16xi32>,
      %swap3A_355 = vector.shape_cast %swap3A_354 : vector<16xi32> to vector<16xi32>
      %swap3A_356 = vector.shape_cast %add3A_352 : vector<16xi32> to vector<16xi32>
      tpu.vector_store %arg9[%swap3A_353], %swap3A_356 {strides = array<i32>} : memref<704xi32, #tpu.memory_space<vmem>>, vector<16xi32>,
      %add3A_357 = arith.constant 208 : i32
      %add3A_358 = vector.broadcast %add3A_357 : i32 to vector<16xi32>
      %add3A_359 = arith.addi %iota3A, %add3A_358 : vector<16xi32>
      %rem3A_360 = arith.constant 240 : i32
      %rem3A_361 = vector.broadcast %rem3A_360 : i32 to vector<16xi32>
      %rem3A_362 = arith.remsi %add3A_359, %rem3A_361 : vector<16xi32>
      %add3A_363 = arith.constant 10000 : i32
      %add3A_364 = vector.broadcast %add3A_363 : i32 to vector<16xi32>
      %add3A_365 = arith.addi %add3A_364, %rem3A_362 : vector<16xi32>
      %swap3A_366 = arith.constant 208 : index
      %swap3A_367 = tpu.vector_load %arg9[%swap3A_366] {strides = array<i32>} : memref<704xi32, #tpu.memory_space<vmem>>, vector<16xi32>,
      %swap3A_368 = vector.shape_cast %swap3A_367 : vector<16xi32> to vector<16xi32>
      %swap3A_369 = vector.shape_cast %add3A_365 : vector<16xi32> to vector<16xi32>
      tpu.vector_store %arg9[%swap3A_366], %swap3A_369 {strides = array<i32>} : memref<704xi32, #tpu.memory_space<vmem>>, vector<16xi32>,
      %add3A_370 = arith.constant 224 : i32
      %add3A_371 = vector.broadcast %add3A_370 : i32 to vector<16xi32>
      %add3A_372 = arith.addi %iota3A, %add3A_371 : vector<16xi32>
      %rem3A_373 = arith.constant 240 : i32
      %rem3A_374 = vector.broadcast %rem3A_373 : i32 to vector<16xi32>
      %rem3A_375 = arith.remsi %add3A_372, %rem3A_374 : vector<16xi32>
      %add3A_376 = arith.constant 10000 : i32
      %add3A_377 = vector.broadcast %add3A_376 : i32 to vector<16xi32>
      %add3A_378 = arith.addi %add3A_377, %rem3A_375 : vector<16xi32>
      %swap3A_379 = arith.constant 224 : index
      %swap3A_380 = tpu.vector_load %arg9[%swap3A_379] {strides = array<i32>} : memref<704xi32, #tpu.memory_space<vmem>>, vector<16xi32>,
      %swap3A_381 = vector.shape_cast %swap3A_380 : vector<16xi32> to vector<16xi32>
      %swap3A_382 = vector.shape_cast %add3A_378 : vector<16xi32> to vector<16xi32>
      tpu.vector_store %arg9[%swap3A_379], %swap3A_382 {strides = array<i32>} : memref<704xi32, #tpu.memory_space<vmem>>, vector<16xi32>,
      %add3A_383 = arith.constant 240 : i32
      %add3A_384 = vector.broadcast %add3A_383 : i32 to vector<16xi32>
      %add3A_385 = arith.addi %iota3A, %add3A_384 : vector<16xi32>
      %rem3A_386 = arith.constant 240 : i32
      %rem3A_387 = vector.broadcast %rem3A_386 : i32 to vector<16xi32>
      %rem3A_388 = arith.remsi %add3A_385, %rem3A_387 : vector<16xi32>
      %add3A_389 = arith.constant 10000 : i32
      %add3A_390 = vector.broadcast %add3A_389 : i32 to vector<16xi32>
      %add3A_391 = arith.addi %add3A_390, %rem3A_388 : vector<16xi32>
      %swap3A_392 = arith.constant 240 : index
      %swap3A_393 = tpu.vector_load %arg9[%swap3A_392] {strides = array<i32>} : memref<704xi32, #tpu.memory_space<vmem>>, vector<16xi32>,
      %swap3A_394 = vector.shape_cast %swap3A_393 : vector<16xi32> to vector<16xi32>
      %swap3A_395 = vector.shape_cast %add3A_391 : vector<16xi32> to vector<16xi32>
      tpu.vector_store %arg9[%swap3A_392], %swap3A_395 {strides = array<i32>} : memref<704xi32, #tpu.memory_space<vmem>>, vector<16xi32>,
      %add3A_396 = arith.constant 256 : i32
      %add3A_397 = vector.broadcast %add3A_396 : i32 to vector<16xi32>
      %add3A_398 = arith.addi %iota3A, %add3A_397 : vector<16xi32>
      %rem3A_399 = arith.constant 240 : i32
      %rem3A_400 = vector.broadcast %rem3A_399 : i32 to vector<16xi32>
      %rem3A_401 = arith.remsi %add3A_398, %rem3A_400 : vector<16xi32>
      %add3A_402 = arith.constant 10000 : i32
      %add3A_403 = vector.broadcast %add3A_402 : i32 to vector<16xi32>
      %add3A_404 = arith.addi %add3A_403, %rem3A_401 : vector<16xi32>
      %swap3A_405 = arith.constant 256 : index
      %swap3A_406 = tpu.vector_load %arg9[%swap3A_405] {strides = array<i32>} : memref<704xi32, #tpu.memory_space<vmem>>, vector<16xi32>,
      %swap3A_407 = vector.shape_cast %swap3A_406 : vector<16xi32> to vector<16xi32>
      %swap3A_408 = vector.shape_cast %add3A_404 : vector<16xi32> to vector<16xi32>
      tpu.vector_store %arg9[%swap3A_405], %swap3A_408 {strides = array<i32>} : memref<704xi32, #tpu.memory_space<vmem>>, vector<16xi32>,
      %add3A_409 = arith.constant 272 : i32
      %add3A_410 = vector.broadcast %add3A_409 : i32 to vector<16xi32>
      %add3A_411 = arith.addi %iota3A, %add3A_410 : vector<16xi32>
      %rem3A_412 = arith.constant 240 : i32
      %rem3A_413 = vector.broadcast %rem3A_412 : i32 to vector<16xi32>
      %rem3A_414 = arith.remsi %add3A_411, %rem3A_413 : vector<16xi32>
      %add3A_415 = arith.constant 10000 : i32
      %add3A_416 = vector.broadcast %add3A_415 : i32 to vector<16xi32>
      %add3A_417 = arith.addi %add3A_416, %rem3A_414 : vector<16xi32>
      %swap3A_418 = arith.constant 272 : index
      %swap3A_419 = tpu.vector_load %arg9[%swap3A_418] {strides = array<i32>} : memref<704xi32, #tpu.memory_space<vmem>>, vector<16xi32>,
      %swap3A_420 = vector.shape_cast %swap3A_419 : vector<16xi32> to vector<16xi32>
      %swap3A_421 = vector.shape_cast %add3A_417 : vector<16xi32> to vector<16xi32>
      tpu.vector_store %arg9[%swap3A_418], %swap3A_421 {strides = array<i32>} : memref<704xi32, #tpu.memory_space<vmem>>, vector<16xi32>,
      %add3A_422 = arith.constant 288 : i32
      %add3A_423 = vector.broadcast %add3A_422 : i32 to vector<16xi32>
      %add3A_424 = arith.addi %iota3A, %add3A_423 : vector<16xi32>
      %rem3A_425 = arith.constant 240 : i32
      %rem3A_426 = vector.broadcast %rem3A_425 : i32 to vector<16xi32>
      %rem3A_427 = arith.remsi %add3A_424, %rem3A_426 : vector<16xi32>
      %add3A_428 = arith.constant 10000 : i32
      %add3A_429 = vector.broadcast %add3A_428 : i32 to vector<16xi32>
      %add3A_430 = arith.addi %add3A_429, %rem3A_427 : vector<16xi32>
      %swap3A_431 = arith.constant 288 : index
      %swap3A_432 = tpu.vector_load %arg9[%swap3A_431] {strides = array<i32>} : memref<704xi32, #tpu.memory_space<vmem>>, vector<16xi32>,
      %swap3A_433 = vector.shape_cast %swap3A_432 : vector<16xi32> to vector<16xi32>
      %swap3A_434 = vector.shape_cast %add3A_430 : vector<16xi32> to vector<16xi32>
      tpu.vector_store %arg9[%swap3A_431], %swap3A_434 {strides = array<i32>} : memref<704xi32, #tpu.memory_space<vmem>>, vector<16xi32>,
      %add3A_435 = arith.constant 304 : i32
      %add3A_436 = vector.broadcast %add3A_435 : i32 to vector<16xi32>
      %add3A_437 = arith.addi %iota3A, %add3A_436 : vector<16xi32>
      %rem3A_438 = arith.constant 240 : i32
      %rem3A_439 = vector.broadcast %rem3A_438 : i32 to vector<16xi32>
      %rem3A_440 = arith.remsi %add3A_437, %rem3A_439 : vector<16xi32>
      %add3A_441 = arith.constant 10000 : i32
      %add3A_442 = vector.broadcast %add3A_441 : i32 to vector<16xi32>
      %add3A_443 = arith.addi %add3A_442, %rem3A_440 : vector<16xi32>
      %swap3A_444 = arith.constant 304 : index
      %swap3A_445 = tpu.vector_load %arg9[%swap3A_444] {strides = array<i32>} : memref<704xi32, #tpu.memory_space<vmem>>, vector<16xi32>,
      %swap3A_446 = vector.shape_cast %swap3A_445 : vector<16xi32> to vector<16xi32>
      %swap3A_447 = vector.shape_cast %add3A_443 : vector<16xi32> to vector<16xi32>
      tpu.vector_store %arg9[%swap3A_444], %swap3A_447 {strides = array<i32>} : memref<704xi32, #tpu.memory_space<vmem>>, vector<16xi32>,
      %add3A_448 = arith.constant 320 : i32
      %add3A_449 = vector.broadcast %add3A_448 : i32 to vector<16xi32>
      %add3A_450 = arith.addi %iota3A, %add3A_449 : vector<16xi32>
      %rem3A_451 = arith.constant 240 : i32
      %rem3A_452 = vector.broadcast %rem3A_451 : i32 to vector<16xi32>
      %rem3A_453 = arith.remsi %add3A_450, %rem3A_452 : vector<16xi32>
      %add3A_454 = arith.constant 10000 : i32
      %add3A_455 = vector.broadcast %add3A_454 : i32 to vector<16xi32>
      %add3A_456 = arith.addi %add3A_455, %rem3A_453 : vector<16xi32>
      %swap3A_457 = arith.constant 320 : index
      %swap3A_458 = tpu.vector_load %arg9[%swap3A_457] {strides = array<i32>} : memref<704xi32, #tpu.memory_space<vmem>>, vector<16xi32>,
      %swap3A_459 = vector.shape_cast %swap3A_458 : vector<16xi32> to vector<16xi32>
      %swap3A_460 = vector.shape_cast %add3A_456 : vector<16xi32> to vector<16xi32>
      tpu.vector_store %arg9[%swap3A_457], %swap3A_460 {strides = array<i32>} : memref<704xi32, #tpu.memory_space<vmem>>, vector<16xi32>,
      %add3A_461 = arith.constant 336 : i32
      %add3A_462 = vector.broadcast %add3A_461 : i32 to vector<16xi32>
      %add3A_463 = arith.addi %iota3A, %add3A_462 : vector<16xi32>
      %rem3A_464 = arith.constant 240 : i32
      %rem3A_465 = vector.broadcast %rem3A_464 : i32 to vector<16xi32>
      %rem3A_466 = arith.remsi %add3A_463, %rem3A_465 : vector<16xi32>
      %add3A_467 = arith.constant 10000 : i32
      %add3A_468 = vector.broadcast %add3A_467 : i32 to vector<16xi32>
      %add3A_469 = arith.addi %add3A_468, %rem3A_466 : vector<16xi32>
      %swap3A_470 = arith.constant 336 : index
      %swap3A_471 = tpu.vector_load %arg9[%swap3A_470] {strides = array<i32>} : memref<704xi32, #tpu.memory_space<vmem>>, vector<16xi32>,
      %swap3A_472 = vector.shape_cast %swap3A_471 : vector<16xi32> to vector<16xi32>
      %swap3A_473 = vector.shape_cast %add3A_469 : vector<16xi32> to vector<16xi32>
      tpu.vector_store %arg9[%swap3A_470], %swap3A_473 {strides = array<i32>} : memref<704xi32, #tpu.memory_space<vmem>>, vector<16xi32>,
      %add3A_474 = arith.constant 352 : i32
      %add3A_475 = vector.broadcast %add3A_474 : i32 to vector<16xi32>
      %add3A_476 = arith.addi %iota3A, %add3A_475 : vector<16xi32>
      %rem3A_477 = arith.constant 240 : i32
      %rem3A_478 = vector.broadcast %rem3A_477 : i32 to vector<16xi32>
      %rem3A_479 = arith.remsi %add3A_476, %rem3A_478 : vector<16xi32>
      %add3A_480 = arith.constant 10000 : i32
      %add3A_481 = vector.broadcast %add3A_480 : i32 to vector<16xi32>
      %add3A_482 = arith.addi %add3A_481, %rem3A_479 : vector<16xi32>
      %swap3A_483 = arith.constant 352 : index
      %swap3A_484 = tpu.vector_load %arg9[%swap3A_483] {strides = array<i32>} : memref<704xi32, #tpu.memory_space<vmem>>, vector<16xi32>,
      %swap3A_485 = vector.shape_cast %swap3A_484 : vector<16xi32> to vector<16xi32>
      %swap3A_486 = vector.shape_cast %add3A_482 : vector<16xi32> to vector<16xi32>
      tpu.vector_store %arg9[%swap3A_483], %swap3A_486 {strides = array<i32>} : memref<704xi32, #tpu.memory_space<vmem>>, vector<16xi32>,
      %add3A_487 = arith.constant 368 : i32
      %add3A_488 = vector.broadcast %add3A_487 : i32 to vector<16xi32>
      %add3A_489 = arith.addi %iota3A, %add3A_488 : vector<16xi32>
      %rem3A_490 = arith.constant 240 : i32
      %rem3A_491 = vector.broadcast %rem3A_490 : i32 to vector<16xi32>
      %rem3A_492 = arith.remsi %add3A_489, %rem3A_491 : vector<16xi32>
      %add3A_493 = arith.constant 10000 : i32
      %add3A_494 = vector.broadcast %add3A_493 : i32 to vector<16xi32>
      %add3A_495 = arith.addi %add3A_494, %rem3A_492 : vector<16xi32>
      %swap3A_496 = arith.constant 368 : index
      %swap3A_497 = tpu.vector_load %arg9[%swap3A_496] {strides = array<i32>} : memref<704xi32, #tpu.memory_space<vmem>>, vector<16xi32>,
      %swap3A_498 = vector.shape_cast %swap3A_497 : vector<16xi32> to vector<16xi32>
      %swap3A_499 = vector.shape_cast %add3A_495 : vector<16xi32> to vector<16xi32>
      tpu.vector_store %arg9[%swap3A_496], %swap3A_499 {strides = array<i32>} : memref<704xi32, #tpu.memory_space<vmem>>, vector<16xi32>,
      %add3A_500 = arith.constant 384 : i32
      %add3A_501 = vector.broadcast %add3A_500 : i32 to vector<16xi32>
      %add3A_502 = arith.addi %iota3A, %add3A_501 : vector<16xi32>
      %rem3A_503 = arith.constant 240 : i32
      %rem3A_504 = vector.broadcast %rem3A_503 : i32 to vector<16xi32>
      %rem3A_505 = arith.remsi %add3A_502, %rem3A_504 : vector<16xi32>
      %add3A_506 = arith.constant 10000 : i32
      %add3A_507 = vector.broadcast %add3A_506 : i32 to vector<16xi32>
      %add3A_508 = arith.addi %add3A_507, %rem3A_505 : vector<16xi32>
      %swap3A_509 = arith.constant 384 : index
      %swap3A_510 = tpu.vector_load %arg9[%swap3A_509] {strides = array<i32>} : memref<704xi32, #tpu.memory_space<vmem>>, vector<16xi32>,
      %swap3A_511 = vector.shape_cast %swap3A_510 : vector<16xi32> to vector<16xi32>
      %swap3A_512 = vector.shape_cast %add3A_508 : vector<16xi32> to vector<16xi32>
      tpu.vector_store %arg9[%swap3A_509], %swap3A_512 {strides = array<i32>} : memref<704xi32, #tpu.memory_space<vmem>>, vector<16xi32>,
      %add3A_513 = arith.constant 400 : i32
      %add3A_514 = vector.broadcast %add3A_513 : i32 to vector<16xi32>
      %add3A_515 = arith.addi %iota3A, %add3A_514 : vector<16xi32>
      %rem3A_516 = arith.constant 240 : i32
      %rem3A_517 = vector.broadcast %rem3A_516 : i32 to vector<16xi32>
      %rem3A_518 = arith.remsi %add3A_515, %rem3A_517 : vector<16xi32>
      %add3A_519 = arith.constant 10000 : i32
      %add3A_520 = vector.broadcast %add3A_519 : i32 to vector<16xi32>
      %add3A_521 = arith.addi %add3A_520, %rem3A_518 : vector<16xi32>
      %swap3A_522 = arith.constant 400 : index
      %swap3A_523 = tpu.vector_load %arg9[%swap3A_522] {strides = array<i32>} : memref<704xi32, #tpu.memory_space<vmem>>, vector<16xi32>,
      %swap3A_524 = vector.shape_cast %swap3A_523 : vector<16xi32> to vector<16xi32>
      %swap3A_525 = vector.shape_cast %add3A_521 : vector<16xi32> to vector<16xi32>
      tpu.vector_store %arg9[%swap3A_522], %swap3A_525 {strides = array<i32>} : memref<704xi32, #tpu.memory_space<vmem>>, vector<16xi32>,
      %add3A_526 = arith.constant 416 : i32
      %add3A_527 = vector.broadcast %add3A_526 : i32 to vector<16xi32>
      %add3A_528 = arith.addi %iota3A, %add3A_527 : vector<16xi32>
      %rem3A_529 = arith.constant 240 : i32
      %rem3A_530 = vector.broadcast %rem3A_529 : i32 to vector<16xi32>
      %rem3A_531 = arith.remsi %add3A_528, %rem3A_530 : vector<16xi32>
      %add3A_532 = arith.constant 10000 : i32
      %add3A_533 = vector.broadcast %add3A_532 : i32 to vector<16xi32>
      %add3A_534 = arith.addi %add3A_533, %rem3A_531 : vector<16xi32>
      %swap3A_535 = arith.constant 416 : index
      %swap3A_536 = tpu.vector_load %arg9[%swap3A_535] {strides = array<i32>} : memref<704xi32, #tpu.memory_space<vmem>>, vector<16xi32>,
      %swap3A_537 = vector.shape_cast %swap3A_536 : vector<16xi32> to vector<16xi32>
      %swap3A_538 = vector.shape_cast %add3A_534 : vector<16xi32> to vector<16xi32>
      tpu.vector_store %arg9[%swap3A_535], %swap3A_538 {strides = array<i32>} : memref<704xi32, #tpu.memory_space<vmem>>, vector<16xi32>,
      %add3A_539 = arith.constant 432 : i32
      %add3A_540 = vector.broadcast %add3A_539 : i32 to vector<16xi32>
      %add3A_541 = arith.addi %iota3A, %add3A_540 : vector<16xi32>
      %rem3A_542 = arith.constant 240 : i32
      %rem3A_543 = vector.broadcast %rem3A_542 : i32 to vector<16xi32>
      %rem3A_544 = arith.remsi %add3A_541, %rem3A_543 : vector<16xi32>
      %add3A_545 = arith.constant 10000 : i32
      %add3A_546 = vector.broadcast %add3A_545 : i32 to vector<16xi32>
      %add3A_547 = arith.addi %add3A_546, %rem3A_544 : vector<16xi32>
      %swap3A_548 = arith.constant 432 : index
      %swap3A_549 = tpu.vector_load %arg9[%swap3A_548] {strides = array<i32>} : memref<704xi32, #tpu.memory_space<vmem>>, vector<16xi32>,
      %swap3A_550 = vector.shape_cast %swap3A_549 : vector<16xi32> to vector<16xi32>
      %swap3A_551 = vector.shape_cast %add3A_547 : vector<16xi32> to vector<16xi32>
      tpu.vector_store %arg9[%swap3A_548], %swap3A_551 {strides = array<i32>} : memref<704xi32, #tpu.memory_space<vmem>>, vector<16xi32>,
      %add3A_552 = arith.constant 448 : i32
      %add3A_553 = vector.broadcast %add3A_552 : i32 to vector<16xi32>
      %add3A_554 = arith.addi %iota3A, %add3A_553 : vector<16xi32>
      %rem3A_555 = arith.constant 240 : i32
      %rem3A_556 = vector.broadcast %rem3A_555 : i32 to vector<16xi32>
      %rem3A_557 = arith.remsi %add3A_554, %rem3A_556 : vector<16xi32>
      %add3A_558 = arith.constant 10000 : i32
      %add3A_559 = vector.broadcast %add3A_558 : i32 to vector<16xi32>
      %add3A_560 = arith.addi %add3A_559, %rem3A_557 : vector<16xi32>
      %swap3A_561 = arith.constant 448 : index
      %swap3A_562 = tpu.vector_load %arg9[%swap3A_561] {strides = array<i32>} : memref<704xi32, #tpu.memory_space<vmem>>, vector<16xi32>,
      %swap3A_563 = vector.shape_cast %swap3A_562 : vector<16xi32> to vector<16xi32>
      %swap3A_564 = vector.shape_cast %add3A_560 : vector<16xi32> to vector<16xi32>
      tpu.vector_store %arg9[%swap3A_561], %swap3A_564 {strides = array<i32>} : memref<704xi32, #tpu.memory_space<vmem>>, vector<16xi32>,
      %add3A_565 = arith.constant 464 : i32
      %add3A_566 = vector.broadcast %add3A_565 : i32 to vector<16xi32>
      %add3A_567 = arith.addi %iota3A, %add3A_566 : vector<16xi32>
      %rem3A_568 = arith.constant 240 : i32
      %rem3A_569 = vector.broadcast %rem3A_568 : i32 to vector<16xi32>
      %rem3A_570 = arith.remsi %add3A_567, %rem3A_569 : vector<16xi32>
      %add3A_571 = arith.constant 10000 : i32
      %add3A_572 = vector.broadcast %add3A_571 : i32 to vector<16xi32>
      %add3A_573 = arith.addi %add3A_572, %rem3A_570 : vector<16xi32>
      %swap3A_574 = arith.constant 464 : index
      %swap3A_575 = tpu.vector_load %arg9[%swap3A_574] {strides = array<i32>} : memref<704xi32, #tpu.memory_space<vmem>>, vector<16xi32>,
      %swap3A_576 = vector.shape_cast %swap3A_575 : vector<16xi32> to vector<16xi32>
      %swap3A_577 = vector.shape_cast %add3A_573 : vector<16xi32> to vector<16xi32>
      tpu.vector_store %arg9[%swap3A_574], %swap3A_577 {strides = array<i32>} : memref<704xi32, #tpu.memory_space<vmem>>, vector<16xi32>,
      %add3A_578 = arith.constant 480 : i32
      %add3A_579 = vector.broadcast %add3A_578 : i32 to vector<16xi32>
      %add3A_580 = arith.addi %iota3A, %add3A_579 : vector<16xi32>
      %rem3A_581 = arith.constant 240 : i32
      %rem3A_582 = vector.broadcast %rem3A_581 : i32 to vector<16xi32>
      %rem3A_583 = arith.remsi %add3A_580, %rem3A_582 : vector<16xi32>
      %add3A_584 = arith.constant 10000 : i32
      %add3A_585 = vector.broadcast %add3A_584 : i32 to vector<16xi32>
      %add3A_586 = arith.addi %add3A_585, %rem3A_583 : vector<16xi32>
      %swap3A_587 = arith.constant 480 : index
      %swap3A_588 = tpu.vector_load %arg9[%swap3A_587] {strides = array<i32>} : memref<704xi32, #tpu.memory_space<vmem>>, vector<16xi32>,
      %swap3A_589 = vector.shape_cast %swap3A_588 : vector<16xi32> to vector<16xi32>
      %swap3A_590 = vector.shape_cast %add3A_586 : vector<16xi32> to vector<16xi32>
      tpu.vector_store %arg9[%swap3A_587], %swap3A_590 {strides = array<i32>} : memref<704xi32, #tpu.memory_space<vmem>>, vector<16xi32>,
      %add3A_591 = arith.constant 496 : i32
      %add3A_592 = vector.broadcast %add3A_591 : i32 to vector<16xi32>
      %add3A_593 = arith.addi %iota3A, %add3A_592 : vector<16xi32>
      %rem3A_594 = arith.constant 240 : i32
      %rem3A_595 = vector.broadcast %rem3A_594 : i32 to vector<16xi32>
      %rem3A_596 = arith.remsi %add3A_593, %rem3A_595 : vector<16xi32>
      %add3A_597 = arith.constant 10000 : i32
      %add3A_598 = vector.broadcast %add3A_597 : i32 to vector<16xi32>
      %add3A_599 = arith.addi %add3A_598, %rem3A_596 : vector<16xi32>
      %swap3A_600 = arith.constant 496 : index
      %swap3A_601 = tpu.vector_load %arg9[%swap3A_600] {strides = array<i32>} : memref<704xi32, #tpu.memory_space<vmem>>, vector<16xi32>,
      %swap3A_602 = vector.shape_cast %swap3A_601 : vector<16xi32> to vector<16xi32>
      %swap3A_603 = vector.shape_cast %add3A_599 : vector<16xi32> to vector<16xi32>
      tpu.vector_store %arg9[%swap3A_600], %swap3A_603 {strides = array<i32>} : memref<704xi32, #tpu.memory_space<vmem>>, vector<16xi32>,
      %add3A_604 = arith.constant 512 : i32
      %add3A_605 = vector.broadcast %add3A_604 : i32 to vector<16xi32>
      %add3A_606 = arith.addi %iota3A, %add3A_605 : vector<16xi32>
      %rem3A_607 = arith.constant 240 : i32
      %rem3A_608 = vector.broadcast %rem3A_607 : i32 to vector<16xi32>
      %rem3A_609 = arith.remsi %add3A_606, %rem3A_608 : vector<16xi32>
      %add3A_610 = arith.constant 10000 : i32
      %add3A_611 = vector.broadcast %add3A_610 : i32 to vector<16xi32>
      %add3A_612 = arith.addi %add3A_611, %rem3A_609 : vector<16xi32>
      %swap3A_613 = arith.constant 512 : index
      %swap3A_614 = tpu.vector_load %arg9[%swap3A_613] {strides = array<i32>} : memref<704xi32, #tpu.memory_space<vmem>>, vector<16xi32>,
      %swap3A_615 = vector.shape_cast %swap3A_614 : vector<16xi32> to vector<16xi32>
      %swap3A_616 = vector.shape_cast %add3A_612 : vector<16xi32> to vector<16xi32>
      tpu.vector_store %arg9[%swap3A_613], %swap3A_616 {strides = array<i32>} : memref<704xi32, #tpu.memory_space<vmem>>, vector<16xi32>,
      %add3A_617 = arith.constant 528 : i32
      %add3A_618 = vector.broadcast %add3A_617 : i32 to vector<16xi32>
      %add3A_619 = arith.addi %iota3A, %add3A_618 : vector<16xi32>
      %rem3A_620 = arith.constant 240 : i32
      %rem3A_621 = vector.broadcast %rem3A_620 : i32 to vector<16xi32>
      %rem3A_622 = arith.remsi %add3A_619, %rem3A_621 : vector<16xi32>
      %add3A_623 = arith.constant 10000 : i32
      %add3A_624 = vector.broadcast %add3A_623 : i32 to vector<16xi32>
      %add3A_625 = arith.addi %add3A_624, %rem3A_622 : vector<16xi32>
      %swap3A_626 = arith.constant 528 : index
      %swap3A_627 = tpu.vector_load %arg9[%swap3A_626] {strides = array<i32>} : memref<704xi32, #tpu.memory_space<vmem>>, vector<16xi32>,
      %swap3A_628 = vector.shape_cast %swap3A_627 : vector<16xi32> to vector<16xi32>
      %swap3A_629 = vector.shape_cast %add3A_625 : vector<16xi32> to vector<16xi32>
      tpu.vector_store %arg9[%swap3A_626], %swap3A_629 {strides = array<i32>} : memref<704xi32, #tpu.memory_space<vmem>>, vector<16xi32>,
      %add3A_630 = arith.constant 544 : i32
      %add3A_631 = vector.broadcast %add3A_630 : i32 to vector<16xi32>
      %add3A_632 = arith.addi %iota3A, %add3A_631 : vector<16xi32>
      %rem3A_633 = arith.constant 240 : i32
      %rem3A_634 = vector.broadcast %rem3A_633 : i32 to vector<16xi32>
      %rem3A_635 = arith.remsi %add3A_632, %rem3A_634 : vector<16xi32>
      %add3A_636 = arith.constant 10000 : i32
      %add3A_637 = vector.broadcast %add3A_636 : i32 to vector<16xi32>
      %add3A_638 = arith.addi %add3A_637, %rem3A_635 : vector<16xi32>
      %swap3A_639 = arith.constant 544 : index
      %swap3A_640 = tpu.vector_load %arg9[%swap3A_639] {strides = array<i32>} : memref<704xi32, #tpu.memory_space<vmem>>, vector<16xi32>,
      %swap3A_641 = vector.shape_cast %swap3A_640 : vector<16xi32> to vector<16xi32>
      %swap3A_642 = vector.shape_cast %add3A_638 : vector<16xi32> to vector<16xi32>
      tpu.vector_store %arg9[%swap3A_639], %swap3A_642 {strides = array<i32>} : memref<704xi32, #tpu.memory_space<vmem>>, vector<16xi32>,
      %add3A_643 = arith.constant 560 : i32
      %add3A_644 = vector.broadcast %add3A_643 : i32 to vector<16xi32>
      %add3A_645 = arith.addi %iota3A, %add3A_644 : vector<16xi32>
      %rem3A_646 = arith.constant 240 : i32
      %rem3A_647 = vector.broadcast %rem3A_646 : i32 to vector<16xi32>
      %rem3A_648 = arith.remsi %add3A_645, %rem3A_647 : vector<16xi32>
      %add3A_649 = arith.constant 10000 : i32
      %add3A_650 = vector.broadcast %add3A_649 : i32 to vector<16xi32>
      %add3A_651 = arith.addi %add3A_650, %rem3A_648 : vector<16xi32>
      %swap3A_652 = arith.constant 560 : index
      %swap3A_653 = tpu.vector_load %arg9[%swap3A_652] {strides = array<i32>} : memref<704xi32, #tpu.memory_space<vmem>>, vector<16xi32>,
      %swap3A_654 = vector.shape_cast %swap3A_653 : vector<16xi32> to vector<16xi32>
      %swap3A_655 = vector.shape_cast %add3A_651 : vector<16xi32> to vector<16xi32>
      tpu.vector_store %arg9[%swap3A_652], %swap3A_655 {strides = array<i32>} : memref<704xi32, #tpu.memory_space<vmem>>, vector<16xi32>,
      %add3A_656 = arith.constant 576 : i32
      %add3A_657 = vector.broadcast %add3A_656 : i32 to vector<16xi32>
      %add3A_658 = arith.addi %iota3A, %add3A_657 : vector<16xi32>
      %rem3A_659 = arith.constant 240 : i32
      %rem3A_660 = vector.broadcast %rem3A_659 : i32 to vector<16xi32>
      %rem3A_661 = arith.remsi %add3A_658, %rem3A_660 : vector<16xi32>
      %add3A_662 = arith.constant 10000 : i32
      %add3A_663 = vector.broadcast %add3A_662 : i32 to vector<16xi32>
      %add3A_664 = arith.addi %add3A_663, %rem3A_661 : vector<16xi32>
      %swap3A_665 = arith.constant 576 : index
      %swap3A_666 = tpu.vector_load %arg9[%swap3A_665] {strides = array<i32>} : memref<704xi32, #tpu.memory_space<vmem>>, vector<16xi32>,
      %swap3A_667 = vector.shape_cast %swap3A_666 : vector<16xi32> to vector<16xi32>
      %swap3A_668 = vector.shape_cast %add3A_664 : vector<16xi32> to vector<16xi32>
      tpu.vector_store %arg9[%swap3A_665], %swap3A_668 {strides = array<i32>} : memref<704xi32, #tpu.memory_space<vmem>>, vector<16xi32>,
      %add3A_669 = arith.constant 592 : i32
      %add3A_670 = vector.broadcast %add3A_669 : i32 to vector<16xi32>
      %add3A_671 = arith.addi %iota3A, %add3A_670 : vector<16xi32>
      %rem3A_672 = arith.constant 240 : i32
      %rem3A_673 = vector.broadcast %rem3A_672 : i32 to vector<16xi32>
      %rem3A_674 = arith.remsi %add3A_671, %rem3A_673 : vector<16xi32>
      %add3A_675 = arith.constant 10000 : i32
      %add3A_676 = vector.broadcast %add3A_675 : i32 to vector<16xi32>
      %add3A_677 = arith.addi %add3A_676, %rem3A_674 : vector<16xi32>
      %swap3A_678 = arith.constant 592 : index
      %swap3A_679 = tpu.vector_load %arg9[%swap3A_678] {strides = array<i32>} : memref<704xi32, #tpu.memory_space<vmem>>, vector<16xi32>,
      %swap3A_680 = vector.shape_cast %swap3A_679 : vector<16xi32> to vector<16xi32>
      %swap3A_681 = vector.shape_cast %add3A_677 : vector<16xi32> to vector<16xi32>
      tpu.vector_store %arg9[%swap3A_678], %swap3A_681 {strides = array<i32>} : memref<704xi32, #tpu.memory_space<vmem>>, vector<16xi32>,
      %add3A_682 = arith.constant 608 : i32
      %add3A_683 = vector.broadcast %add3A_682 : i32 to vector<16xi32>
      %add3A_684 = arith.addi %iota3A, %add3A_683 : vector<16xi32>
      %rem3A_685 = arith.constant 240 : i32
      %rem3A_686 = vector.broadcast %rem3A_685 : i32 to vector<16xi32>
      %rem3A_687 = arith.remsi %add3A_684, %rem3A_686 : vector<16xi32>
      %add3A_688 = arith.constant 10000 : i32
      %add3A_689 = vector.broadcast %add3A_688 : i32 to vector<16xi32>
      %add3A_690 = arith.addi %add3A_689, %rem3A_687 : vector<16xi32>
      %swap3A_691 = arith.constant 608 : index
      %swap3A_692 = tpu.vector_load %arg9[%swap3A_691] {strides = array<i32>} : memref<704xi32, #tpu.memory_space<vmem>>, vector<16xi32>,
      %swap3A_693 = vector.shape_cast %swap3A_692 : vector<16xi32> to vector<16xi32>
      %swap3A_694 = vector.shape_cast %add3A_690 : vector<16xi32> to vector<16xi32>
      tpu.vector_store %arg9[%swap3A_691], %swap3A_694 {strides = array<i32>} : memref<704xi32, #tpu.memory_space<vmem>>, vector<16xi32>,
      %add3A_695 = arith.constant 624 : i32
      %add3A_696 = vector.broadcast %add3A_695 : i32 to vector<16xi32>
      %add3A_697 = arith.addi %iota3A, %add3A_696 : vector<16xi32>
      %rem3A_698 = arith.constant 240 : i32
      %rem3A_699 = vector.broadcast %rem3A_698 : i32 to vector<16xi32>
      %rem3A_700 = arith.remsi %add3A_697, %rem3A_699 : vector<16xi32>
      %add3A_701 = arith.constant 10000 : i32
      %add3A_702 = vector.broadcast %add3A_701 : i32 to vector<16xi32>
      %add3A_703 = arith.addi %add3A_702, %rem3A_700 : vector<16xi32>
      %swap3A_704 = arith.constant 624 : index
      %swap3A_705 = tpu.vector_load %arg9[%swap3A_704] {strides = array<i32>} : memref<704xi32, #tpu.memory_space<vmem>>, vector<16xi32>,
      %swap3A_706 = vector.shape_cast %swap3A_705 : vector<16xi32> to vector<16xi32>
      %swap3A_707 = vector.shape_cast %add3A_703 : vector<16xi32> to vector<16xi32>
      tpu.vector_store %arg9[%swap3A_704], %swap3A_707 {strides = array<i32>} : memref<704xi32, #tpu.memory_space<vmem>>, vector<16xi32>,
      %add3A_708 = arith.constant 640 : i32
      %add3A_709 = vector.broadcast %add3A_708 : i32 to vector<16xi32>
      %add3A_710 = arith.addi %iota3A, %add3A_709 : vector<16xi32>
      %rem3A_711 = arith.constant 240 : i32
      %rem3A_712 = vector.broadcast %rem3A_711 : i32 to vector<16xi32>
      %rem3A_713 = arith.remsi %add3A_710, %rem3A_712 : vector<16xi32>
      %add3A_714 = arith.constant 10000 : i32
      %add3A_715 = vector.broadcast %add3A_714 : i32 to vector<16xi32>
      %add3A_716 = arith.addi %add3A_715, %rem3A_713 : vector<16xi32>
      %swap3A_717 = arith.constant 640 : index
      %swap3A_718 = tpu.vector_load %arg9[%swap3A_717] {strides = array<i32>} : memref<704xi32, #tpu.memory_space<vmem>>, vector<16xi32>,
      %swap3A_719 = vector.shape_cast %swap3A_718 : vector<16xi32> to vector<16xi32>
      %swap3A_720 = vector.shape_cast %add3A_716 : vector<16xi32> to vector<16xi32>
      tpu.vector_store %arg9[%swap3A_717], %swap3A_720 {strides = array<i32>} : memref<704xi32, #tpu.memory_space<vmem>>, vector<16xi32>,
      %add3A_721 = arith.constant 656 : i32
      %add3A_722 = vector.broadcast %add3A_721 : i32 to vector<16xi32>
      %add3A_723 = arith.addi %iota3A, %add3A_722 : vector<16xi32>
      %rem3A_724 = arith.constant 240 : i32
      %rem3A_725 = vector.broadcast %rem3A_724 : i32 to vector<16xi32>
      %rem3A_726 = arith.remsi %add3A_723, %rem3A_725 : vector<16xi32>
      %add3A_727 = arith.constant 10000 : i32
      %add3A_728 = vector.broadcast %add3A_727 : i32 to vector<16xi32>
      %add3A_729 = arith.addi %add3A_728, %rem3A_726 : vector<16xi32>
      %swap3A_730 = arith.constant 656 : index
      %swap3A_731 = tpu.vector_load %arg9[%swap3A_730] {strides = array<i32>} : memref<704xi32, #tpu.memory_space<vmem>>, vector<16xi32>,
      %swap3A_732 = vector.shape_cast %swap3A_731 : vector<16xi32> to vector<16xi32>
      %swap3A_733 = vector.shape_cast %add3A_729 : vector<16xi32> to vector<16xi32>
      tpu.vector_store %arg9[%swap3A_730], %swap3A_733 {strides = array<i32>} : memref<704xi32, #tpu.memory_space<vmem>>, vector<16xi32>,
      %add3A_734 = arith.constant 672 : i32
      %add3A_735 = vector.broadcast %add3A_734 : i32 to vector<16xi32>
      %add3A_736 = arith.addi %iota3A, %add3A_735 : vector<16xi32>
      %rem3A_737 = arith.constant 240 : i32
      %rem3A_738 = vector.broadcast %rem3A_737 : i32 to vector<16xi32>
      %rem3A_739 = arith.remsi %add3A_736, %rem3A_738 : vector<16xi32>
      %add3A_740 = arith.constant 10000 : i32
      %add3A_741 = vector.broadcast %add3A_740 : i32 to vector<16xi32>
      %add3A_742 = arith.addi %add3A_741, %rem3A_739 : vector<16xi32>
      %swap3A_743 = arith.constant 672 : index
      %swap3A_744 = tpu.vector_load %arg9[%swap3A_743] {strides = array<i32>} : memref<704xi32, #tpu.memory_space<vmem>>, vector<16xi32>,
      %swap3A_745 = vector.shape_cast %swap3A_744 : vector<16xi32> to vector<16xi32>
      %swap3A_746 = vector.shape_cast %add3A_742 : vector<16xi32> to vector<16xi32>
      tpu.vector_store %arg9[%swap3A_743], %swap3A_746 {strides = array<i32>} : memref<704xi32, #tpu.memory_space<vmem>>, vector<16xi32>,
      %add3A_747 = arith.constant 688 : i32
      %add3A_748 = vector.broadcast %add3A_747 : i32 to vector<16xi32>
      %add3A_749 = arith.addi %iota3A, %add3A_748 : vector<16xi32>
      %rem3A_750 = arith.constant 240 : i32
      %rem3A_751 = vector.broadcast %rem3A_750 : i32 to vector<16xi32>
      %rem3A_752 = arith.remsi %add3A_749, %rem3A_751 : vector<16xi32>
      %add3A_753 = arith.constant 10000 : i32
      %add3A_754 = vector.broadcast %add3A_753 : i32 to vector<16xi32>
      %add3A_755 = arith.addi %add3A_754, %rem3A_752 : vector<16xi32>
      %swap3A_756 = arith.constant 688 : index
      %swap3A_757 = tpu.vector_load %arg9[%swap3A_756] {strides = array<i32>} : memref<704xi32, #tpu.memory_space<vmem>>, vector<16xi32>,
      %swap3A_758 = vector.shape_cast %swap3A_757 : vector<16xi32> to vector<16xi32>
      %swap3A_759 = vector.shape_cast %add3A_755 : vector<16xi32> to vector<16xi32>
      tpu.vector_store %arg9[%swap3A_756], %swap3A_759 {strides = array<i32>} : memref<704xi32, #tpu.memory_space<vmem>>, vector<16xi32>,
      %scan3A = arith.constant 0 : i32
      %scan3A_760 = arith.constant 0 : i32
      %scan3A_761 = arith.constant 40 : i32
      %scan3A_762 = arith.addi %scan3A_760, %scan3A_761 : i32
      %scan3A_763 = arith.constant 1 : i32
      %scan3A_764 = scf.for %scan3A_1541 = %scan3A_760 to %scan3A_762 step %scan3A_763 iter_args(%scan3A_1542 = %scan3A) -> (i32)  : i32 {
        %mul3A_1543 = arith.constant 16 : i32
        %mul3A_1544 = arith.muli %scan3A_1541, %mul3A_1543 : i32
        %get3A_1545 = arith.index_cast %mul3A_1544 : i32 to index
        %get3A_1546 = tpu.vector_load %arg12[%get3A_1545] {strides = array<i32>} : memref<640xf32, #tpu.memory_space<vmem>>, vector<16xf32>,
        %get3A_1547 = vector.shape_cast %get3A_1546 : vector<16xf32> to vector<16xf32>
        %get3A_1548 = arith.index_cast %mul3A_1544 : i32 to index
        %get3A_1549 = tpu.vector_load %arg13[%get3A_1548] {strides = array<i32>} : memref<640xf32, #tpu.memory_space<vmem>>, vector<16xf32>,
        %get3A_1550 = vector.shape_cast %get3A_1549 : vector<16xf32> to vector<16xf32>
        %add3A_1551 = arith.addf %get3A_1547, %get3A_1550 : vector<16xf32>
        %mul3A_1552 = arith.constant 0.951229453 : f32
        %mul3A_1553 = vector.broadcast %mul3A_1552 : f32 to vector<16xf32>
        %mul3A_1554 = arith.mulf %add3A_1551, %mul3A_1553 : vector<16xf32>
        %ge3A_1555 = arith.constant 1.000000e+00 : f32
        %ge3A_1556 = vector.broadcast %ge3A_1555 : f32 to vector<16xf32>
        %ge3A_1557 = arith.cmpf oge, %mul3A_1554, %ge3A_1556 : vector<16xf32>
        %jit3A_1558 = arith.constant 1 : i32
        %jit3A_1559 = arith.constant 0 : i32
        %broadcast_in_dim3A_1560 = vector.broadcast %jit3A_1558 : i32 to vector<16xi32>
        %broadcast_in_dim3A_1561 = vector.broadcast %jit3A_1559 : i32 to vector<16xi32>
        %select_n3A_1562 = arith.select %ge3A_1557, %broadcast_in_dim3A_1560, %broadcast_in_dim3A_1561 : vector<16xi1>, vector<16xi32>
        %sub3A = arith.constant 1 : i32
        %sub3A_1563 = vector.broadcast %sub3A : i32 to vector<16xi32>
        %sub3A_1564 = arith.subi %iota3A, %sub3A_1563 : vector<16xi32>
        %max3A = arith.constant 0 : i32
        %max3A_1565 = vector.broadcast %max3A : i32 to vector<16xi32>
        %max3A_1566 = arith.maxsi %sub3A_1564, %max3A_1565 : vector<16xi32>
        %broadcast_in_dim3A_1567 = vector.shape_cast %max3A_1566 : vector<16xi32> to vector<16x1xi32>
        %gather3A = vector.shape_cast %broadcast_in_dim3A_1567 : vector<16x1xi32> to vector<16xi32>
        %gather3A_1568 = tpu.dynamic_gather %select_n3A_1562[%gather3A] in [0] : vector<16xi32>, vector<16xi32> -> vector<16xi32>
        %ge3A_1569 = arith.constant 1 : i32
        %ge3A_1570 = vector.broadcast %ge3A_1569 : i32 to vector<16xi32>
        %ge3A_1571 = arith.cmpi sge, %iota3A, %ge3A_1570 : vector<16xi32>
        %jit3A_1572 = arith.constant 0 : i32
        %broadcast_in_dim3A_1573 = vector.broadcast %jit3A_1572 : i32 to vector<16xi32>
        %select_n3A_1574 = arith.select %ge3A_1571, %gather3A_1568, %broadcast_in_dim3A_1573 : vector<16xi1>, vector<16xi32>
        %add3A_1575 = arith.addi %select_n3A_1562, %select_n3A_1574 : vector<16xi32>
        %sub3A_1576 = arith.constant 2 : i32
        %sub3A_1577 = vector.broadcast %sub3A_1576 : i32 to vector<16xi32>
        %sub3A_1578 = arith.subi %iota3A, %sub3A_1577 : vector<16xi32>
        %max3A_1579 = arith.constant 0 : i32
        %max3A_1580 = vector.broadcast %max3A_1579 : i32 to vector<16xi32>
        %max3A_1581 = arith.maxsi %sub3A_1578, %max3A_1580 : vector<16xi32>
        %broadcast_in_dim3A_1582 = vector.shape_cast %max3A_1581 : vector<16xi32> to vector<16x1xi32>
        %gather3A_1583 = vector.shape_cast %broadcast_in_dim3A_1582 : vector<16x1xi32> to vector<16xi32>
        %gather3A_1584 = tpu.dynamic_gather %add3A_1575[%gather3A_1583] in [0] : vector<16xi32>, vector<16xi32> -> vector<16xi32>
        %ge3A_1585 = arith.constant 2 : i32
        %ge3A_1586 = vector.broadcast %ge3A_1585 : i32 to vector<16xi32>
        %ge3A_1587 = arith.cmpi sge, %iota3A, %ge3A_1586 : vector<16xi32>
        %jit3A_1588 = arith.constant 0 : i32
        %broadcast_in_dim3A_1589 = vector.broadcast %jit3A_1588 : i32 to vector<16xi32>
        %select_n3A_1590 = arith.select %ge3A_1587, %gather3A_1584, %broadcast_in_dim3A_1589 : vector<16xi1>, vector<16xi32>
        %add3A_1591 = arith.addi %add3A_1575, %select_n3A_1590 : vector<16xi32>
        %sub3A_1592 = arith.constant 4 : i32
        %sub3A_1593 = vector.broadcast %sub3A_1592 : i32 to vector<16xi32>
        %sub3A_1594 = arith.subi %iota3A, %sub3A_1593 : vector<16xi32>
        %max3A_1595 = arith.constant 0 : i32
        %max3A_1596 = vector.broadcast %max3A_1595 : i32 to vector<16xi32>
        %max3A_1597 = arith.maxsi %sub3A_1594, %max3A_1596 : vector<16xi32>
        %broadcast_in_dim3A_1598 = vector.shape_cast %max3A_1597 : vector<16xi32> to vector<16x1xi32>
        %gather3A_1599 = vector.shape_cast %broadcast_in_dim3A_1598 : vector<16x1xi32> to vector<16xi32>
        %gather3A_1600 = tpu.dynamic_gather %add3A_1591[%gather3A_1599] in [0] : vector<16xi32>, vector<16xi32> -> vector<16xi32>
        %ge3A_1601 = arith.constant 4 : i32
        %ge3A_1602 = vector.broadcast %ge3A_1601 : i32 to vector<16xi32>
        %ge3A_1603 = arith.cmpi sge, %iota3A, %ge3A_1602 : vector<16xi32>
        %jit3A_1604 = arith.constant 0 : i32
        %broadcast_in_dim3A_1605 = vector.broadcast %jit3A_1604 : i32 to vector<16xi32>
        %select_n3A_1606 = arith.select %ge3A_1603, %gather3A_1600, %broadcast_in_dim3A_1605 : vector<16xi1>, vector<16xi32>
        %add3A_1607 = arith.addi %add3A_1591, %select_n3A_1606 : vector<16xi32>
        %sub3A_1608 = arith.constant 8 : i32
        %sub3A_1609 = vector.broadcast %sub3A_1608 : i32 to vector<16xi32>
        %sub3A_1610 = arith.subi %iota3A, %sub3A_1609 : vector<16xi32>
        %max3A_1611 = arith.constant 0 : i32
        %max3A_1612 = vector.broadcast %max3A_1611 : i32 to vector<16xi32>
        %max3A_1613 = arith.maxsi %sub3A_1610, %max3A_1612 : vector<16xi32>
        %broadcast_in_dim3A_1614 = vector.shape_cast %max3A_1613 : vector<16xi32> to vector<16x1xi32>
        %gather3A_1615 = vector.shape_cast %broadcast_in_dim3A_1614 : vector<16x1xi32> to vector<16xi32>
        %gather3A_1616 = tpu.dynamic_gather %add3A_1607[%gather3A_1615] in [0] : vector<16xi32>, vector<16xi32> -> vector<16xi32>
        %ge3A_1617 = arith.constant 8 : i32
        %ge3A_1618 = vector.broadcast %ge3A_1617 : i32 to vector<16xi32>
        %ge3A_1619 = arith.cmpi sge, %iota3A, %ge3A_1618 : vector<16xi32>
        %jit3A_1620 = arith.constant 0 : i32
        %broadcast_in_dim3A_1621 = vector.broadcast %jit3A_1620 : i32 to vector<16xi32>
        %select_n3A_1622 = arith.select %ge3A_1619, %gather3A_1616, %broadcast_in_dim3A_1621 : vector<16xi1>, vector<16xi32>
        %add3A_1623 = arith.addi %add3A_1607, %select_n3A_1622 : vector<16xi32>
        %slice3A = vector.extract_strided_slice %add3A_1623 {offsets = [15], sizes = [1], strides = [1]} : vector<16xi32> to vector<1xi32>
        %squeeze3A = vector.extract %slice3A[0] : i32 from vector<1xi32>
        %broadcast_in_dim3A_1624 = arith.constant 0 : i32
        %broadcast_in_dim3A_1625 = vector.broadcast %broadcast_in_dim3A_1624 : i32 to vector<16xi32>
        %add3A_1626 = arith.constant 8 : i32
        %add3A_1627 = vector.broadcast %add3A_1626 : i32 to vector<16xi32>
        %add3A_1628 = arith.addi %broadcast_in_dim3A_1625, %add3A_1627 : vector<16xi32>
        %sub3A_1629 = arith.constant 1 : i32
        %sub3A_1630 = vector.broadcast %sub3A_1629 : i32 to vector<16xi32>
        %sub3A_1631 = arith.subi %add3A_1628, %sub3A_1630 : vector<16xi32>
        %broadcast_in_dim3A_1632 = vector.shape_cast %sub3A_1631 : vector<16xi32> to vector<16x1xi32>
        %gather3A_1633 = vector.shape_cast %broadcast_in_dim3A_1632 : vector<16x1xi32> to vector<16xi32>
        %gather3A_1634 = tpu.dynamic_gather %add3A_1623[%gather3A_1633] in [0] : vector<16xi32>, vector<16xi32> -> vector<16xi32>
        %add3A_1635 = arith.constant 1 : i32
        %add3A_1636 = vector.broadcast %add3A_1635 : i32 to vector<16xi32>
        %add3A_1637 = arith.addi %iota3A, %add3A_1636 : vector<16xi32>
        %lt3A = arith.cmpi slt, %gather3A_1634, %add3A_1637 : vector<16xi32>
        %select_n3A_1638 = arith.select %lt3A, %add3A_1628, %broadcast_in_dim3A_1625 : vector<16xi1>, vector<16xi32>
        %add3A_1639 = arith.constant 4 : i32
        %add3A_1640 = vector.broadcast %add3A_1639 : i32 to vector<16xi32>
        %add3A_1641 = arith.addi %select_n3A_1638, %add3A_1640 : vector<16xi32>
        %sub3A_1642 = arith.constant 1 : i32
        %sub3A_1643 = vector.broadcast %sub3A_1642 : i32 to vector<16xi32>
        %sub3A_1644 = arith.subi %add3A_1641, %sub3A_1643 : vector<16xi32>
        %broadcast_in_dim3A_1645 = vector.shape_cast %sub3A_1644 : vector<16xi32> to vector<16x1xi32>
        %gather3A_1646 = vector.shape_cast %broadcast_in_dim3A_1645 : vector<16x1xi32> to vector<16xi32>
        %gather3A_1647 = tpu.dynamic_gather %add3A_1623[%gather3A_1646] in [0] : vector<16xi32>, vector<16xi32> -> vector<16xi32>
        %add3A_1648 = arith.constant 1 : i32
        %add3A_1649 = vector.broadcast %add3A_1648 : i32 to vector<16xi32>
        %add3A_1650 = arith.addi %iota3A, %add3A_1649 : vector<16xi32>
        %lt3A_1651 = arith.cmpi slt, %gather3A_1647, %add3A_1650 : vector<16xi32>
        %select_n3A_1652 = arith.select %lt3A_1651, %add3A_1641, %select_n3A_1638 : vector<16xi1>, vector<16xi32>
        %add3A_1653 = arith.constant 2 : i32
        %add3A_1654 = vector.broadcast %add3A_1653 : i32 to vector<16xi32>
        %add3A_1655 = arith.addi %select_n3A_1652, %add3A_1654 : vector<16xi32>
        %sub3A_1656 = arith.constant 1 : i32
        %sub3A_1657 = vector.broadcast %sub3A_1656 : i32 to vector<16xi32>
        %sub3A_1658 = arith.subi %add3A_1655, %sub3A_1657 : vector<16xi32>
        %broadcast_in_dim3A_1659 = vector.shape_cast %sub3A_1658 : vector<16xi32> to vector<16x1xi32>
        %gather3A_1660 = vector.shape_cast %broadcast_in_dim3A_1659 : vector<16x1xi32> to vector<16xi32>
        %gather3A_1661 = tpu.dynamic_gather %add3A_1623[%gather3A_1660] in [0] : vector<16xi32>, vector<16xi32> -> vector<16xi32>
        %add3A_1662 = arith.constant 1 : i32
        %add3A_1663 = vector.broadcast %add3A_1662 : i32 to vector<16xi32>
        %add3A_1664 = arith.addi %iota3A, %add3A_1663 : vector<16xi32>
        %lt3A_1665 = arith.cmpi slt, %gather3A_1661, %add3A_1664 : vector<16xi32>
        %select_n3A_1666 = arith.select %lt3A_1665, %add3A_1655, %select_n3A_1652 : vector<16xi1>, vector<16xi32>
        %add3A_1667 = arith.constant 1 : i32
        %add3A_1668 = vector.broadcast %add3A_1667 : i32 to vector<16xi32>
        %add3A_1669 = arith.addi %select_n3A_1666, %add3A_1668 : vector<16xi32>
        %sub3A_1670 = arith.constant 1 : i32
        %sub3A_1671 = vector.broadcast %sub3A_1670 : i32 to vector<16xi32>
        %sub3A_1672 = arith.subi %add3A_1669, %sub3A_1671 : vector<16xi32>
        %broadcast_in_dim3A_1673 = vector.shape_cast %sub3A_1672 : vector<16xi32> to vector<16x1xi32>
        %gather3A_1674 = vector.shape_cast %broadcast_in_dim3A_1673 : vector<16x1xi32> to vector<16xi32>
        %gather3A_1675 = tpu.dynamic_gather %add3A_1623[%gather3A_1674] in [0] : vector<16xi32>, vector<16xi32> -> vector<16xi32>
        %add3A_1676 = arith.constant 1 : i32
        %add3A_1677 = vector.broadcast %add3A_1676 : i32 to vector<16xi32>
        %add3A_1678 = arith.addi %iota3A, %add3A_1677 : vector<16xi32>
        %lt3A_1679 = arith.cmpi slt, %gather3A_1675, %add3A_1678 : vector<16xi32>
        %select_n3A_1680 = arith.select %lt3A_1679, %add3A_1669, %select_n3A_1666 : vector<16xi1>, vector<16xi32>
        %lt3A_1681 = vector.broadcast %squeeze3A : i32 to vector<16xi32>
        %lt3A_1682 = arith.cmpi slt, %iota3A, %lt3A_1681 : vector<16xi32>
        %mul3A_1683 = arith.constant 16 : i32
        %mul3A_1684 = arith.muli %scan3A_1541, %mul3A_1683 : i32
        %add3A_1685 = arith.addi %mul3A_6, %mul3A_1684 : i32
        %add3A_1686 = vector.broadcast %add3A_1685 : i32 to vector<16xi32>
        %add3A_1687 = arith.addi %add3A_1686, %select_n3A_1680 : vector<16xi32>
        %mul3A_1688 = arith.constant 16 : i32
        %mul3A_1689 = arith.muli %scan3A_1541, %mul3A_1688 : i32
        %add3A_1690 = vector.broadcast %mul3A_1689 : i32 to vector<16xi32>
        %add3A_1691 = arith.addi %iota3A, %add3A_1690 : vector<16xi32>
        %rem3A_1692 = arith.constant 240 : i32
        %rem3A_1693 = vector.broadcast %rem3A_1692 : i32 to vector<16xi32>
        %rem3A_1694 = arith.remsi %add3A_1691, %rem3A_1693 : vector<16xi32>
        %add3A_1695 = arith.constant 10000 : i32
        %add3A_1696 = vector.broadcast %add3A_1695 : i32 to vector<16xi32>
        %add3A_1697 = arith.addi %add3A_1696, %rem3A_1694 : vector<16xi32>
        %select_n3A_1698 = arith.select %lt3A_1682, %add3A_1687, %add3A_1697 : vector<16xi1>, vector<16xi32>
        %swap3A_1699 = arith.index_cast %scan3A_1542 : i32 to index
        %swap3A_1700 = tpu.vector_load %arg9[%swap3A_1699] {strides = array<i32>} : memref<704xi32, #tpu.memory_space<vmem>>, vector<16xi32>,
        %swap3A_1701 = vector.shape_cast %swap3A_1700 : vector<16xi32> to vector<16xi32>
        %swap3A_1702 = vector.shape_cast %select_n3A_1698 : vector<16xi32> to vector<16xi32>
        tpu.vector_store %arg9[%swap3A_1699], %swap3A_1702 {strides = array<i32>} : memref<704xi32, #tpu.memory_space<vmem>>, vector<16xi32>,
        %add3A_1703 = arith.addi %scan3A_1542, %squeeze3A : i32
        scf.yield %add3A_1703 : i32
      }
      %scan3A_765 = arith.constant 40 : i32
      %add3A_766 = arith.constant 63 : i32
      %add3A_767 = arith.addi %scan3A_764, %add3A_766 : i32
      %div3A = arith.constant 64 : i32
      %div3A_768 = arith.divsi %add3A_767, %div3A : i32
      %barrier3A = arith.constant 0 : index
      tpu.barrier barrier_id(%barrier3A)
      %while3A = arith.constant 0 : i32
      %while3A_769 = arith.constant 0 : i32
      %while3A_770 = arith.subi %div3A_768, %while3A_769 : i32
      %while3A_771 = arith.addi %while3A_769, %while3A_770 : i32
      %while3A_772 = arith.constant 1 : i32
      %while3A_773 = arith.divsi %while3A_770, %while3A_772 : i32
      %while3A_774 = arith.muli %while3A_773, %while3A_772 : i32
      %while3A_775 = arith.addi %while3A_769, %while3A_774 : i32
      %while3A_776 = arith.constant 1 : i32
      scf.for %while3A_1541 = %while3A_769 to %while3A_775 step %while3A_776  : i32 {
        %mul3A_1542 = arith.constant 64 : i32
        %mul3A_1543 = arith.muli %while3A_1541, %mul3A_1542 : i32
        %dma_start3A_1544 = tpu.memref_slice %arg9[%mul3A_1543] : memref<704xi32, #tpu.memory_space<vmem>> -> memref<64xi32, #tpu.memory_space<vmem>>
        %dma_start3A_1545 = arith.constant 0 : i32
        %dma_start3A_1546 = arith.constant 0 : i32
        %dma_start3A_1547 = tpu.memref_slice %arg3[%dma_start3A_1545, %dma_start3A_1546] : memref<10240x128xf32, #tpu.memory_space<hbm>> -> memref<10240x128xf32, #tpu.memory_space<hbm>>
        tpu.enqueue_indirect_dma source(%dma_start3A_1547 : memref<10240x128xf32, #tpu.memory_space<hbm>>) target(%arg10 : memref<64x128xf32, #tpu.memory_space<vmem>>) offsets(%dma_start3A_1544 : memref<64xi32, #tpu.memory_space<vmem>>) semaphore(%arg22 : memref<!tpu.dma_semaphore, #tpu.memory_space<semaphore_mem>>)
        %dma_wait3A_1548 = tpu.memref_slice %arg9[%mul3A_1543] : memref<704xi32, #tpu.memory_space<vmem>> -> memref<64xi32, #tpu.memory_space<vmem>>
        %dma_wait3A_1549 = arith.constant 0 : i32
        %dma_wait3A_1550 = arith.constant 0 : i32
        %dma_wait3A_1551 = tpu.memref_slice %arg3[%dma_wait3A_1549, %dma_wait3A_1550] : memref<10240x128xf32, #tpu.memory_space<hbm>> -> memref<10240x128xf32, #tpu.memory_space<hbm>>
        tpu.wait_indirect_dma semaphore(%arg22 : memref<!tpu.dma_semaphore, #tpu.memory_space<semaphore_mem>>) src(%dma_wait3A_1551 : memref<10240x128xf32, #tpu.memory_space<hbm>>) dst(%arg10 : memref<64x128xf32, #tpu.memory_space<vmem>>)
        %scan3A_1552 = arith.constant 0 : i32
        %scan3A_1553 = arith.constant 0 : i32
        %scan3A_1554 = arith.constant 64 : i32
        %scan3A_1555 = arith.addi %scan3A_1553, %scan3A_1554 : i32
        %scan3A_1556 = arith.constant 1 : i32
        scf.for %scan3A_1564 = %scan3A_1553 to %scan3A_1555 step %scan3A_1556  : i32 {
          %get3A_1565 = arith.index_cast %scan3A_1564 : i32 to index
          %get3A_1566 = arith.constant 0 : index
          %get3A_1567 = tpu.vector_load %arg10[%get3A_1565, %get3A_1566] {strides = array<i32>} : memref<64x128xf32, #tpu.memory_space<vmem>>, vector<1x16xf32>,
          %get3A_1568 = vector.shape_cast %get3A_1567 : vector<1x16xf32> to vector<16xf32>
          %convert_element_type3A_1569 = arith.fptosi %get3A_1568 : vector<16xf32> to vector<16xi32>
          %swap3A_1570 = arith.index_cast %scan3A_1564 : i32 to index
          %swap3A_1571 = arith.constant 0 : index
          %swap3A_1572 = tpu.vector_load %arg11[%swap3A_1570, %swap3A_1571] {strides = array<i32>} : memref<64x64xi32, #tpu.memory_space<vmem>>, vector<1x16xi32>,
          %swap3A_1573 = vector.shape_cast %swap3A_1572 : vector<1x16xi32> to vector<16xi32>
          %swap3A_1574 = vector.shape_cast %convert_element_type3A_1569 : vector<16xi32> to vector<1x16xi32>
          tpu.vector_store %arg11[%swap3A_1570, %swap3A_1571], %swap3A_1574 {strides = array<i32>} : memref<64x64xi32, #tpu.memory_space<vmem>>, vector<1x16xi32>,
          %get3A_1575 = arith.index_cast %scan3A_1564 : i32 to index
          %get3A_1576 = arith.constant 16 : index
          %get3A_1577 = tpu.vector_load %arg10[%get3A_1575, %get3A_1576] {strides = array<i32>} : memref<64x128xf32, #tpu.memory_space<vmem>>, vector<1x16xf32>,
          %get3A_1578 = vector.shape_cast %get3A_1577 : vector<1x16xf32> to vector<16xf32>
          %convert_element_type3A_1579 = arith.fptosi %get3A_1578 : vector<16xf32> to vector<16xi32>
          %swap3A_1580 = arith.index_cast %scan3A_1564 : i32 to index
          %swap3A_1581 = arith.constant 16 : index
          %swap3A_1582 = tpu.vector_load %arg11[%swap3A_1580, %swap3A_1581] {strides = array<i32>} : memref<64x64xi32, #tpu.memory_space<vmem>>, vector<1x16xi32>,
          %swap3A_1583 = vector.shape_cast %swap3A_1582 : vector<1x16xi32> to vector<16xi32>
          %swap3A_1584 = vector.shape_cast %convert_element_type3A_1579 : vector<16xi32> to vector<1x16xi32>
          tpu.vector_store %arg11[%swap3A_1580, %swap3A_1581], %swap3A_1584 {strides = array<i32>} : memref<64x64xi32, #tpu.memory_space<vmem>>, vector<1x16xi32>,
          %get3A_1585 = arith.index_cast %scan3A_1564 : i32 to index
          %get3A_1586 = arith.constant 32 : index
          %get3A_1587 = tpu.vector_load %arg10[%get3A_1585, %get3A_1586] {strides = array<i32>} : memref<64x128xf32, #tpu.memory_space<vmem>>, vector<1x16xf32>,
          %get3A_1588 = vector.shape_cast %get3A_1587 : vector<1x16xf32> to vector<16xf32>
          %convert_element_type3A_1589 = arith.fptosi %get3A_1588 : vector<16xf32> to vector<16xi32>
          %swap3A_1590 = arith.index_cast %scan3A_1564 : i32 to index
          %swap3A_1591 = arith.constant 32 : index
          %swap3A_1592 = tpu.vector_load %arg11[%swap3A_1590, %swap3A_1591] {strides = array<i32>} : memref<64x64xi32, #tpu.memory_space<vmem>>, vector<1x16xi32>,
          %swap3A_1593 = vector.shape_cast %swap3A_1592 : vector<1x16xi32> to vector<16xi32>
          %swap3A_1594 = vector.shape_cast %convert_element_type3A_1589 : vector<16xi32> to vector<1x16xi32>
          tpu.vector_store %arg11[%swap3A_1590, %swap3A_1591], %swap3A_1594 {strides = array<i32>} : memref<64x64xi32, #tpu.memory_space<vmem>>, vector<1x16xi32>,
          %get3A_1595 = arith.index_cast %scan3A_1564 : i32 to index
          %get3A_1596 = arith.constant 48 : index
          %get3A_1597 = tpu.vector_load %arg10[%get3A_1595, %get3A_1596] {strides = array<i32>} : memref<64x128xf32, #tpu.memory_space<vmem>>, vector<1x16xf32>,
          %get3A_1598 = vector.shape_cast %get3A_1597 : vector<1x16xf32> to vector<16xf32>
          %convert_element_type3A_1599 = arith.fptosi %get3A_1598 : vector<16xf32> to vector<16xi32>
          %swap3A_1600 = arith.index_cast %scan3A_1564 : i32 to index
          %swap3A_1601 = arith.constant 48 : index
          %swap3A_1602 = tpu.vector_load %arg11[%swap3A_1600, %swap3A_1601] {strides = array<i32>} : memref<64x64xi32, #tpu.memory_space<vmem>>, vector<1x16xi32>,
          %swap3A_1603 = vector.shape_cast %swap3A_1602 : vector<1x16xi32> to vector<16xi32>
          %swap3A_1604 = vector.shape_cast %convert_element_type3A_1599 : vector<16xi32> to vector<1x16xi32>
          tpu.vector_store %arg11[%swap3A_1600, %swap3A_1601], %swap3A_1604 {strides = array<i32>} : memref<64x64xi32, #tpu.memory_space<vmem>>, vector<1x16xi32>,
        }
        %scan3A_1557 = arith.constant 64 : i32
        %scan3A_1558 = arith.constant 0 : i32
        %scan3A_1559 = arith.constant 0 : i32
        %scan3A_1560 = arith.constant 4 : i32
        %scan3A_1561 = arith.addi %scan3A_1559, %scan3A_1560 : i32
        %scan3A_1562 = arith.constant 1 : i32
        scf.for %scan3A_1564 = %scan3A_1559 to %scan3A_1561 step %scan3A_1562  : i32 {
          %mul3A_1565 = arith.constant 16 : i32
          %mul3A_1566 = arith.muli %scan3A_1564, %mul3A_1565 : i32
          %add3A_1567 = arith.constant 0 : i32
          %add3A_1568 = arith.addi %mul3A_1566, %add3A_1567 : i32
          %mul3A_1569 = arith.constant 16 : i32
          %mul3A_1570 = arith.muli %scan3A_1564, %mul3A_1569 : i32
          %add3A_1571 = arith.constant 0 : i32
          %add3A_1572 = arith.addi %mul3A_1570, %add3A_1571 : i32
          %dma_start3A_1573 = arith.constant 64 : i32
          %dma_start3A_1574 = tpu.memref_slice %arg10[%add3A_1568, %dma_start3A_1573] : memref<64x128xf32, #tpu.memory_space<vmem>> -> memref<1x64xf32, #tpu.memory_space<vmem>>
          %dma_start3A_1575 = tpu.memref_squeeze %dma_start3A_1574 : memref<1x64xf32, #tpu.memory_space<vmem>> -> memref<64xf32, #tpu.memory_space<vmem>>
          %dma_start3A_1576 = arith.constant 0 : i32
          %dma_start3A_1577 = tpu.memref_slice %arg11[%add3A_1572, %dma_start3A_1576] : memref<64x64xi32, #tpu.memory_space<vmem>> -> memref<1x64xi32, #tpu.memory_space<vmem>>
          %dma_start3A_1578 = tpu.memref_squeeze %dma_start3A_1577 : memref<1x64xi32, #tpu.memory_space<vmem>> -> memref<64xi32, #tpu.memory_space<vmem>>
          %dma_start3A_1579 = arith.constant 0 : i32
          %dma_start3A_1580 = tpu.memref_slice %arg20[%dma_start3A_1579] : memref<10240xf32, #tpu.memory_space<vmem_shared>> -> memref<10240xf32, #tpu.memory_space<vmem_shared>>
          tpu.enqueue_indirect_dma source(%dma_start3A_1575 : memref<64xf32, #tpu.memory_space<vmem>>) target(%dma_start3A_1580 : memref<10240xf32, #tpu.memory_space<vmem_shared>>) offsets(%dma_start3A_1578 : memref<64xi32, #tpu.memory_space<vmem>>) semaphore(%arg22 : memref<!tpu.dma_semaphore, #tpu.memory_space<semaphore_mem>>) {add = true}
          %mul3A_1581 = arith.constant 16 : i32
          %mul3A_1582 = arith.muli %scan3A_1564, %mul3A_1581 : i32
          %add3A_1583 = arith.constant 1 : i32
          %add3A_1584 = arith.addi %mul3A_1582, %add3A_1583 : i32
          %mul3A_1585 = arith.constant 16 : i32
          %mul3A_1586 = arith.muli %scan3A_1564, %mul3A_1585 : i32
          %add3A_1587 = arith.constant 1 : i32
          %add3A_1588 = arith.addi %mul3A_1586, %add3A_1587 : i32
          %dma_start3A_1589 = arith.constant 64 : i32
          %dma_start3A_1590 = tpu.memref_slice %arg10[%add3A_1584, %dma_start3A_1589] : memref<64x128xf32, #tpu.memory_space<vmem>> -> memref<1x64xf32, #tpu.memory_space<vmem>>
          %dma_start3A_1591 = tpu.memref_squeeze %dma_start3A_1590 : memref<1x64xf32, #tpu.memory_space<vmem>> -> memref<64xf32, #tpu.memory_space<vmem>>
          %dma_start3A_1592 = arith.constant 0 : i32
          %dma_start3A_1593 = tpu.memref_slice %arg11[%add3A_1588, %dma_start3A_1592] : memref<64x64xi32, #tpu.memory_space<vmem>> -> memref<1x64xi32, #tpu.memory_space<vmem>>
          %dma_start3A_1594 = tpu.memref_squeeze %dma_start3A_1593 : memref<1x64xi32, #tpu.memory_space<vmem>> -> memref<64xi32, #tpu.memory_space<vmem>>
          %dma_start3A_1595 = arith.constant 0 : i32
          %dma_start3A_1596 = tpu.memref_slice %arg20[%dma_start3A_1595] : memref<10240xf32, #tpu.memory_space<vmem_shared>> -> memref<10240xf32, #tpu.memory_space<vmem_shared>>
          tpu.enqueue_indirect_dma source(%dma_start3A_1591 : memref<64xf32, #tpu.memory_space<vmem>>) target(%dma_start3A_1596 : memref<10240xf32, #tpu.memory_space<vmem_shared>>) offsets(%dma_start3A_1594 : memref<64xi32, #tpu.memory_space<vmem>>) semaphore(%arg22 : memref<!tpu.dma_semaphore, #tpu.memory_space<semaphore_mem>>) {add = true}
          %mul3A_1597 = arith.constant 16 : i32
          %mul3A_1598 = arith.muli %scan3A_1564, %mul3A_1597 : i32
          %add3A_1599 = arith.constant 2 : i32
          %add3A_1600 = arith.addi %mul3A_1598, %add3A_1599 : i32
          %mul3A_1601 = arith.constant 16 : i32
          %mul3A_1602 = arith.muli %scan3A_1564, %mul3A_1601 : i32
          %add3A_1603 = arith.constant 2 : i32
          %add3A_1604 = arith.addi %mul3A_1602, %add3A_1603 : i32
          %dma_start3A_1605 = arith.constant 64 : i32
          %dma_start3A_1606 = tpu.memref_slice %arg10[%add3A_1600, %dma_start3A_1605] : memref<64x128xf32, #tpu.memory_space<vmem>> -> memref<1x64xf32, #tpu.memory_space<vmem>>
          %dma_start3A_1607 = tpu.memref_squeeze %dma_start3A_1606 : memref<1x64xf32, #tpu.memory_space<vmem>> -> memref<64xf32, #tpu.memory_space<vmem>>
          %dma_start3A_1608 = arith.constant 0 : i32
          %dma_start3A_1609 = tpu.memref_slice %arg11[%add3A_1604, %dma_start3A_1608] : memref<64x64xi32, #tpu.memory_space<vmem>> -> memref<1x64xi32, #tpu.memory_space<vmem>>
          %dma_start3A_1610 = tpu.memref_squeeze %dma_start3A_1609 : memref<1x64xi32, #tpu.memory_space<vmem>> -> memref<64xi32, #tpu.memory_space<vmem>>
          %dma_start3A_1611 = arith.constant 0 : i32
          %dma_start3A_1612 = tpu.memref_slice %arg20[%dma_start3A_1611] : memref<10240xf32, #tpu.memory_space<vmem_shared>> -> memref<10240xf32, #tpu.memory_space<vmem_shared>>
          tpu.enqueue_indirect_dma source(%dma_start3A_1607 : memref<64xf32, #tpu.memory_space<vmem>>) target(%dma_start3A_1612 : memref<10240xf32, #tpu.memory_space<vmem_shared>>) offsets(%dma_start3A_1610 : memref<64xi32, #tpu.memory_space<vmem>>) semaphore(%arg22 : memref<!tpu.dma_semaphore, #tpu.memory_space<semaphore_mem>>) {add = true}
          %mul3A_1613 = arith.constant 16 : i32
          %mul3A_1614 = arith.muli %scan3A_1564, %mul3A_1613 : i32
          %add3A_1615 = arith.constant 3 : i32
          %add3A_1616 = arith.addi %mul3A_1614, %add3A_1615 : i32
          %mul3A_1617 = arith.constant 16 : i32
          %mul3A_1618 = arith.muli %scan3A_1564, %mul3A_1617 : i32
          %add3A_1619 = arith.constant 3 : i32
          %add3A_1620 = arith.addi %mul3A_1618, %add3A_1619 : i32
          %dma_start3A_1621 = arith.constant 64 : i32
          %dma_start3A_1622 = tpu.memref_slice %arg10[%add3A_1616, %dma_start3A_1621] : memref<64x128xf32, #tpu.memory_space<vmem>> -> memref<1x64xf32, #tpu.memory_space<vmem>>
          %dma_start3A_1623 = tpu.memref_squeeze %dma_start3A_1622 : memref<1x64xf32, #tpu.memory_space<vmem>> -> memref<64xf32, #tpu.memory_space<vmem>>
          %dma_start3A_1624 = arith.constant 0 : i32
          %dma_start3A_1625 = tpu.memref_slice %arg11[%add3A_1620, %dma_start3A_1624] : memref<64x64xi32, #tpu.memory_space<vmem>> -> memref<1x64xi32, #tpu.memory_space<vmem>>
          %dma_start3A_1626 = tpu.memref_squeeze %dma_start3A_1625 : memref<1x64xi32, #tpu.memory_space<vmem>> -> memref<64xi32, #tpu.memory_space<vmem>>
          %dma_start3A_1627 = arith.constant 0 : i32
          %dma_start3A_1628 = tpu.memref_slice %arg20[%dma_start3A_1627] : memref<10240xf32, #tpu.memory_space<vmem_shared>> -> memref<10240xf32, #tpu.memory_space<vmem_shared>>
          tpu.enqueue_indirect_dma source(%dma_start3A_1623 : memref<64xf32, #tpu.memory_space<vmem>>) target(%dma_start3A_1628 : memref<10240xf32, #tpu.memory_space<vmem_shared>>) offsets(%dma_start3A_1626 : memref<64xi32, #tpu.memory_space<vmem>>) semaphore(%arg22 : memref<!tpu.dma_semaphore, #tpu.memory_space<semaphore_mem>>) {add = true}
          %mul3A_1629 = arith.constant 16 : i32
          %mul3A_1630 = arith.muli %scan3A_1564, %mul3A_1629 : i32
          %add3A_1631 = arith.constant 4 : i32
          %add3A_1632 = arith.addi %mul3A_1630, %add3A_1631 : i32
          %mul3A_1633 = arith.constant 16 : i32
          %mul3A_1634 = arith.muli %scan3A_1564, %mul3A_1633 : i32
          %add3A_1635 = arith.constant 4 : i32
          %add3A_1636 = arith.addi %mul3A_1634, %add3A_1635 : i32
          %dma_start3A_1637 = arith.constant 64 : i32
          %dma_start3A_1638 = tpu.memref_slice %arg10[%add3A_1632, %dma_start3A_1637] : memref<64x128xf32, #tpu.memory_space<vmem>> -> memref<1x64xf32, #tpu.memory_space<vmem>>
          %dma_start3A_1639 = tpu.memref_squeeze %dma_start3A_1638 : memref<1x64xf32, #tpu.memory_space<vmem>> -> memref<64xf32, #tpu.memory_space<vmem>>
          %dma_start3A_1640 = arith.constant 0 : i32
          %dma_start3A_1641 = tpu.memref_slice %arg11[%add3A_1636, %dma_start3A_1640] : memref<64x64xi32, #tpu.memory_space<vmem>> -> memref<1x64xi32, #tpu.memory_space<vmem>>
          %dma_start3A_1642 = tpu.memref_squeeze %dma_start3A_1641 : memref<1x64xi32, #tpu.memory_space<vmem>> -> memref<64xi32, #tpu.memory_space<vmem>>
          %dma_start3A_1643 = arith.constant 0 : i32
          %dma_start3A_1644 = tpu.memref_slice %arg20[%dma_start3A_1643] : memref<10240xf32, #tpu.memory_space<vmem_shared>> -> memref<10240xf32, #tpu.memory_space<vmem_shared>>
          tpu.enqueue_indirect_dma source(%dma_start3A_1639 : memref<64xf32, #tpu.memory_space<vmem>>) target(%dma_start3A_1644 : memref<10240xf32, #tpu.memory_space<vmem_shared>>) offsets(%dma_start3A_1642 : memref<64xi32, #tpu.memory_space<vmem>>) semaphore(%arg22 : memref<!tpu.dma_semaphore, #tpu.memory_space<semaphore_mem>>) {add = true}
          %mul3A_1645 = arith.constant 16 : i32
          %mul3A_1646 = arith.muli %scan3A_1564, %mul3A_1645 : i32
          %add3A_1647 = arith.constant 5 : i32
          %add3A_1648 = arith.addi %mul3A_1646, %add3A_1647 : i32
          %mul3A_1649 = arith.constant 16 : i32
          %mul3A_1650 = arith.muli %scan3A_1564, %mul3A_1649 : i32
          %add3A_1651 = arith.constant 5 : i32
          %add3A_1652 = arith.addi %mul3A_1650, %add3A_1651 : i32
          %dma_start3A_1653 = arith.constant 64 : i32
          %dma_start3A_1654 = tpu.memref_slice %arg10[%add3A_1648, %dma_start3A_1653] : memref<64x128xf32, #tpu.memory_space<vmem>> -> memref<1x64xf32, #tpu.memory_space<vmem>>
          %dma_start3A_1655 = tpu.memref_squeeze %dma_start3A_1654 : memref<1x64xf32, #tpu.memory_space<vmem>> -> memref<64xf32, #tpu.memory_space<vmem>>
          %dma_start3A_1656 = arith.constant 0 : i32
          %dma_start3A_1657 = tpu.memref_slice %arg11[%add3A_1652, %dma_start3A_1656] : memref<64x64xi32, #tpu.memory_space<vmem>> -> memref<1x64xi32, #tpu.memory_space<vmem>>
          %dma_start3A_1658 = tpu.memref_squeeze %dma_start3A_1657 : memref<1x64xi32, #tpu.memory_space<vmem>> -> memref<64xi32, #tpu.memory_space<vmem>>
          %dma_start3A_1659 = arith.constant 0 : i32
          %dma_start3A_1660 = tpu.memref_slice %arg20[%dma_start3A_1659] : memref<10240xf32, #tpu.memory_space<vmem_shared>> -> memref<10240xf32, #tpu.memory_space<vmem_shared>>
          tpu.enqueue_indirect_dma source(%dma_start3A_1655 : memref<64xf32, #tpu.memory_space<vmem>>) target(%dma_start3A_1660 : memref<10240xf32, #tpu.memory_space<vmem_shared>>) offsets(%dma_start3A_1658 : memref<64xi32, #tpu.memory_space<vmem>>) semaphore(%arg22 : memref<!tpu.dma_semaphore, #tpu.memory_space<semaphore_mem>>) {add = true}
          %mul3A_1661 = arith.constant 16 : i32
          %mul3A_1662 = arith.muli %scan3A_1564, %mul3A_1661 : i32
          %add3A_1663 = arith.constant 6 : i32
          %add3A_1664 = arith.addi %mul3A_1662, %add3A_1663 : i32
          %mul3A_1665 = arith.constant 16 : i32
          %mul3A_1666 = arith.muli %scan3A_1564, %mul3A_1665 : i32
          %add3A_1667 = arith.constant 6 : i32
          %add3A_1668 = arith.addi %mul3A_1666, %add3A_1667 : i32
          %dma_start3A_1669 = arith.constant 64 : i32
          %dma_start3A_1670 = tpu.memref_slice %arg10[%add3A_1664, %dma_start3A_1669] : memref<64x128xf32, #tpu.memory_space<vmem>> -> memref<1x64xf32, #tpu.memory_space<vmem>>
          %dma_start3A_1671 = tpu.memref_squeeze %dma_start3A_1670 : memref<1x64xf32, #tpu.memory_space<vmem>> -> memref<64xf32, #tpu.memory_space<vmem>>
          %dma_start3A_1672 = arith.constant 0 : i32
          %dma_start3A_1673 = tpu.memref_slice %arg11[%add3A_1668, %dma_start3A_1672] : memref<64x64xi32, #tpu.memory_space<vmem>> -> memref<1x64xi32, #tpu.memory_space<vmem>>
          %dma_start3A_1674 = tpu.memref_squeeze %dma_start3A_1673 : memref<1x64xi32, #tpu.memory_space<vmem>> -> memref<64xi32, #tpu.memory_space<vmem>>
          %dma_start3A_1675 = arith.constant 0 : i32
          %dma_start3A_1676 = tpu.memref_slice %arg20[%dma_start3A_1675] : memref<10240xf32, #tpu.memory_space<vmem_shared>> -> memref<10240xf32, #tpu.memory_space<vmem_shared>>
          tpu.enqueue_indirect_dma source(%dma_start3A_1671 : memref<64xf32, #tpu.memory_space<vmem>>) target(%dma_start3A_1676 : memref<10240xf32, #tpu.memory_space<vmem_shared>>) offsets(%dma_start3A_1674 : memref<64xi32, #tpu.memory_space<vmem>>) semaphore(%arg22 : memref<!tpu.dma_semaphore, #tpu.memory_space<semaphore_mem>>) {add = true}
          %mul3A_1677 = arith.constant 16 : i32
          %mul3A_1678 = arith.muli %scan3A_1564, %mul3A_1677 : i32
          %add3A_1679 = arith.constant 7 : i32
          %add3A_1680 = arith.addi %mul3A_1678, %add3A_1679 : i32
          %mul3A_1681 = arith.constant 16 : i32
          %mul3A_1682 = arith.muli %scan3A_1564, %mul3A_1681 : i32
          %add3A_1683 = arith.constant 7 : i32
          %add3A_1684 = arith.addi %mul3A_1682, %add3A_1683 : i32
          %dma_start3A_1685 = arith.constant 64 : i32
          %dma_start3A_1686 = tpu.memref_slice %arg10[%add3A_1680, %dma_start3A_1685] : memref<64x128xf32, #tpu.memory_space<vmem>> -> memref<1x64xf32, #tpu.memory_space<vmem>>
          %dma_start3A_1687 = tpu.memref_squeeze %dma_start3A_1686 : memref<1x64xf32, #tpu.memory_space<vmem>> -> memref<64xf32, #tpu.memory_space<vmem>>
          %dma_start3A_1688 = arith.constant 0 : i32
          %dma_start3A_1689 = tpu.memref_slice %arg11[%add3A_1684, %dma_start3A_1688] : memref<64x64xi32, #tpu.memory_space<vmem>> -> memref<1x64xi32, #tpu.memory_space<vmem>>
          %dma_start3A_1690 = tpu.memref_squeeze %dma_start3A_1689 : memref<1x64xi32, #tpu.memory_space<vmem>> -> memref<64xi32, #tpu.memory_space<vmem>>
          %dma_start3A_1691 = arith.constant 0 : i32
          %dma_start3A_1692 = tpu.memref_slice %arg20[%dma_start3A_1691] : memref<10240xf32, #tpu.memory_space<vmem_shared>> -> memref<10240xf32, #tpu.memory_space<vmem_shared>>
          tpu.enqueue_indirect_dma source(%dma_start3A_1687 : memref<64xf32, #tpu.memory_space<vmem>>) target(%dma_start3A_1692 : memref<10240xf32, #tpu.memory_space<vmem_shared>>) offsets(%dma_start3A_1690 : memref<64xi32, #tpu.memory_space<vmem>>) semaphore(%arg22 : memref<!tpu.dma_semaphore, #tpu.memory_space<semaphore_mem>>) {add = true}
          %mul3A_1693 = arith.constant 16 : i32
          %mul3A_1694 = arith.muli %scan3A_1564, %mul3A_1693 : i32
          %add3A_1695 = arith.constant 8 : i32
          %add3A_1696 = arith.addi %mul3A_1694, %add3A_1695 : i32
          %mul3A_1697 = arith.constant 16 : i32
          %mul3A_1698 = arith.muli %scan3A_1564, %mul3A_1697 : i32
          %add3A_1699 = arith.constant 8 : i32
          %add3A_1700 = arith.addi %mul3A_1698, %add3A_1699 : i32
          %dma_start3A_1701 = arith.constant 64 : i32
          %dma_start3A_1702 = tpu.memref_slice %arg10[%add3A_1696, %dma_start3A_1701] : memref<64x128xf32, #tpu.memory_space<vmem>> -> memref<1x64xf32, #tpu.memory_space<vmem>>
          %dma_start3A_1703 = tpu.memref_squeeze %dma_start3A_1702 : memref<1x64xf32, #tpu.memory_space<vmem>> -> memref<64xf32, #tpu.memory_space<vmem>>
          %dma_start3A_1704 = arith.constant 0 : i32
          %dma_start3A_1705 = tpu.memref_slice %arg11[%add3A_1700, %dma_start3A_1704] : memref<64x64xi32, #tpu.memory_space<vmem>> -> memref<1x64xi32, #tpu.memory_space<vmem>>
          %dma_start3A_1706 = tpu.memref_squeeze %dma_start3A_1705 : memref<1x64xi32, #tpu.memory_space<vmem>> -> memref<64xi32, #tpu.memory_space<vmem>>
          %dma_start3A_1707 = arith.constant 0 : i32
          %dma_start3A_1708 = tpu.memref_slice %arg20[%dma_start3A_1707] : memref<10240xf32, #tpu.memory_space<vmem_shared>> -> memref<10240xf32, #tpu.memory_space<vmem_shared>>
          tpu.enqueue_indirect_dma source(%dma_start3A_1703 : memref<64xf32, #tpu.memory_space<vmem>>) target(%dma_start3A_1708 : memref<10240xf32, #tpu.memory_space<vmem_shared>>) offsets(%dma_start3A_1706 : memref<64xi32, #tpu.memory_space<vmem>>) semaphore(%arg22 : memref<!tpu.dma_semaphore, #tpu.memory_space<semaphore_mem>>) {add = true}
          %mul3A_1709 = arith.constant 16 : i32
          %mul3A_1710 = arith.muli %scan3A_1564, %mul3A_1709 : i32
          %add3A_1711 = arith.constant 9 : i32
          %add3A_1712 = arith.addi %mul3A_1710, %add3A_1711 : i32
          %mul3A_1713 = arith.constant 16 : i32
          %mul3A_1714 = arith.muli %scan3A_1564, %mul3A_1713 : i32
          %add3A_1715 = arith.constant 9 : i32
          %add3A_1716 = arith.addi %mul3A_1714, %add3A_1715 : i32
          %dma_start3A_1717 = arith.constant 64 : i32
          %dma_start3A_1718 = tpu.memref_slice %arg10[%add3A_1712, %dma_start3A_1717] : memref<64x128xf32, #tpu.memory_space<vmem>> -> memref<1x64xf32, #tpu.memory_space<vmem>>
          %dma_start3A_1719 = tpu.memref_squeeze %dma_start3A_1718 : memref<1x64xf32, #tpu.memory_space<vmem>> -> memref<64xf32, #tpu.memory_space<vmem>>
          %dma_start3A_1720 = arith.constant 0 : i32
          %dma_start3A_1721 = tpu.memref_slice %arg11[%add3A_1716, %dma_start3A_1720] : memref<64x64xi32, #tpu.memory_space<vmem>> -> memref<1x64xi32, #tpu.memory_space<vmem>>
          %dma_start3A_1722 = tpu.memref_squeeze %dma_start3A_1721 : memref<1x64xi32, #tpu.memory_space<vmem>> -> memref<64xi32, #tpu.memory_space<vmem>>
          %dma_start3A_1723 = arith.constant 0 : i32
          %dma_start3A_1724 = tpu.memref_slice %arg20[%dma_start3A_1723] : memref<10240xf32, #tpu.memory_space<vmem_shared>> -> memref<10240xf32, #tpu.memory_space<vmem_shared>>
          tpu.enqueue_indirect_dma source(%dma_start3A_1719 : memref<64xf32, #tpu.memory_space<vmem>>) target(%dma_start3A_1724 : memref<10240xf32, #tpu.memory_space<vmem_shared>>) offsets(%dma_start3A_1722 : memref<64xi32, #tpu.memory_space<vmem>>) semaphore(%arg22 : memref<!tpu.dma_semaphore, #tpu.memory_space<semaphore_mem>>) {add = true}
          %mul3A_1725 = arith.constant 16 : i32
          %mul3A_1726 = arith.muli %scan3A_1564, %mul3A_1725 : i32
          %add3A_1727 = arith.constant 10 : i32
          %add3A_1728 = arith.addi %mul3A_1726, %add3A_1727 : i32
          %mul3A_1729 = arith.constant 16 : i32
          %mul3A_1730 = arith.muli %scan3A_1564, %mul3A_1729 : i32
          %add3A_1731 = arith.constant 10 : i32
          %add3A_1732 = arith.addi %mul3A_1730, %add3A_1731 : i32
          %dma_start3A_1733 = arith.constant 64 : i32
          %dma_start3A_1734 = tpu.memref_slice %arg10[%add3A_1728, %dma_start3A_1733] : memref<64x128xf32, #tpu.memory_space<vmem>> -> memref<1x64xf32, #tpu.memory_space<vmem>>
          %dma_start3A_1735 = tpu.memref_squeeze %dma_start3A_1734 : memref<1x64xf32, #tpu.memory_space<vmem>> -> memref<64xf32, #tpu.memory_space<vmem>>
          %dma_start3A_1736 = arith.constant 0 : i32
          %dma_start3A_1737 = tpu.memref_slice %arg11[%add3A_1732, %dma_start3A_1736] : memref<64x64xi32, #tpu.memory_space<vmem>> -> memref<1x64xi32, #tpu.memory_space<vmem>>
          %dma_start3A_1738 = tpu.memref_squeeze %dma_start3A_1737 : memref<1x64xi32, #tpu.memory_space<vmem>> -> memref<64xi32, #tpu.memory_space<vmem>>
          %dma_start3A_1739 = arith.constant 0 : i32
          %dma_start3A_1740 = tpu.memref_slice %arg20[%dma_start3A_1739] : memref<10240xf32, #tpu.memory_space<vmem_shared>> -> memref<10240xf32, #tpu.memory_space<vmem_shared>>
          tpu.enqueue_indirect_dma source(%dma_start3A_1735 : memref<64xf32, #tpu.memory_space<vmem>>) target(%dma_start3A_1740 : memref<10240xf32, #tpu.memory_space<vmem_shared>>) offsets(%dma_start3A_1738 : memref<64xi32, #tpu.memory_space<vmem>>) semaphore(%arg22 : memref<!tpu.dma_semaphore, #tpu.memory_space<semaphore_mem>>) {add = true}
          %mul3A_1741 = arith.constant 16 : i32
          %mul3A_1742 = arith.muli %scan3A_1564, %mul3A_1741 : i32
          %add3A_1743 = arith.constant 11 : i32
          %add3A_1744 = arith.addi %mul3A_1742, %add3A_1743 : i32
          %mul3A_1745 = arith.constant 16 : i32
          %mul3A_1746 = arith.muli %scan3A_1564, %mul3A_1745 : i32
          %add3A_1747 = arith.constant 11 : i32
          %add3A_1748 = arith.addi %mul3A_1746, %add3A_1747 : i32
          %dma_start3A_1749 = arith.constant 64 : i32
          %dma_start3A_1750 = tpu.memref_slice %arg10[%add3A_1744, %dma_start3A_1749] : memref<64x128xf32, #tpu.memory_space<vmem>> -> memref<1x64xf32, #tpu.memory_space<vmem>>
          %dma_start3A_1751 = tpu.memref_squeeze %dma_start3A_1750 : memref<1x64xf32, #tpu.memory_space<vmem>> -> memref<64xf32, #tpu.memory_space<vmem>>
          %dma_start3A_1752 = arith.constant 0 : i32
          %dma_start3A_1753 = tpu.memref_slice %arg11[%add3A_1748, %dma_start3A_1752] : memref<64x64xi32, #tpu.memory_space<vmem>> -> memref<1x64xi32, #tpu.memory_space<vmem>>
          %dma_start3A_1754 = tpu.memref_squeeze %dma_start3A_1753 : memref<1x64xi32, #tpu.memory_space<vmem>> -> memref<64xi32, #tpu.memory_space<vmem>>
          %dma_start3A_1755 = arith.constant 0 : i32
          %dma_start3A_1756 = tpu.memref_slice %arg20[%dma_start3A_1755] : memref<10240xf32, #tpu.memory_space<vmem_shared>> -> memref<10240xf32, #tpu.memory_space<vmem_shared>>
          tpu.enqueue_indirect_dma source(%dma_start3A_1751 : memref<64xf32, #tpu.memory_space<vmem>>) target(%dma_start3A_1756 : memref<10240xf32, #tpu.memory_space<vmem_shared>>) offsets(%dma_start3A_1754 : memref<64xi32, #tpu.memory_space<vmem>>) semaphore(%arg22 : memref<!tpu.dma_semaphore, #tpu.memory_space<semaphore_mem>>) {add = true}
          %mul3A_1757 = arith.constant 16 : i32
          %mul3A_1758 = arith.muli %scan3A_1564, %mul3A_1757 : i32
          %add3A_1759 = arith.constant 12 : i32
          %add3A_1760 = arith.addi %mul3A_1758, %add3A_1759 : i32
          %mul3A_1761 = arith.constant 16 : i32
          %mul3A_1762 = arith.muli %scan3A_1564, %mul3A_1761 : i32
          %add3A_1763 = arith.constant 12 : i32
          %add3A_1764 = arith.addi %mul3A_1762, %add3A_1763 : i32
          %dma_start3A_1765 = arith.constant 64 : i32
          %dma_start3A_1766 = tpu.memref_slice %arg10[%add3A_1760, %dma_start3A_1765] : memref<64x128xf32, #tpu.memory_space<vmem>> -> memref<1x64xf32, #tpu.memory_space<vmem>>
          %dma_start3A_1767 = tpu.memref_squeeze %dma_start3A_1766 : memref<1x64xf32, #tpu.memory_space<vmem>> -> memref<64xf32, #tpu.memory_space<vmem>>
          %dma_start3A_1768 = arith.constant 0 : i32
          %dma_start3A_1769 = tpu.memref_slice %arg11[%add3A_1764, %dma_start3A_1768] : memref<64x64xi32, #tpu.memory_space<vmem>> -> memref<1x64xi32, #tpu.memory_space<vmem>>
          %dma_start3A_1770 = tpu.memref_squeeze %dma_start3A_1769 : memref<1x64xi32, #tpu.memory_space<vmem>> -> memref<64xi32, #tpu.memory_space<vmem>>
          %dma_start3A_1771 = arith.constant 0 : i32
          %dma_start3A_1772 = tpu.memref_slice %arg20[%dma_start3A_1771] : memref<10240xf32, #tpu.memory_space<vmem_shared>> -> memref<10240xf32, #tpu.memory_space<vmem_shared>>
          tpu.enqueue_indirect_dma source(%dma_start3A_1767 : memref<64xf32, #tpu.memory_space<vmem>>) target(%dma_start3A_1772 : memref<10240xf32, #tpu.memory_space<vmem_shared>>) offsets(%dma_start3A_1770 : memref<64xi32, #tpu.memory_space<vmem>>) semaphore(%arg22 : memref<!tpu.dma_semaphore, #tpu.memory_space<semaphore_mem>>) {add = true}
          %mul3A_1773 = arith.constant 16 : i32
          %mul3A_1774 = arith.muli %scan3A_1564, %mul3A_1773 : i32
          %add3A_1775 = arith.constant 13 : i32
          %add3A_1776 = arith.addi %mul3A_1774, %add3A_1775 : i32
          %mul3A_1777 = arith.constant 16 : i32
          %mul3A_1778 = arith.muli %scan3A_1564, %mul3A_1777 : i32
          %add3A_1779 = arith.constant 13 : i32
          %add3A_1780 = arith.addi %mul3A_1778, %add3A_1779 : i32
          %dma_start3A_1781 = arith.constant 64 : i32
          %dma_start3A_1782 = tpu.memref_slice %arg10[%add3A_1776, %dma_start3A_1781] : memref<64x128xf32, #tpu.memory_space<vmem>> -> memref<1x64xf32, #tpu.memory_space<vmem>>
          %dma_start3A_1783 = tpu.memref_squeeze %dma_start3A_1782 : memref<1x64xf32, #tpu.memory_space<vmem>> -> memref<64xf32, #tpu.memory_space<vmem>>
          %dma_start3A_1784 = arith.constant 0 : i32
          %dma_start3A_1785 = tpu.memref_slice %arg11[%add3A_1780, %dma_start3A_1784] : memref<64x64xi32, #tpu.memory_space<vmem>> -> memref<1x64xi32, #tpu.memory_space<vmem>>
          %dma_start3A_1786 = tpu.memref_squeeze %dma_start3A_1785 : memref<1x64xi32, #tpu.memory_space<vmem>> -> memref<64xi32, #tpu.memory_space<vmem>>
          %dma_start3A_1787 = arith.constant 0 : i32
          %dma_start3A_1788 = tpu.memref_slice %arg20[%dma_start3A_1787] : memref<10240xf32, #tpu.memory_space<vmem_shared>> -> memref<10240xf32, #tpu.memory_space<vmem_shared>>
          tpu.enqueue_indirect_dma source(%dma_start3A_1783 : memref<64xf32, #tpu.memory_space<vmem>>) target(%dma_start3A_1788 : memref<10240xf32, #tpu.memory_space<vmem_shared>>) offsets(%dma_start3A_1786 : memref<64xi32, #tpu.memory_space<vmem>>) semaphore(%arg22 : memref<!tpu.dma_semaphore, #tpu.memory_space<semaphore_mem>>) {add = true}
          %mul3A_1789 = arith.constant 16 : i32
          %mul3A_1790 = arith.muli %scan3A_1564, %mul3A_1789 : i32
          %add3A_1791 = arith.constant 14 : i32
          %add3A_1792 = arith.addi %mul3A_1790, %add3A_1791 : i32
          %mul3A_1793 = arith.constant 16 : i32
          %mul3A_1794 = arith.muli %scan3A_1564, %mul3A_1793 : i32
          %add3A_1795 = arith.constant 14 : i32
          %add3A_1796 = arith.addi %mul3A_1794, %add3A_1795 : i32
          %dma_start3A_1797 = arith.constant 64 : i32
          %dma_start3A_1798 = tpu.memref_slice %arg10[%add3A_1792, %dma_start3A_1797] : memref<64x128xf32, #tpu.memory_space<vmem>> -> memref<1x64xf32, #tpu.memory_space<vmem>>
          %dma_start3A_1799 = tpu.memref_squeeze %dma_start3A_1798 : memref<1x64xf32, #tpu.memory_space<vmem>> -> memref<64xf32, #tpu.memory_space<vmem>>
          %dma_start3A_1800 = arith.constant 0 : i32
          %dma_start3A_1801 = tpu.memref_slice %arg11[%add3A_1796, %dma_start3A_1800] : memref<64x64xi32, #tpu.memory_space<vmem>> -> memref<1x64xi32, #tpu.memory_space<vmem>>
          %dma_start3A_1802 = tpu.memref_squeeze %dma_start3A_1801 : memref<1x64xi32, #tpu.memory_space<vmem>> -> memref<64xi32, #tpu.memory_space<vmem>>
          %dma_start3A_1803 = arith.constant 0 : i32
          %dma_start3A_1804 = tpu.memref_slice %arg20[%dma_start3A_1803] : memref<10240xf32, #tpu.memory_space<vmem_shared>> -> memref<10240xf32, #tpu.memory_space<vmem_shared>>
          tpu.enqueue_indirect_dma source(%dma_start3A_1799 : memref<64xf32, #tpu.memory_space<vmem>>) target(%dma_start3A_1804 : memref<10240xf32, #tpu.memory_space<vmem_shared>>) offsets(%dma_start3A_1802 : memref<64xi32, #tpu.memory_space<vmem>>) semaphore(%arg22 : memref<!tpu.dma_semaphore, #tpu.memory_space<semaphore_mem>>) {add = true}
          %mul3A_1805 = arith.constant 16 : i32
          %mul3A_1806 = arith.muli %scan3A_1564, %mul3A_1805 : i32
          %add3A_1807 = arith.constant 15 : i32
          %add3A_1808 = arith.addi %mul3A_1806, %add3A_1807 : i32
          %mul3A_1809 = arith.constant 16 : i32
          %mul3A_1810 = arith.muli %scan3A_1564, %mul3A_1809 : i32
          %add3A_1811 = arith.constant 15 : i32
          %add3A_1812 = arith.addi %mul3A_1810, %add3A_1811 : i32
          %dma_start3A_1813 = arith.constant 64 : i32
          %dma_start3A_1814 = tpu.memref_slice %arg10[%add3A_1808, %dma_start3A_1813] : memref<64x128xf32, #tpu.memory_space<vmem>> -> memref<1x64xf32, #tpu.memory_space<vmem>>
          %dma_start3A_1815 = tpu.memref_squeeze %dma_start3A_1814 : memref<1x64xf32, #tpu.memory_space<vmem>> -> memref<64xf32, #tpu.memory_space<vmem>>
          %dma_start3A_1816 = arith.constant 0 : i32
          %dma_start3A_1817 = tpu.memref_slice %arg11[%add3A_1812, %dma_start3A_1816] : memref<64x64xi32, #tpu.memory_space<vmem>> -> memref<1x64xi32, #tpu.memory_space<vmem>>
          %dma_start3A_1818 = tpu.memref_squeeze %dma_start3A_1817 : memref<1x64xi32, #tpu.memory_space<vmem>> -> memref<64xi32, #tpu.memory_space<vmem>>
          %dma_start3A_1819 = arith.constant 0 : i32
          %dma_start3A_1820 = tpu.memref_slice %arg20[%dma_start3A_1819] : memref<10240xf32, #tpu.memory_space<vmem_shared>> -> memref<10240xf32, #tpu.memory_space<vmem_shared>>
          tpu.enqueue_indirect_dma source(%dma_start3A_1815 : memref<64xf32, #tpu.memory_space<vmem>>) target(%dma_start3A_1820 : memref<10240xf32, #tpu.memory_space<vmem_shared>>) offsets(%dma_start3A_1818 : memref<64xi32, #tpu.memory_space<vmem>>) semaphore(%arg22 : memref<!tpu.dma_semaphore, #tpu.memory_space<semaphore_mem>>) {add = true}
          %dma_wait3A_1821 = arith.constant 64 : i32
          %dma_wait3A_1822 = tpu.memref_slice %arg10[%add3A_1568, %dma_wait3A_1821] : memref<64x128xf32, #tpu.memory_space<vmem>> -> memref<1x64xf32, #tpu.memory_space<vmem>>
          %dma_wait3A_1823 = tpu.memref_squeeze %dma_wait3A_1822 : memref<1x64xf32, #tpu.memory_space<vmem>> -> memref<64xf32, #tpu.memory_space<vmem>>
          %dma_wait3A_1824 = arith.constant 0 : i32
          %dma_wait3A_1825 = tpu.memref_slice %arg11[%add3A_1572, %dma_wait3A_1824] : memref<64x64xi32, #tpu.memory_space<vmem>> -> memref<1x64xi32, #tpu.memory_space<vmem>>
          %dma_wait3A_1826 = tpu.memref_squeeze %dma_wait3A_1825 : memref<1x64xi32, #tpu.memory_space<vmem>> -> memref<64xi32, #tpu.memory_space<vmem>>
          %dma_wait3A_1827 = arith.constant 0 : i32
          %dma_wait3A_1828 = tpu.memref_slice %arg20[%dma_wait3A_1827] : memref<10240xf32, #tpu.memory_space<vmem_shared>> -> memref<10240xf32, #tpu.memory_space<vmem_shared>>
          tpu.wait_indirect_dma semaphore(%arg22 : memref<!tpu.dma_semaphore, #tpu.memory_space<semaphore_mem>>) src(%dma_wait3A_1823 : memref<64xf32, #tpu.memory_space<vmem>>) dst(%dma_wait3A_1828 : memref<10240xf32, #tpu.memory_space<vmem_shared>>)
          %dma_wait3A_1829 = arith.constant 64 : i32
          %dma_wait3A_1830 = tpu.memref_slice %arg10[%add3A_1584, %dma_wait3A_1829] : memref<64x128xf32, #tpu.memory_space<vmem>> -> memref<1x64xf32, #tpu.memory_space<vmem>>
          %dma_wait3A_1831 = tpu.memref_squeeze %dma_wait3A_1830 : memref<1x64xf32, #tpu.memory_space<vmem>> -> memref<64xf32, #tpu.memory_space<vmem>>
          %dma_wait3A_1832 = arith.constant 0 : i32
          %dma_wait3A_1833 = tpu.memref_slice %arg11[%add3A_1588, %dma_wait3A_1832] : memref<64x64xi32, #tpu.memory_space<vmem>> -> memref<1x64xi32, #tpu.memory_space<vmem>>
          %dma_wait3A_1834 = tpu.memref_squeeze %dma_wait3A_1833 : memref<1x64xi32, #tpu.memory_space<vmem>> -> memref<64xi32, #tpu.memory_space<vmem>>
          %dma_wait3A_1835 = arith.constant 0 : i32
          %dma_wait3A_1836 = tpu.memref_slice %arg20[%dma_wait3A_1835] : memref<10240xf32, #tpu.memory_space<vmem_shared>> -> memref<10240xf32, #tpu.memory_space<vmem_shared>>
          tpu.wait_indirect_dma semaphore(%arg22 : memref<!tpu.dma_semaphore, #tpu.memory_space<semaphore_mem>>) src(%dma_wait3A_1831 : memref<64xf32, #tpu.memory_space<vmem>>) dst(%dma_wait3A_1836 : memref<10240xf32, #tpu.memory_space<vmem_shared>>)
          %dma_wait3A_1837 = arith.constant 64 : i32
          %dma_wait3A_1838 = tpu.memref_slice %arg10[%add3A_1600, %dma_wait3A_1837] : memref<64x128xf32, #tpu.memory_space<vmem>> -> memref<1x64xf32, #tpu.memory_space<vmem>>
          %dma_wait3A_1839 = tpu.memref_squeeze %dma_wait3A_1838 : memref<1x64xf32, #tpu.memory_space<vmem>> -> memref<64xf32, #tpu.memory_space<vmem>>
          %dma_wait3A_1840 = arith.constant 0 : i32
          %dma_wait3A_1841 = tpu.memref_slice %arg11[%add3A_1604, %dma_wait3A_1840] : memref<64x64xi32, #tpu.memory_space<vmem>> -> memref<1x64xi32, #tpu.memory_space<vmem>>
          %dma_wait3A_1842 = tpu.memref_squeeze %dma_wait3A_1841 : memref<1x64xi32, #tpu.memory_space<vmem>> -> memref<64xi32, #tpu.memory_space<vmem>>
          %dma_wait3A_1843 = arith.constant 0 : i32
          %dma_wait3A_1844 = tpu.memref_slice %arg20[%dma_wait3A_1843] : memref<10240xf32, #tpu.memory_space<vmem_shared>> -> memref<10240xf32, #tpu.memory_space<vmem_shared>>
          tpu.wait_indirect_dma semaphore(%arg22 : memref<!tpu.dma_semaphore, #tpu.memory_space<semaphore_mem>>) src(%dma_wait3A_1839 : memref<64xf32, #tpu.memory_space<vmem>>) dst(%dma_wait3A_1844 : memref<10240xf32, #tpu.memory_space<vmem_shared>>)
          %dma_wait3A_1845 = arith.constant 64 : i32
          %dma_wait3A_1846 = tpu.memref_slice %arg10[%add3A_1616, %dma_wait3A_1845] : memref<64x128xf32, #tpu.memory_space<vmem>> -> memref<1x64xf32, #tpu.memory_space<vmem>>
          %dma_wait3A_1847 = tpu.memref_squeeze %dma_wait3A_1846 : memref<1x64xf32, #tpu.memory_space<vmem>> -> memref<64xf32, #tpu.memory_space<vmem>>
          %dma_wait3A_1848 = arith.constant 0 : i32
          %dma_wait3A_1849 = tpu.memref_slice %arg11[%add3A_1620, %dma_wait3A_1848] : memref<64x64xi32, #tpu.memory_space<vmem>> -> memref<1x64xi32, #tpu.memory_space<vmem>>
          %dma_wait3A_1850 = tpu.memref_squeeze %dma_wait3A_1849 : memref<1x64xi32, #tpu.memory_space<vmem>> -> memref<64xi32, #tpu.memory_space<vmem>>
          %dma_wait3A_1851 = arith.constant 0 : i32
          %dma_wait3A_1852 = tpu.memref_slice %arg20[%dma_wait3A_1851] : memref<10240xf32, #tpu.memory_space<vmem_shared>> -> memref<10240xf32, #tpu.memory_space<vmem_shared>>
          tpu.wait_indirect_dma semaphore(%arg22 : memref<!tpu.dma_semaphore, #tpu.memory_space<semaphore_mem>>) src(%dma_wait3A_1847 : memref<64xf32, #tpu.memory_space<vmem>>) dst(%dma_wait3A_1852 : memref<10240xf32, #tpu.memory_space<vmem_shared>>)
          %dma_wait3A_1853 = arith.constant 64 : i32
          %dma_wait3A_1854 = tpu.memref_slice %arg10[%add3A_1632, %dma_wait3A_1853] : memref<64x128xf32, #tpu.memory_space<vmem>> -> memref<1x64xf32, #tpu.memory_space<vmem>>
          %dma_wait3A_1855 = tpu.memref_squeeze %dma_wait3A_1854 : memref<1x64xf32, #tpu.memory_space<vmem>> -> memref<64xf32, #tpu.memory_space<vmem>>
          %dma_wait3A_1856 = arith.constant 0 : i32
          %dma_wait3A_1857 = tpu.memref_slice %arg11[%add3A_1636, %dma_wait3A_1856] : memref<64x64xi32, #tpu.memory_space<vmem>> -> memref<1x64xi32, #tpu.memory_space<vmem>>
          %dma_wait3A_1858 = tpu.memref_squeeze %dma_wait3A_1857 : memref<1x64xi32, #tpu.memory_space<vmem>> -> memref<64xi32, #tpu.memory_space<vmem>>
          %dma_wait3A_1859 = arith.constant 0 : i32
          %dma_wait3A_1860 = tpu.memref_slice %arg20[%dma_wait3A_1859] : memref<10240xf32, #tpu.memory_space<vmem_shared>> -> memref<10240xf32, #tpu.memory_space<vmem_shared>>
          tpu.wait_indirect_dma semaphore(%arg22 : memref<!tpu.dma_semaphore, #tpu.memory_space<semaphore_mem>>) src(%dma_wait3A_1855 : memref<64xf32, #tpu.memory_space<vmem>>) dst(%dma_wait3A_1860 : memref<10240xf32, #tpu.memory_space<vmem_shared>>)
          %dma_wait3A_1861 = arith.constant 64 : i32
          %dma_wait3A_1862 = tpu.memref_slice %arg10[%add3A_1648, %dma_wait3A_1861] : memref<64x128xf32, #tpu.memory_space<vmem>> -> memref<1x64xf32, #tpu.memory_space<vmem>>
          %dma_wait3A_1863 = tpu.memref_squeeze %dma_wait3A_1862 : memref<1x64xf32, #tpu.memory_space<vmem>> -> memref<64xf32, #tpu.memory_space<vmem>>
          %dma_wait3A_1864 = arith.constant 0 : i32
          %dma_wait3A_1865 = tpu.memref_slice %arg11[%add3A_1652, %dma_wait3A_1864] : memref<64x64xi32, #tpu.memory_space<vmem>> -> memref<1x64xi32, #tpu.memory_space<vmem>>
          %dma_wait3A_1866 = tpu.memref_squeeze %dma_wait3A_1865 : memref<1x64xi32, #tpu.memory_space<vmem>> -> memref<64xi32, #tpu.memory_space<vmem>>
          %dma_wait3A_1867 = arith.constant 0 : i32
          %dma_wait3A_1868 = tpu.memref_slice %arg20[%dma_wait3A_1867] : memref<10240xf32, #tpu.memory_space<vmem_shared>> -> memref<10240xf32, #tpu.memory_space<vmem_shared>>
          tpu.wait_indirect_dma semaphore(%arg22 : memref<!tpu.dma_semaphore, #tpu.memory_space<semaphore_mem>>) src(%dma_wait3A_1863 : memref<64xf32, #tpu.memory_space<vmem>>) dst(%dma_wait3A_1868 : memref<10240xf32, #tpu.memory_space<vmem_shared>>)
          %dma_wait3A_1869 = arith.constant 64 : i32
          %dma_wait3A_1870 = tpu.memref_slice %arg10[%add3A_1664, %dma_wait3A_1869] : memref<64x128xf32, #tpu.memory_space<vmem>> -> memref<1x64xf32, #tpu.memory_space<vmem>>
          %dma_wait3A_1871 = tpu.memref_squeeze %dma_wait3A_1870 : memref<1x64xf32, #tpu.memory_space<vmem>> -> memref<64xf32, #tpu.memory_space<vmem>>
          %dma_wait3A_1872 = arith.constant 0 : i32
          %dma_wait3A_1873 = tpu.memref_slice %arg11[%add3A_1668, %dma_wait3A_1872] : memref<64x64xi32, #tpu.memory_space<vmem>> -> memref<1x64xi32, #tpu.memory_space<vmem>>
          %dma_wait3A_1874 = tpu.memref_squeeze %dma_wait3A_1873 : memref<1x64xi32, #tpu.memory_space<vmem>> -> memref<64xi32, #tpu.memory_space<vmem>>
          %dma_wait3A_1875 = arith.constant 0 : i32
          %dma_wait3A_1876 = tpu.memref_slice %arg20[%dma_wait3A_1875] : memref<10240xf32, #tpu.memory_space<vmem_shared>> -> memref<10240xf32, #tpu.memory_space<vmem_shared>>
          tpu.wait_indirect_dma semaphore(%arg22 : memref<!tpu.dma_semaphore, #tpu.memory_space<semaphore_mem>>) src(%dma_wait3A_1871 : memref<64xf32, #tpu.memory_space<vmem>>) dst(%dma_wait3A_1876 : memref<10240xf32, #tpu.memory_space<vmem_shared>>)
          %dma_wait3A_1877 = arith.constant 64 : i32
          %dma_wait3A_1878 = tpu.memref_slice %arg10[%add3A_1680, %dma_wait3A_1877] : memref<64x128xf32, #tpu.memory_space<vmem>> -> memref<1x64xf32, #tpu.memory_space<vmem>>
          %dma_wait3A_1879 = tpu.memref_squeeze %dma_wait3A_1878 : memref<1x64xf32, #tpu.memory_space<vmem>> -> memref<64xf32, #tpu.memory_space<vmem>>
          %dma_wait3A_1880 = arith.constant 0 : i32
          %dma_wait3A_1881 = tpu.memref_slice %arg11[%add3A_1684, %dma_wait3A_1880] : memref<64x64xi32, #tpu.memory_space<vmem>> -> memref<1x64xi32, #tpu.memory_space<vmem>>
          %dma_wait3A_1882 = tpu.memref_squeeze %dma_wait3A_1881 : memref<1x64xi32, #tpu.memory_space<vmem>> -> memref<64xi32, #tpu.memory_space<vmem>>
          %dma_wait3A_1883 = arith.constant 0 : i32
          %dma_wait3A_1884 = tpu.memref_slice %arg20[%dma_wait3A_1883] : memref<10240xf32, #tpu.memory_space<vmem_shared>> -> memref<10240xf32, #tpu.memory_space<vmem_shared>>
          tpu.wait_indirect_dma semaphore(%arg22 : memref<!tpu.dma_semaphore, #tpu.memory_space<semaphore_mem>>) src(%dma_wait3A_1879 : memref<64xf32, #tpu.memory_space<vmem>>) dst(%dma_wait3A_1884 : memref<10240xf32, #tpu.memory_space<vmem_shared>>)
          %dma_wait3A_1885 = arith.constant 64 : i32
          %dma_wait3A_1886 = tpu.memref_slice %arg10[%add3A_1696, %dma_wait3A_1885] : memref<64x128xf32, #tpu.memory_space<vmem>> -> memref<1x64xf32, #tpu.memory_space<vmem>>
          %dma_wait3A_1887 = tpu.memref_squeeze %dma_wait3A_1886 : memref<1x64xf32, #tpu.memory_space<vmem>> -> memref<64xf32, #tpu.memory_space<vmem>>
          %dma_wait3A_1888 = arith.constant 0 : i32
          %dma_wait3A_1889 = tpu.memref_slice %arg11[%add3A_1700, %dma_wait3A_1888] : memref<64x64xi32, #tpu.memory_space<vmem>> -> memref<1x64xi32, #tpu.memory_space<vmem>>
          %dma_wait3A_1890 = tpu.memref_squeeze %dma_wait3A_1889 : memref<1x64xi32, #tpu.memory_space<vmem>> -> memref<64xi32, #tpu.memory_space<vmem>>
          %dma_wait3A_1891 = arith.constant 0 : i32
          %dma_wait3A_1892 = tpu.memref_slice %arg20[%dma_wait3A_1891] : memref<10240xf32, #tpu.memory_space<vmem_shared>> -> memref<10240xf32, #tpu.memory_space<vmem_shared>>
          tpu.wait_indirect_dma semaphore(%arg22 : memref<!tpu.dma_semaphore, #tpu.memory_space<semaphore_mem>>) src(%dma_wait3A_1887 : memref<64xf32, #tpu.memory_space<vmem>>) dst(%dma_wait3A_1892 : memref<10240xf32, #tpu.memory_space<vmem_shared>>)
          %dma_wait3A_1893 = arith.constant 64 : i32
          %dma_wait3A_1894 = tpu.memref_slice %arg10[%add3A_1712, %dma_wait3A_1893] : memref<64x128xf32, #tpu.memory_space<vmem>> -> memref<1x64xf32, #tpu.memory_space<vmem>>
          %dma_wait3A_1895 = tpu.memref_squeeze %dma_wait3A_1894 : memref<1x64xf32, #tpu.memory_space<vmem>> -> memref<64xf32, #tpu.memory_space<vmem>>
          %dma_wait3A_1896 = arith.constant 0 : i32
          %dma_wait3A_1897 = tpu.memref_slice %arg11[%add3A_1716, %dma_wait3A_1896] : memref<64x64xi32, #tpu.memory_space<vmem>> -> memref<1x64xi32, #tpu.memory_space<vmem>>
          %dma_wait3A_1898 = tpu.memref_squeeze %dma_wait3A_1897 : memref<1x64xi32, #tpu.memory_space<vmem>> -> memref<64xi32, #tpu.memory_space<vmem>>
          %dma_wait3A_1899 = arith.constant 0 : i32
          %dma_wait3A_1900 = tpu.memref_slice %arg20[%dma_wait3A_1899] : memref<10240xf32, #tpu.memory_space<vmem_shared>> -> memref<10240xf32, #tpu.memory_space<vmem_shared>>
          tpu.wait_indirect_dma semaphore(%arg22 : memref<!tpu.dma_semaphore, #tpu.memory_space<semaphore_mem>>) src(%dma_wait3A_1895 : memref<64xf32, #tpu.memory_space<vmem>>) dst(%dma_wait3A_1900 : memref<10240xf32, #tpu.memory_space<vmem_shared>>)
          %dma_wait3A_1901 = arith.constant 64 : i32
          %dma_wait3A_1902 = tpu.memref_slice %arg10[%add3A_1728, %dma_wait3A_1901] : memref<64x128xf32, #tpu.memory_space<vmem>> -> memref<1x64xf32, #tpu.memory_space<vmem>>
          %dma_wait3A_1903 = tpu.memref_squeeze %dma_wait3A_1902 : memref<1x64xf32, #tpu.memory_space<vmem>> -> memref<64xf32, #tpu.memory_space<vmem>>
          %dma_wait3A_1904 = arith.constant 0 : i32
          %dma_wait3A_1905 = tpu.memref_slice %arg11[%add3A_1732, %dma_wait3A_1904] : memref<64x64xi32, #tpu.memory_space<vmem>> -> memref<1x64xi32, #tpu.memory_space<vmem>>
          %dma_wait3A_1906 = tpu.memref_squeeze %dma_wait3A_1905 : memref<1x64xi32, #tpu.memory_space<vmem>> -> memref<64xi32, #tpu.memory_space<vmem>>
          %dma_wait3A_1907 = arith.constant 0 : i32
          %dma_wait3A_1908 = tpu.memref_slice %arg20[%dma_wait3A_1907] : memref<10240xf32, #tpu.memory_space<vmem_shared>> -> memref<10240xf32, #tpu.memory_space<vmem_shared>>
          tpu.wait_indirect_dma semaphore(%arg22 : memref<!tpu.dma_semaphore, #tpu.memory_space<semaphore_mem>>) src(%dma_wait3A_1903 : memref<64xf32, #tpu.memory_space<vmem>>) dst(%dma_wait3A_1908 : memref<10240xf32, #tpu.memory_space<vmem_shared>>)
          %dma_wait3A_1909 = arith.constant 64 : i32
          %dma_wait3A_1910 = tpu.memref_slice %arg10[%add3A_1744, %dma_wait3A_1909] : memref<64x128xf32, #tpu.memory_space<vmem>> -> memref<1x64xf32, #tpu.memory_space<vmem>>
          %dma_wait3A_1911 = tpu.memref_squeeze %dma_wait3A_1910 : memref<1x64xf32, #tpu.memory_space<vmem>> -> memref<64xf32, #tpu.memory_space<vmem>>
          %dma_wait3A_1912 = arith.constant 0 : i32
          %dma_wait3A_1913 = tpu.memref_slice %arg11[%add3A_1748, %dma_wait3A_1912] : memref<64x64xi32, #tpu.memory_space<vmem>> -> memref<1x64xi32, #tpu.memory_space<vmem>>
          %dma_wait3A_1914 = tpu.memref_squeeze %dma_wait3A_1913 : memref<1x64xi32, #tpu.memory_space<vmem>> -> memref<64xi32, #tpu.memory_space<vmem>>
          %dma_wait3A_1915 = arith.constant 0 : i32
          %dma_wait3A_1916 = tpu.memref_slice %arg20[%dma_wait3A_1915] : memref<10240xf32, #tpu.memory_space<vmem_shared>> -> memref<10240xf32, #tpu.memory_space<vmem_shared>>
          tpu.wait_indirect_dma semaphore(%arg22 : memref<!tpu.dma_semaphore, #tpu.memory_space<semaphore_mem>>) src(%dma_wait3A_1911 : memref<64xf32, #tpu.memory_space<vmem>>) dst(%dma_wait3A_1916 : memref<10240xf32, #tpu.memory_space<vmem_shared>>)
          %dma_wait3A_1917 = arith.constant 64 : i32
          %dma_wait3A_1918 = tpu.memref_slice %arg10[%add3A_1760, %dma_wait3A_1917] : memref<64x128xf32, #tpu.memory_space<vmem>> -> memref<1x64xf32, #tpu.memory_space<vmem>>
          %dma_wait3A_1919 = tpu.memref_squeeze %dma_wait3A_1918 : memref<1x64xf32, #tpu.memory_space<vmem>> -> memref<64xf32, #tpu.memory_space<vmem>>
          %dma_wait3A_1920 = arith.constant 0 : i32
          %dma_wait3A_1921 = tpu.memref_slice %arg11[%add3A_1764, %dma_wait3A_1920] : memref<64x64xi32, #tpu.memory_space<vmem>> -> memref<1x64xi32, #tpu.memory_space<vmem>>
          %dma_wait3A_1922 = tpu.memref_squeeze %dma_wait3A_1921 : memref<1x64xi32, #tpu.memory_space<vmem>> -> memref<64xi32, #tpu.memory_space<vmem>>
          %dma_wait3A_1923 = arith.constant 0 : i32
          %dma_wait3A_1924 = tpu.memref_slice %arg20[%dma_wait3A_1923] : memref<10240xf32, #tpu.memory_space<vmem_shared>> -> memref<10240xf32, #tpu.memory_space<vmem_shared>>
          tpu.wait_indirect_dma semaphore(%arg22 : memref<!tpu.dma_semaphore, #tpu.memory_space<semaphore_mem>>) src(%dma_wait3A_1919 : memref<64xf32, #tpu.memory_space<vmem>>) dst(%dma_wait3A_1924 : memref<10240xf32, #tpu.memory_space<vmem_shared>>)
          %dma_wait3A_1925 = arith.constant 64 : i32
          %dma_wait3A_1926 = tpu.memref_slice %arg10[%add3A_1776, %dma_wait3A_1925] : memref<64x128xf32, #tpu.memory_space<vmem>> -> memref<1x64xf32, #tpu.memory_space<vmem>>
          %dma_wait3A_1927 = tpu.memref_squeeze %dma_wait3A_1926 : memref<1x64xf32, #tpu.memory_space<vmem>> -> memref<64xf32, #tpu.memory_space<vmem>>
          %dma_wait3A_1928 = arith.constant 0 : i32
          %dma_wait3A_1929 = tpu.memref_slice %arg11[%add3A_1780, %dma_wait3A_1928] : memref<64x64xi32, #tpu.memory_space<vmem>> -> memref<1x64xi32, #tpu.memory_space<vmem>>
          %dma_wait3A_1930 = tpu.memref_squeeze %dma_wait3A_1929 : memref<1x64xi32, #tpu.memory_space<vmem>> -> memref<64xi32, #tpu.memory_space<vmem>>
          %dma_wait3A_1931 = arith.constant 0 : i32
          %dma_wait3A_1932 = tpu.memref_slice %arg20[%dma_wait3A_1931] : memref<10240xf32, #tpu.memory_space<vmem_shared>> -> memref<10240xf32, #tpu.memory_space<vmem_shared>>
          tpu.wait_indirect_dma semaphore(%arg22 : memref<!tpu.dma_semaphore, #tpu.memory_space<semaphore_mem>>) src(%dma_wait3A_1927 : memref<64xf32, #tpu.memory_space<vmem>>) dst(%dma_wait3A_1932 : memref<10240xf32, #tpu.memory_space<vmem_shared>>)
          %dma_wait3A_1933 = arith.constant 64 : i32
          %dma_wait3A_1934 = tpu.memref_slice %arg10[%add3A_1792, %dma_wait3A_1933] : memref<64x128xf32, #tpu.memory_space<vmem>> -> memref<1x64xf32, #tpu.memory_space<vmem>>
          %dma_wait3A_1935 = tpu.memref_squeeze %dma_wait3A_1934 : memref<1x64xf32, #tpu.memory_space<vmem>> -> memref<64xf32, #tpu.memory_space<vmem>>
          %dma_wait3A_1936 = arith.constant 0 : i32
          %dma_wait3A_1937 = tpu.memref_slice %arg11[%add3A_1796, %dma_wait3A_1936] : memref<64x64xi32, #tpu.memory_space<vmem>> -> memref<1x64xi32, #tpu.memory_space<vmem>>
          %dma_wait3A_1938 = tpu.memref_squeeze %dma_wait3A_1937 : memref<1x64xi32, #tpu.memory_space<vmem>> -> memref<64xi32, #tpu.memory_space<vmem>>
          %dma_wait3A_1939 = arith.constant 0 : i32
          %dma_wait3A_1940 = tpu.memref_slice %arg20[%dma_wait3A_1939] : memref<10240xf32, #tpu.memory_space<vmem_shared>> -> memref<10240xf32, #tpu.memory_space<vmem_shared>>
          tpu.wait_indirect_dma semaphore(%arg22 : memref<!tpu.dma_semaphore, #tpu.memory_space<semaphore_mem>>) src(%dma_wait3A_1935 : memref<64xf32, #tpu.memory_space<vmem>>) dst(%dma_wait3A_1940 : memref<10240xf32, #tpu.memory_space<vmem_shared>>)
          %dma_wait3A_1941 = arith.constant 64 : i32
          %dma_wait3A_1942 = tpu.memref_slice %arg10[%add3A_1808, %dma_wait3A_1941] : memref<64x128xf32, #tpu.memory_space<vmem>> -> memref<1x64xf32, #tpu.memory_space<vmem>>
          %dma_wait3A_1943 = tpu.memref_squeeze %dma_wait3A_1942 : memref<1x64xf32, #tpu.memory_space<vmem>> -> memref<64xf32, #tpu.memory_space<vmem>>
          %dma_wait3A_1944 = arith.constant 0 : i32
          %dma_wait3A_1945 = tpu.memref_slice %arg11[%add3A_1812, %dma_wait3A_1944] : memref<64x64xi32, #tpu.memory_space<vmem>> -> memref<1x64xi32, #tpu.memory_space<vmem>>
          %dma_wait3A_1946 = tpu.memref_squeeze %dma_wait3A_1945 : memref<1x64xi32, #tpu.memory_space<vmem>> -> memref<64xi32, #tpu.memory_space<vmem>>
          %dma_wait3A_1947 = arith.constant 0 : i32
          %dma_wait3A_1948 = tpu.memref_slice %arg20[%dma_wait3A_1947] : memref<10240xf32, #tpu.memory_space<vmem_shared>> -> memref<10240xf32, #tpu.memory_space<vmem_shared>>
          tpu.wait_indirect_dma semaphore(%arg22 : memref<!tpu.dma_semaphore, #tpu.memory_space<semaphore_mem>>) src(%dma_wait3A_1943 : memref<64xf32, #tpu.memory_space<vmem>>) dst(%dma_wait3A_1948 : memref<10240xf32, #tpu.memory_space<vmem_shared>>)
        }
        %scan3A_1563 = arith.constant 4 : i32
      }
      %while3A_777 = arith.constant 1 : i32
      scf.for %while3A_1541 = %while3A_775 to %while3A_771 step %while3A_777  : i32 {
        %mul3A_1542 = arith.constant 64 : i32
        %mul3A_1543 = arith.muli %while3A_1541, %mul3A_1542 : i32
        %dma_start3A_1544 = tpu.memref_slice %arg9[%mul3A_1543] : memref<704xi32, #tpu.memory_space<vmem>> -> memref<64xi32, #tpu.memory_space<vmem>>
        %dma_start3A_1545 = arith.constant 0 : i32
        %dma_start3A_1546 = arith.constant 0 : i32
        %dma_start3A_1547 = tpu.memref_slice %arg3[%dma_start3A_1545, %dma_start3A_1546] : memref<10240x128xf32, #tpu.memory_space<hbm>> -> memref<10240x128xf32, #tpu.memory_space<hbm>>
        tpu.enqueue_indirect_dma source(%dma_start3A_1547 : memref<10240x128xf32, #tpu.memory_space<hbm>>) target(%arg10 : memref<64x128xf32, #tpu.memory_space<vmem>>) offsets(%dma_start3A_1544 : memref<64xi32, #tpu.memory_space<vmem>>) semaphore(%arg22 : memref<!tpu.dma_semaphore, #tpu.memory_space<semaphore_mem>>)
        %dma_wait3A_1548 = tpu.memref_slice %arg9[%mul3A_1543] : memref<704xi32, #tpu.memory_space<vmem>> -> memref<64xi32, #tpu.memory_space<vmem>>
        %dma_wait3A_1549 = arith.constant 0 : i32
        %dma_wait3A_1550 = arith.constant 0 : i32
        %dma_wait3A_1551 = tpu.memref_slice %arg3[%dma_wait3A_1549, %dma_wait3A_1550] : memref<10240x128xf32, #tpu.memory_space<hbm>> -> memref<10240x128xf32, #tpu.memory_space<hbm>>
        tpu.wait_indirect_dma semaphore(%arg22 : memref<!tpu.dma_semaphore, #tpu.memory_space<semaphore_mem>>) src(%dma_wait3A_1551 : memref<10240x128xf32, #tpu.memory_space<hbm>>) dst(%arg10 : memref<64x128xf32, #tpu.memory_space<vmem>>)
        %scan3A_1552 = arith.constant 0 : i32
        %scan3A_1553 = arith.constant 0 : i32
        %scan3A_1554 = arith.constant 64 : i32
        %scan3A_1555 = arith.addi %scan3A_1553, %scan3A_1554 : i32
        %scan3A_1556 = arith.constant 1 : i32
        scf.for %scan3A_1564 = %scan3A_1553 to %scan3A_1555 step %scan3A_1556  : i32 {
          %get3A_1565 = arith.index_cast %scan3A_1564 : i32 to index
          %get3A_1566 = arith.constant 0 : index
          %get3A_1567 = tpu.vector_load %arg10[%get3A_1565, %get3A_1566] {strides = array<i32>} : memref<64x128xf32, #tpu.memory_space<vmem>>, vector<1x16xf32>,
          %get3A_1568 = vector.shape_cast %get3A_1567 : vector<1x16xf32> to vector<16xf32>
          %convert_element_type3A_1569 = arith.fptosi %get3A_1568 : vector<16xf32> to vector<16xi32>
          %swap3A_1570 = arith.index_cast %scan3A_1564 : i32 to index
          %swap3A_1571 = arith.constant 0 : index
          %swap3A_1572 = tpu.vector_load %arg11[%swap3A_1570, %swap3A_1571] {strides = array<i32>} : memref<64x64xi32, #tpu.memory_space<vmem>>, vector<1x16xi32>,
          %swap3A_1573 = vector.shape_cast %swap3A_1572 : vector<1x16xi32> to vector<16xi32>
          %swap3A_1574 = vector.shape_cast %convert_element_type3A_1569 : vector<16xi32> to vector<1x16xi32>
          tpu.vector_store %arg11[%swap3A_1570, %swap3A_1571], %swap3A_1574 {strides = array<i32>} : memref<64x64xi32, #tpu.memory_space<vmem>>, vector<1x16xi32>,
          %get3A_1575 = arith.index_cast %scan3A_1564 : i32 to index
          %get3A_1576 = arith.constant 16 : index
          %get3A_1577 = tpu.vector_load %arg10[%get3A_1575, %get3A_1576] {strides = array<i32>} : memref<64x128xf32, #tpu.memory_space<vmem>>, vector<1x16xf32>,
          %get3A_1578 = vector.shape_cast %get3A_1577 : vector<1x16xf32> to vector<16xf32>
          %convert_element_type3A_1579 = arith.fptosi %get3A_1578 : vector<16xf32> to vector<16xi32>
          %swap3A_1580 = arith.index_cast %scan3A_1564 : i32 to index
          %swap3A_1581 = arith.constant 16 : index
          %swap3A_1582 = tpu.vector_load %arg11[%swap3A_1580, %swap3A_1581] {strides = array<i32>} : memref<64x64xi32, #tpu.memory_space<vmem>>, vector<1x16xi32>,
          %swap3A_1583 = vector.shape_cast %swap3A_1582 : vector<1x16xi32> to vector<16xi32>
          %swap3A_1584 = vector.shape_cast %convert_element_type3A_1579 : vector<16xi32> to vector<1x16xi32>
          tpu.vector_store %arg11[%swap3A_1580, %swap3A_1581], %swap3A_1584 {strides = array<i32>} : memref<64x64xi32, #tpu.memory_space<vmem>>, vector<1x16xi32>,
          %get3A_1585 = arith.index_cast %scan3A_1564 : i32 to index
          %get3A_1586 = arith.constant 32 : index
          %get3A_1587 = tpu.vector_load %arg10[%get3A_1585, %get3A_1586] {strides = array<i32>} : memref<64x128xf32, #tpu.memory_space<vmem>>, vector<1x16xf32>,
          %get3A_1588 = vector.shape_cast %get3A_1587 : vector<1x16xf32> to vector<16xf32>
          %convert_element_type3A_1589 = arith.fptosi %get3A_1588 : vector<16xf32> to vector<16xi32>
          %swap3A_1590 = arith.index_cast %scan3A_1564 : i32 to index
          %swap3A_1591 = arith.constant 32 : index
          %swap3A_1592 = tpu.vector_load %arg11[%swap3A_1590, %swap3A_1591] {strides = array<i32>} : memref<64x64xi32, #tpu.memory_space<vmem>>, vector<1x16xi32>,
          %swap3A_1593 = vector.shape_cast %swap3A_1592 : vector<1x16xi32> to vector<16xi32>
          %swap3A_1594 = vector.shape_cast %convert_element_type3A_1589 : vector<16xi32> to vector<1x16xi32>
          tpu.vector_store %arg11[%swap3A_1590, %swap3A_1591], %swap3A_1594 {strides = array<i32>} : memref<64x64xi32, #tpu.memory_space<vmem>>, vector<1x16xi32>,
          %get3A_1595 = arith.index_cast %scan3A_1564 : i32 to index
          %get3A_1596 = arith.constant 48 : index
          %get3A_1597 = tpu.vector_load %arg10[%get3A_1595, %get3A_1596] {strides = array<i32>} : memref<64x128xf32, #tpu.memory_space<vmem>>, vector<1x16xf32>,
          %get3A_1598 = vector.shape_cast %get3A_1597 : vector<1x16xf32> to vector<16xf32>
          %convert_element_type3A_1599 = arith.fptosi %get3A_1598 : vector<16xf32> to vector<16xi32>
          %swap3A_1600 = arith.index_cast %scan3A_1564 : i32 to index
          %swap3A_1601 = arith.constant 48 : index
          %swap3A_1602 = tpu.vector_load %arg11[%swap3A_1600, %swap3A_1601] {strides = array<i32>} : memref<64x64xi32, #tpu.memory_space<vmem>>, vector<1x16xi32>,
          %swap3A_1603 = vector.shape_cast %swap3A_1602 : vector<1x16xi32> to vector<16xi32>
          %swap3A_1604 = vector.shape_cast %convert_element_type3A_1599 : vector<16xi32> to vector<1x16xi32>
          tpu.vector_store %arg11[%swap3A_1600, %swap3A_1601], %swap3A_1604 {strides = array<i32>} : memref<64x64xi32, #tpu.memory_space<vmem>>, vector<1x16xi32>,
        }
        %scan3A_1557 = arith.constant 64 : i32
        %scan3A_1558 = arith.constant 0 : i32
        %scan3A_1559 = arith.constant 0 : i32
        %scan3A_1560 = arith.constant 4 : i32
        %scan3A_1561 = arith.addi %scan3A_1559, %scan3A_1560 : i32
        %scan3A_1562 = arith.constant 1 : i32
        scf.for %scan3A_1564 = %scan3A_1559 to %scan3A_1561 step %scan3A_1562  : i32 {
          %mul3A_1565 = arith.constant 16 : i32
          %mul3A_1566 = arith.muli %scan3A_1564, %mul3A_1565 : i32
          %add3A_1567 = arith.constant 0 : i32
          %add3A_1568 = arith.addi %mul3A_1566, %add3A_1567 : i32
          %mul3A_1569 = arith.constant 16 : i32
          %mul3A_1570 = arith.muli %scan3A_1564, %mul3A_1569 : i32
          %add3A_1571 = arith.constant 0 : i32
          %add3A_1572 = arith.addi %mul3A_1570, %add3A_1571 : i32
          %dma_start3A_1573 = arith.constant 64 : i32
          %dma_start3A_1574 = tpu.memref_slice %arg10[%add3A_1568, %dma_start3A_1573] : memref<64x128xf32, #tpu.memory_space<vmem>> -> memref<1x64xf32, #tpu.memory_space<vmem>>
          %dma_start3A_1575 = tpu.memref_squeeze %dma_start3A_1574 : memref<1x64xf32, #tpu.memory_space<vmem>> -> memref<64xf32, #tpu.memory_space<vmem>>
          %dma_start3A_1576 = arith.constant 0 : i32
          %dma_start3A_1577 = tpu.memref_slice %arg11[%add3A_1572, %dma_start3A_1576] : memref<64x64xi32, #tpu.memory_space<vmem>> -> memref<1x64xi32, #tpu.memory_space<vmem>>
          %dma_start3A_1578 = tpu.memref_squeeze %dma_start3A_1577 : memref<1x64xi32, #tpu.memory_space<vmem>> -> memref<64xi32, #tpu.memory_space<vmem>>
          %dma_start3A_1579 = arith.constant 0 : i32
          %dma_start3A_1580 = tpu.memref_slice %arg20[%dma_start3A_1579] : memref<10240xf32, #tpu.memory_space<vmem_shared>> -> memref<10240xf32, #tpu.memory_space<vmem_shared>>
          tpu.enqueue_indirect_dma source(%dma_start3A_1575 : memref<64xf32, #tpu.memory_space<vmem>>) target(%dma_start3A_1580 : memref<10240xf32, #tpu.memory_space<vmem_shared>>) offsets(%dma_start3A_1578 : memref<64xi32, #tpu.memory_space<vmem>>) semaphore(%arg22 : memref<!tpu.dma_semaphore, #tpu.memory_space<semaphore_mem>>) {add = true}
          %mul3A_1581 = arith.constant 16 : i32
          %mul3A_1582 = arith.muli %scan3A_1564, %mul3A_1581 : i32
          %add3A_1583 = arith.constant 1 : i32
          %add3A_1584 = arith.addi %mul3A_1582, %add3A_1583 : i32
          %mul3A_1585 = arith.constant 16 : i32
          %mul3A_1586 = arith.muli %scan3A_1564, %mul3A_1585 : i32
          %add3A_1587 = arith.constant 1 : i32
          %add3A_1588 = arith.addi %mul3A_1586, %add3A_1587 : i32
          %dma_start3A_1589 = arith.constant 64 : i32
          %dma_start3A_1590 = tpu.memref_slice %arg10[%add3A_1584, %dma_start3A_1589] : memref<64x128xf32, #tpu.memory_space<vmem>> -> memref<1x64xf32, #tpu.memory_space<vmem>>
          %dma_start3A_1591 = tpu.memref_squeeze %dma_start3A_1590 : memref<1x64xf32, #tpu.memory_space<vmem>> -> memref<64xf32, #tpu.memory_space<vmem>>
          %dma_start3A_1592 = arith.constant 0 : i32
          %dma_start3A_1593 = tpu.memref_slice %arg11[%add3A_1588, %dma_start3A_1592] : memref<64x64xi32, #tpu.memory_space<vmem>> -> memref<1x64xi32, #tpu.memory_space<vmem>>
          %dma_start3A_1594 = tpu.memref_squeeze %dma_start3A_1593 : memref<1x64xi32, #tpu.memory_space<vmem>> -> memref<64xi32, #tpu.memory_space<vmem>>
          %dma_start3A_1595 = arith.constant 0 : i32
          %dma_start3A_1596 = tpu.memref_slice %arg20[%dma_start3A_1595] : memref<10240xf32, #tpu.memory_space<vmem_shared>> -> memref<10240xf32, #tpu.memory_space<vmem_shared>>
          tpu.enqueue_indirect_dma source(%dma_start3A_1591 : memref<64xf32, #tpu.memory_space<vmem>>) target(%dma_start3A_1596 : memref<10240xf32, #tpu.memory_space<vmem_shared>>) offsets(%dma_start3A_1594 : memref<64xi32, #tpu.memory_space<vmem>>) semaphore(%arg22 : memref<!tpu.dma_semaphore, #tpu.memory_space<semaphore_mem>>) {add = true}
          %mul3A_1597 = arith.constant 16 : i32
          %mul3A_1598 = arith.muli %scan3A_1564, %mul3A_1597 : i32
          %add3A_1599 = arith.constant 2 : i32
          %add3A_1600 = arith.addi %mul3A_1598, %add3A_1599 : i32
          %mul3A_1601 = arith.constant 16 : i32
          %mul3A_1602 = arith.muli %scan3A_1564, %mul3A_1601 : i32
          %add3A_1603 = arith.constant 2 : i32
          %add3A_1604 = arith.addi %mul3A_1602, %add3A_1603 : i32
          %dma_start3A_1605 = arith.constant 64 : i32
          %dma_start3A_1606 = tpu.memref_slice %arg10[%add3A_1600, %dma_start3A_1605] : memref<64x128xf32, #tpu.memory_space<vmem>> -> memref<1x64xf32, #tpu.memory_space<vmem>>
          %dma_start3A_1607 = tpu.memref_squeeze %dma_start3A_1606 : memref<1x64xf32, #tpu.memory_space<vmem>> -> memref<64xf32, #tpu.memory_space<vmem>>
          %dma_start3A_1608 = arith.constant 0 : i32
          %dma_start3A_1609 = tpu.memref_slice %arg11[%add3A_1604, %dma_start3A_1608] : memref<64x64xi32, #tpu.memory_space<vmem>> -> memref<1x64xi32, #tpu.memory_space<vmem>>
          %dma_start3A_1610 = tpu.memref_squeeze %dma_start3A_1609 : memref<1x64xi32, #tpu.memory_space<vmem>> -> memref<64xi32, #tpu.memory_space<vmem>>
          %dma_start3A_1611 = arith.constant 0 : i32
          %dma_start3A_1612 = tpu.memref_slice %arg20[%dma_start3A_1611] : memref<10240xf32, #tpu.memory_space<vmem_shared>> -> memref<10240xf32, #tpu.memory_space<vmem_shared>>
          tpu.enqueue_indirect_dma source(%dma_start3A_1607 : memref<64xf32, #tpu.memory_space<vmem>>) target(%dma_start3A_1612 : memref<10240xf32, #tpu.memory_space<vmem_shared>>) offsets(%dma_start3A_1610 : memref<64xi32, #tpu.memory_space<vmem>>) semaphore(%arg22 : memref<!tpu.dma_semaphore, #tpu.memory_space<semaphore_mem>>) {add = true}
          %mul3A_1613 = arith.constant 16 : i32
          %mul3A_1614 = arith.muli %scan3A_1564, %mul3A_1613 : i32
          %add3A_1615 = arith.constant 3 : i32
          %add3A_1616 = arith.addi %mul3A_1614, %add3A_1615 : i32
          %mul3A_1617 = arith.constant 16 : i32
          %mul3A_1618 = arith.muli %scan3A_1564, %mul3A_1617 : i32
          %add3A_1619 = arith.constant 3 : i32
          %add3A_1620 = arith.addi %mul3A_1618, %add3A_1619 : i32
          %dma_start3A_1621 = arith.constant 64 : i32
          %dma_start3A_1622 = tpu.memref_slice %arg10[%add3A_1616, %dma_start3A_1621] : memref<64x128xf32, #tpu.memory_space<vmem>> -> memref<1x64xf32, #tpu.memory_space<vmem>>
          %dma_start3A_1623 = tpu.memref_squeeze %dma_start3A_1622 : memref<1x64xf32, #tpu.memory_space<vmem>> -> memref<64xf32, #tpu.memory_space<vmem>>
          %dma_start3A_1624 = arith.constant 0 : i32
          %dma_start3A_1625 = tpu.memref_slice %arg11[%add3A_1620, %dma_start3A_1624] : memref<64x64xi32, #tpu.memory_space<vmem>> -> memref<1x64xi32, #tpu.memory_space<vmem>>
          %dma_start3A_1626 = tpu.memref_squeeze %dma_start3A_1625 : memref<1x64xi32, #tpu.memory_space<vmem>> -> memref<64xi32, #tpu.memory_space<vmem>>
          %dma_start3A_1627 = arith.constant 0 : i32
          %dma_start3A_1628 = tpu.memref_slice %arg20[%dma_start3A_1627] : memref<10240xf32, #tpu.memory_space<vmem_shared>> -> memref<10240xf32, #tpu.memory_space<vmem_shared>>
          tpu.enqueue_indirect_dma source(%dma_start3A_1623 : memref<64xf32, #tpu.memory_space<vmem>>) target(%dma_start3A_1628 : memref<10240xf32, #tpu.memory_space<vmem_shared>>) offsets(%dma_start3A_1626 : memref<64xi32, #tpu.memory_space<vmem>>) semaphore(%arg22 : memref<!tpu.dma_semaphore, #tpu.memory_space<semaphore_mem>>) {add = true}
          %mul3A_1629 = arith.constant 16 : i32
          %mul3A_1630 = arith.muli %scan3A_1564, %mul3A_1629 : i32
          %add3A_1631 = arith.constant 4 : i32
          %add3A_1632 = arith.addi %mul3A_1630, %add3A_1631 : i32
          %mul3A_1633 = arith.constant 16 : i32
          %mul3A_1634 = arith.muli %scan3A_1564, %mul3A_1633 : i32
          %add3A_1635 = arith.constant 4 : i32
          %add3A_1636 = arith.addi %mul3A_1634, %add3A_1635 : i32
          %dma_start3A_1637 = arith.constant 64 : i32
          %dma_start3A_1638 = tpu.memref_slice %arg10[%add3A_1632, %dma_start3A_1637] : memref<64x128xf32, #tpu.memory_space<vmem>> -> memref<1x64xf32, #tpu.memory_space<vmem>>
          %dma_start3A_1639 = tpu.memref_squeeze %dma_start3A_1638 : memref<1x64xf32, #tpu.memory_space<vmem>> -> memref<64xf32, #tpu.memory_space<vmem>>
          %dma_start3A_1640 = arith.constant 0 : i32
          %dma_start3A_1641 = tpu.memref_slice %arg11[%add3A_1636, %dma_start3A_1640] : memref<64x64xi32, #tpu.memory_space<vmem>> -> memref<1x64xi32, #tpu.memory_space<vmem>>
          %dma_start3A_1642 = tpu.memref_squeeze %dma_start3A_1641 : memref<1x64xi32, #tpu.memory_space<vmem>> -> memref<64xi32, #tpu.memory_space<vmem>>
          %dma_start3A_1643 = arith.constant 0 : i32
          %dma_start3A_1644 = tpu.memref_slice %arg20[%dma_start3A_1643] : memref<10240xf32, #tpu.memory_space<vmem_shared>> -> memref<10240xf32, #tpu.memory_space<vmem_shared>>
          tpu.enqueue_indirect_dma source(%dma_start3A_1639 : memref<64xf32, #tpu.memory_space<vmem>>) target(%dma_start3A_1644 : memref<10240xf32, #tpu.memory_space<vmem_shared>>) offsets(%dma_start3A_1642 : memref<64xi32, #tpu.memory_space<vmem>>) semaphore(%arg22 : memref<!tpu.dma_semaphore, #tpu.memory_space<semaphore_mem>>) {add = true}
          %mul3A_1645 = arith.constant 16 : i32
          %mul3A_1646 = arith.muli %scan3A_1564, %mul3A_1645 : i32
          %add3A_1647 = arith.constant 5 : i32
          %add3A_1648 = arith.addi %mul3A_1646, %add3A_1647 : i32
          %mul3A_1649 = arith.constant 16 : i32
          %mul3A_1650 = arith.muli %scan3A_1564, %mul3A_1649 : i32
          %add3A_1651 = arith.constant 5 : i32
          %add3A_1652 = arith.addi %mul3A_1650, %add3A_1651 : i32
          %dma_start3A_1653 = arith.constant 64 : i32
          %dma_start3A_1654 = tpu.memref_slice %arg10[%add3A_1648, %dma_start3A_1653] : memref<64x128xf32, #tpu.memory_space<vmem>> -> memref<1x64xf32, #tpu.memory_space<vmem>>
          %dma_start3A_1655 = tpu.memref_squeeze %dma_start3A_1654 : memref<1x64xf32, #tpu.memory_space<vmem>> -> memref<64xf32, #tpu.memory_space<vmem>>
          %dma_start3A_1656 = arith.constant 0 : i32
          %dma_start3A_1657 = tpu.memref_slice %arg11[%add3A_1652, %dma_start3A_1656] : memref<64x64xi32, #tpu.memory_space<vmem>> -> memref<1x64xi32, #tpu.memory_space<vmem>>
          %dma_start3A_1658 = tpu.memref_squeeze %dma_start3A_1657 : memref<1x64xi32, #tpu.memory_space<vmem>> -> memref<64xi32, #tpu.memory_space<vmem>>
          %dma_start3A_1659 = arith.constant 0 : i32
          %dma_start3A_1660 = tpu.memref_slice %arg20[%dma_start3A_1659] : memref<10240xf32, #tpu.memory_space<vmem_shared>> -> memref<10240xf32, #tpu.memory_space<vmem_shared>>
          tpu.enqueue_indirect_dma source(%dma_start3A_1655 : memref<64xf32, #tpu.memory_space<vmem>>) target(%dma_start3A_1660 : memref<10240xf32, #tpu.memory_space<vmem_shared>>) offsets(%dma_start3A_1658 : memref<64xi32, #tpu.memory_space<vmem>>) semaphore(%arg22 : memref<!tpu.dma_semaphore, #tpu.memory_space<semaphore_mem>>) {add = true}
          %mul3A_1661 = arith.constant 16 : i32
          %mul3A_1662 = arith.muli %scan3A_1564, %mul3A_1661 : i32
          %add3A_1663 = arith.constant 6 : i32
          %add3A_1664 = arith.addi %mul3A_1662, %add3A_1663 : i32
          %mul3A_1665 = arith.constant 16 : i32
          %mul3A_1666 = arith.muli %scan3A_1564, %mul3A_1665 : i32
          %add3A_1667 = arith.constant 6 : i32
          %add3A_1668 = arith.addi %mul3A_1666, %add3A_1667 : i32
          %dma_start3A_1669 = arith.constant 64 : i32
          %dma_start3A_1670 = tpu.memref_slice %arg10[%add3A_1664, %dma_start3A_1669] : memref<64x128xf32, #tpu.memory_space<vmem>> -> memref<1x64xf32, #tpu.memory_space<vmem>>
          %dma_start3A_1671 = tpu.memref_squeeze %dma_start3A_1670 : memref<1x64xf32, #tpu.memory_space<vmem>> -> memref<64xf32, #tpu.memory_space<vmem>>
          %dma_start3A_1672 = arith.constant 0 : i32
          %dma_start3A_1673 = tpu.memref_slice %arg11[%add3A_1668, %dma_start3A_1672] : memref<64x64xi32, #tpu.memory_space<vmem>> -> memref<1x64xi32, #tpu.memory_space<vmem>>
          %dma_start3A_1674 = tpu.memref_squeeze %dma_start3A_1673 : memref<1x64xi32, #tpu.memory_space<vmem>> -> memref<64xi32, #tpu.memory_space<vmem>>
          %dma_start3A_1675 = arith.constant 0 : i32
          %dma_start3A_1676 = tpu.memref_slice %arg20[%dma_start3A_1675] : memref<10240xf32, #tpu.memory_space<vmem_shared>> -> memref<10240xf32, #tpu.memory_space<vmem_shared>>
          tpu.enqueue_indirect_dma source(%dma_start3A_1671 : memref<64xf32, #tpu.memory_space<vmem>>) target(%dma_start3A_1676 : memref<10240xf32, #tpu.memory_space<vmem_shared>>) offsets(%dma_start3A_1674 : memref<64xi32, #tpu.memory_space<vmem>>) semaphore(%arg22 : memref<!tpu.dma_semaphore, #tpu.memory_space<semaphore_mem>>) {add = true}
          %mul3A_1677 = arith.constant 16 : i32
          %mul3A_1678 = arith.muli %scan3A_1564, %mul3A_1677 : i32
          %add3A_1679 = arith.constant 7 : i32
          %add3A_1680 = arith.addi %mul3A_1678, %add3A_1679 : i32
          %mul3A_1681 = arith.constant 16 : i32
          %mul3A_1682 = arith.muli %scan3A_1564, %mul3A_1681 : i32
          %add3A_1683 = arith.constant 7 : i32
          %add3A_1684 = arith.addi %mul3A_1682, %add3A_1683 : i32
          %dma_start3A_1685 = arith.constant 64 : i32
          %dma_start3A_1686 = tpu.memref_slice %arg10[%add3A_1680, %dma_start3A_1685] : memref<64x128xf32, #tpu.memory_space<vmem>> -> memref<1x64xf32, #tpu.memory_space<vmem>>
          %dma_start3A_1687 = tpu.memref_squeeze %dma_start3A_1686 : memref<1x64xf32, #tpu.memory_space<vmem>> -> memref<64xf32, #tpu.memory_space<vmem>>
          %dma_start3A_1688 = arith.constant 0 : i32
          %dma_start3A_1689 = tpu.memref_slice %arg11[%add3A_1684, %dma_start3A_1688] : memref<64x64xi32, #tpu.memory_space<vmem>> -> memref<1x64xi32, #tpu.memory_space<vmem>>
          %dma_start3A_1690 = tpu.memref_squeeze %dma_start3A_1689 : memref<1x64xi32, #tpu.memory_space<vmem>> -> memref<64xi32, #tpu.memory_space<vmem>>
          %dma_start3A_1691 = arith.constant 0 : i32
          %dma_start3A_1692 = tpu.memref_slice %arg20[%dma_start3A_1691] : memref<10240xf32, #tpu.memory_space<vmem_shared>> -> memref<10240xf32, #tpu.memory_space<vmem_shared>>
          tpu.enqueue_indirect_dma source(%dma_start3A_1687 : memref<64xf32, #tpu.memory_space<vmem>>) target(%dma_start3A_1692 : memref<10240xf32, #tpu.memory_space<vmem_shared>>) offsets(%dma_start3A_1690 : memref<64xi32, #tpu.memory_space<vmem>>) semaphore(%arg22 : memref<!tpu.dma_semaphore, #tpu.memory_space<semaphore_mem>>) {add = true}
          %mul3A_1693 = arith.constant 16 : i32
          %mul3A_1694 = arith.muli %scan3A_1564, %mul3A_1693 : i32
          %add3A_1695 = arith.constant 8 : i32
          %add3A_1696 = arith.addi %mul3A_1694, %add3A_1695 : i32
          %mul3A_1697 = arith.constant 16 : i32
          %mul3A_1698 = arith.muli %scan3A_1564, %mul3A_1697 : i32
          %add3A_1699 = arith.constant 8 : i32
          %add3A_1700 = arith.addi %mul3A_1698, %add3A_1699 : i32
          %dma_start3A_1701 = arith.constant 64 : i32
          %dma_start3A_1702 = tpu.memref_slice %arg10[%add3A_1696, %dma_start3A_1701] : memref<64x128xf32, #tpu.memory_space<vmem>> -> memref<1x64xf32, #tpu.memory_space<vmem>>
          %dma_start3A_1703 = tpu.memref_squeeze %dma_start3A_1702 : memref<1x64xf32, #tpu.memory_space<vmem>> -> memref<64xf32, #tpu.memory_space<vmem>>
          %dma_start3A_1704 = arith.constant 0 : i32
          %dma_start3A_1705 = tpu.memref_slice %arg11[%add3A_1700, %dma_start3A_1704] : memref<64x64xi32, #tpu.memory_space<vmem>> -> memref<1x64xi32, #tpu.memory_space<vmem>>
          %dma_start3A_1706 = tpu.memref_squeeze %dma_start3A_1705 : memref<1x64xi32, #tpu.memory_space<vmem>> -> memref<64xi32, #tpu.memory_space<vmem>>
          %dma_start3A_1707 = arith.constant 0 : i32
          %dma_start3A_1708 = tpu.memref_slice %arg20[%dma_start3A_1707] : memref<10240xf32, #tpu.memory_space<vmem_shared>> -> memref<10240xf32, #tpu.memory_space<vmem_shared>>
          tpu.enqueue_indirect_dma source(%dma_start3A_1703 : memref<64xf32, #tpu.memory_space<vmem>>) target(%dma_start3A_1708 : memref<10240xf32, #tpu.memory_space<vmem_shared>>) offsets(%dma_start3A_1706 : memref<64xi32, #tpu.memory_space<vmem>>) semaphore(%arg22 : memref<!tpu.dma_semaphore, #tpu.memory_space<semaphore_mem>>) {add = true}
          %mul3A_1709 = arith.constant 16 : i32
          %mul3A_1710 = arith.muli %scan3A_1564, %mul3A_1709 : i32
          %add3A_1711 = arith.constant 9 : i32
          %add3A_1712 = arith.addi %mul3A_1710, %add3A_1711 : i32
          %mul3A_1713 = arith.constant 16 : i32
          %mul3A_1714 = arith.muli %scan3A_1564, %mul3A_1713 : i32
          %add3A_1715 = arith.constant 9 : i32
          %add3A_1716 = arith.addi %mul3A_1714, %add3A_1715 : i32
          %dma_start3A_1717 = arith.constant 64 : i32
          %dma_start3A_1718 = tpu.memref_slice %arg10[%add3A_1712, %dma_start3A_1717] : memref<64x128xf32, #tpu.memory_space<vmem>> -> memref<1x64xf32, #tpu.memory_space<vmem>>
          %dma_start3A_1719 = tpu.memref_squeeze %dma_start3A_1718 : memref<1x64xf32, #tpu.memory_space<vmem>> -> memref<64xf32, #tpu.memory_space<vmem>>
          %dma_start3A_1720 = arith.constant 0 : i32
          %dma_start3A_1721 = tpu.memref_slice %arg11[%add3A_1716, %dma_start3A_1720] : memref<64x64xi32, #tpu.memory_space<vmem>> -> memref<1x64xi32, #tpu.memory_space<vmem>>
          %dma_start3A_1722 = tpu.memref_squeeze %dma_start3A_1721 : memref<1x64xi32, #tpu.memory_space<vmem>> -> memref<64xi32, #tpu.memory_space<vmem>>
          %dma_start3A_1723 = arith.constant 0 : i32
          %dma_start3A_1724 = tpu.memref_slice %arg20[%dma_start3A_1723] : memref<10240xf32, #tpu.memory_space<vmem_shared>> -> memref<10240xf32, #tpu.memory_space<vmem_shared>>
          tpu.enqueue_indirect_dma source(%dma_start3A_1719 : memref<64xf32, #tpu.memory_space<vmem>>) target(%dma_start3A_1724 : memref<10240xf32, #tpu.memory_space<vmem_shared>>) offsets(%dma_start3A_1722 : memref<64xi32, #tpu.memory_space<vmem>>) semaphore(%arg22 : memref<!tpu.dma_semaphore, #tpu.memory_space<semaphore_mem>>) {add = true}
          %mul3A_1725 = arith.constant 16 : i32
          %mul3A_1726 = arith.muli %scan3A_1564, %mul3A_1725 : i32
          %add3A_1727 = arith.constant 10 : i32
          %add3A_1728 = arith.addi %mul3A_1726, %add3A_1727 : i32
          %mul3A_1729 = arith.constant 16 : i32
          %mul3A_1730 = arith.muli %scan3A_1564, %mul3A_1729 : i32
          %add3A_1731 = arith.constant 10 : i32
          %add3A_1732 = arith.addi %mul3A_1730, %add3A_1731 : i32
          %dma_start3A_1733 = arith.constant 64 : i32
          %dma_start3A_1734 = tpu.memref_slice %arg10[%add3A_1728, %dma_start3A_1733] : memref<64x128xf32, #tpu.memory_space<vmem>> -> memref<1x64xf32, #tpu.memory_space<vmem>>
          %dma_start3A_1735 = tpu.memref_squeeze %dma_start3A_1734 : memref<1x64xf32, #tpu.memory_space<vmem>> -> memref<64xf32, #tpu.memory_space<vmem>>
          %dma_start3A_1736 = arith.constant 0 : i32
          %dma_start3A_1737 = tpu.memref_slice %arg11[%add3A_1732, %dma_start3A_1736] : memref<64x64xi32, #tpu.memory_space<vmem>> -> memref<1x64xi32, #tpu.memory_space<vmem>>
          %dma_start3A_1738 = tpu.memref_squeeze %dma_start3A_1737 : memref<1x64xi32, #tpu.memory_space<vmem>> -> memref<64xi32, #tpu.memory_space<vmem>>
          %dma_start3A_1739 = arith.constant 0 : i32
          %dma_start3A_1740 = tpu.memref_slice %arg20[%dma_start3A_1739] : memref<10240xf32, #tpu.memory_space<vmem_shared>> -> memref<10240xf32, #tpu.memory_space<vmem_shared>>
          tpu.enqueue_indirect_dma source(%dma_start3A_1735 : memref<64xf32, #tpu.memory_space<vmem>>) target(%dma_start3A_1740 : memref<10240xf32, #tpu.memory_space<vmem_shared>>) offsets(%dma_start3A_1738 : memref<64xi32, #tpu.memory_space<vmem>>) semaphore(%arg22 : memref<!tpu.dma_semaphore, #tpu.memory_space<semaphore_mem>>) {add = true}
          %mul3A_1741 = arith.constant 16 : i32
          %mul3A_1742 = arith.muli %scan3A_1564, %mul3A_1741 : i32
          %add3A_1743 = arith.constant 11 : i32
          %add3A_1744 = arith.addi %mul3A_1742, %add3A_1743 : i32
          %mul3A_1745 = arith.constant 16 : i32
          %mul3A_1746 = arith.muli %scan3A_1564, %mul3A_1745 : i32
          %add3A_1747 = arith.constant 11 : i32
          %add3A_1748 = arith.addi %mul3A_1746, %add3A_1747 : i32
          %dma_start3A_1749 = arith.constant 64 : i32
          %dma_start3A_1750 = tpu.memref_slice %arg10[%add3A_1744, %dma_start3A_1749] : memref<64x128xf32, #tpu.memory_space<vmem>> -> memref<1x64xf32, #tpu.memory_space<vmem>>
          %dma_start3A_1751 = tpu.memref_squeeze %dma_start3A_1750 : memref<1x64xf32, #tpu.memory_space<vmem>> -> memref<64xf32, #tpu.memory_space<vmem>>
          %dma_start3A_1752 = arith.constant 0 : i32
          %dma_start3A_1753 = tpu.memref_slice %arg11[%add3A_1748, %dma_start3A_1752] : memref<64x64xi32, #tpu.memory_space<vmem>> -> memref<1x64xi32, #tpu.memory_space<vmem>>
          %dma_start3A_1754 = tpu.memref_squeeze %dma_start3A_1753 : memref<1x64xi32, #tpu.memory_space<vmem>> -> memref<64xi32, #tpu.memory_space<vmem>>
          %dma_start3A_1755 = arith.constant 0 : i32
          %dma_start3A_1756 = tpu.memref_slice %arg20[%dma_start3A_1755] : memref<10240xf32, #tpu.memory_space<vmem_shared>> -> memref<10240xf32, #tpu.memory_space<vmem_shared>>
          tpu.enqueue_indirect_dma source(%dma_start3A_1751 : memref<64xf32, #tpu.memory_space<vmem>>) target(%dma_start3A_1756 : memref<10240xf32, #tpu.memory_space<vmem_shared>>) offsets(%dma_start3A_1754 : memref<64xi32, #tpu.memory_space<vmem>>) semaphore(%arg22 : memref<!tpu.dma_semaphore, #tpu.memory_space<semaphore_mem>>) {add = true}
          %mul3A_1757 = arith.constant 16 : i32
          %mul3A_1758 = arith.muli %scan3A_1564, %mul3A_1757 : i32
          %add3A_1759 = arith.constant 12 : i32
          %add3A_1760 = arith.addi %mul3A_1758, %add3A_1759 : i32
          %mul3A_1761 = arith.constant 16 : i32
          %mul3A_1762 = arith.muli %scan3A_1564, %mul3A_1761 : i32
          %add3A_1763 = arith.constant 12 : i32
          %add3A_1764 = arith.addi %mul3A_1762, %add3A_1763 : i32
          %dma_start3A_1765 = arith.constant 64 : i32
          %dma_start3A_1766 = tpu.memref_slice %arg10[%add3A_1760, %dma_start3A_1765] : memref<64x128xf32, #tpu.memory_space<vmem>> -> memref<1x64xf32, #tpu.memory_space<vmem>>
          %dma_start3A_1767 = tpu.memref_squeeze %dma_start3A_1766 : memref<1x64xf32, #tpu.memory_space<vmem>> -> memref<64xf32, #tpu.memory_space<vmem>>
          %dma_start3A_1768 = arith.constant 0 : i32
          %dma_start3A_1769 = tpu.memref_slice %arg11[%add3A_1764, %dma_start3A_1768] : memref<64x64xi32, #tpu.memory_space<vmem>> -> memref<1x64xi32, #tpu.memory_space<vmem>>
          %dma_start3A_1770 = tpu.memref_squeeze %dma_start3A_1769 : memref<1x64xi32, #tpu.memory_space<vmem>> -> memref<64xi32, #tpu.memory_space<vmem>>
          %dma_start3A_1771 = arith.constant 0 : i32
          %dma_start3A_1772 = tpu.memref_slice %arg20[%dma_start3A_1771] : memref<10240xf32, #tpu.memory_space<vmem_shared>> -> memref<10240xf32, #tpu.memory_space<vmem_shared>>
          tpu.enqueue_indirect_dma source(%dma_start3A_1767 : memref<64xf32, #tpu.memory_space<vmem>>) target(%dma_start3A_1772 : memref<10240xf32, #tpu.memory_space<vmem_shared>>) offsets(%dma_start3A_1770 : memref<64xi32, #tpu.memory_space<vmem>>) semaphore(%arg22 : memref<!tpu.dma_semaphore, #tpu.memory_space<semaphore_mem>>) {add = true}
          %mul3A_1773 = arith.constant 16 : i32
          %mul3A_1774 = arith.muli %scan3A_1564, %mul3A_1773 : i32
          %add3A_1775 = arith.constant 13 : i32
          %add3A_1776 = arith.addi %mul3A_1774, %add3A_1775 : i32
          %mul3A_1777 = arith.constant 16 : i32
          %mul3A_1778 = arith.muli %scan3A_1564, %mul3A_1777 : i32
          %add3A_1779 = arith.constant 13 : i32
          %add3A_1780 = arith.addi %mul3A_1778, %add3A_1779 : i32
          %dma_start3A_1781 = arith.constant 64 : i32
          %dma_start3A_1782 = tpu.memref_slice %arg10[%add3A_1776, %dma_start3A_1781] : memref<64x128xf32, #tpu.memory_space<vmem>> -> memref<1x64xf32, #tpu.memory_space<vmem>>
          %dma_start3A_1783 = tpu.memref_squeeze %dma_start3A_1782 : memref<1x64xf32, #tpu.memory_space<vmem>> -> memref<64xf32, #tpu.memory_space<vmem>>
          %dma_start3A_1784 = arith.constant 0 : i32
          %dma_start3A_1785 = tpu.memref_slice %arg11[%add3A_1780, %dma_start3A_1784] : memref<64x64xi32, #tpu.memory_space<vmem>> -> memref<1x64xi32, #tpu.memory_space<vmem>>
          %dma_start3A_1786 = tpu.memref_squeeze %dma_start3A_1785 : memref<1x64xi32, #tpu.memory_space<vmem>> -> memref<64xi32, #tpu.memory_space<vmem>>
          %dma_start3A_1787 = arith.constant 0 : i32
          %dma_start3A_1788 = tpu.memref_slice %arg20[%dma_start3A_1787] : memref<10240xf32, #tpu.memory_space<vmem_shared>> -> memref<10240xf32, #tpu.memory_space<vmem_shared>>
          tpu.enqueue_indirect_dma source(%dma_start3A_1783 : memref<64xf32, #tpu.memory_space<vmem>>) target(%dma_start3A_1788 : memref<10240xf32, #tpu.memory_space<vmem_shared>>) offsets(%dma_start3A_1786 : memref<64xi32, #tpu.memory_space<vmem>>) semaphore(%arg22 : memref<!tpu.dma_semaphore, #tpu.memory_space<semaphore_mem>>) {add = true}
          %mul3A_1789 = arith.constant 16 : i32
          %mul3A_1790 = arith.muli %scan3A_1564, %mul3A_1789 : i32
          %add3A_1791 = arith.constant 14 : i32
          %add3A_1792 = arith.addi %mul3A_1790, %add3A_1791 : i32
          %mul3A_1793 = arith.constant 16 : i32
          %mul3A_1794 = arith.muli %scan3A_1564, %mul3A_1793 : i32
          %add3A_1795 = arith.constant 14 : i32
          %add3A_1796 = arith.addi %mul3A_1794, %add3A_1795 : i32
          %dma_start3A_1797 = arith.constant 64 : i32
          %dma_start3A_1798 = tpu.memref_slice %arg10[%add3A_1792, %dma_start3A_1797] : memref<64x128xf32, #tpu.memory_space<vmem>> -> memref<1x64xf32, #tpu.memory_space<vmem>>
          %dma_start3A_1799 = tpu.memref_squeeze %dma_start3A_1798 : memref<1x64xf32, #tpu.memory_space<vmem>> -> memref<64xf32, #tpu.memory_space<vmem>>
          %dma_start3A_1800 = arith.constant 0 : i32
          %dma_start3A_1801 = tpu.memref_slice %arg11[%add3A_1796, %dma_start3A_1800] : memref<64x64xi32, #tpu.memory_space<vmem>> -> memref<1x64xi32, #tpu.memory_space<vmem>>
          %dma_start3A_1802 = tpu.memref_squeeze %dma_start3A_1801 : memref<1x64xi32, #tpu.memory_space<vmem>> -> memref<64xi32, #tpu.memory_space<vmem>>
          %dma_start3A_1803 = arith.constant 0 : i32
          %dma_start3A_1804 = tpu.memref_slice %arg20[%dma_start3A_1803] : memref<10240xf32, #tpu.memory_space<vmem_shared>> -> memref<10240xf32, #tpu.memory_space<vmem_shared>>
          tpu.enqueue_indirect_dma source(%dma_start3A_1799 : memref<64xf32, #tpu.memory_space<vmem>>) target(%dma_start3A_1804 : memref<10240xf32, #tpu.memory_space<vmem_shared>>) offsets(%dma_start3A_1802 : memref<64xi32, #tpu.memory_space<vmem>>) semaphore(%arg22 : memref<!tpu.dma_semaphore, #tpu.memory_space<semaphore_mem>>) {add = true}
          %mul3A_1805 = arith.constant 16 : i32
          %mul3A_1806 = arith.muli %scan3A_1564, %mul3A_1805 : i32
          %add3A_1807 = arith.constant 15 : i32
          %add3A_1808 = arith.addi %mul3A_1806, %add3A_1807 : i32
          %mul3A_1809 = arith.constant 16 : i32
          %mul3A_1810 = arith.muli %scan3A_1564, %mul3A_1809 : i32
          %add3A_1811 = arith.constant 15 : i32
          %add3A_1812 = arith.addi %mul3A_1810, %add3A_1811 : i32
          %dma_start3A_1813 = arith.constant 64 : i32
          %dma_start3A_1814 = tpu.memref_slice %arg10[%add3A_1808, %dma_start3A_1813] : memref<64x128xf32, #tpu.memory_space<vmem>> -> memref<1x64xf32, #tpu.memory_space<vmem>>
          %dma_start3A_1815 = tpu.memref_squeeze %dma_start3A_1814 : memref<1x64xf32, #tpu.memory_space<vmem>> -> memref<64xf32, #tpu.memory_space<vmem>>
          %dma_start3A_1816 = arith.constant 0 : i32
          %dma_start3A_1817 = tpu.memref_slice %arg11[%add3A_1812, %dma_start3A_1816] : memref<64x64xi32, #tpu.memory_space<vmem>> -> memref<1x64xi32, #tpu.memory_space<vmem>>
          %dma_start3A_1818 = tpu.memref_squeeze %dma_start3A_1817 : memref<1x64xi32, #tpu.memory_space<vmem>> -> memref<64xi32, #tpu.memory_space<vmem>>
          %dma_start3A_1819 = arith.constant 0 : i32
          %dma_start3A_1820 = tpu.memref_slice %arg20[%dma_start3A_1819] : memref<10240xf32, #tpu.memory_space<vmem_shared>> -> memref<10240xf32, #tpu.memory_space<vmem_shared>>
          tpu.enqueue_indirect_dma source(%dma_start3A_1815 : memref<64xf32, #tpu.memory_space<vmem>>) target(%dma_start3A_1820 : memref<10240xf32, #tpu.memory_space<vmem_shared>>) offsets(%dma_start3A_1818 : memref<64xi32, #tpu.memory_space<vmem>>) semaphore(%arg22 : memref<!tpu.dma_semaphore, #tpu.memory_space<semaphore_mem>>) {add = true}
          %dma_wait3A_1821 = arith.constant 64 : i32
          %dma_wait3A_1822 = tpu.memref_slice %arg10[%add3A_1568, %dma_wait3A_1821] : memref<64x128xf32, #tpu.memory_space<vmem>> -> memref<1x64xf32, #tpu.memory_space<vmem>>
          %dma_wait3A_1823 = tpu.memref_squeeze %dma_wait3A_1822 : memref<1x64xf32, #tpu.memory_space<vmem>> -> memref<64xf32, #tpu.memory_space<vmem>>
          %dma_wait3A_1824 = arith.constant 0 : i32
          %dma_wait3A_1825 = tpu.memref_slice %arg11[%add3A_1572, %dma_wait3A_1824] : memref<64x64xi32, #tpu.memory_space<vmem>> -> memref<1x64xi32, #tpu.memory_space<vmem>>
          %dma_wait3A_1826 = tpu.memref_squeeze %dma_wait3A_1825 : memref<1x64xi32, #tpu.memory_space<vmem>> -> memref<64xi32, #tpu.memory_space<vmem>>
          %dma_wait3A_1827 = arith.constant 0 : i32
          %dma_wait3A_1828 = tpu.memref_slice %arg20[%dma_wait3A_1827] : memref<10240xf32, #tpu.memory_space<vmem_shared>> -> memref<10240xf32, #tpu.memory_space<vmem_shared>>
          tpu.wait_indirect_dma semaphore(%arg22 : memref<!tpu.dma_semaphore, #tpu.memory_space<semaphore_mem>>) src(%dma_wait3A_1823 : memref<64xf32, #tpu.memory_space<vmem>>) dst(%dma_wait3A_1828 : memref<10240xf32, #tpu.memory_space<vmem_shared>>)
          %dma_wait3A_1829 = arith.constant 64 : i32
          %dma_wait3A_1830 = tpu.memref_slice %arg10[%add3A_1584, %dma_wait3A_1829] : memref<64x128xf32, #tpu.memory_space<vmem>> -> memref<1x64xf32, #tpu.memory_space<vmem>>
          %dma_wait3A_1831 = tpu.memref_squeeze %dma_wait3A_1830 : memref<1x64xf32, #tpu.memory_space<vmem>> -> memref<64xf32, #tpu.memory_space<vmem>>
          %dma_wait3A_1832 = arith.constant 0 : i32
          %dma_wait3A_1833 = tpu.memref_slice %arg11[%add3A_1588, %dma_wait3A_1832] : memref<64x64xi32, #tpu.memory_space<vmem>> -> memref<1x64xi32, #tpu.memory_space<vmem>>
          %dma_wait3A_1834 = tpu.memref_squeeze %dma_wait3A_1833 : memref<1x64xi32, #tpu.memory_space<vmem>> -> memref<64xi32, #tpu.memory_space<vmem>>
          %dma_wait3A_1835 = arith.constant 0 : i32
          %dma_wait3A_1836 = tpu.memref_slice %arg20[%dma_wait3A_1835] : memref<10240xf32, #tpu.memory_space<vmem_shared>> -> memref<10240xf32, #tpu.memory_space<vmem_shared>>
          tpu.wait_indirect_dma semaphore(%arg22 : memref<!tpu.dma_semaphore, #tpu.memory_space<semaphore_mem>>) src(%dma_wait3A_1831 : memref<64xf32, #tpu.memory_space<vmem>>) dst(%dma_wait3A_1836 : memref<10240xf32, #tpu.memory_space<vmem_shared>>)
          %dma_wait3A_1837 = arith.constant 64 : i32
          %dma_wait3A_1838 = tpu.memref_slice %arg10[%add3A_1600, %dma_wait3A_1837] : memref<64x128xf32, #tpu.memory_space<vmem>> -> memref<1x64xf32, #tpu.memory_space<vmem>>
          %dma_wait3A_1839 = tpu.memref_squeeze %dma_wait3A_1838 : memref<1x64xf32, #tpu.memory_space<vmem>> -> memref<64xf32, #tpu.memory_space<vmem>>
          %dma_wait3A_1840 = arith.constant 0 : i32
          %dma_wait3A_1841 = tpu.memref_slice %arg11[%add3A_1604, %dma_wait3A_1840] : memref<64x64xi32, #tpu.memory_space<vmem>> -> memref<1x64xi32, #tpu.memory_space<vmem>>
          %dma_wait3A_1842 = tpu.memref_squeeze %dma_wait3A_1841 : memref<1x64xi32, #tpu.memory_space<vmem>> -> memref<64xi32, #tpu.memory_space<vmem>>
          %dma_wait3A_1843 = arith.constant 0 : i32
          %dma_wait3A_1844 = tpu.memref_slice %arg20[%dma_wait3A_1843] : memref<10240xf32, #tpu.memory_space<vmem_shared>> -> memref<10240xf32, #tpu.memory_space<vmem_shared>>
          tpu.wait_indirect_dma semaphore(%arg22 : memref<!tpu.dma_semaphore, #tpu.memory_space<semaphore_mem>>) src(%dma_wait3A_1839 : memref<64xf32, #tpu.memory_space<vmem>>) dst(%dma_wait3A_1844 : memref<10240xf32, #tpu.memory_space<vmem_shared>>)
          %dma_wait3A_1845 = arith.constant 64 : i32
          %dma_wait3A_1846 = tpu.memref_slice %arg10[%add3A_1616, %dma_wait3A_1845] : memref<64x128xf32, #tpu.memory_space<vmem>> -> memref<1x64xf32, #tpu.memory_space<vmem>>
          %dma_wait3A_1847 = tpu.memref_squeeze %dma_wait3A_1846 : memref<1x64xf32, #tpu.memory_space<vmem>> -> memref<64xf32, #tpu.memory_space<vmem>>
          %dma_wait3A_1848 = arith.constant 0 : i32
          %dma_wait3A_1849 = tpu.memref_slice %arg11[%add3A_1620, %dma_wait3A_1848] : memref<64x64xi32, #tpu.memory_space<vmem>> -> memref<1x64xi32, #tpu.memory_space<vmem>>
          %dma_wait3A_1850 = tpu.memref_squeeze %dma_wait3A_1849 : memref<1x64xi32, #tpu.memory_space<vmem>> -> memref<64xi32, #tpu.memory_space<vmem>>
          %dma_wait3A_1851 = arith.constant 0 : i32
          %dma_wait3A_1852 = tpu.memref_slice %arg20[%dma_wait3A_1851] : memref<10240xf32, #tpu.memory_space<vmem_shared>> -> memref<10240xf32, #tpu.memory_space<vmem_shared>>
          tpu.wait_indirect_dma semaphore(%arg22 : memref<!tpu.dma_semaphore, #tpu.memory_space<semaphore_mem>>) src(%dma_wait3A_1847 : memref<64xf32, #tpu.memory_space<vmem>>) dst(%dma_wait3A_1852 : memref<10240xf32, #tpu.memory_space<vmem_shared>>)
          %dma_wait3A_1853 = arith.constant 64 : i32
          %dma_wait3A_1854 = tpu.memref_slice %arg10[%add3A_1632, %dma_wait3A_1853] : memref<64x128xf32, #tpu.memory_space<vmem>> -> memref<1x64xf32, #tpu.memory_space<vmem>>
          %dma_wait3A_1855 = tpu.memref_squeeze %dma_wait3A_1854 : memref<1x64xf32, #tpu.memory_space<vmem>> -> memref<64xf32, #tpu.memory_space<vmem>>
          %dma_wait3A_1856 = arith.constant 0 : i32
          %dma_wait3A_1857 = tpu.memref_slice %arg11[%add3A_1636, %dma_wait3A_1856] : memref<64x64xi32, #tpu.memory_space<vmem>> -> memref<1x64xi32, #tpu.memory_space<vmem>>
          %dma_wait3A_1858 = tpu.memref_squeeze %dma_wait3A_1857 : memref<1x64xi32, #tpu.memory_space<vmem>> -> memref<64xi32, #tpu.memory_space<vmem>>
          %dma_wait3A_1859 = arith.constant 0 : i32
          %dma_wait3A_1860 = tpu.memref_slice %arg20[%dma_wait3A_1859] : memref<10240xf32, #tpu.memory_space<vmem_shared>> -> memref<10240xf32, #tpu.memory_space<vmem_shared>>
          tpu.wait_indirect_dma semaphore(%arg22 : memref<!tpu.dma_semaphore, #tpu.memory_space<semaphore_mem>>) src(%dma_wait3A_1855 : memref<64xf32, #tpu.memory_space<vmem>>) dst(%dma_wait3A_1860 : memref<10240xf32, #tpu.memory_space<vmem_shared>>)
          %dma_wait3A_1861 = arith.constant 64 : i32
          %dma_wait3A_1862 = tpu.memref_slice %arg10[%add3A_1648, %dma_wait3A_1861] : memref<64x128xf32, #tpu.memory_space<vmem>> -> memref<1x64xf32, #tpu.memory_space<vmem>>
          %dma_wait3A_1863 = tpu.memref_squeeze %dma_wait3A_1862 : memref<1x64xf32, #tpu.memory_space<vmem>> -> memref<64xf32, #tpu.memory_space<vmem>>
          %dma_wait3A_1864 = arith.constant 0 : i32
          %dma_wait3A_1865 = tpu.memref_slice %arg11[%add3A_1652, %dma_wait3A_1864] : memref<64x64xi32, #tpu.memory_space<vmem>> -> memref<1x64xi32, #tpu.memory_space<vmem>>
          %dma_wait3A_1866 = tpu.memref_squeeze %dma_wait3A_1865 : memref<1x64xi32, #tpu.memory_space<vmem>> -> memref<64xi32, #tpu.memory_space<vmem>>
          %dma_wait3A_1867 = arith.constant 0 : i32
          %dma_wait3A_1868 = tpu.memref_slice %arg20[%dma_wait3A_1867] : memref<10240xf32, #tpu.memory_space<vmem_shared>> -> memref<10240xf32, #tpu.memory_space<vmem_shared>>
          tpu.wait_indirect_dma semaphore(%arg22 : memref<!tpu.dma_semaphore, #tpu.memory_space<semaphore_mem>>) src(%dma_wait3A_1863 : memref<64xf32, #tpu.memory_space<vmem>>) dst(%dma_wait3A_1868 : memref<10240xf32, #tpu.memory_space<vmem_shared>>)
          %dma_wait3A_1869 = arith.constant 64 : i32
          %dma_wait3A_1870 = tpu.memref_slice %arg10[%add3A_1664, %dma_wait3A_1869] : memref<64x128xf32, #tpu.memory_space<vmem>> -> memref<1x64xf32, #tpu.memory_space<vmem>>
          %dma_wait3A_1871 = tpu.memref_squeeze %dma_wait3A_1870 : memref<1x64xf32, #tpu.memory_space<vmem>> -> memref<64xf32, #tpu.memory_space<vmem>>
          %dma_wait3A_1872 = arith.constant 0 : i32
          %dma_wait3A_1873 = tpu.memref_slice %arg11[%add3A_1668, %dma_wait3A_1872] : memref<64x64xi32, #tpu.memory_space<vmem>> -> memref<1x64xi32, #tpu.memory_space<vmem>>
          %dma_wait3A_1874 = tpu.memref_squeeze %dma_wait3A_1873 : memref<1x64xi32, #tpu.memory_space<vmem>> -> memref<64xi32, #tpu.memory_space<vmem>>
          %dma_wait3A_1875 = arith.constant 0 : i32
          %dma_wait3A_1876 = tpu.memref_slice %arg20[%dma_wait3A_1875] : memref<10240xf32, #tpu.memory_space<vmem_shared>> -> memref<10240xf32, #tpu.memory_space<vmem_shared>>
          tpu.wait_indirect_dma semaphore(%arg22 : memref<!tpu.dma_semaphore, #tpu.memory_space<semaphore_mem>>) src(%dma_wait3A_1871 : memref<64xf32, #tpu.memory_space<vmem>>) dst(%dma_wait3A_1876 : memref<10240xf32, #tpu.memory_space<vmem_shared>>)
          %dma_wait3A_1877 = arith.constant 64 : i32
          %dma_wait3A_1878 = tpu.memref_slice %arg10[%add3A_1680, %dma_wait3A_1877] : memref<64x128xf32, #tpu.memory_space<vmem>> -> memref<1x64xf32, #tpu.memory_space<vmem>>
          %dma_wait3A_1879 = tpu.memref_squeeze %dma_wait3A_1878 : memref<1x64xf32, #tpu.memory_space<vmem>> -> memref<64xf32, #tpu.memory_space<vmem>>
          %dma_wait3A_1880 = arith.constant 0 : i32
          %dma_wait3A_1881 = tpu.memref_slice %arg11[%add3A_1684, %dma_wait3A_1880] : memref<64x64xi32, #tpu.memory_space<vmem>> -> memref<1x64xi32, #tpu.memory_space<vmem>>
          %dma_wait3A_1882 = tpu.memref_squeeze %dma_wait3A_1881 : memref<1x64xi32, #tpu.memory_space<vmem>> -> memref<64xi32, #tpu.memory_space<vmem>>
          %dma_wait3A_1883 = arith.constant 0 : i32
          %dma_wait3A_1884 = tpu.memref_slice %arg20[%dma_wait3A_1883] : memref<10240xf32, #tpu.memory_space<vmem_shared>> -> memref<10240xf32, #tpu.memory_space<vmem_shared>>
          tpu.wait_indirect_dma semaphore(%arg22 : memref<!tpu.dma_semaphore, #tpu.memory_space<semaphore_mem>>) src(%dma_wait3A_1879 : memref<64xf32, #tpu.memory_space<vmem>>) dst(%dma_wait3A_1884 : memref<10240xf32, #tpu.memory_space<vmem_shared>>)
          %dma_wait3A_1885 = arith.constant 64 : i32
          %dma_wait3A_1886 = tpu.memref_slice %arg10[%add3A_1696, %dma_wait3A_1885] : memref<64x128xf32, #tpu.memory_space<vmem>> -> memref<1x64xf32, #tpu.memory_space<vmem>>
          %dma_wait3A_1887 = tpu.memref_squeeze %dma_wait3A_1886 : memref<1x64xf32, #tpu.memory_space<vmem>> -> memref<64xf32, #tpu.memory_space<vmem>>
          %dma_wait3A_1888 = arith.constant 0 : i32
          %dma_wait3A_1889 = tpu.memref_slice %arg11[%add3A_1700, %dma_wait3A_1888] : memref<64x64xi32, #tpu.memory_space<vmem>> -> memref<1x64xi32, #tpu.memory_space<vmem>>
          %dma_wait3A_1890 = tpu.memref_squeeze %dma_wait3A_1889 : memref<1x64xi32, #tpu.memory_space<vmem>> -> memref<64xi32, #tpu.memory_space<vmem>>
          %dma_wait3A_1891 = arith.constant 0 : i32
          %dma_wait3A_1892 = tpu.memref_slice %arg20[%dma_wait3A_1891] : memref<10240xf32, #tpu.memory_space<vmem_shared>> -> memref<10240xf32, #tpu.memory_space<vmem_shared>>
          tpu.wait_indirect_dma semaphore(%arg22 : memref<!tpu.dma_semaphore, #tpu.memory_space<semaphore_mem>>) src(%dma_wait3A_1887 : memref<64xf32, #tpu.memory_space<vmem>>) dst(%dma_wait3A_1892 : memref<10240xf32, #tpu.memory_space<vmem_shared>>)
          %dma_wait3A_1893 = arith.constant 64 : i32
          %dma_wait3A_1894 = tpu.memref_slice %arg10[%add3A_1712, %dma_wait3A_1893] : memref<64x128xf32, #tpu.memory_space<vmem>> -> memref<1x64xf32, #tpu.memory_space<vmem>>
          %dma_wait3A_1895 = tpu.memref_squeeze %dma_wait3A_1894 : memref<1x64xf32, #tpu.memory_space<vmem>> -> memref<64xf32, #tpu.memory_space<vmem>>
          %dma_wait3A_1896 = arith.constant 0 : i32
          %dma_wait3A_1897 = tpu.memref_slice %arg11[%add3A_1716, %dma_wait3A_1896] : memref<64x64xi32, #tpu.memory_space<vmem>> -> memref<1x64xi32, #tpu.memory_space<vmem>>
          %dma_wait3A_1898 = tpu.memref_squeeze %dma_wait3A_1897 : memref<1x64xi32, #tpu.memory_space<vmem>> -> memref<64xi32, #tpu.memory_space<vmem>>
          %dma_wait3A_1899 = arith.constant 0 : i32
          %dma_wait3A_1900 = tpu.memref_slice %arg20[%dma_wait3A_1899] : memref<10240xf32, #tpu.memory_space<vmem_shared>> -> memref<10240xf32, #tpu.memory_space<vmem_shared>>
          tpu.wait_indirect_dma semaphore(%arg22 : memref<!tpu.dma_semaphore, #tpu.memory_space<semaphore_mem>>) src(%dma_wait3A_1895 : memref<64xf32, #tpu.memory_space<vmem>>) dst(%dma_wait3A_1900 : memref<10240xf32, #tpu.memory_space<vmem_shared>>)
          %dma_wait3A_1901 = arith.constant 64 : i32
          %dma_wait3A_1902 = tpu.memref_slice %arg10[%add3A_1728, %dma_wait3A_1901] : memref<64x128xf32, #tpu.memory_space<vmem>> -> memref<1x64xf32, #tpu.memory_space<vmem>>
          %dma_wait3A_1903 = tpu.memref_squeeze %dma_wait3A_1902 : memref<1x64xf32, #tpu.memory_space<vmem>> -> memref<64xf32, #tpu.memory_space<vmem>>
          %dma_wait3A_1904 = arith.constant 0 : i32
          %dma_wait3A_1905 = tpu.memref_slice %arg11[%add3A_1732, %dma_wait3A_1904] : memref<64x64xi32, #tpu.memory_space<vmem>> -> memref<1x64xi32, #tpu.memory_space<vmem>>
          %dma_wait3A_1906 = tpu.memref_squeeze %dma_wait3A_1905 : memref<1x64xi32, #tpu.memory_space<vmem>> -> memref<64xi32, #tpu.memory_space<vmem>>
          %dma_wait3A_1907 = arith.constant 0 : i32
          %dma_wait3A_1908 = tpu.memref_slice %arg20[%dma_wait3A_1907] : memref<10240xf32, #tpu.memory_space<vmem_shared>> -> memref<10240xf32, #tpu.memory_space<vmem_shared>>
          tpu.wait_indirect_dma semaphore(%arg22 : memref<!tpu.dma_semaphore, #tpu.memory_space<semaphore_mem>>) src(%dma_wait3A_1903 : memref<64xf32, #tpu.memory_space<vmem>>) dst(%dma_wait3A_1908 : memref<10240xf32, #tpu.memory_space<vmem_shared>>)
          %dma_wait3A_1909 = arith.constant 64 : i32
          %dma_wait3A_1910 = tpu.memref_slice %arg10[%add3A_1744, %dma_wait3A_1909] : memref<64x128xf32, #tpu.memory_space<vmem>> -> memref<1x64xf32, #tpu.memory_space<vmem>>
          %dma_wait3A_1911 = tpu.memref_squeeze %dma_wait3A_1910 : memref<1x64xf32, #tpu.memory_space<vmem>> -> memref<64xf32, #tpu.memory_space<vmem>>
          %dma_wait3A_1912 = arith.constant 0 : i32
          %dma_wait3A_1913 = tpu.memref_slice %arg11[%add3A_1748, %dma_wait3A_1912] : memref<64x64xi32, #tpu.memory_space<vmem>> -> memref<1x64xi32, #tpu.memory_space<vmem>>
          %dma_wait3A_1914 = tpu.memref_squeeze %dma_wait3A_1913 : memref<1x64xi32, #tpu.memory_space<vmem>> -> memref<64xi32, #tpu.memory_space<vmem>>
          %dma_wait3A_1915 = arith.constant 0 : i32
          %dma_wait3A_1916 = tpu.memref_slice %arg20[%dma_wait3A_1915] : memref<10240xf32, #tpu.memory_space<vmem_shared>> -> memref<10240xf32, #tpu.memory_space<vmem_shared>>
          tpu.wait_indirect_dma semaphore(%arg22 : memref<!tpu.dma_semaphore, #tpu.memory_space<semaphore_mem>>) src(%dma_wait3A_1911 : memref<64xf32, #tpu.memory_space<vmem>>) dst(%dma_wait3A_1916 : memref<10240xf32, #tpu.memory_space<vmem_shared>>)
          %dma_wait3A_1917 = arith.constant 64 : i32
          %dma_wait3A_1918 = tpu.memref_slice %arg10[%add3A_1760, %dma_wait3A_1917] : memref<64x128xf32, #tpu.memory_space<vmem>> -> memref<1x64xf32, #tpu.memory_space<vmem>>
          %dma_wait3A_1919 = tpu.memref_squeeze %dma_wait3A_1918 : memref<1x64xf32, #tpu.memory_space<vmem>> -> memref<64xf32, #tpu.memory_space<vmem>>
          %dma_wait3A_1920 = arith.constant 0 : i32
          %dma_wait3A_1921 = tpu.memref_slice %arg11[%add3A_1764, %dma_wait3A_1920] : memref<64x64xi32, #tpu.memory_space<vmem>> -> memref<1x64xi32, #tpu.memory_space<vmem>>
          %dma_wait3A_1922 = tpu.memref_squeeze %dma_wait3A_1921 : memref<1x64xi32, #tpu.memory_space<vmem>> -> memref<64xi32, #tpu.memory_space<vmem>>
          %dma_wait3A_1923 = arith.constant 0 : i32
          %dma_wait3A_1924 = tpu.memref_slice %arg20[%dma_wait3A_1923] : memref<10240xf32, #tpu.memory_space<vmem_shared>> -> memref<10240xf32, #tpu.memory_space<vmem_shared>>
          tpu.wait_indirect_dma semaphore(%arg22 : memref<!tpu.dma_semaphore, #tpu.memory_space<semaphore_mem>>) src(%dma_wait3A_1919 : memref<64xf32, #tpu.memory_space<vmem>>) dst(%dma_wait3A_1924 : memref<10240xf32, #tpu.memory_space<vmem_shared>>)
          %dma_wait3A_1925 = arith.constant 64 : i32
          %dma_wait3A_1926 = tpu.memref_slice %arg10[%add3A_1776, %dma_wait3A_1925] : memref<64x128xf32, #tpu.memory_space<vmem>> -> memref<1x64xf32, #tpu.memory_space<vmem>>
          %dma_wait3A_1927 = tpu.memref_squeeze %dma_wait3A_1926 : memref<1x64xf32, #tpu.memory_space<vmem>> -> memref<64xf32, #tpu.memory_space<vmem>>
          %dma_wait3A_1928 = arith.constant 0 : i32
          %dma_wait3A_1929 = tpu.memref_slice %arg11[%add3A_1780, %dma_wait3A_1928] : memref<64x64xi32, #tpu.memory_space<vmem>> -> memref<1x64xi32, #tpu.memory_space<vmem>>
          %dma_wait3A_1930 = tpu.memref_squeeze %dma_wait3A_1929 : memref<1x64xi32, #tpu.memory_space<vmem>> -> memref<64xi32, #tpu.memory_space<vmem>>
          %dma_wait3A_1931 = arith.constant 0 : i32
          %dma_wait3A_1932 = tpu.memref_slice %arg20[%dma_wait3A_1931] : memref<10240xf32, #tpu.memory_space<vmem_shared>> -> memref<10240xf32, #tpu.memory_space<vmem_shared>>
          tpu.wait_indirect_dma semaphore(%arg22 : memref<!tpu.dma_semaphore, #tpu.memory_space<semaphore_mem>>) src(%dma_wait3A_1927 : memref<64xf32, #tpu.memory_space<vmem>>) dst(%dma_wait3A_1932 : memref<10240xf32, #tpu.memory_space<vmem_shared>>)
          %dma_wait3A_1933 = arith.constant 64 : i32
          %dma_wait3A_1934 = tpu.memref_slice %arg10[%add3A_1792, %dma_wait3A_1933] : memref<64x128xf32, #tpu.memory_space<vmem>> -> memref<1x64xf32, #tpu.memory_space<vmem>>
          %dma_wait3A_1935 = tpu.memref_squeeze %dma_wait3A_1934 : memref<1x64xf32, #tpu.memory_space<vmem>> -> memref<64xf32, #tpu.memory_space<vmem>>
          %dma_wait3A_1936 = arith.constant 0 : i32
          %dma_wait3A_1937 = tpu.memref_slice %arg11[%add3A_1796, %dma_wait3A_1936] : memref<64x64xi32, #tpu.memory_space<vmem>> -> memref<1x64xi32, #tpu.memory_space<vmem>>
          %dma_wait3A_1938 = tpu.memref_squeeze %dma_wait3A_1937 : memref<1x64xi32, #tpu.memory_space<vmem>> -> memref<64xi32, #tpu.memory_space<vmem>>
          %dma_wait3A_1939 = arith.constant 0 : i32
          %dma_wait3A_1940 = tpu.memref_slice %arg20[%dma_wait3A_1939] : memref<10240xf32, #tpu.memory_space<vmem_shared>> -> memref<10240xf32, #tpu.memory_space<vmem_shared>>
          tpu.wait_indirect_dma semaphore(%arg22 : memref<!tpu.dma_semaphore, #tpu.memory_space<semaphore_mem>>) src(%dma_wait3A_1935 : memref<64xf32, #tpu.memory_space<vmem>>) dst(%dma_wait3A_1940 : memref<10240xf32, #tpu.memory_space<vmem_shared>>)
          %dma_wait3A_1941 = arith.constant 64 : i32
          %dma_wait3A_1942 = tpu.memref_slice %arg10[%add3A_1808, %dma_wait3A_1941] : memref<64x128xf32, #tpu.memory_space<vmem>> -> memref<1x64xf32, #tpu.memory_space<vmem>>
          %dma_wait3A_1943 = tpu.memref_squeeze %dma_wait3A_1942 : memref<1x64xf32, #tpu.memory_space<vmem>> -> memref<64xf32, #tpu.memory_space<vmem>>
          %dma_wait3A_1944 = arith.constant 0 : i32
          %dma_wait3A_1945 = tpu.memref_slice %arg11[%add3A_1812, %dma_wait3A_1944] : memref<64x64xi32, #tpu.memory_space<vmem>> -> memref<1x64xi32, #tpu.memory_space<vmem>>
          %dma_wait3A_1946 = tpu.memref_squeeze %dma_wait3A_1945 : memref<1x64xi32, #tpu.memory_space<vmem>> -> memref<64xi32, #tpu.memory_space<vmem>>
          %dma_wait3A_1947 = arith.constant 0 : i32
          %dma_wait3A_1948 = tpu.memref_slice %arg20[%dma_wait3A_1947] : memref<10240xf32, #tpu.memory_space<vmem_shared>> -> memref<10240xf32, #tpu.memory_space<vmem_shared>>
          tpu.wait_indirect_dma semaphore(%arg22 : memref<!tpu.dma_semaphore, #tpu.memory_space<semaphore_mem>>) src(%dma_wait3A_1943 : memref<64xf32, #tpu.memory_space<vmem>>) dst(%dma_wait3A_1948 : memref<10240xf32, #tpu.memory_space<vmem_shared>>)
        }
        %scan3A_1563 = arith.constant 4 : i32
      }
      %barrier3A_778 = arith.constant 0 : index
      tpu.barrier barrier_id(%barrier3A_778)
      "tpu.region"() ({
        %run_scoped3A = tpu.sem_alloc : memref<!tpu.dma_semaphore, #tpu.memory_space<semaphore_mem>>
        %dma_start3A_1541 = tpu.memref_slice %arg20[%mul3A_6] : memref<10240xf32, #tpu.memory_space<vmem_shared>> -> memref<640xf32, #tpu.memory_space<vmem_shared>>
        %dma_start3A_1542 = tpu.memref_slice %arg20[%mul3A_6] : memref<10240xf32, #tpu.memory_space<vmem_shared>> -> memref<640xf32, #tpu.memory_space<vmem_shared>>
        tpu.enqueue_dma source(%dma_start3A_1542 : memref<640xf32, #tpu.memory_space<vmem_shared>>) target(%arg12 : memref<640xf32, #tpu.memory_space<vmem>>) target_semaphore(%run_scoped3A : memref<!tpu.dma_semaphore, #tpu.memory_space<semaphore_mem>>)
        %dma_wait3A_1543 = tpu.memref_slice %arg20[%mul3A_6] : memref<10240xf32, #tpu.memory_space<vmem_shared>> -> memref<640xf32, #tpu.memory_space<vmem_shared>>
        %dma_wait3A_1544 = tpu.memref_slice %arg20[%mul3A_6] : memref<10240xf32, #tpu.memory_space<vmem_shared>> -> memref<640xf32, #tpu.memory_space<vmem_shared>>
        tpu.wait_dma2 semaphore(%run_scoped3A : memref<!tpu.dma_semaphore, #tpu.memory_space<semaphore_mem>>) src(%dma_wait3A_1544 : memref<640xf32, #tpu.memory_space<vmem_shared>>) dst(%arg12 : memref<640xf32, #tpu.memory_space<vmem>>)
        tpu.yield
      }) : () -> ()
      %get3A = arith.constant 0 : index
      %get3A_779 = tpu.vector_load %arg12[%get3A] {strides = array<i32>} : memref<640xf32, #tpu.memory_space<vmem>>, vector<16xf32>,
      %get3A_780 = vector.shape_cast %get3A_779 : vector<16xf32> to vector<16xf32>
      %mul3A_781 = arith.constant 0.951229453 : f32
      %mul3A_782 = vector.broadcast %mul3A_781 : f32 to vector<16xf32>
      %mul3A_783 = arith.mulf %get3A_780, %mul3A_782 : vector<16xf32>
      %ge3A = arith.constant 1.000000e+00 : f32
      %ge3A_784 = vector.broadcast %ge3A : f32 to vector<16xf32>
      %ge3A_785 = arith.cmpf oge, %mul3A_783, %ge3A_784 : vector<16xf32>
      %get3A_786 = arith.constant 0 : index
      %get3A_787 = tpu.vector_load %arg16[%get3A_786] {strides = array<i32>} : memref<640xf32, #tpu.memory_space<vmem>>, vector<16xf32>,
      %get3A_788 = vector.shape_cast %get3A_787 : vector<16xf32> to vector<16xf32>
      %jit3A = arith.constant 0.000000e+00 : f32
      %broadcast_in_dim3A_789 = vector.broadcast %jit3A : f32 to vector<16xf32>
      %select_n3A = arith.select %ge3A_785, %get3A_788, %broadcast_in_dim3A_789 : vector<16xi1>, vector<16xf32>
      %swap3A_790 = arith.constant 0 : index
      %swap3A_791 = tpu.vector_load %arg16[%swap3A_790] {strides = array<i32>} : memref<640xf32, #tpu.memory_space<vmem>>, vector<16xf32>,
      %swap3A_792 = vector.shape_cast %swap3A_791 : vector<16xf32> to vector<16xf32>
      %swap3A_793 = vector.shape_cast %select_n3A : vector<16xf32> to vector<16xf32>
      tpu.vector_store %arg16[%swap3A_790], %swap3A_793 {strides = array<i32>} : memref<640xf32, #tpu.memory_space<vmem>>, vector<16xf32>,
      %get3A_794 = arith.constant 16 : index
      %get3A_795 = tpu.vector_load %arg12[%get3A_794] {strides = array<i32>} : memref<640xf32, #tpu.memory_space<vmem>>, vector<16xf32>,
      %get3A_796 = vector.shape_cast %get3A_795 : vector<16xf32> to vector<16xf32>
      %mul3A_797 = arith.constant 0.951229453 : f32
      %mul3A_798 = vector.broadcast %mul3A_797 : f32 to vector<16xf32>
      %mul3A_799 = arith.mulf %get3A_796, %mul3A_798 : vector<16xf32>
      %ge3A_800 = arith.constant 1.000000e+00 : f32
      %ge3A_801 = vector.broadcast %ge3A_800 : f32 to vector<16xf32>
      %ge3A_802 = arith.cmpf oge, %mul3A_799, %ge3A_801 : vector<16xf32>
      %get3A_803 = arith.constant 16 : index
      %get3A_804 = tpu.vector_load %arg16[%get3A_803] {strides = array<i32>} : memref<640xf32, #tpu.memory_space<vmem>>, vector<16xf32>,
      %get3A_805 = vector.shape_cast %get3A_804 : vector<16xf32> to vector<16xf32>
      %jit3A_806 = arith.constant 0.000000e+00 : f32
      %broadcast_in_dim3A_807 = vector.broadcast %jit3A_806 : f32 to vector<16xf32>
      %select_n3A_808 = arith.select %ge3A_802, %get3A_805, %broadcast_in_dim3A_807 : vector<16xi1>, vector<16xf32>
      %swap3A_809 = arith.constant 16 : index
      %swap3A_810 = tpu.vector_load %arg16[%swap3A_809] {strides = array<i32>} : memref<640xf32, #tpu.memory_space<vmem>>, vector<16xf32>,
      %swap3A_811 = vector.shape_cast %swap3A_810 : vector<16xf32> to vector<16xf32>
      %swap3A_812 = vector.shape_cast %select_n3A_808 : vector<16xf32> to vector<16xf32>
      tpu.vector_store %arg16[%swap3A_809], %swap3A_812 {strides = array<i32>} : memref<640xf32, #tpu.memory_space<vmem>>, vector<16xf32>,
      %get3A_813 = arith.constant 32 : index
      %get3A_814 = tpu.vector_load %arg12[%get3A_813] {strides = array<i32>} : memref<640xf32, #tpu.memory_space<vmem>>, vector<16xf32>,
      %get3A_815 = vector.shape_cast %get3A_814 : vector<16xf32> to vector<16xf32>
      %mul3A_816 = arith.constant 0.951229453 : f32
      %mul3A_817 = vector.broadcast %mul3A_816 : f32 to vector<16xf32>
      %mul3A_818 = arith.mulf %get3A_815, %mul3A_817 : vector<16xf32>
      %ge3A_819 = arith.constant 1.000000e+00 : f32
      %ge3A_820 = vector.broadcast %ge3A_819 : f32 to vector<16xf32>
      %ge3A_821 = arith.cmpf oge, %mul3A_818, %ge3A_820 : vector<16xf32>
      %get3A_822 = arith.constant 32 : index
      %get3A_823 = tpu.vector_load %arg16[%get3A_822] {strides = array<i32>} : memref<640xf32, #tpu.memory_space<vmem>>, vector<16xf32>,
      %get3A_824 = vector.shape_cast %get3A_823 : vector<16xf32> to vector<16xf32>
      %jit3A_825 = arith.constant 0.000000e+00 : f32
      %broadcast_in_dim3A_826 = vector.broadcast %jit3A_825 : f32 to vector<16xf32>
      %select_n3A_827 = arith.select %ge3A_821, %get3A_824, %broadcast_in_dim3A_826 : vector<16xi1>, vector<16xf32>
      %swap3A_828 = arith.constant 32 : index
      %swap3A_829 = tpu.vector_load %arg16[%swap3A_828] {strides = array<i32>} : memref<640xf32, #tpu.memory_space<vmem>>, vector<16xf32>,
      %swap3A_830 = vector.shape_cast %swap3A_829 : vector<16xf32> to vector<16xf32>
      %swap3A_831 = vector.shape_cast %select_n3A_827 : vector<16xf32> to vector<16xf32>
      tpu.vector_store %arg16[%swap3A_828], %swap3A_831 {strides = array<i32>} : memref<640xf32, #tpu.memory_space<vmem>>, vector<16xf32>,
      %get3A_832 = arith.constant 48 : index
      %get3A_833 = tpu.vector_load %arg12[%get3A_832] {strides = array<i32>} : memref<640xf32, #tpu.memory_space<vmem>>, vector<16xf32>,
      %get3A_834 = vector.shape_cast %get3A_833 : vector<16xf32> to vector<16xf32>
      %mul3A_835 = arith.constant 0.951229453 : f32
      %mul3A_836 = vector.broadcast %mul3A_835 : f32 to vector<16xf32>
      %mul3A_837 = arith.mulf %get3A_834, %mul3A_836 : vector<16xf32>
      %ge3A_838 = arith.constant 1.000000e+00 : f32
      %ge3A_839 = vector.broadcast %ge3A_838 : f32 to vector<16xf32>
      %ge3A_840 = arith.cmpf oge, %mul3A_837, %ge3A_839 : vector<16xf32>
      %get3A_841 = arith.constant 48 : index
      %get3A_842 = tpu.vector_load %arg16[%get3A_841] {strides = array<i32>} : memref<640xf32, #tpu.memory_space<vmem>>, vector<16xf32>,
      %get3A_843 = vector.shape_cast %get3A_842 : vector<16xf32> to vector<16xf32>
      %jit3A_844 = arith.constant 0.000000e+00 : f32
      %broadcast_in_dim3A_845 = vector.broadcast %jit3A_844 : f32 to vector<16xf32>
      %select_n3A_846 = arith.select %ge3A_840, %get3A_843, %broadcast_in_dim3A_845 : vector<16xi1>, vector<16xf32>
      %swap3A_847 = arith.constant 48 : index
      %swap3A_848 = tpu.vector_load %arg16[%swap3A_847] {strides = array<i32>} : memref<640xf32, #tpu.memory_space<vmem>>, vector<16xf32>,
      %swap3A_849 = vector.shape_cast %swap3A_848 : vector<16xf32> to vector<16xf32>
      %swap3A_850 = vector.shape_cast %select_n3A_846 : vector<16xf32> to vector<16xf32>
      tpu.vector_store %arg16[%swap3A_847], %swap3A_850 {strides = array<i32>} : memref<640xf32, #tpu.memory_space<vmem>>, vector<16xf32>,
      %get3A_851 = arith.constant 64 : index
      %get3A_852 = tpu.vector_load %arg12[%get3A_851] {strides = array<i32>} : memref<640xf32, #tpu.memory_space<vmem>>, vector<16xf32>,
      %get3A_853 = vector.shape_cast %get3A_852 : vector<16xf32> to vector<16xf32>
      %mul3A_854 = arith.constant 0.951229453 : f32
      %mul3A_855 = vector.broadcast %mul3A_854 : f32 to vector<16xf32>
      %mul3A_856 = arith.mulf %get3A_853, %mul3A_855 : vector<16xf32>
      %ge3A_857 = arith.constant 1.000000e+00 : f32
      %ge3A_858 = vector.broadcast %ge3A_857 : f32 to vector<16xf32>
      %ge3A_859 = arith.cmpf oge, %mul3A_856, %ge3A_858 : vector<16xf32>
      %get3A_860 = arith.constant 64 : index
      %get3A_861 = tpu.vector_load %arg16[%get3A_860] {strides = array<i32>} : memref<640xf32, #tpu.memory_space<vmem>>, vector<16xf32>,
      %get3A_862 = vector.shape_cast %get3A_861 : vector<16xf32> to vector<16xf32>
      %jit3A_863 = arith.constant 0.000000e+00 : f32
      %broadcast_in_dim3A_864 = vector.broadcast %jit3A_863 : f32 to vector<16xf32>
      %select_n3A_865 = arith.select %ge3A_859, %get3A_862, %broadcast_in_dim3A_864 : vector<16xi1>, vector<16xf32>
      %swap3A_866 = arith.constant 64 : index
      %swap3A_867 = tpu.vector_load %arg16[%swap3A_866] {strides = array<i32>} : memref<640xf32, #tpu.memory_space<vmem>>, vector<16xf32>,
      %swap3A_868 = vector.shape_cast %swap3A_867 : vector<16xf32> to vector<16xf32>
      %swap3A_869 = vector.shape_cast %select_n3A_865 : vector<16xf32> to vector<16xf32>
      tpu.vector_store %arg16[%swap3A_866], %swap3A_869 {strides = array<i32>} : memref<640xf32, #tpu.memory_space<vmem>>, vector<16xf32>,
      %get3A_870 = arith.constant 80 : index
      %get3A_871 = tpu.vector_load %arg12[%get3A_870] {strides = array<i32>} : memref<640xf32, #tpu.memory_space<vmem>>, vector<16xf32>,
      %get3A_872 = vector.shape_cast %get3A_871 : vector<16xf32> to vector<16xf32>
      %mul3A_873 = arith.constant 0.951229453 : f32
      %mul3A_874 = vector.broadcast %mul3A_873 : f32 to vector<16xf32>
      %mul3A_875 = arith.mulf %get3A_872, %mul3A_874 : vector<16xf32>
      %ge3A_876 = arith.constant 1.000000e+00 : f32
      %ge3A_877 = vector.broadcast %ge3A_876 : f32 to vector<16xf32>
      %ge3A_878 = arith.cmpf oge, %mul3A_875, %ge3A_877 : vector<16xf32>
      %get3A_879 = arith.constant 80 : index
      %get3A_880 = tpu.vector_load %arg16[%get3A_879] {strides = array<i32>} : memref<640xf32, #tpu.memory_space<vmem>>, vector<16xf32>,
      %get3A_881 = vector.shape_cast %get3A_880 : vector<16xf32> to vector<16xf32>
      %jit3A_882 = arith.constant 0.000000e+00 : f32
      %broadcast_in_dim3A_883 = vector.broadcast %jit3A_882 : f32 to vector<16xf32>
      %select_n3A_884 = arith.select %ge3A_878, %get3A_881, %broadcast_in_dim3A_883 : vector<16xi1>, vector<16xf32>
      %swap3A_885 = arith.constant 80 : index
      %swap3A_886 = tpu.vector_load %arg16[%swap3A_885] {strides = array<i32>} : memref<640xf32, #tpu.memory_space<vmem>>, vector<16xf32>,
      %swap3A_887 = vector.shape_cast %swap3A_886 : vector<16xf32> to vector<16xf32>
      %swap3A_888 = vector.shape_cast %select_n3A_884 : vector<16xf32> to vector<16xf32>
      tpu.vector_store %arg16[%swap3A_885], %swap3A_888 {strides = array<i32>} : memref<640xf32, #tpu.memory_space<vmem>>, vector<16xf32>,
      %get3A_889 = arith.constant 96 : index
      %get3A_890 = tpu.vector_load %arg12[%get3A_889] {strides = array<i32>} : memref<640xf32, #tpu.memory_space<vmem>>, vector<16xf32>,
      %get3A_891 = vector.shape_cast %get3A_890 : vector<16xf32> to vector<16xf32>
      %mul3A_892 = arith.constant 0.951229453 : f32
      %mul3A_893 = vector.broadcast %mul3A_892 : f32 to vector<16xf32>
      %mul3A_894 = arith.mulf %get3A_891, %mul3A_893 : vector<16xf32>
      %ge3A_895 = arith.constant 1.000000e+00 : f32
      %ge3A_896 = vector.broadcast %ge3A_895 : f32 to vector<16xf32>
      %ge3A_897 = arith.cmpf oge, %mul3A_894, %ge3A_896 : vector<16xf32>
      %get3A_898 = arith.constant 96 : index
      %get3A_899 = tpu.vector_load %arg16[%get3A_898] {strides = array<i32>} : memref<640xf32, #tpu.memory_space<vmem>>, vector<16xf32>,
      %get3A_900 = vector.shape_cast %get3A_899 : vector<16xf32> to vector<16xf32>
      %jit3A_901 = arith.constant 0.000000e+00 : f32
      %broadcast_in_dim3A_902 = vector.broadcast %jit3A_901 : f32 to vector<16xf32>
      %select_n3A_903 = arith.select %ge3A_897, %get3A_900, %broadcast_in_dim3A_902 : vector<16xi1>, vector<16xf32>
      %swap3A_904 = arith.constant 96 : index
      %swap3A_905 = tpu.vector_load %arg16[%swap3A_904] {strides = array<i32>} : memref<640xf32, #tpu.memory_space<vmem>>, vector<16xf32>,
      %swap3A_906 = vector.shape_cast %swap3A_905 : vector<16xf32> to vector<16xf32>
      %swap3A_907 = vector.shape_cast %select_n3A_903 : vector<16xf32> to vector<16xf32>
      tpu.vector_store %arg16[%swap3A_904], %swap3A_907 {strides = array<i32>} : memref<640xf32, #tpu.memory_space<vmem>>, vector<16xf32>,
      %get3A_908 = arith.constant 112 : index
      %get3A_909 = tpu.vector_load %arg12[%get3A_908] {strides = array<i32>} : memref<640xf32, #tpu.memory_space<vmem>>, vector<16xf32>,
      %get3A_910 = vector.shape_cast %get3A_909 : vector<16xf32> to vector<16xf32>
      %mul3A_911 = arith.constant 0.951229453 : f32
      %mul3A_912 = vector.broadcast %mul3A_911 : f32 to vector<16xf32>
      %mul3A_913 = arith.mulf %get3A_910, %mul3A_912 : vector<16xf32>
      %ge3A_914 = arith.constant 1.000000e+00 : f32
      %ge3A_915 = vector.broadcast %ge3A_914 : f32 to vector<16xf32>
      %ge3A_916 = arith.cmpf oge, %mul3A_913, %ge3A_915 : vector<16xf32>
      %get3A_917 = arith.constant 112 : index
      %get3A_918 = tpu.vector_load %arg16[%get3A_917] {strides = array<i32>} : memref<640xf32, #tpu.memory_space<vmem>>, vector<16xf32>,
      %get3A_919 = vector.shape_cast %get3A_918 : vector<16xf32> to vector<16xf32>
      %jit3A_920 = arith.constant 0.000000e+00 : f32
      %broadcast_in_dim3A_921 = vector.broadcast %jit3A_920 : f32 to vector<16xf32>
      %select_n3A_922 = arith.select %ge3A_916, %get3A_919, %broadcast_in_dim3A_921 : vector<16xi1>, vector<16xf32>
      %swap3A_923 = arith.constant 112 : index
      %swap3A_924 = tpu.vector_load %arg16[%swap3A_923] {strides = array<i32>} : memref<640xf32, #tpu.memory_space<vmem>>, vector<16xf32>,
      %swap3A_925 = vector.shape_cast %swap3A_924 : vector<16xf32> to vector<16xf32>
      %swap3A_926 = vector.shape_cast %select_n3A_922 : vector<16xf32> to vector<16xf32>
      tpu.vector_store %arg16[%swap3A_923], %swap3A_926 {strides = array<i32>} : memref<640xf32, #tpu.memory_space<vmem>>, vector<16xf32>,
      %get3A_927 = arith.constant 128 : index
      %get3A_928 = tpu.vector_load %arg12[%get3A_927] {strides = array<i32>} : memref<640xf32, #tpu.memory_space<vmem>>, vector<16xf32>,
      %get3A_929 = vector.shape_cast %get3A_928 : vector<16xf32> to vector<16xf32>
      %mul3A_930 = arith.constant 0.951229453 : f32
      %mul3A_931 = vector.broadcast %mul3A_930 : f32 to vector<16xf32>
      %mul3A_932 = arith.mulf %get3A_929, %mul3A_931 : vector<16xf32>
      %ge3A_933 = arith.constant 1.000000e+00 : f32
      %ge3A_934 = vector.broadcast %ge3A_933 : f32 to vector<16xf32>
      %ge3A_935 = arith.cmpf oge, %mul3A_932, %ge3A_934 : vector<16xf32>
      %get3A_936 = arith.constant 128 : index
      %get3A_937 = tpu.vector_load %arg16[%get3A_936] {strides = array<i32>} : memref<640xf32, #tpu.memory_space<vmem>>, vector<16xf32>,
      %get3A_938 = vector.shape_cast %get3A_937 : vector<16xf32> to vector<16xf32>
      %jit3A_939 = arith.constant 0.000000e+00 : f32
      %broadcast_in_dim3A_940 = vector.broadcast %jit3A_939 : f32 to vector<16xf32>
      %select_n3A_941 = arith.select %ge3A_935, %get3A_938, %broadcast_in_dim3A_940 : vector<16xi1>, vector<16xf32>
      %swap3A_942 = arith.constant 128 : index
      %swap3A_943 = tpu.vector_load %arg16[%swap3A_942] {strides = array<i32>} : memref<640xf32, #tpu.memory_space<vmem>>, vector<16xf32>,
      %swap3A_944 = vector.shape_cast %swap3A_943 : vector<16xf32> to vector<16xf32>
      %swap3A_945 = vector.shape_cast %select_n3A_941 : vector<16xf32> to vector<16xf32>
      tpu.vector_store %arg16[%swap3A_942], %swap3A_945 {strides = array<i32>} : memref<640xf32, #tpu.memory_space<vmem>>, vector<16xf32>,
      %get3A_946 = arith.constant 144 : index
      %get3A_947 = tpu.vector_load %arg12[%get3A_946] {strides = array<i32>} : memref<640xf32, #tpu.memory_space<vmem>>, vector<16xf32>,
      %get3A_948 = vector.shape_cast %get3A_947 : vector<16xf32> to vector<16xf32>
      %mul3A_949 = arith.constant 0.951229453 : f32
      %mul3A_950 = vector.broadcast %mul3A_949 : f32 to vector<16xf32>
      %mul3A_951 = arith.mulf %get3A_948, %mul3A_950 : vector<16xf32>
      %ge3A_952 = arith.constant 1.000000e+00 : f32
      %ge3A_953 = vector.broadcast %ge3A_952 : f32 to vector<16xf32>
      %ge3A_954 = arith.cmpf oge, %mul3A_951, %ge3A_953 : vector<16xf32>
      %get3A_955 = arith.constant 144 : index
      %get3A_956 = tpu.vector_load %arg16[%get3A_955] {strides = array<i32>} : memref<640xf32, #tpu.memory_space<vmem>>, vector<16xf32>,
      %get3A_957 = vector.shape_cast %get3A_956 : vector<16xf32> to vector<16xf32>
      %jit3A_958 = arith.constant 0.000000e+00 : f32
      %broadcast_in_dim3A_959 = vector.broadcast %jit3A_958 : f32 to vector<16xf32>
      %select_n3A_960 = arith.select %ge3A_954, %get3A_957, %broadcast_in_dim3A_959 : vector<16xi1>, vector<16xf32>
      %swap3A_961 = arith.constant 144 : index
      %swap3A_962 = tpu.vector_load %arg16[%swap3A_961] {strides = array<i32>} : memref<640xf32, #tpu.memory_space<vmem>>, vector<16xf32>,
      %swap3A_963 = vector.shape_cast %swap3A_962 : vector<16xf32> to vector<16xf32>
      %swap3A_964 = vector.shape_cast %select_n3A_960 : vector<16xf32> to vector<16xf32>
      tpu.vector_store %arg16[%swap3A_961], %swap3A_964 {strides = array<i32>} : memref<640xf32, #tpu.memory_space<vmem>>, vector<16xf32>,
      %get3A_965 = arith.constant 160 : index
      %get3A_966 = tpu.vector_load %arg12[%get3A_965] {strides = array<i32>} : memref<640xf32, #tpu.memory_space<vmem>>, vector<16xf32>,
      %get3A_967 = vector.shape_cast %get3A_966 : vector<16xf32> to vector<16xf32>
      %mul3A_968 = arith.constant 0.951229453 : f32
      %mul3A_969 = vector.broadcast %mul3A_968 : f32 to vector<16xf32>
      %mul3A_970 = arith.mulf %get3A_967, %mul3A_969 : vector<16xf32>
      %ge3A_971 = arith.constant 1.000000e+00 : f32
      %ge3A_972 = vector.broadcast %ge3A_971 : f32 to vector<16xf32>
      %ge3A_973 = arith.cmpf oge, %mul3A_970, %ge3A_972 : vector<16xf32>
      %get3A_974 = arith.constant 160 : index
      %get3A_975 = tpu.vector_load %arg16[%get3A_974] {strides = array<i32>} : memref<640xf32, #tpu.memory_space<vmem>>, vector<16xf32>,
      %get3A_976 = vector.shape_cast %get3A_975 : vector<16xf32> to vector<16xf32>
      %jit3A_977 = arith.constant 0.000000e+00 : f32
      %broadcast_in_dim3A_978 = vector.broadcast %jit3A_977 : f32 to vector<16xf32>
      %select_n3A_979 = arith.select %ge3A_973, %get3A_976, %broadcast_in_dim3A_978 : vector<16xi1>, vector<16xf32>
      %swap3A_980 = arith.constant 160 : index
      %swap3A_981 = tpu.vector_load %arg16[%swap3A_980] {strides = array<i32>} : memref<640xf32, #tpu.memory_space<vmem>>, vector<16xf32>,
      %swap3A_982 = vector.shape_cast %swap3A_981 : vector<16xf32> to vector<16xf32>
      %swap3A_983 = vector.shape_cast %select_n3A_979 : vector<16xf32> to vector<16xf32>
      tpu.vector_store %arg16[%swap3A_980], %swap3A_983 {strides = array<i32>} : memref<640xf32, #tpu.memory_space<vmem>>, vector<16xf32>,
      %get3A_984 = arith.constant 176 : index
      %get3A_985 = tpu.vector_load %arg12[%get3A_984] {strides = array<i32>} : memref<640xf32, #tpu.memory_space<vmem>>, vector<16xf32>,
      %get3A_986 = vector.shape_cast %get3A_985 : vector<16xf32> to vector<16xf32>
      %mul3A_987 = arith.constant 0.951229453 : f32
      %mul3A_988 = vector.broadcast %mul3A_987 : f32 to vector<16xf32>
      %mul3A_989 = arith.mulf %get3A_986, %mul3A_988 : vector<16xf32>
      %ge3A_990 = arith.constant 1.000000e+00 : f32
      %ge3A_991 = vector.broadcast %ge3A_990 : f32 to vector<16xf32>
      %ge3A_992 = arith.cmpf oge, %mul3A_989, %ge3A_991 : vector<16xf32>
      %get3A_993 = arith.constant 176 : index
      %get3A_994 = tpu.vector_load %arg16[%get3A_993] {strides = array<i32>} : memref<640xf32, #tpu.memory_space<vmem>>, vector<16xf32>,
      %get3A_995 = vector.shape_cast %get3A_994 : vector<16xf32> to vector<16xf32>
      %jit3A_996 = arith.constant 0.000000e+00 : f32
      %broadcast_in_dim3A_997 = vector.broadcast %jit3A_996 : f32 to vector<16xf32>
      %select_n3A_998 = arith.select %ge3A_992, %get3A_995, %broadcast_in_dim3A_997 : vector<16xi1>, vector<16xf32>
      %swap3A_999 = arith.constant 176 : index
      %swap3A_1000 = tpu.vector_load %arg16[%swap3A_999] {strides = array<i32>} : memref<640xf32, #tpu.memory_space<vmem>>, vector<16xf32>,
      %swap3A_1001 = vector.shape_cast %swap3A_1000 : vector<16xf32> to vector<16xf32>
      %swap3A_1002 = vector.shape_cast %select_n3A_998 : vector<16xf32> to vector<16xf32>
      tpu.vector_store %arg16[%swap3A_999], %swap3A_1002 {strides = array<i32>} : memref<640xf32, #tpu.memory_space<vmem>>, vector<16xf32>,
      %get3A_1003 = arith.constant 192 : index
      %get3A_1004 = tpu.vector_load %arg12[%get3A_1003] {strides = array<i32>} : memref<640xf32, #tpu.memory_space<vmem>>, vector<16xf32>,
      %get3A_1005 = vector.shape_cast %get3A_1004 : vector<16xf32> to vector<16xf32>
      %mul3A_1006 = arith.constant 0.951229453 : f32
      %mul3A_1007 = vector.broadcast %mul3A_1006 : f32 to vector<16xf32>
      %mul3A_1008 = arith.mulf %get3A_1005, %mul3A_1007 : vector<16xf32>
      %ge3A_1009 = arith.constant 1.000000e+00 : f32
      %ge3A_1010 = vector.broadcast %ge3A_1009 : f32 to vector<16xf32>
      %ge3A_1011 = arith.cmpf oge, %mul3A_1008, %ge3A_1010 : vector<16xf32>
      %get3A_1012 = arith.constant 192 : index
      %get3A_1013 = tpu.vector_load %arg16[%get3A_1012] {strides = array<i32>} : memref<640xf32, #tpu.memory_space<vmem>>, vector<16xf32>,
      %get3A_1014 = vector.shape_cast %get3A_1013 : vector<16xf32> to vector<16xf32>
      %jit3A_1015 = arith.constant 0.000000e+00 : f32
      %broadcast_in_dim3A_1016 = vector.broadcast %jit3A_1015 : f32 to vector<16xf32>
      %select_n3A_1017 = arith.select %ge3A_1011, %get3A_1014, %broadcast_in_dim3A_1016 : vector<16xi1>, vector<16xf32>
      %swap3A_1018 = arith.constant 192 : index
      %swap3A_1019 = tpu.vector_load %arg16[%swap3A_1018] {strides = array<i32>} : memref<640xf32, #tpu.memory_space<vmem>>, vector<16xf32>,
      %swap3A_1020 = vector.shape_cast %swap3A_1019 : vector<16xf32> to vector<16xf32>
      %swap3A_1021 = vector.shape_cast %select_n3A_1017 : vector<16xf32> to vector<16xf32>
      tpu.vector_store %arg16[%swap3A_1018], %swap3A_1021 {strides = array<i32>} : memref<640xf32, #tpu.memory_space<vmem>>, vector<16xf32>,
      %get3A_1022 = arith.constant 208 : index
      %get3A_1023 = tpu.vector_load %arg12[%get3A_1022] {strides = array<i32>} : memref<640xf32, #tpu.memory_space<vmem>>, vector<16xf32>,
      %get3A_1024 = vector.shape_cast %get3A_1023 : vector<16xf32> to vector<16xf32>
      %mul3A_1025 = arith.constant 0.951229453 : f32
      %mul3A_1026 = vector.broadcast %mul3A_1025 : f32 to vector<16xf32>
      %mul3A_1027 = arith.mulf %get3A_1024, %mul3A_1026 : vector<16xf32>
      %ge3A_1028 = arith.constant 1.000000e+00 : f32
      %ge3A_1029 = vector.broadcast %ge3A_1028 : f32 to vector<16xf32>
      %ge3A_1030 = arith.cmpf oge, %mul3A_1027, %ge3A_1029 : vector<16xf32>
      %get3A_1031 = arith.constant 208 : index
      %get3A_1032 = tpu.vector_load %arg16[%get3A_1031] {strides = array<i32>} : memref<640xf32, #tpu.memory_space<vmem>>, vector<16xf32>,
      %get3A_1033 = vector.shape_cast %get3A_1032 : vector<16xf32> to vector<16xf32>
      %jit3A_1034 = arith.constant 0.000000e+00 : f32
      %broadcast_in_dim3A_1035 = vector.broadcast %jit3A_1034 : f32 to vector<16xf32>
      %select_n3A_1036 = arith.select %ge3A_1030, %get3A_1033, %broadcast_in_dim3A_1035 : vector<16xi1>, vector<16xf32>
      %swap3A_1037 = arith.constant 208 : index
      %swap3A_1038 = tpu.vector_load %arg16[%swap3A_1037] {strides = array<i32>} : memref<640xf32, #tpu.memory_space<vmem>>, vector<16xf32>,
      %swap3A_1039 = vector.shape_cast %swap3A_1038 : vector<16xf32> to vector<16xf32>
      %swap3A_1040 = vector.shape_cast %select_n3A_1036 : vector<16xf32> to vector<16xf32>
      tpu.vector_store %arg16[%swap3A_1037], %swap3A_1040 {strides = array<i32>} : memref<640xf32, #tpu.memory_space<vmem>>, vector<16xf32>,
      %get3A_1041 = arith.constant 224 : index
      %get3A_1042 = tpu.vector_load %arg12[%get3A_1041] {strides = array<i32>} : memref<640xf32, #tpu.memory_space<vmem>>, vector<16xf32>,
      %get3A_1043 = vector.shape_cast %get3A_1042 : vector<16xf32> to vector<16xf32>
      %mul3A_1044 = arith.constant 0.951229453 : f32
      %mul3A_1045 = vector.broadcast %mul3A_1044 : f32 to vector<16xf32>
      %mul3A_1046 = arith.mulf %get3A_1043, %mul3A_1045 : vector<16xf32>
      %ge3A_1047 = arith.constant 1.000000e+00 : f32
      %ge3A_1048 = vector.broadcast %ge3A_1047 : f32 to vector<16xf32>
      %ge3A_1049 = arith.cmpf oge, %mul3A_1046, %ge3A_1048 : vector<16xf32>
      %get3A_1050 = arith.constant 224 : index
      %get3A_1051 = tpu.vector_load %arg16[%get3A_1050] {strides = array<i32>} : memref<640xf32, #tpu.memory_space<vmem>>, vector<16xf32>,
      %get3A_1052 = vector.shape_cast %get3A_1051 : vector<16xf32> to vector<16xf32>
      %jit3A_1053 = arith.constant 0.000000e+00 : f32
      %broadcast_in_dim3A_1054 = vector.broadcast %jit3A_1053 : f32 to vector<16xf32>
      %select_n3A_1055 = arith.select %ge3A_1049, %get3A_1052, %broadcast_in_dim3A_1054 : vector<16xi1>, vector<16xf32>
      %swap3A_1056 = arith.constant 224 : index
      %swap3A_1057 = tpu.vector_load %arg16[%swap3A_1056] {strides = array<i32>} : memref<640xf32, #tpu.memory_space<vmem>>, vector<16xf32>,
      %swap3A_1058 = vector.shape_cast %swap3A_1057 : vector<16xf32> to vector<16xf32>
      %swap3A_1059 = vector.shape_cast %select_n3A_1055 : vector<16xf32> to vector<16xf32>
      tpu.vector_store %arg16[%swap3A_1056], %swap3A_1059 {strides = array<i32>} : memref<640xf32, #tpu.memory_space<vmem>>, vector<16xf32>,
      %get3A_1060 = arith.constant 240 : index
      %get3A_1061 = tpu.vector_load %arg12[%get3A_1060] {strides = array<i32>} : memref<640xf32, #tpu.memory_space<vmem>>, vector<16xf32>,
      %get3A_1062 = vector.shape_cast %get3A_1061 : vector<16xf32> to vector<16xf32>
      %mul3A_1063 = arith.constant 0.951229453 : f32
      %mul3A_1064 = vector.broadcast %mul3A_1063 : f32 to vector<16xf32>
      %mul3A_1065 = arith.mulf %get3A_1062, %mul3A_1064 : vector<16xf32>
      %ge3A_1066 = arith.constant 1.000000e+00 : f32
      %ge3A_1067 = vector.broadcast %ge3A_1066 : f32 to vector<16xf32>
      %ge3A_1068 = arith.cmpf oge, %mul3A_1065, %ge3A_1067 : vector<16xf32>
      %get3A_1069 = arith.constant 240 : index
      %get3A_1070 = tpu.vector_load %arg16[%get3A_1069] {strides = array<i32>} : memref<640xf32, #tpu.memory_space<vmem>>, vector<16xf32>,
      %get3A_1071 = vector.shape_cast %get3A_1070 : vector<16xf32> to vector<16xf32>
      %jit3A_1072 = arith.constant 0.000000e+00 : f32
      %broadcast_in_dim3A_1073 = vector.broadcast %jit3A_1072 : f32 to vector<16xf32>
      %select_n3A_1074 = arith.select %ge3A_1068, %get3A_1071, %broadcast_in_dim3A_1073 : vector<16xi1>, vector<16xf32>
      %swap3A_1075 = arith.constant 240 : index
      %swap3A_1076 = tpu.vector_load %arg16[%swap3A_1075] {strides = array<i32>} : memref<640xf32, #tpu.memory_space<vmem>>, vector<16xf32>,
      %swap3A_1077 = vector.shape_cast %swap3A_1076 : vector<16xf32> to vector<16xf32>
      %swap3A_1078 = vector.shape_cast %select_n3A_1074 : vector<16xf32> to vector<16xf32>
      tpu.vector_store %arg16[%swap3A_1075], %swap3A_1078 {strides = array<i32>} : memref<640xf32, #tpu.memory_space<vmem>>, vector<16xf32>,
      %get3A_1079 = arith.constant 256 : index
      %get3A_1080 = tpu.vector_load %arg12[%get3A_1079] {strides = array<i32>} : memref<640xf32, #tpu.memory_space<vmem>>, vector<16xf32>,
      %get3A_1081 = vector.shape_cast %get3A_1080 : vector<16xf32> to vector<16xf32>
      %mul3A_1082 = arith.constant 0.951229453 : f32
      %mul3A_1083 = vector.broadcast %mul3A_1082 : f32 to vector<16xf32>
      %mul3A_1084 = arith.mulf %get3A_1081, %mul3A_1083 : vector<16xf32>
      %ge3A_1085 = arith.constant 1.000000e+00 : f32
      %ge3A_1086 = vector.broadcast %ge3A_1085 : f32 to vector<16xf32>
      %ge3A_1087 = arith.cmpf oge, %mul3A_1084, %ge3A_1086 : vector<16xf32>
      %get3A_1088 = arith.constant 256 : index
      %get3A_1089 = tpu.vector_load %arg16[%get3A_1088] {strides = array<i32>} : memref<640xf32, #tpu.memory_space<vmem>>, vector<16xf32>,
      %get3A_1090 = vector.shape_cast %get3A_1089 : vector<16xf32> to vector<16xf32>
      %jit3A_1091 = arith.constant 0.000000e+00 : f32
      %broadcast_in_dim3A_1092 = vector.broadcast %jit3A_1091 : f32 to vector<16xf32>
      %select_n3A_1093 = arith.select %ge3A_1087, %get3A_1090, %broadcast_in_dim3A_1092 : vector<16xi1>, vector<16xf32>
      %swap3A_1094 = arith.constant 256 : index
      %swap3A_1095 = tpu.vector_load %arg16[%swap3A_1094] {strides = array<i32>} : memref<640xf32, #tpu.memory_space<vmem>>, vector<16xf32>,
      %swap3A_1096 = vector.shape_cast %swap3A_1095 : vector<16xf32> to vector<16xf32>
      %swap3A_1097 = vector.shape_cast %select_n3A_1093 : vector<16xf32> to vector<16xf32>
      tpu.vector_store %arg16[%swap3A_1094], %swap3A_1097 {strides = array<i32>} : memref<640xf32, #tpu.memory_space<vmem>>, vector<16xf32>,
      %get3A_1098 = arith.constant 272 : index
      %get3A_1099 = tpu.vector_load %arg12[%get3A_1098] {strides = array<i32>} : memref<640xf32, #tpu.memory_space<vmem>>, vector<16xf32>,
      %get3A_1100 = vector.shape_cast %get3A_1099 : vector<16xf32> to vector<16xf32>
      %mul3A_1101 = arith.constant 0.951229453 : f32
      %mul3A_1102 = vector.broadcast %mul3A_1101 : f32 to vector<16xf32>
      %mul3A_1103 = arith.mulf %get3A_1100, %mul3A_1102 : vector<16xf32>
      %ge3A_1104 = arith.constant 1.000000e+00 : f32
      %ge3A_1105 = vector.broadcast %ge3A_1104 : f32 to vector<16xf32>
      %ge3A_1106 = arith.cmpf oge, %mul3A_1103, %ge3A_1105 : vector<16xf32>
      %get3A_1107 = arith.constant 272 : index
      %get3A_1108 = tpu.vector_load %arg16[%get3A_1107] {strides = array<i32>} : memref<640xf32, #tpu.memory_space<vmem>>, vector<16xf32>,
      %get3A_1109 = vector.shape_cast %get3A_1108 : vector<16xf32> to vector<16xf32>
      %jit3A_1110 = arith.constant 0.000000e+00 : f32
      %broadcast_in_dim3A_1111 = vector.broadcast %jit3A_1110 : f32 to vector<16xf32>
      %select_n3A_1112 = arith.select %ge3A_1106, %get3A_1109, %broadcast_in_dim3A_1111 : vector<16xi1>, vector<16xf32>
      %swap3A_1113 = arith.constant 272 : index
      %swap3A_1114 = tpu.vector_load %arg16[%swap3A_1113] {strides = array<i32>} : memref<640xf32, #tpu.memory_space<vmem>>, vector<16xf32>,
      %swap3A_1115 = vector.shape_cast %swap3A_1114 : vector<16xf32> to vector<16xf32>
      %swap3A_1116 = vector.shape_cast %select_n3A_1112 : vector<16xf32> to vector<16xf32>
      tpu.vector_store %arg16[%swap3A_1113], %swap3A_1116 {strides = array<i32>} : memref<640xf32, #tpu.memory_space<vmem>>, vector<16xf32>,
      %get3A_1117 = arith.constant 288 : index
      %get3A_1118 = tpu.vector_load %arg12[%get3A_1117] {strides = array<i32>} : memref<640xf32, #tpu.memory_space<vmem>>, vector<16xf32>,
      %get3A_1119 = vector.shape_cast %get3A_1118 : vector<16xf32> to vector<16xf32>
      %mul3A_1120 = arith.constant 0.951229453 : f32
      %mul3A_1121 = vector.broadcast %mul3A_1120 : f32 to vector<16xf32>
      %mul3A_1122 = arith.mulf %get3A_1119, %mul3A_1121 : vector<16xf32>
      %ge3A_1123 = arith.constant 1.000000e+00 : f32
      %ge3A_1124 = vector.broadcast %ge3A_1123 : f32 to vector<16xf32>
      %ge3A_1125 = arith.cmpf oge, %mul3A_1122, %ge3A_1124 : vector<16xf32>
      %get3A_1126 = arith.constant 288 : index
      %get3A_1127 = tpu.vector_load %arg16[%get3A_1126] {strides = array<i32>} : memref<640xf32, #tpu.memory_space<vmem>>, vector<16xf32>,
      %get3A_1128 = vector.shape_cast %get3A_1127 : vector<16xf32> to vector<16xf32>
      %jit3A_1129 = arith.constant 0.000000e+00 : f32
      %broadcast_in_dim3A_1130 = vector.broadcast %jit3A_1129 : f32 to vector<16xf32>
      %select_n3A_1131 = arith.select %ge3A_1125, %get3A_1128, %broadcast_in_dim3A_1130 : vector<16xi1>, vector<16xf32>
      %swap3A_1132 = arith.constant 288 : index
      %swap3A_1133 = tpu.vector_load %arg16[%swap3A_1132] {strides = array<i32>} : memref<640xf32, #tpu.memory_space<vmem>>, vector<16xf32>,
      %swap3A_1134 = vector.shape_cast %swap3A_1133 : vector<16xf32> to vector<16xf32>
      %swap3A_1135 = vector.shape_cast %select_n3A_1131 : vector<16xf32> to vector<16xf32>
      tpu.vector_store %arg16[%swap3A_1132], %swap3A_1135 {strides = array<i32>} : memref<640xf32, #tpu.memory_space<vmem>>, vector<16xf32>,
      %get3A_1136 = arith.constant 304 : index
      %get3A_1137 = tpu.vector_load %arg12[%get3A_1136] {strides = array<i32>} : memref<640xf32, #tpu.memory_space<vmem>>, vector<16xf32>,
      %get3A_1138 = vector.shape_cast %get3A_1137 : vector<16xf32> to vector<16xf32>
      %mul3A_1139 = arith.constant 0.951229453 : f32
      %mul3A_1140 = vector.broadcast %mul3A_1139 : f32 to vector<16xf32>
      %mul3A_1141 = arith.mulf %get3A_1138, %mul3A_1140 : vector<16xf32>
      %ge3A_1142 = arith.constant 1.000000e+00 : f32
      %ge3A_1143 = vector.broadcast %ge3A_1142 : f32 to vector<16xf32>
      %ge3A_1144 = arith.cmpf oge, %mul3A_1141, %ge3A_1143 : vector<16xf32>
      %get3A_1145 = arith.constant 304 : index
      %get3A_1146 = tpu.vector_load %arg16[%get3A_1145] {strides = array<i32>} : memref<640xf32, #tpu.memory_space<vmem>>, vector<16xf32>,
      %get3A_1147 = vector.shape_cast %get3A_1146 : vector<16xf32> to vector<16xf32>
      %jit3A_1148 = arith.constant 0.000000e+00 : f32
      %broadcast_in_dim3A_1149 = vector.broadcast %jit3A_1148 : f32 to vector<16xf32>
      %select_n3A_1150 = arith.select %ge3A_1144, %get3A_1147, %broadcast_in_dim3A_1149 : vector<16xi1>, vector<16xf32>
      %swap3A_1151 = arith.constant 304 : index
      %swap3A_1152 = tpu.vector_load %arg16[%swap3A_1151] {strides = array<i32>} : memref<640xf32, #tpu.memory_space<vmem>>, vector<16xf32>,
      %swap3A_1153 = vector.shape_cast %swap3A_1152 : vector<16xf32> to vector<16xf32>
      %swap3A_1154 = vector.shape_cast %select_n3A_1150 : vector<16xf32> to vector<16xf32>
      tpu.vector_store %arg16[%swap3A_1151], %swap3A_1154 {strides = array<i32>} : memref<640xf32, #tpu.memory_space<vmem>>, vector<16xf32>,
      %get3A_1155 = arith.constant 320 : index
      %get3A_1156 = tpu.vector_load %arg12[%get3A_1155] {strides = array<i32>} : memref<640xf32, #tpu.memory_space<vmem>>, vector<16xf32>,
      %get3A_1157 = vector.shape_cast %get3A_1156 : vector<16xf32> to vector<16xf32>
      %mul3A_1158 = arith.constant 0.951229453 : f32
      %mul3A_1159 = vector.broadcast %mul3A_1158 : f32 to vector<16xf32>
      %mul3A_1160 = arith.mulf %get3A_1157, %mul3A_1159 : vector<16xf32>
      %ge3A_1161 = arith.constant 1.000000e+00 : f32
      %ge3A_1162 = vector.broadcast %ge3A_1161 : f32 to vector<16xf32>
      %ge3A_1163 = arith.cmpf oge, %mul3A_1160, %ge3A_1162 : vector<16xf32>
      %get3A_1164 = arith.constant 320 : index
      %get3A_1165 = tpu.vector_load %arg16[%get3A_1164] {strides = array<i32>} : memref<640xf32, #tpu.memory_space<vmem>>, vector<16xf32>,
      %get3A_1166 = vector.shape_cast %get3A_1165 : vector<16xf32> to vector<16xf32>
      %jit3A_1167 = arith.constant 0.000000e+00 : f32
      %broadcast_in_dim3A_1168 = vector.broadcast %jit3A_1167 : f32 to vector<16xf32>
      %select_n3A_1169 = arith.select %ge3A_1163, %get3A_1166, %broadcast_in_dim3A_1168 : vector<16xi1>, vector<16xf32>
      %swap3A_1170 = arith.constant 320 : index
      %swap3A_1171 = tpu.vector_load %arg16[%swap3A_1170] {strides = array<i32>} : memref<640xf32, #tpu.memory_space<vmem>>, vector<16xf32>,
      %swap3A_1172 = vector.shape_cast %swap3A_1171 : vector<16xf32> to vector<16xf32>
      %swap3A_1173 = vector.shape_cast %select_n3A_1169 : vector<16xf32> to vector<16xf32>
      tpu.vector_store %arg16[%swap3A_1170], %swap3A_1173 {strides = array<i32>} : memref<640xf32, #tpu.memory_space<vmem>>, vector<16xf32>,
      %get3A_1174 = arith.constant 336 : index
      %get3A_1175 = tpu.vector_load %arg12[%get3A_1174] {strides = array<i32>} : memref<640xf32, #tpu.memory_space<vmem>>, vector<16xf32>,
      %get3A_1176 = vector.shape_cast %get3A_1175 : vector<16xf32> to vector<16xf32>
      %mul3A_1177 = arith.constant 0.951229453 : f32
      %mul3A_1178 = vector.broadcast %mul3A_1177 : f32 to vector<16xf32>
      %mul3A_1179 = arith.mulf %get3A_1176, %mul3A_1178 : vector<16xf32>
      %ge3A_1180 = arith.constant 1.000000e+00 : f32
      %ge3A_1181 = vector.broadcast %ge3A_1180 : f32 to vector<16xf32>
      %ge3A_1182 = arith.cmpf oge, %mul3A_1179, %ge3A_1181 : vector<16xf32>
      %get3A_1183 = arith.constant 336 : index
      %get3A_1184 = tpu.vector_load %arg16[%get3A_1183] {strides = array<i32>} : memref<640xf32, #tpu.memory_space<vmem>>, vector<16xf32>,
      %get3A_1185 = vector.shape_cast %get3A_1184 : vector<16xf32> to vector<16xf32>
      %jit3A_1186 = arith.constant 0.000000e+00 : f32
      %broadcast_in_dim3A_1187 = vector.broadcast %jit3A_1186 : f32 to vector<16xf32>
      %select_n3A_1188 = arith.select %ge3A_1182, %get3A_1185, %broadcast_in_dim3A_1187 : vector<16xi1>, vector<16xf32>
      %swap3A_1189 = arith.constant 336 : index
      %swap3A_1190 = tpu.vector_load %arg16[%swap3A_1189] {strides = array<i32>} : memref<640xf32, #tpu.memory_space<vmem>>, vector<16xf32>,
      %swap3A_1191 = vector.shape_cast %swap3A_1190 : vector<16xf32> to vector<16xf32>
      %swap3A_1192 = vector.shape_cast %select_n3A_1188 : vector<16xf32> to vector<16xf32>
      tpu.vector_store %arg16[%swap3A_1189], %swap3A_1192 {strides = array<i32>} : memref<640xf32, #tpu.memory_space<vmem>>, vector<16xf32>,
      %get3A_1193 = arith.constant 352 : index
      %get3A_1194 = tpu.vector_load %arg12[%get3A_1193] {strides = array<i32>} : memref<640xf32, #tpu.memory_space<vmem>>, vector<16xf32>,
      %get3A_1195 = vector.shape_cast %get3A_1194 : vector<16xf32> to vector<16xf32>
      %mul3A_1196 = arith.constant 0.951229453 : f32
      %mul3A_1197 = vector.broadcast %mul3A_1196 : f32 to vector<16xf32>
      %mul3A_1198 = arith.mulf %get3A_1195, %mul3A_1197 : vector<16xf32>
      %ge3A_1199 = arith.constant 1.000000e+00 : f32
      %ge3A_1200 = vector.broadcast %ge3A_1199 : f32 to vector<16xf32>
      %ge3A_1201 = arith.cmpf oge, %mul3A_1198, %ge3A_1200 : vector<16xf32>
      %get3A_1202 = arith.constant 352 : index
      %get3A_1203 = tpu.vector_load %arg16[%get3A_1202] {strides = array<i32>} : memref<640xf32, #tpu.memory_space<vmem>>, vector<16xf32>,
      %get3A_1204 = vector.shape_cast %get3A_1203 : vector<16xf32> to vector<16xf32>
      %jit3A_1205 = arith.constant 0.000000e+00 : f32
      %broadcast_in_dim3A_1206 = vector.broadcast %jit3A_1205 : f32 to vector<16xf32>
      %select_n3A_1207 = arith.select %ge3A_1201, %get3A_1204, %broadcast_in_dim3A_1206 : vector<16xi1>, vector<16xf32>
      %swap3A_1208 = arith.constant 352 : index
      %swap3A_1209 = tpu.vector_load %arg16[%swap3A_1208] {strides = array<i32>} : memref<640xf32, #tpu.memory_space<vmem>>, vector<16xf32>,
      %swap3A_1210 = vector.shape_cast %swap3A_1209 : vector<16xf32> to vector<16xf32>
      %swap3A_1211 = vector.shape_cast %select_n3A_1207 : vector<16xf32> to vector<16xf32>
      tpu.vector_store %arg16[%swap3A_1208], %swap3A_1211 {strides = array<i32>} : memref<640xf32, #tpu.memory_space<vmem>>, vector<16xf32>,
      %get3A_1212 = arith.constant 368 : index
      %get3A_1213 = tpu.vector_load %arg12[%get3A_1212] {strides = array<i32>} : memref<640xf32, #tpu.memory_space<vmem>>, vector<16xf32>,
      %get3A_1214 = vector.shape_cast %get3A_1213 : vector<16xf32> to vector<16xf32>
      %mul3A_1215 = arith.constant 0.951229453 : f32
      %mul3A_1216 = vector.broadcast %mul3A_1215 : f32 to vector<16xf32>
      %mul3A_1217 = arith.mulf %get3A_1214, %mul3A_1216 : vector<16xf32>
      %ge3A_1218 = arith.constant 1.000000e+00 : f32
      %ge3A_1219 = vector.broadcast %ge3A_1218 : f32 to vector<16xf32>
      %ge3A_1220 = arith.cmpf oge, %mul3A_1217, %ge3A_1219 : vector<16xf32>
      %get3A_1221 = arith.constant 368 : index
      %get3A_1222 = tpu.vector_load %arg16[%get3A_1221] {strides = array<i32>} : memref<640xf32, #tpu.memory_space<vmem>>, vector<16xf32>,
      %get3A_1223 = vector.shape_cast %get3A_1222 : vector<16xf32> to vector<16xf32>
      %jit3A_1224 = arith.constant 0.000000e+00 : f32
      %broadcast_in_dim3A_1225 = vector.broadcast %jit3A_1224 : f32 to vector<16xf32>
      %select_n3A_1226 = arith.select %ge3A_1220, %get3A_1223, %broadcast_in_dim3A_1225 : vector<16xi1>, vector<16xf32>
      %swap3A_1227 = arith.constant 368 : index
      %swap3A_1228 = tpu.vector_load %arg16[%swap3A_1227] {strides = array<i32>} : memref<640xf32, #tpu.memory_space<vmem>>, vector<16xf32>,
      %swap3A_1229 = vector.shape_cast %swap3A_1228 : vector<16xf32> to vector<16xf32>
      %swap3A_1230 = vector.shape_cast %select_n3A_1226 : vector<16xf32> to vector<16xf32>
      tpu.vector_store %arg16[%swap3A_1227], %swap3A_1230 {strides = array<i32>} : memref<640xf32, #tpu.memory_space<vmem>>, vector<16xf32>,
      %get3A_1231 = arith.constant 384 : index
      %get3A_1232 = tpu.vector_load %arg12[%get3A_1231] {strides = array<i32>} : memref<640xf32, #tpu.memory_space<vmem>>, vector<16xf32>,
      %get3A_1233 = vector.shape_cast %get3A_1232 : vector<16xf32> to vector<16xf32>
      %mul3A_1234 = arith.constant 0.951229453 : f32
      %mul3A_1235 = vector.broadcast %mul3A_1234 : f32 to vector<16xf32>
      %mul3A_1236 = arith.mulf %get3A_1233, %mul3A_1235 : vector<16xf32>
      %ge3A_1237 = arith.constant 1.000000e+00 : f32
      %ge3A_1238 = vector.broadcast %ge3A_1237 : f32 to vector<16xf32>
      %ge3A_1239 = arith.cmpf oge, %mul3A_1236, %ge3A_1238 : vector<16xf32>
      %get3A_1240 = arith.constant 384 : index
      %get3A_1241 = tpu.vector_load %arg16[%get3A_1240] {strides = array<i32>} : memref<640xf32, #tpu.memory_space<vmem>>, vector<16xf32>,
      %get3A_1242 = vector.shape_cast %get3A_1241 : vector<16xf32> to vector<16xf32>
      %jit3A_1243 = arith.constant 0.000000e+00 : f32
      %broadcast_in_dim3A_1244 = vector.broadcast %jit3A_1243 : f32 to vector<16xf32>
      %select_n3A_1245 = arith.select %ge3A_1239, %get3A_1242, %broadcast_in_dim3A_1244 : vector<16xi1>, vector<16xf32>
      %swap3A_1246 = arith.constant 384 : index
      %swap3A_1247 = tpu.vector_load %arg16[%swap3A_1246] {strides = array<i32>} : memref<640xf32, #tpu.memory_space<vmem>>, vector<16xf32>,
      %swap3A_1248 = vector.shape_cast %swap3A_1247 : vector<16xf32> to vector<16xf32>
      %swap3A_1249 = vector.shape_cast %select_n3A_1245 : vector<16xf32> to vector<16xf32>
      tpu.vector_store %arg16[%swap3A_1246], %swap3A_1249 {strides = array<i32>} : memref<640xf32, #tpu.memory_space<vmem>>, vector<16xf32>,
      %get3A_1250 = arith.constant 400 : index
      %get3A_1251 = tpu.vector_load %arg12[%get3A_1250] {strides = array<i32>} : memref<640xf32, #tpu.memory_space<vmem>>, vector<16xf32>,
      %get3A_1252 = vector.shape_cast %get3A_1251 : vector<16xf32> to vector<16xf32>
      %mul3A_1253 = arith.constant 0.951229453 : f32
      %mul3A_1254 = vector.broadcast %mul3A_1253 : f32 to vector<16xf32>
      %mul3A_1255 = arith.mulf %get3A_1252, %mul3A_1254 : vector<16xf32>
      %ge3A_1256 = arith.constant 1.000000e+00 : f32
      %ge3A_1257 = vector.broadcast %ge3A_1256 : f32 to vector<16xf32>
      %ge3A_1258 = arith.cmpf oge, %mul3A_1255, %ge3A_1257 : vector<16xf32>
      %get3A_1259 = arith.constant 400 : index
      %get3A_1260 = tpu.vector_load %arg16[%get3A_1259] {strides = array<i32>} : memref<640xf32, #tpu.memory_space<vmem>>, vector<16xf32>,
      %get3A_1261 = vector.shape_cast %get3A_1260 : vector<16xf32> to vector<16xf32>
      %jit3A_1262 = arith.constant 0.000000e+00 : f32
      %broadcast_in_dim3A_1263 = vector.broadcast %jit3A_1262 : f32 to vector<16xf32>
      %select_n3A_1264 = arith.select %ge3A_1258, %get3A_1261, %broadcast_in_dim3A_1263 : vector<16xi1>, vector<16xf32>
      %swap3A_1265 = arith.constant 400 : index
      %swap3A_1266 = tpu.vector_load %arg16[%swap3A_1265] {strides = array<i32>} : memref<640xf32, #tpu.memory_space<vmem>>, vector<16xf32>,
      %swap3A_1267 = vector.shape_cast %swap3A_1266 : vector<16xf32> to vector<16xf32>
      %swap3A_1268 = vector.shape_cast %select_n3A_1264 : vector<16xf32> to vector<16xf32>
      tpu.vector_store %arg16[%swap3A_1265], %swap3A_1268 {strides = array<i32>} : memref<640xf32, #tpu.memory_space<vmem>>, vector<16xf32>,
      %get3A_1269 = arith.constant 416 : index
      %get3A_1270 = tpu.vector_load %arg12[%get3A_1269] {strides = array<i32>} : memref<640xf32, #tpu.memory_space<vmem>>, vector<16xf32>,
      %get3A_1271 = vector.shape_cast %get3A_1270 : vector<16xf32> to vector<16xf32>
      %mul3A_1272 = arith.constant 0.951229453 : f32
      %mul3A_1273 = vector.broadcast %mul3A_1272 : f32 to vector<16xf32>
      %mul3A_1274 = arith.mulf %get3A_1271, %mul3A_1273 : vector<16xf32>
      %ge3A_1275 = arith.constant 1.000000e+00 : f32
      %ge3A_1276 = vector.broadcast %ge3A_1275 : f32 to vector<16xf32>
      %ge3A_1277 = arith.cmpf oge, %mul3A_1274, %ge3A_1276 : vector<16xf32>
      %get3A_1278 = arith.constant 416 : index
      %get3A_1279 = tpu.vector_load %arg16[%get3A_1278] {strides = array<i32>} : memref<640xf32, #tpu.memory_space<vmem>>, vector<16xf32>,
      %get3A_1280 = vector.shape_cast %get3A_1279 : vector<16xf32> to vector<16xf32>
      %jit3A_1281 = arith.constant 0.000000e+00 : f32
      %broadcast_in_dim3A_1282 = vector.broadcast %jit3A_1281 : f32 to vector<16xf32>
      %select_n3A_1283 = arith.select %ge3A_1277, %get3A_1280, %broadcast_in_dim3A_1282 : vector<16xi1>, vector<16xf32>
      %swap3A_1284 = arith.constant 416 : index
      %swap3A_1285 = tpu.vector_load %arg16[%swap3A_1284] {strides = array<i32>} : memref<640xf32, #tpu.memory_space<vmem>>, vector<16xf32>,
      %swap3A_1286 = vector.shape_cast %swap3A_1285 : vector<16xf32> to vector<16xf32>
      %swap3A_1287 = vector.shape_cast %select_n3A_1283 : vector<16xf32> to vector<16xf32>
      tpu.vector_store %arg16[%swap3A_1284], %swap3A_1287 {strides = array<i32>} : memref<640xf32, #tpu.memory_space<vmem>>, vector<16xf32>,
      %get3A_1288 = arith.constant 432 : index
      %get3A_1289 = tpu.vector_load %arg12[%get3A_1288] {strides = array<i32>} : memref<640xf32, #tpu.memory_space<vmem>>, vector<16xf32>,
      %get3A_1290 = vector.shape_cast %get3A_1289 : vector<16xf32> to vector<16xf32>
      %mul3A_1291 = arith.constant 0.951229453 : f32
      %mul3A_1292 = vector.broadcast %mul3A_1291 : f32 to vector<16xf32>
      %mul3A_1293 = arith.mulf %get3A_1290, %mul3A_1292 : vector<16xf32>
      %ge3A_1294 = arith.constant 1.000000e+00 : f32
      %ge3A_1295 = vector.broadcast %ge3A_1294 : f32 to vector<16xf32>
      %ge3A_1296 = arith.cmpf oge, %mul3A_1293, %ge3A_1295 : vector<16xf32>
      %get3A_1297 = arith.constant 432 : index
      %get3A_1298 = tpu.vector_load %arg16[%get3A_1297] {strides = array<i32>} : memref<640xf32, #tpu.memory_space<vmem>>, vector<16xf32>,
      %get3A_1299 = vector.shape_cast %get3A_1298 : vector<16xf32> to vector<16xf32>
      %jit3A_1300 = arith.constant 0.000000e+00 : f32
      %broadcast_in_dim3A_1301 = vector.broadcast %jit3A_1300 : f32 to vector<16xf32>
      %select_n3A_1302 = arith.select %ge3A_1296, %get3A_1299, %broadcast_in_dim3A_1301 : vector<16xi1>, vector<16xf32>
      %swap3A_1303 = arith.constant 432 : index
      %swap3A_1304 = tpu.vector_load %arg16[%swap3A_1303] {strides = array<i32>} : memref<640xf32, #tpu.memory_space<vmem>>, vector<16xf32>,
      %swap3A_1305 = vector.shape_cast %swap3A_1304 : vector<16xf32> to vector<16xf32>
      %swap3A_1306 = vector.shape_cast %select_n3A_1302 : vector<16xf32> to vector<16xf32>
      tpu.vector_store %arg16[%swap3A_1303], %swap3A_1306 {strides = array<i32>} : memref<640xf32, #tpu.memory_space<vmem>>, vector<16xf32>,
      %get3A_1307 = arith.constant 448 : index
      %get3A_1308 = tpu.vector_load %arg12[%get3A_1307] {strides = array<i32>} : memref<640xf32, #tpu.memory_space<vmem>>, vector<16xf32>,
      %get3A_1309 = vector.shape_cast %get3A_1308 : vector<16xf32> to vector<16xf32>
      %mul3A_1310 = arith.constant 0.951229453 : f32
      %mul3A_1311 = vector.broadcast %mul3A_1310 : f32 to vector<16xf32>
      %mul3A_1312 = arith.mulf %get3A_1309, %mul3A_1311 : vector<16xf32>
      %ge3A_1313 = arith.constant 1.000000e+00 : f32
      %ge3A_1314 = vector.broadcast %ge3A_1313 : f32 to vector<16xf32>
      %ge3A_1315 = arith.cmpf oge, %mul3A_1312, %ge3A_1314 : vector<16xf32>
      %get3A_1316 = arith.constant 448 : index
      %get3A_1317 = tpu.vector_load %arg16[%get3A_1316] {strides = array<i32>} : memref<640xf32, #tpu.memory_space<vmem>>, vector<16xf32>,
      %get3A_1318 = vector.shape_cast %get3A_1317 : vector<16xf32> to vector<16xf32>
      %jit3A_1319 = arith.constant 0.000000e+00 : f32
      %broadcast_in_dim3A_1320 = vector.broadcast %jit3A_1319 : f32 to vector<16xf32>
      %select_n3A_1321 = arith.select %ge3A_1315, %get3A_1318, %broadcast_in_dim3A_1320 : vector<16xi1>, vector<16xf32>
      %swap3A_1322 = arith.constant 448 : index
      %swap3A_1323 = tpu.vector_load %arg16[%swap3A_1322] {strides = array<i32>} : memref<640xf32, #tpu.memory_space<vmem>>, vector<16xf32>,
      %swap3A_1324 = vector.shape_cast %swap3A_1323 : vector<16xf32> to vector<16xf32>
      %swap3A_1325 = vector.shape_cast %select_n3A_1321 : vector<16xf32> to vector<16xf32>
      tpu.vector_store %arg16[%swap3A_1322], %swap3A_1325 {strides = array<i32>} : memref<640xf32, #tpu.memory_space<vmem>>, vector<16xf32>,
      %get3A_1326 = arith.constant 464 : index
      %get3A_1327 = tpu.vector_load %arg12[%get3A_1326] {strides = array<i32>} : memref<640xf32, #tpu.memory_space<vmem>>, vector<16xf32>,
      %get3A_1328 = vector.shape_cast %get3A_1327 : vector<16xf32> to vector<16xf32>
      %mul3A_1329 = arith.constant 0.951229453 : f32
      %mul3A_1330 = vector.broadcast %mul3A_1329 : f32 to vector<16xf32>
      %mul3A_1331 = arith.mulf %get3A_1328, %mul3A_1330 : vector<16xf32>
      %ge3A_1332 = arith.constant 1.000000e+00 : f32
      %ge3A_1333 = vector.broadcast %ge3A_1332 : f32 to vector<16xf32>
      %ge3A_1334 = arith.cmpf oge, %mul3A_1331, %ge3A_1333 : vector<16xf32>
      %get3A_1335 = arith.constant 464 : index
      %get3A_1336 = tpu.vector_load %arg16[%get3A_1335] {strides = array<i32>} : memref<640xf32, #tpu.memory_space<vmem>>, vector<16xf32>,
      %get3A_1337 = vector.shape_cast %get3A_1336 : vector<16xf32> to vector<16xf32>
      %jit3A_1338 = arith.constant 0.000000e+00 : f32
      %broadcast_in_dim3A_1339 = vector.broadcast %jit3A_1338 : f32 to vector<16xf32>
      %select_n3A_1340 = arith.select %ge3A_1334, %get3A_1337, %broadcast_in_dim3A_1339 : vector<16xi1>, vector<16xf32>
      %swap3A_1341 = arith.constant 464 : index
      %swap3A_1342 = tpu.vector_load %arg16[%swap3A_1341] {strides = array<i32>} : memref<640xf32, #tpu.memory_space<vmem>>, vector<16xf32>,
      %swap3A_1343 = vector.shape_cast %swap3A_1342 : vector<16xf32> to vector<16xf32>
      %swap3A_1344 = vector.shape_cast %select_n3A_1340 : vector<16xf32> to vector<16xf32>
      tpu.vector_store %arg16[%swap3A_1341], %swap3A_1344 {strides = array<i32>} : memref<640xf32, #tpu.memory_space<vmem>>, vector<16xf32>,
      %get3A_1345 = arith.constant 480 : index
      %get3A_1346 = tpu.vector_load %arg12[%get3A_1345] {strides = array<i32>} : memref<640xf32, #tpu.memory_space<vmem>>, vector<16xf32>,
      %get3A_1347 = vector.shape_cast %get3A_1346 : vector<16xf32> to vector<16xf32>
      %mul3A_1348 = arith.constant 0.951229453 : f32
      %mul3A_1349 = vector.broadcast %mul3A_1348 : f32 to vector<16xf32>
      %mul3A_1350 = arith.mulf %get3A_1347, %mul3A_1349 : vector<16xf32>
      %ge3A_1351 = arith.constant 1.000000e+00 : f32
      %ge3A_1352 = vector.broadcast %ge3A_1351 : f32 to vector<16xf32>
      %ge3A_1353 = arith.cmpf oge, %mul3A_1350, %ge3A_1352 : vector<16xf32>
      %get3A_1354 = arith.constant 480 : index
      %get3A_1355 = tpu.vector_load %arg16[%get3A_1354] {strides = array<i32>} : memref<640xf32, #tpu.memory_space<vmem>>, vector<16xf32>,
      %get3A_1356 = vector.shape_cast %get3A_1355 : vector<16xf32> to vector<16xf32>
      %jit3A_1357 = arith.constant 0.000000e+00 : f32
      %broadcast_in_dim3A_1358 = vector.broadcast %jit3A_1357 : f32 to vector<16xf32>
      %select_n3A_1359 = arith.select %ge3A_1353, %get3A_1356, %broadcast_in_dim3A_1358 : vector<16xi1>, vector<16xf32>
      %swap3A_1360 = arith.constant 480 : index
      %swap3A_1361 = tpu.vector_load %arg16[%swap3A_1360] {strides = array<i32>} : memref<640xf32, #tpu.memory_space<vmem>>, vector<16xf32>,
      %swap3A_1362 = vector.shape_cast %swap3A_1361 : vector<16xf32> to vector<16xf32>
      %swap3A_1363 = vector.shape_cast %select_n3A_1359 : vector<16xf32> to vector<16xf32>
      tpu.vector_store %arg16[%swap3A_1360], %swap3A_1363 {strides = array<i32>} : memref<640xf32, #tpu.memory_space<vmem>>, vector<16xf32>,
      %get3A_1364 = arith.constant 496 : index
      %get3A_1365 = tpu.vector_load %arg12[%get3A_1364] {strides = array<i32>} : memref<640xf32, #tpu.memory_space<vmem>>, vector<16xf32>,
      %get3A_1366 = vector.shape_cast %get3A_1365 : vector<16xf32> to vector<16xf32>
      %mul3A_1367 = arith.constant 0.951229453 : f32
      %mul3A_1368 = vector.broadcast %mul3A_1367 : f32 to vector<16xf32>
      %mul3A_1369 = arith.mulf %get3A_1366, %mul3A_1368 : vector<16xf32>
      %ge3A_1370 = arith.constant 1.000000e+00 : f32
      %ge3A_1371 = vector.broadcast %ge3A_1370 : f32 to vector<16xf32>
      %ge3A_1372 = arith.cmpf oge, %mul3A_1369, %ge3A_1371 : vector<16xf32>
      %get3A_1373 = arith.constant 496 : index
      %get3A_1374 = tpu.vector_load %arg16[%get3A_1373] {strides = array<i32>} : memref<640xf32, #tpu.memory_space<vmem>>, vector<16xf32>,
      %get3A_1375 = vector.shape_cast %get3A_1374 : vector<16xf32> to vector<16xf32>
      %jit3A_1376 = arith.constant 0.000000e+00 : f32
      %broadcast_in_dim3A_1377 = vector.broadcast %jit3A_1376 : f32 to vector<16xf32>
      %select_n3A_1378 = arith.select %ge3A_1372, %get3A_1375, %broadcast_in_dim3A_1377 : vector<16xi1>, vector<16xf32>
      %swap3A_1379 = arith.constant 496 : index
      %swap3A_1380 = tpu.vector_load %arg16[%swap3A_1379] {strides = array<i32>} : memref<640xf32, #tpu.memory_space<vmem>>, vector<16xf32>,
      %swap3A_1381 = vector.shape_cast %swap3A_1380 : vector<16xf32> to vector<16xf32>
      %swap3A_1382 = vector.shape_cast %select_n3A_1378 : vector<16xf32> to vector<16xf32>
      tpu.vector_store %arg16[%swap3A_1379], %swap3A_1382 {strides = array<i32>} : memref<640xf32, #tpu.memory_space<vmem>>, vector<16xf32>,
      %get3A_1383 = arith.constant 512 : index
      %get3A_1384 = tpu.vector_load %arg12[%get3A_1383] {strides = array<i32>} : memref<640xf32, #tpu.memory_space<vmem>>, vector<16xf32>,
      %get3A_1385 = vector.shape_cast %get3A_1384 : vector<16xf32> to vector<16xf32>
      %mul3A_1386 = arith.constant 0.951229453 : f32
      %mul3A_1387 = vector.broadcast %mul3A_1386 : f32 to vector<16xf32>
      %mul3A_1388 = arith.mulf %get3A_1385, %mul3A_1387 : vector<16xf32>
      %ge3A_1389 = arith.constant 1.000000e+00 : f32
      %ge3A_1390 = vector.broadcast %ge3A_1389 : f32 to vector<16xf32>
      %ge3A_1391 = arith.cmpf oge, %mul3A_1388, %ge3A_1390 : vector<16xf32>
      %get3A_1392 = arith.constant 512 : index
      %get3A_1393 = tpu.vector_load %arg16[%get3A_1392] {strides = array<i32>} : memref<640xf32, #tpu.memory_space<vmem>>, vector<16xf32>,
      %get3A_1394 = vector.shape_cast %get3A_1393 : vector<16xf32> to vector<16xf32>
      %jit3A_1395 = arith.constant 0.000000e+00 : f32
      %broadcast_in_dim3A_1396 = vector.broadcast %jit3A_1395 : f32 to vector<16xf32>
      %select_n3A_1397 = arith.select %ge3A_1391, %get3A_1394, %broadcast_in_dim3A_1396 : vector<16xi1>, vector<16xf32>
      %swap3A_1398 = arith.constant 512 : index
      %swap3A_1399 = tpu.vector_load %arg16[%swap3A_1398] {strides = array<i32>} : memref<640xf32, #tpu.memory_space<vmem>>, vector<16xf32>,
      %swap3A_1400 = vector.shape_cast %swap3A_1399 : vector<16xf32> to vector<16xf32>
      %swap3A_1401 = vector.shape_cast %select_n3A_1397 : vector<16xf32> to vector<16xf32>
      tpu.vector_store %arg16[%swap3A_1398], %swap3A_1401 {strides = array<i32>} : memref<640xf32, #tpu.memory_space<vmem>>, vector<16xf32>,
      %get3A_1402 = arith.constant 528 : index
      %get3A_1403 = tpu.vector_load %arg12[%get3A_1402] {strides = array<i32>} : memref<640xf32, #tpu.memory_space<vmem>>, vector<16xf32>,
      %get3A_1404 = vector.shape_cast %get3A_1403 : vector<16xf32> to vector<16xf32>
      %mul3A_1405 = arith.constant 0.951229453 : f32
      %mul3A_1406 = vector.broadcast %mul3A_1405 : f32 to vector<16xf32>
      %mul3A_1407 = arith.mulf %get3A_1404, %mul3A_1406 : vector<16xf32>
      %ge3A_1408 = arith.constant 1.000000e+00 : f32
      %ge3A_1409 = vector.broadcast %ge3A_1408 : f32 to vector<16xf32>
      %ge3A_1410 = arith.cmpf oge, %mul3A_1407, %ge3A_1409 : vector<16xf32>
      %get3A_1411 = arith.constant 528 : index
      %get3A_1412 = tpu.vector_load %arg16[%get3A_1411] {strides = array<i32>} : memref<640xf32, #tpu.memory_space<vmem>>, vector<16xf32>,
      %get3A_1413 = vector.shape_cast %get3A_1412 : vector<16xf32> to vector<16xf32>
      %jit3A_1414 = arith.constant 0.000000e+00 : f32
      %broadcast_in_dim3A_1415 = vector.broadcast %jit3A_1414 : f32 to vector<16xf32>
      %select_n3A_1416 = arith.select %ge3A_1410, %get3A_1413, %broadcast_in_dim3A_1415 : vector<16xi1>, vector<16xf32>
      %swap3A_1417 = arith.constant 528 : index
      %swap3A_1418 = tpu.vector_load %arg16[%swap3A_1417] {strides = array<i32>} : memref<640xf32, #tpu.memory_space<vmem>>, vector<16xf32>,
      %swap3A_1419 = vector.shape_cast %swap3A_1418 : vector<16xf32> to vector<16xf32>
      %swap3A_1420 = vector.shape_cast %select_n3A_1416 : vector<16xf32> to vector<16xf32>
      tpu.vector_store %arg16[%swap3A_1417], %swap3A_1420 {strides = array<i32>} : memref<640xf32, #tpu.memory_space<vmem>>, vector<16xf32>,
      %get3A_1421 = arith.constant 544 : index
      %get3A_1422 = tpu.vector_load %arg12[%get3A_1421] {strides = array<i32>} : memref<640xf32, #tpu.memory_space<vmem>>, vector<16xf32>,
      %get3A_1423 = vector.shape_cast %get3A_1422 : vector<16xf32> to vector<16xf32>
      %mul3A_1424 = arith.constant 0.951229453 : f32
      %mul3A_1425 = vector.broadcast %mul3A_1424 : f32 to vector<16xf32>
      %mul3A_1426 = arith.mulf %get3A_1423, %mul3A_1425 : vector<16xf32>
      %ge3A_1427 = arith.constant 1.000000e+00 : f32
      %ge3A_1428 = vector.broadcast %ge3A_1427 : f32 to vector<16xf32>
      %ge3A_1429 = arith.cmpf oge, %mul3A_1426, %ge3A_1428 : vector<16xf32>
      %get3A_1430 = arith.constant 544 : index
      %get3A_1431 = tpu.vector_load %arg16[%get3A_1430] {strides = array<i32>} : memref<640xf32, #tpu.memory_space<vmem>>, vector<16xf32>,
      %get3A_1432 = vector.shape_cast %get3A_1431 : vector<16xf32> to vector<16xf32>
      %jit3A_1433 = arith.constant 0.000000e+00 : f32
      %broadcast_in_dim3A_1434 = vector.broadcast %jit3A_1433 : f32 to vector<16xf32>
      %select_n3A_1435 = arith.select %ge3A_1429, %get3A_1432, %broadcast_in_dim3A_1434 : vector<16xi1>, vector<16xf32>
      %swap3A_1436 = arith.constant 544 : index
      %swap3A_1437 = tpu.vector_load %arg16[%swap3A_1436] {strides = array<i32>} : memref<640xf32, #tpu.memory_space<vmem>>, vector<16xf32>,
      %swap3A_1438 = vector.shape_cast %swap3A_1437 : vector<16xf32> to vector<16xf32>
      %swap3A_1439 = vector.shape_cast %select_n3A_1435 : vector<16xf32> to vector<16xf32>
      tpu.vector_store %arg16[%swap3A_1436], %swap3A_1439 {strides = array<i32>} : memref<640xf32, #tpu.memory_space<vmem>>, vector<16xf32>,
      %get3A_1440 = arith.constant 560 : index
      %get3A_1441 = tpu.vector_load %arg12[%get3A_1440] {strides = array<i32>} : memref<640xf32, #tpu.memory_space<vmem>>, vector<16xf32>,
      %get3A_1442 = vector.shape_cast %get3A_1441 : vector<16xf32> to vector<16xf32>
      %mul3A_1443 = arith.constant 0.951229453 : f32
      %mul3A_1444 = vector.broadcast %mul3A_1443 : f32 to vector<16xf32>
      %mul3A_1445 = arith.mulf %get3A_1442, %mul3A_1444 : vector<16xf32>
      %ge3A_1446 = arith.constant 1.000000e+00 : f32
      %ge3A_1447 = vector.broadcast %ge3A_1446 : f32 to vector<16xf32>
      %ge3A_1448 = arith.cmpf oge, %mul3A_1445, %ge3A_1447 : vector<16xf32>
      %get3A_1449 = arith.constant 560 : index
      %get3A_1450 = tpu.vector_load %arg16[%get3A_1449] {strides = array<i32>} : memref<640xf32, #tpu.memory_space<vmem>>, vector<16xf32>,
      %get3A_1451 = vector.shape_cast %get3A_1450 : vector<16xf32> to vector<16xf32>
      %jit3A_1452 = arith.constant 0.000000e+00 : f32
      %broadcast_in_dim3A_1453 = vector.broadcast %jit3A_1452 : f32 to vector<16xf32>
      %select_n3A_1454 = arith.select %ge3A_1448, %get3A_1451, %broadcast_in_dim3A_1453 : vector<16xi1>, vector<16xf32>
      %swap3A_1455 = arith.constant 560 : index
      %swap3A_1456 = tpu.vector_load %arg16[%swap3A_1455] {strides = array<i32>} : memref<640xf32, #tpu.memory_space<vmem>>, vector<16xf32>,
      %swap3A_1457 = vector.shape_cast %swap3A_1456 : vector<16xf32> to vector<16xf32>
      %swap3A_1458 = vector.shape_cast %select_n3A_1454 : vector<16xf32> to vector<16xf32>
      tpu.vector_store %arg16[%swap3A_1455], %swap3A_1458 {strides = array<i32>} : memref<640xf32, #tpu.memory_space<vmem>>, vector<16xf32>,
      %get3A_1459 = arith.constant 576 : index
      %get3A_1460 = tpu.vector_load %arg12[%get3A_1459] {strides = array<i32>} : memref<640xf32, #tpu.memory_space<vmem>>, vector<16xf32>,
      %get3A_1461 = vector.shape_cast %get3A_1460 : vector<16xf32> to vector<16xf32>
      %mul3A_1462 = arith.constant 0.951229453 : f32
      %mul3A_1463 = vector.broadcast %mul3A_1462 : f32 to vector<16xf32>
      %mul3A_1464 = arith.mulf %get3A_1461, %mul3A_1463 : vector<16xf32>
      %ge3A_1465 = arith.constant 1.000000e+00 : f32
      %ge3A_1466 = vector.broadcast %ge3A_1465 : f32 to vector<16xf32>
      %ge3A_1467 = arith.cmpf oge, %mul3A_1464, %ge3A_1466 : vector<16xf32>
      %get3A_1468 = arith.constant 576 : index
      %get3A_1469 = tpu.vector_load %arg16[%get3A_1468] {strides = array<i32>} : memref<640xf32, #tpu.memory_space<vmem>>, vector<16xf32>,
      %get3A_1470 = vector.shape_cast %get3A_1469 : vector<16xf32> to vector<16xf32>
      %jit3A_1471 = arith.constant 0.000000e+00 : f32
      %broadcast_in_dim3A_1472 = vector.broadcast %jit3A_1471 : f32 to vector<16xf32>
      %select_n3A_1473 = arith.select %ge3A_1467, %get3A_1470, %broadcast_in_dim3A_1472 : vector<16xi1>, vector<16xf32>
      %swap3A_1474 = arith.constant 576 : index
      %swap3A_1475 = tpu.vector_load %arg16[%swap3A_1474] {strides = array<i32>} : memref<640xf32, #tpu.memory_space<vmem>>, vector<16xf32>,
      %swap3A_1476 = vector.shape_cast %swap3A_1475 : vector<16xf32> to vector<16xf32>
      %swap3A_1477 = vector.shape_cast %select_n3A_1473 : vector<16xf32> to vector<16xf32>
      tpu.vector_store %arg16[%swap3A_1474], %swap3A_1477 {strides = array<i32>} : memref<640xf32, #tpu.memory_space<vmem>>, vector<16xf32>,
      %get3A_1478 = arith.constant 592 : index
      %get3A_1479 = tpu.vector_load %arg12[%get3A_1478] {strides = array<i32>} : memref<640xf32, #tpu.memory_space<vmem>>, vector<16xf32>,
      %get3A_1480 = vector.shape_cast %get3A_1479 : vector<16xf32> to vector<16xf32>
      %mul3A_1481 = arith.constant 0.951229453 : f32
      %mul3A_1482 = vector.broadcast %mul3A_1481 : f32 to vector<16xf32>
      %mul3A_1483 = arith.mulf %get3A_1480, %mul3A_1482 : vector<16xf32>
      %ge3A_1484 = arith.constant 1.000000e+00 : f32
      %ge3A_1485 = vector.broadcast %ge3A_1484 : f32 to vector<16xf32>
      %ge3A_1486 = arith.cmpf oge, %mul3A_1483, %ge3A_1485 : vector<16xf32>
      %get3A_1487 = arith.constant 592 : index
      %get3A_1488 = tpu.vector_load %arg16[%get3A_1487] {strides = array<i32>} : memref<640xf32, #tpu.memory_space<vmem>>, vector<16xf32>,
      %get3A_1489 = vector.shape_cast %get3A_1488 : vector<16xf32> to vector<16xf32>
      %jit3A_1490 = arith.constant 0.000000e+00 : f32
      %broadcast_in_dim3A_1491 = vector.broadcast %jit3A_1490 : f32 to vector<16xf32>
      %select_n3A_1492 = arith.select %ge3A_1486, %get3A_1489, %broadcast_in_dim3A_1491 : vector<16xi1>, vector<16xf32>
      %swap3A_1493 = arith.constant 592 : index
      %swap3A_1494 = tpu.vector_load %arg16[%swap3A_1493] {strides = array<i32>} : memref<640xf32, #tpu.memory_space<vmem>>, vector<16xf32>,
      %swap3A_1495 = vector.shape_cast %swap3A_1494 : vector<16xf32> to vector<16xf32>
      %swap3A_1496 = vector.shape_cast %select_n3A_1492 : vector<16xf32> to vector<16xf32>
      tpu.vector_store %arg16[%swap3A_1493], %swap3A_1496 {strides = array<i32>} : memref<640xf32, #tpu.memory_space<vmem>>, vector<16xf32>,
      %get3A_1497 = arith.constant 608 : index
      %get3A_1498 = tpu.vector_load %arg12[%get3A_1497] {strides = array<i32>} : memref<640xf32, #tpu.memory_space<vmem>>, vector<16xf32>,
      %get3A_1499 = vector.shape_cast %get3A_1498 : vector<16xf32> to vector<16xf32>
      %mul3A_1500 = arith.constant 0.951229453 : f32
      %mul3A_1501 = vector.broadcast %mul3A_1500 : f32 to vector<16xf32>
      %mul3A_1502 = arith.mulf %get3A_1499, %mul3A_1501 : vector<16xf32>
      %ge3A_1503 = arith.constant 1.000000e+00 : f32
      %ge3A_1504 = vector.broadcast %ge3A_1503 : f32 to vector<16xf32>
      %ge3A_1505 = arith.cmpf oge, %mul3A_1502, %ge3A_1504 : vector<16xf32>
      %get3A_1506 = arith.constant 608 : index
      %get3A_1507 = tpu.vector_load %arg16[%get3A_1506] {strides = array<i32>} : memref<640xf32, #tpu.memory_space<vmem>>, vector<16xf32>,
      %get3A_1508 = vector.shape_cast %get3A_1507 : vector<16xf32> to vector<16xf32>
      %jit3A_1509 = arith.constant 0.000000e+00 : f32
      %broadcast_in_dim3A_1510 = vector.broadcast %jit3A_1509 : f32 to vector<16xf32>
      %select_n3A_1511 = arith.select %ge3A_1505, %get3A_1508, %broadcast_in_dim3A_1510 : vector<16xi1>, vector<16xf32>
      %swap3A_1512 = arith.constant 608 : index
      %swap3A_1513 = tpu.vector_load %arg16[%swap3A_1512] {strides = array<i32>} : memref<640xf32, #tpu.memory_space<vmem>>, vector<16xf32>,
      %swap3A_1514 = vector.shape_cast %swap3A_1513 : vector<16xf32> to vector<16xf32>
      %swap3A_1515 = vector.shape_cast %select_n3A_1511 : vector<16xf32> to vector<16xf32>
      tpu.vector_store %arg16[%swap3A_1512], %swap3A_1515 {strides = array<i32>} : memref<640xf32, #tpu.memory_space<vmem>>, vector<16xf32>,
      %get3A_1516 = arith.constant 624 : index
      %get3A_1517 = tpu.vector_load %arg12[%get3A_1516] {strides = array<i32>} : memref<640xf32, #tpu.memory_space<vmem>>, vector<16xf32>,
      %get3A_1518 = vector.shape_cast %get3A_1517 : vector<16xf32> to vector<16xf32>
      %mul3A_1519 = arith.constant 0.951229453 : f32
      %mul3A_1520 = vector.broadcast %mul3A_1519 : f32 to vector<16xf32>
      %mul3A_1521 = arith.mulf %get3A_1518, %mul3A_1520 : vector<16xf32>
      %ge3A_1522 = arith.constant 1.000000e+00 : f32
      %ge3A_1523 = vector.broadcast %ge3A_1522 : f32 to vector<16xf32>
      %ge3A_1524 = arith.cmpf oge, %mul3A_1521, %ge3A_1523 : vector<16xf32>
      %get3A_1525 = arith.constant 624 : index
      %get3A_1526 = tpu.vector_load %arg16[%get3A_1525] {strides = array<i32>} : memref<640xf32, #tpu.memory_space<vmem>>, vector<16xf32>,
      %get3A_1527 = vector.shape_cast %get3A_1526 : vector<16xf32> to vector<16xf32>
      %jit3A_1528 = arith.constant 0.000000e+00 : f32
      %broadcast_in_dim3A_1529 = vector.broadcast %jit3A_1528 : f32 to vector<16xf32>
      %select_n3A_1530 = arith.select %ge3A_1524, %get3A_1527, %broadcast_in_dim3A_1529 : vector<16xi1>, vector<16xf32>
      %swap3A_1531 = arith.constant 624 : index
      %swap3A_1532 = tpu.vector_load %arg16[%swap3A_1531] {strides = array<i32>} : memref<640xf32, #tpu.memory_space<vmem>>, vector<16xf32>,
      %swap3A_1533 = vector.shape_cast %swap3A_1532 : vector<16xf32> to vector<16xf32>
      %swap3A_1534 = vector.shape_cast %select_n3A_1530 : vector<16xf32> to vector<16xf32>
      tpu.vector_store %arg16[%swap3A_1531], %swap3A_1534 {strides = array<i32>} : memref<640xf32, #tpu.memory_space<vmem>>, vector<16xf32>,
      "tpu.region"() ({
        %run_scoped3A = tpu.sem_alloc : memref<!tpu.dma_semaphore, #tpu.memory_space<semaphore_mem>>
        %dma_start3A_1541 = arith.constant 0 : i32
        %dma_start3A_1542 = tpu.memref_slice %arg21[%dma_start3A_1541] : memref<128xf32, #tpu.memory_space<vmem_shared>> -> memref<128xf32, #tpu.memory_space<vmem_shared>>
        tpu.enqueue_indirect_dma source(%arg16 : memref<640xf32, #tpu.memory_space<vmem>>) target(%dma_start3A_1542 : memref<128xf32, #tpu.memory_space<vmem_shared>>) offsets(%arg15 : memref<640xi32, #tpu.memory_space<vmem>>) semaphore(%run_scoped3A : memref<!tpu.dma_semaphore, #tpu.memory_space<semaphore_mem>>) {add = true}
        %dma_wait3A_1543 = arith.constant 0 : i32
        %dma_wait3A_1544 = tpu.memref_slice %arg21[%dma_wait3A_1543] : memref<128xf32, #tpu.memory_space<vmem_shared>> -> memref<128xf32, #tpu.memory_space<vmem_shared>>
        tpu.wait_indirect_dma semaphore(%run_scoped3A : memref<!tpu.dma_semaphore, #tpu.memory_space<semaphore_mem>>) src(%arg16 : memref<640xf32, #tpu.memory_space<vmem>>) dst(%dma_wait3A_1544 : memref<128xf32, #tpu.memory_space<vmem_shared>>)
        tpu.yield
      }) : () -> ()
      %barrier3A_1535 = arith.constant 0 : index
      tpu.barrier barrier_id(%barrier3A_1535)
      %eq3A_1536 = arith.constant 0 : i32
      %eq3A_1537 = arith.cmpi eq, %arg1, %eq3A_1536 : i32
      %convert_element_type3A_1538 = arith.extui %eq3A_1537 : i1 to i32
      %cond3A_1539 = arith.constant 0 : i32
      %cond3A_1540 = arith.cmpi ne, %convert_element_type3A_1538, %cond3A_1539 : i32
      scf.if %cond3A_1540 {
        "tpu.region"() ({
          %run_scoped3A = tpu.sem_alloc : memref<!tpu.dma_semaphore, #tpu.memory_space<semaphore_mem>>
          tpu.enqueue_dma source(%arg21 : memref<128xf32, #tpu.memory_space<vmem_shared>>) target(%arg19 : memref<128xf32, #tpu.memory_space<vmem>>) target_semaphore(%run_scoped3A : memref<!tpu.dma_semaphore, #tpu.memory_space<semaphore_mem>>)
          tpu.wait_dma2 semaphore(%run_scoped3A : memref<!tpu.dma_semaphore, #tpu.memory_space<semaphore_mem>>) src(%arg21 : memref<128xf32, #tpu.memory_space<vmem_shared>>) dst(%arg19 : memref<128xf32, #tpu.memory_space<vmem>>)
          tpu.yield
        }) : () -> ()
        "tpu.region"() ({
          %run_scoped3A = tpu.sem_alloc : memref<!tpu.dma_semaphore, #tpu.memory_space<semaphore_mem>>
          tpu.enqueue_dma source(%arg6 : memref<16xf32, #tpu.memory_space<hbm>>) target(%arg17 : memref<16xf32, #tpu.memory_space<vmem>>) target_semaphore(%run_scoped3A : memref<!tpu.dma_semaphore, #tpu.memory_space<semaphore_mem>>)
          tpu.wait_dma2 semaphore(%run_scoped3A : memref<!tpu.dma_semaphore, #tpu.memory_space<semaphore_mem>>) src(%arg6 : memref<16xf32, #tpu.memory_space<hbm>>) dst(%arg17 : memref<16xf32, #tpu.memory_space<vmem>>)
          tpu.yield
        }) : () -> ()
        %get3A_1541 = arith.constant 0 : index
        %get3A_1542 = tpu.vector_load %arg17[%get3A_1541] {strides = array<i32>} : memref<16xf32, #tpu.memory_space<vmem>>, vector<16xf32>,
        %get3A_1543 = vector.shape_cast %get3A_1542 : vector<16xf32> to vector<16xf32>
        %ge3A_1544 = arith.constant 3.000000e+00 : f32
        %ge3A_1545 = vector.broadcast %ge3A_1544 : f32 to vector<16xf32>
        %ge3A_1546 = arith.cmpf oge, %get3A_1543, %ge3A_1545 : vector<16xf32>
        %sub3A = arith.constant 2.000000e+00 : f32
        %sub3A_1547 = vector.broadcast %sub3A : f32 to vector<16xf32>
        %sub3A_1548 = arith.subf %get3A_1543, %sub3A_1547 : vector<16xf32>
        %neg3A = arith.constant 0.000000e+00 : f32
        %neg3A_1549 = vector.broadcast %neg3A : f32 to vector<16xf32>
        %neg3A_1550 = arith.subf %neg3A_1549, %sub3A_1548 : vector<16xf32>
        %div3A_1551 = arith.constant 2.000000e+01 : f32
        %div3A_1552 = vector.broadcast %div3A_1551 : f32 to vector<16xf32>
        %div3A_1553 = arith.divf %neg3A_1550, %div3A_1552 : vector<16xf32>
        %exp3A = math.exp %div3A_1553 : vector<16xf32>
        %jit3A_1554 = arith.constant 0.000000e+00 : f32
        %broadcast_in_dim3A_1555 = vector.broadcast %jit3A_1554 : f32 to vector<16xf32>
        %select_n3A_1556 = arith.select %ge3A_1546, %exp3A, %broadcast_in_dim3A_1555 : vector<16xi1>, vector<16xf32>
        %get3A_1557 = arith.constant 0 : index
        %get3A_1558 = tpu.vector_load %arg19[%get3A_1557] {strides = array<i32>} : memref<128xf32, #tpu.memory_space<vmem>>, vector<16xf32>,
        %get3A_1559 = vector.shape_cast %get3A_1558 : vector<16xf32> to vector<16xf32>
        %mul3A_1560 = arith.constant 0.951229453 : f32
        %mul3A_1561 = vector.broadcast %mul3A_1560 : f32 to vector<16xf32>
        %mul3A_1562 = arith.mulf %get3A_1559, %mul3A_1561 : vector<16xf32>
        %ge3A_1563 = arith.constant 1.000000e+00 : f32
        %ge3A_1564 = vector.broadcast %ge3A_1563 : f32 to vector<16xf32>
        %ge3A_1565 = arith.cmpf oge, %mul3A_1562, %ge3A_1564 : vector<16xf32>
        %and3A = arith.andi %ge3A_1546, %ge3A_1565 : vector<16xi1>
        %jit3A_1566 = arith.constant 2 : i32
        %jit3A_1567 = arith.constant -1 : i32
        %broadcast_in_dim3A_1568 = vector.broadcast %jit3A_1566 : i32 to vector<16xi32>
        %broadcast_in_dim3A_1569 = vector.broadcast %jit3A_1567 : i32 to vector<16xi32>
        %select_n3A_1570 = arith.select %and3A, %broadcast_in_dim3A_1568, %broadcast_in_dim3A_1569 : vector<16xi1>, vector<16xi32>
        %swap3A_1571 = arith.constant 0 : index
        %swap3A_1572 = tpu.vector_load %arg18[%swap3A_1571] {strides = array<i32>} : memref<128xi32, #tpu.memory_space<vmem>>, vector<16xi32>,
        %swap3A_1573 = vector.shape_cast %swap3A_1572 : vector<16xi32> to vector<16xi32>
        %swap3A_1574 = vector.shape_cast %select_n3A_1570 : vector<16xi32> to vector<16xi32>
        tpu.vector_store %arg18[%swap3A_1571], %swap3A_1574 {strides = array<i32>} : memref<128xi32, #tpu.memory_space<vmem>>, vector<16xi32>,
        %mul3A_1575 = arith.mulf %get3A_1559, %select_n3A_1556 : vector<16xf32>
        %swap3A_1576 = arith.constant 0 : index
        %swap3A_1577 = tpu.vector_load %arg19[%swap3A_1576] {strides = array<i32>} : memref<128xf32, #tpu.memory_space<vmem>>, vector<16xf32>,
        %swap3A_1578 = vector.shape_cast %swap3A_1577 : vector<16xf32> to vector<16xf32>
        %swap3A_1579 = vector.shape_cast %mul3A_1575 : vector<16xf32> to vector<16xf32>
        tpu.vector_store %arg19[%swap3A_1576], %swap3A_1579 {strides = array<i32>} : memref<128xf32, #tpu.memory_space<vmem>>, vector<16xf32>,
        %get3A_1580 = arith.constant 16 : index
        %get3A_1581 = tpu.vector_load %arg19[%get3A_1580] {strides = array<i32>} : memref<128xf32, #tpu.memory_space<vmem>>, vector<16xf32>,
        %get3A_1582 = vector.shape_cast %get3A_1581 : vector<16xf32> to vector<16xf32>
        %mul3A_1583 = arith.constant 0.951229453 : f32
        %mul3A_1584 = vector.broadcast %mul3A_1583 : f32 to vector<16xf32>
        %mul3A_1585 = arith.mulf %get3A_1582, %mul3A_1584 : vector<16xf32>
        %ge3A_1586 = arith.constant 1.000000e+00 : f32
        %ge3A_1587 = vector.broadcast %ge3A_1586 : f32 to vector<16xf32>
        %ge3A_1588 = arith.cmpf oge, %mul3A_1585, %ge3A_1587 : vector<16xf32>
        %and3A_1589 = arith.andi %ge3A_1546, %ge3A_1588 : vector<16xi1>
        %jit3A_1590 = arith.constant 2 : i32
        %jit3A_1591 = arith.constant -1 : i32
        %broadcast_in_dim3A_1592 = vector.broadcast %jit3A_1590 : i32 to vector<16xi32>
        %broadcast_in_dim3A_1593 = vector.broadcast %jit3A_1591 : i32 to vector<16xi32>
        %select_n3A_1594 = arith.select %and3A_1589, %broadcast_in_dim3A_1592, %broadcast_in_dim3A_1593 : vector<16xi1>, vector<16xi32>
        %swap3A_1595 = arith.constant 16 : index
        %swap3A_1596 = tpu.vector_load %arg18[%swap3A_1595] {strides = array<i32>} : memref<128xi32, #tpu.memory_space<vmem>>, vector<16xi32>,
        %swap3A_1597 = vector.shape_cast %swap3A_1596 : vector<16xi32> to vector<16xi32>
        %swap3A_1598 = vector.shape_cast %select_n3A_1594 : vector<16xi32> to vector<16xi32>
        tpu.vector_store %arg18[%swap3A_1595], %swap3A_1598 {strides = array<i32>} : memref<128xi32, #tpu.memory_space<vmem>>, vector<16xi32>,
        %mul3A_1599 = arith.mulf %get3A_1582, %select_n3A_1556 : vector<16xf32>
        %swap3A_1600 = arith.constant 16 : index
        %swap3A_1601 = tpu.vector_load %arg19[%swap3A_1600] {strides = array<i32>} : memref<128xf32, #tpu.memory_space<vmem>>, vector<16xf32>,
        %swap3A_1602 = vector.shape_cast %swap3A_1601 : vector<16xf32> to vector<16xf32>
        %swap3A_1603 = vector.shape_cast %mul3A_1599 : vector<16xf32> to vector<16xf32>
        tpu.vector_store %arg19[%swap3A_1600], %swap3A_1603 {strides = array<i32>} : memref<128xf32, #tpu.memory_space<vmem>>, vector<16xf32>,
        %get3A_1604 = arith.constant 32 : index
        %get3A_1605 = tpu.vector_load %arg19[%get3A_1604] {strides = array<i32>} : memref<128xf32, #tpu.memory_space<vmem>>, vector<16xf32>,
        %get3A_1606 = vector.shape_cast %get3A_1605 : vector<16xf32> to vector<16xf32>
        %mul3A_1607 = arith.constant 0.951229453 : f32
        %mul3A_1608 = vector.broadcast %mul3A_1607 : f32 to vector<16xf32>
        %mul3A_1609 = arith.mulf %get3A_1606, %mul3A_1608 : vector<16xf32>
        %ge3A_1610 = arith.constant 1.000000e+00 : f32
        %ge3A_1611 = vector.broadcast %ge3A_1610 : f32 to vector<16xf32>
        %ge3A_1612 = arith.cmpf oge, %mul3A_1609, %ge3A_1611 : vector<16xf32>
        %and3A_1613 = arith.andi %ge3A_1546, %ge3A_1612 : vector<16xi1>
        %jit3A_1614 = arith.constant 2 : i32
        %jit3A_1615 = arith.constant -1 : i32
        %broadcast_in_dim3A_1616 = vector.broadcast %jit3A_1614 : i32 to vector<16xi32>
        %broadcast_in_dim3A_1617 = vector.broadcast %jit3A_1615 : i32 to vector<16xi32>
        %select_n3A_1618 = arith.select %and3A_1613, %broadcast_in_dim3A_1616, %broadcast_in_dim3A_1617 : vector<16xi1>, vector<16xi32>
        %swap3A_1619 = arith.constant 32 : index
        %swap3A_1620 = tpu.vector_load %arg18[%swap3A_1619] {strides = array<i32>} : memref<128xi32, #tpu.memory_space<vmem>>, vector<16xi32>,
        %swap3A_1621 = vector.shape_cast %swap3A_1620 : vector<16xi32> to vector<16xi32>
        %swap3A_1622 = vector.shape_cast %select_n3A_1618 : vector<16xi32> to vector<16xi32>
        tpu.vector_store %arg18[%swap3A_1619], %swap3A_1622 {strides = array<i32>} : memref<128xi32, #tpu.memory_space<vmem>>, vector<16xi32>,
        %mul3A_1623 = arith.mulf %get3A_1606, %select_n3A_1556 : vector<16xf32>
        %swap3A_1624 = arith.constant 32 : index
        %swap3A_1625 = tpu.vector_load %arg19[%swap3A_1624] {strides = array<i32>} : memref<128xf32, #tpu.memory_space<vmem>>, vector<16xf32>,
        %swap3A_1626 = vector.shape_cast %swap3A_1625 : vector<16xf32> to vector<16xf32>
        %swap3A_1627 = vector.shape_cast %mul3A_1623 : vector<16xf32> to vector<16xf32>
        tpu.vector_store %arg19[%swap3A_1624], %swap3A_1627 {strides = array<i32>} : memref<128xf32, #tpu.memory_space<vmem>>, vector<16xf32>,
        %get3A_1628 = arith.constant 48 : index
        %get3A_1629 = tpu.vector_load %arg19[%get3A_1628] {strides = array<i32>} : memref<128xf32, #tpu.memory_space<vmem>>, vector<16xf32>,
        %get3A_1630 = vector.shape_cast %get3A_1629 : vector<16xf32> to vector<16xf32>
        %mul3A_1631 = arith.constant 0.951229453 : f32
        %mul3A_1632 = vector.broadcast %mul3A_1631 : f32 to vector<16xf32>
        %mul3A_1633 = arith.mulf %get3A_1630, %mul3A_1632 : vector<16xf32>
        %ge3A_1634 = arith.constant 1.000000e+00 : f32
        %ge3A_1635 = vector.broadcast %ge3A_1634 : f32 to vector<16xf32>
        %ge3A_1636 = arith.cmpf oge, %mul3A_1633, %ge3A_1635 : vector<16xf32>
        %and3A_1637 = arith.andi %ge3A_1546, %ge3A_1636 : vector<16xi1>
        %jit3A_1638 = arith.constant 2 : i32
        %jit3A_1639 = arith.constant -1 : i32
        %broadcast_in_dim3A_1640 = vector.broadcast %jit3A_1638 : i32 to vector<16xi32>
        %broadcast_in_dim3A_1641 = vector.broadcast %jit3A_1639 : i32 to vector<16xi32>
        %select_n3A_1642 = arith.select %and3A_1637, %broadcast_in_dim3A_1640, %broadcast_in_dim3A_1641 : vector<16xi1>, vector<16xi32>
        %swap3A_1643 = arith.constant 48 : index
        %swap3A_1644 = tpu.vector_load %arg18[%swap3A_1643] {strides = array<i32>} : memref<128xi32, #tpu.memory_space<vmem>>, vector<16xi32>,
        %swap3A_1645 = vector.shape_cast %swap3A_1644 : vector<16xi32> to vector<16xi32>
        %swap3A_1646 = vector.shape_cast %select_n3A_1642 : vector<16xi32> to vector<16xi32>
        tpu.vector_store %arg18[%swap3A_1643], %swap3A_1646 {strides = array<i32>} : memref<128xi32, #tpu.memory_space<vmem>>, vector<16xi32>,
        %mul3A_1647 = arith.mulf %get3A_1630, %select_n3A_1556 : vector<16xf32>
        %swap3A_1648 = arith.constant 48 : index
        %swap3A_1649 = tpu.vector_load %arg19[%swap3A_1648] {strides = array<i32>} : memref<128xf32, #tpu.memory_space<vmem>>, vector<16xf32>,
        %swap3A_1650 = vector.shape_cast %swap3A_1649 : vector<16xf32> to vector<16xf32>
        %swap3A_1651 = vector.shape_cast %mul3A_1647 : vector<16xf32> to vector<16xf32>
        tpu.vector_store %arg19[%swap3A_1648], %swap3A_1651 {strides = array<i32>} : memref<128xf32, #tpu.memory_space<vmem>>, vector<16xf32>,
        %get3A_1652 = arith.constant 64 : index
        %get3A_1653 = tpu.vector_load %arg19[%get3A_1652] {strides = array<i32>} : memref<128xf32, #tpu.memory_space<vmem>>, vector<16xf32>,
        %get3A_1654 = vector.shape_cast %get3A_1653 : vector<16xf32> to vector<16xf32>
        %mul3A_1655 = arith.constant 0.951229453 : f32
        %mul3A_1656 = vector.broadcast %mul3A_1655 : f32 to vector<16xf32>
        %mul3A_1657 = arith.mulf %get3A_1654, %mul3A_1656 : vector<16xf32>
        %ge3A_1658 = arith.constant 1.000000e+00 : f32
        %ge3A_1659 = vector.broadcast %ge3A_1658 : f32 to vector<16xf32>
        %ge3A_1660 = arith.cmpf oge, %mul3A_1657, %ge3A_1659 : vector<16xf32>
        %and3A_1661 = arith.andi %ge3A_1546, %ge3A_1660 : vector<16xi1>
        %jit3A_1662 = arith.constant 2 : i32
        %jit3A_1663 = arith.constant -1 : i32
        %broadcast_in_dim3A_1664 = vector.broadcast %jit3A_1662 : i32 to vector<16xi32>
        %broadcast_in_dim3A_1665 = vector.broadcast %jit3A_1663 : i32 to vector<16xi32>
        %select_n3A_1666 = arith.select %and3A_1661, %broadcast_in_dim3A_1664, %broadcast_in_dim3A_1665 : vector<16xi1>, vector<16xi32>
        %swap3A_1667 = arith.constant 64 : index
        %swap3A_1668 = tpu.vector_load %arg18[%swap3A_1667] {strides = array<i32>} : memref<128xi32, #tpu.memory_space<vmem>>, vector<16xi32>,
        %swap3A_1669 = vector.shape_cast %swap3A_1668 : vector<16xi32> to vector<16xi32>
        %swap3A_1670 = vector.shape_cast %select_n3A_1666 : vector<16xi32> to vector<16xi32>
        tpu.vector_store %arg18[%swap3A_1667], %swap3A_1670 {strides = array<i32>} : memref<128xi32, #tpu.memory_space<vmem>>, vector<16xi32>,
        %mul3A_1671 = arith.mulf %get3A_1654, %select_n3A_1556 : vector<16xf32>
        %swap3A_1672 = arith.constant 64 : index
        %swap3A_1673 = tpu.vector_load %arg19[%swap3A_1672] {strides = array<i32>} : memref<128xf32, #tpu.memory_space<vmem>>, vector<16xf32>,
        %swap3A_1674 = vector.shape_cast %swap3A_1673 : vector<16xf32> to vector<16xf32>
        %swap3A_1675 = vector.shape_cast %mul3A_1671 : vector<16xf32> to vector<16xf32>
        tpu.vector_store %arg19[%swap3A_1672], %swap3A_1675 {strides = array<i32>} : memref<128xf32, #tpu.memory_space<vmem>>, vector<16xf32>,
        %get3A_1676 = arith.constant 80 : index
        %get3A_1677 = tpu.vector_load %arg19[%get3A_1676] {strides = array<i32>} : memref<128xf32, #tpu.memory_space<vmem>>, vector<16xf32>,
        %get3A_1678 = vector.shape_cast %get3A_1677 : vector<16xf32> to vector<16xf32>
        %mul3A_1679 = arith.constant 0.951229453 : f32
        %mul3A_1680 = vector.broadcast %mul3A_1679 : f32 to vector<16xf32>
        %mul3A_1681 = arith.mulf %get3A_1678, %mul3A_1680 : vector<16xf32>
        %ge3A_1682 = arith.constant 1.000000e+00 : f32
        %ge3A_1683 = vector.broadcast %ge3A_1682 : f32 to vector<16xf32>
        %ge3A_1684 = arith.cmpf oge, %mul3A_1681, %ge3A_1683 : vector<16xf32>
        %and3A_1685 = arith.andi %ge3A_1546, %ge3A_1684 : vector<16xi1>
        %jit3A_1686 = arith.constant 2 : i32
        %jit3A_1687 = arith.constant -1 : i32
        %broadcast_in_dim3A_1688 = vector.broadcast %jit3A_1686 : i32 to vector<16xi32>
        %broadcast_in_dim3A_1689 = vector.broadcast %jit3A_1687 : i32 to vector<16xi32>
        %select_n3A_1690 = arith.select %and3A_1685, %broadcast_in_dim3A_1688, %broadcast_in_dim3A_1689 : vector<16xi1>, vector<16xi32>
        %swap3A_1691 = arith.constant 80 : index
        %swap3A_1692 = tpu.vector_load %arg18[%swap3A_1691] {strides = array<i32>} : memref<128xi32, #tpu.memory_space<vmem>>, vector<16xi32>,
        %swap3A_1693 = vector.shape_cast %swap3A_1692 : vector<16xi32> to vector<16xi32>
        %swap3A_1694 = vector.shape_cast %select_n3A_1690 : vector<16xi32> to vector<16xi32>
        tpu.vector_store %arg18[%swap3A_1691], %swap3A_1694 {strides = array<i32>} : memref<128xi32, #tpu.memory_space<vmem>>, vector<16xi32>,
        %mul3A_1695 = arith.mulf %get3A_1678, %select_n3A_1556 : vector<16xf32>
        %swap3A_1696 = arith.constant 80 : index
        %swap3A_1697 = tpu.vector_load %arg19[%swap3A_1696] {strides = array<i32>} : memref<128xf32, #tpu.memory_space<vmem>>, vector<16xf32>,
        %swap3A_1698 = vector.shape_cast %swap3A_1697 : vector<16xf32> to vector<16xf32>
        %swap3A_1699 = vector.shape_cast %mul3A_1695 : vector<16xf32> to vector<16xf32>
        tpu.vector_store %arg19[%swap3A_1696], %swap3A_1699 {strides = array<i32>} : memref<128xf32, #tpu.memory_space<vmem>>, vector<16xf32>,
        %get3A_1700 = arith.constant 96 : index
        %get3A_1701 = tpu.vector_load %arg19[%get3A_1700] {strides = array<i32>} : memref<128xf32, #tpu.memory_space<vmem>>, vector<16xf32>,
        %get3A_1702 = vector.shape_cast %get3A_1701 : vector<16xf32> to vector<16xf32>
        %mul3A_1703 = arith.constant 0.951229453 : f32
        %mul3A_1704 = vector.broadcast %mul3A_1703 : f32 to vector<16xf32>
        %mul3A_1705 = arith.mulf %get3A_1702, %mul3A_1704 : vector<16xf32>
        %ge3A_1706 = arith.constant 1.000000e+00 : f32
        %ge3A_1707 = vector.broadcast %ge3A_1706 : f32 to vector<16xf32>
        %ge3A_1708 = arith.cmpf oge, %mul3A_1705, %ge3A_1707 : vector<16xf32>
        %and3A_1709 = arith.andi %ge3A_1546, %ge3A_1708 : vector<16xi1>
        %jit3A_1710 = arith.constant 2 : i32
        %jit3A_1711 = arith.constant -1 : i32
        %broadcast_in_dim3A_1712 = vector.broadcast %jit3A_1710 : i32 to vector<16xi32>
        %broadcast_in_dim3A_1713 = vector.broadcast %jit3A_1711 : i32 to vector<16xi32>
        %select_n3A_1714 = arith.select %and3A_1709, %broadcast_in_dim3A_1712, %broadcast_in_dim3A_1713 : vector<16xi1>, vector<16xi32>
        %swap3A_1715 = arith.constant 96 : index
        %swap3A_1716 = tpu.vector_load %arg18[%swap3A_1715] {strides = array<i32>} : memref<128xi32, #tpu.memory_space<vmem>>, vector<16xi32>,
        %swap3A_1717 = vector.shape_cast %swap3A_1716 : vector<16xi32> to vector<16xi32>
        %swap3A_1718 = vector.shape_cast %select_n3A_1714 : vector<16xi32> to vector<16xi32>
        tpu.vector_store %arg18[%swap3A_1715], %swap3A_1718 {strides = array<i32>} : memref<128xi32, #tpu.memory_space<vmem>>, vector<16xi32>,
        %mul3A_1719 = arith.mulf %get3A_1702, %select_n3A_1556 : vector<16xf32>
        %swap3A_1720 = arith.constant 96 : index
        %swap3A_1721 = tpu.vector_load %arg19[%swap3A_1720] {strides = array<i32>} : memref<128xf32, #tpu.memory_space<vmem>>, vector<16xf32>,
        %swap3A_1722 = vector.shape_cast %swap3A_1721 : vector<16xf32> to vector<16xf32>
        %swap3A_1723 = vector.shape_cast %mul3A_1719 : vector<16xf32> to vector<16xf32>
        tpu.vector_store %arg19[%swap3A_1720], %swap3A_1723 {strides = array<i32>} : memref<128xf32, #tpu.memory_space<vmem>>, vector<16xf32>,
        %get3A_1724 = arith.constant 112 : index
        %get3A_1725 = tpu.vector_load %arg19[%get3A_1724] {strides = array<i32>} : memref<128xf32, #tpu.memory_space<vmem>>, vector<16xf32>,
        %get3A_1726 = vector.shape_cast %get3A_1725 : vector<16xf32> to vector<16xf32>
        %mul3A_1727 = arith.constant 0.951229453 : f32
        %mul3A_1728 = vector.broadcast %mul3A_1727 : f32 to vector<16xf32>
        %mul3A_1729 = arith.mulf %get3A_1726, %mul3A_1728 : vector<16xf32>
        %ge3A_1730 = arith.constant 1.000000e+00 : f32
        %ge3A_1731 = vector.broadcast %ge3A_1730 : f32 to vector<16xf32>
        %ge3A_1732 = arith.cmpf oge, %mul3A_1729, %ge3A_1731 : vector<16xf32>
        %and3A_1733 = arith.andi %ge3A_1546, %ge3A_1732 : vector<16xi1>
        %jit3A_1734 = arith.constant 2 : i32
        %jit3A_1735 = arith.constant -1 : i32
        %broadcast_in_dim3A_1736 = vector.broadcast %jit3A_1734 : i32 to vector<16xi32>
        %broadcast_in_dim3A_1737 = vector.broadcast %jit3A_1735 : i32 to vector<16xi32>
        %select_n3A_1738 = arith.select %and3A_1733, %broadcast_in_dim3A_1736, %broadcast_in_dim3A_1737 : vector<16xi1>, vector<16xi32>
        %swap3A_1739 = arith.constant 112 : index
        %swap3A_1740 = tpu.vector_load %arg18[%swap3A_1739] {strides = array<i32>} : memref<128xi32, #tpu.memory_space<vmem>>, vector<16xi32>,
        %swap3A_1741 = vector.shape_cast %swap3A_1740 : vector<16xi32> to vector<16xi32>
        %swap3A_1742 = vector.shape_cast %select_n3A_1738 : vector<16xi32> to vector<16xi32>
        tpu.vector_store %arg18[%swap3A_1739], %swap3A_1742 {strides = array<i32>} : memref<128xi32, #tpu.memory_space<vmem>>, vector<16xi32>,
        %mul3A_1743 = arith.mulf %get3A_1726, %select_n3A_1556 : vector<16xf32>
        %swap3A_1744 = arith.constant 112 : index
        %swap3A_1745 = tpu.vector_load %arg19[%swap3A_1744] {strides = array<i32>} : memref<128xf32, #tpu.memory_space<vmem>>, vector<16xf32>,
        %swap3A_1746 = vector.shape_cast %swap3A_1745 : vector<16xf32> to vector<16xf32>
        %swap3A_1747 = vector.shape_cast %mul3A_1743 : vector<16xf32> to vector<16xf32>
        tpu.vector_store %arg19[%swap3A_1744], %swap3A_1747 {strides = array<i32>} : memref<128xf32, #tpu.memory_space<vmem>>, vector<16xf32>,
        "tpu.region"() ({
          %run_scoped3A = tpu.sem_alloc : memref<!tpu.dma_semaphore, #tpu.memory_space<semaphore_mem>>
          tpu.enqueue_dma source(%arg18 : memref<128xi32, #tpu.memory_space<vmem>>) target(%arg7 : memref<128xi32, #tpu.memory_space<hbm>>) target_semaphore(%run_scoped3A : memref<!tpu.dma_semaphore, #tpu.memory_space<semaphore_mem>>)
          tpu.wait_dma2 semaphore(%run_scoped3A : memref<!tpu.dma_semaphore, #tpu.memory_space<semaphore_mem>>) src(%arg18 : memref<128xi32, #tpu.memory_space<vmem>>) dst(%arg7 : memref<128xi32, #tpu.memory_space<hbm>>)
          tpu.yield
        }) : () -> ()
        "tpu.region"() ({
          %run_scoped3A = tpu.sem_alloc : memref<!tpu.dma_semaphore, #tpu.memory_space<semaphore_mem>>
          tpu.enqueue_dma source(%arg19 : memref<128xf32, #tpu.memory_space<vmem>>) target(%arg8 : memref<128xf32, #tpu.memory_space<hbm>>) target_semaphore(%run_scoped3A : memref<!tpu.dma_semaphore, #tpu.memory_space<semaphore_mem>>)
          tpu.wait_dma2 semaphore(%run_scoped3A : memref<!tpu.dma_semaphore, #tpu.memory_space<semaphore_mem>>) src(%arg19 : memref<128xf32, #tpu.memory_space<vmem>>) dst(%arg8 : memref<128xf32, #tpu.memory_space<hbm>>)
          tpu.yield
        }) : () -> ()
      } else {
      }
    } else {
    }
    %ne3A = arith.constant 0 : i32
    %ne3A_2 = arith.cmpi ne, %arg0, %ne3A : i32
    %convert_element_type3A_3 = arith.extui %ne3A_2 : i1 to i32
    %cond3A_4 = arith.constant 0 : i32
    %cond3A_5 = arith.cmpi ne, %convert_element_type3A_3, %cond3A_4 : i32
    scf.if %cond3A_5 {
      %barrier3A = arith.constant 0 : index
      tpu.barrier barrier_id(%barrier3A)
      %barrier3A_6 = arith.constant 0 : index
      tpu.barrier barrier_id(%barrier3A_6)
      %barrier3A_7 = arith.constant 0 : index
      tpu.barrier barrier_id(%barrier3A_7)
    } else {
    }
    return
  }
}

</mosaic_0001>

<sc_bundles>
// kernel: kernel.4.cloned.1.call-start
scs
__scs_entry_jumppad:
0x0: {  	(pc) =	sbr.rel $0x88, $3  }
0x1: {  	(tag) =	ssettag $0x0;
	lr =	simm.s32 $0x1  }
0x2: {  	[smem:$0x3F99] =	sst lr;
	_ =	strace $0xD0000000  }
0x3: {  	_ = 	snop  }
0x4: {  	_ = 	snop  }
0x5: {  	_ = 	snop  }
0x6: {  	_ = 	snop  }
0x7: {  	_ = 	snop  }
__scs_overlays_trampoline_lowered:
0x8: {  	[smem:$0x3FA8] =	sst s0  }
0x9: {  	[smem:$0x3FA9] =	sst s1  }
0xa: {  	[smem:$0x3FAA] =	sst s2  }
0xb: {  	[smem:$0x3FAB] =	sst s3  }
0xc: {  	[smem:$0x3FAC] =	sst s4  }
0xd: {  	[smem:$0x3FAD] =	sst s5  }
0xe: {  	[smem:$0x3FAE] =	sst s6  }
0xf: {  	[smem:$0x3FAF] =	sst s7  }
0x10: {  	[smem:$0x3FB0] =	sst s8  }
0x11: {  	[smem:$0x3FB1] =	sst s9;
	s0 =	simm.s32 @!p0 $0x0  }
0x12: {  	s1 =	sld [smem:$0x3F97];
	s0 =	simm.s32 @p0 $0x1  }
0x13: {  	[smem:$0x3FB2] =	sst s0;
	s0 =	simm.s32 @!p1 $0x0  }
0x14: {  	s2 =	sld [smem:$0x3F96];
	s0 =	simm.s32 @p1 $0x1  }
0x15: {  	[smem:$0x3FB3] =	sst s0;
	s0 =	simm.s32 @!p2 $0x0  }
0x16: {  	s3 =	sld [smem:$0x3FDB];
	s0 =	simm.s32 @p2 $0x1  }
0x17: {  	s4 =	simm.s32 $0x1BF5;
	[smem:$0x3FB5] =	sst s0  }
0x18: {  	s0 =	sld [smem:$0x3F98];
	_ =	swait.ge [sflag:s4], $0x0  }
0x19: {  	s7 =	sld [smem:$0x3F99]  }
0x1a: {  	s8 =	sadd.s32 $0xFFFFE003, lr  }
0x1b: {  	s9 =	sadd.s32 $0xFFFFFEF7, lr;
	s5 =	simm.s32 $0xFFFFFFFF;
	p2 =	slt.u32 s8, $0xFFFFF086  }
0x1c: {  	p1 =	slt.u32 s9, $0xF7A;
	s5 =	simm.s32 @!p2 $0x0  }
0x1d: {  	s5 =	simm.s32 @p1 $0x1;
	p0 =	seq.s32 s7, s2  }
0x1e: {  	s7 =	smul.u32 @!p0 $0xF7A, s2;
	p2 =	seq.s32 @!p0 s5, $0x0  }
0x1f: {  	s9 =	smul.u32 $0xF7A, s1;
	s8 =	simm.s32 @!p0 $0x1BF5;
	p2 =	por !p2, p0  }
0x20: {  	[sflag:s8] =	ssyncset.s32 @!p0 $0xFFFFF086;
	s6 =	sadd.s32 @!p0 s3, s7;
	s7 =	simm.s32 @!p0 $0x108  }
0x21: {  	s3 =	sadd.s32 s3, s9;
	s6 =	sadd.s32 @!p0 $0x88, s6;
	s7 =	simm.s32 @p2 $0x1082  }
0x22: {  	[simem:s7], [sflag:s8] =	dma.local @!p0 [hbm:s6], $0xF7A  }
0x23: {  	s9 =	sor.u32 $0xD0000000, s2;
	s6 =	simm.s32 $0x108;
	_ =	swait.ge @!p0 [sflag:s8], $0x0  }
0x24: {  	s3 =	sadd.s32 $0x88, s3;
	s6 =	simm.s32 @!p1 $0x1082;
	[sflag:s4] =	ssyncset.s32 $0xFFFFF086  }
0x25: {  	[simem:s6], [sflag:s4] =	dma.local [hbm:s3], $0xF7A  }
0x26: {  	[smem:$0x3F99] =	sst s1;
	(tag) =	ssettag s2;
	_ =	strace s9  }
0x27: {  	s1 =	sld [smem:$0x3FA9]  }
0x28: {  	s2 =	sld [smem:$0x3FAA]  }
0x29: {  	s4 =	sld [smem:$0x3FAC]  }
0x2a: {  	p0 =	seq.s32 s5, $0x0;
	s5 =	sld [smem:$0x3FAD]  }
0x2b: {  	s6 =	sld [smem:$0x3FAE]  }
0x2c: {  	s7 =	sld [smem:$0x3FAF]  }
0x2d: {  	s3 =	simm.s32 $0x108;
	s8 =	sld [smem:$0x3FB0]  }
0x2e: {  	s3 =	simm.s32 @!p0 $0x1082;
	s9 =	sld [smem:$0x3FB1]  }
0x2f: {  	lr =	sadd.s32 s0, s3;
	s0 =	sld [smem:$0x3FA8]  }
0x30: {  	s3 =	sld [smem:$0x3FAB]  }
0x31: {  	[smem:$0x3FB4] =	sst s10  }
0x32: {  	s10 =	sld [smem:$0x3FB2];
	_ =	sdelay $0x3  }
0x33: {  	p0 =	seq.s32 s10, $0x1;
	s10 =	sld [smem:$0x3FB4];
	_ =	sdelay $0x3  }
0x34: {  	[smem:$0x3FB4] =	sst s10  }
0x35: {  	s10 =	sld [smem:$0x3FB3];
	_ =	sdelay $0x3  }
0x36: {  	p1 =	seq.s32 s10, $0x1;
	s10 =	sld [smem:$0x3FB4];
	_ =	sdelay $0x3  }
0x37: {  	[smem:$0x3FB4] =	sst s10  }
0x38: {  	s10 =	sld [smem:$0x3FB5]  }
0x39: {  	_ = 	snop;
	(pc) =	sbr.ind lr, $3  }
0x3a: {  	_ = 	snop  }
0x3b: {  	_ = 	snop  }
0x3c: {  	p2 =	seq.s32 s10, $0x1;
	s10 =	sld [smem:$0x3FB4]  }
0x3d: {  	_ =	shalt  }
0x3e: {  	_ =	shalt  }
0x3f: {  	_ =	shalt  }
0x40: {  	_ =	shalt  }
0x41: {  	_ =	shalt  }
0x42: {  	_ =	shalt  }
0x43: {  	_ =	shalt  }
0x44: {  	_ =	shalt  }
0x45: {  	_ =	shalt  }
0x46: {  	_ =	shalt  }
0x47: {  	_ =	shalt  }
0x48: {  	_ =	shalt  }
0x49: {  	_ =	shalt  }
0x4a: {  	_ =	shalt  }
0x4b: {  	_ =	shalt  }
0x4c: {  	_ =	shalt  }
0x4d: {  	_ =	shalt  }
0x4e: {  	_ =	shalt  }
0x4f: {  	_ =	shalt  }
0x50: {  	_ =	shalt  }
0x51: {  	_ =	shalt  }
0x52: {  	_ =	shalt  }
0x53: {  	_ =	shalt  }
0x54: {  	_ =	shalt  }
0x55: {  	_ =	shalt  }
0x56: {  	_ =	shalt  }
0x57: {  	_ =	shalt  }
0x58: {  	_ =	shalt  }
0x59: {  	_ =	shalt  }
0x5a: {  	_ =	shalt  }
0x5b: {  	_ =	shalt  }
0x5c: {  	_ =	shalt  }
0x5d: {  	_ =	shalt  }
0x5e: {  	_ =	shalt  }
0x5f: {  	_ =	shalt  }
0x60: {  	_ =	shalt  }
0x61: {  	_ =	shalt  }
0x62: {  	_ =	shalt  }
0x63: {  	_ =	shalt  }
0x64: {  	_ =	shalt  }
0x65: {  	_ =	shalt  }
0x66: {  	_ =	shalt  }
0x67: {  	_ =	shalt  }
0x68: {  	_ =	shalt  }
0x69: {  	_ =	shalt  }
0x6a: {  	_ =	shalt  }
0x6b: {  	_ =	shalt  }
0x6c: {  	_ =	shalt  }
0x6d: {  	_ =	shalt  }
0x6e: {  	_ =	shalt  }
0x6f: {  	_ =	shalt  }
0x70: {  	_ =	shalt  }
0x71: {  	_ =	shalt  }
0x72: {  	_ =	shalt  }
0x73: {  	_ =	shalt  }
0x74: {  	_ =	shalt  }
0x75: {  	_ =	shalt  }
0x76: {  	_ =	shalt  }
0x77: {  	_ =	shalt  }
0x78: {  	_ =	shalt  }
0x79: {  	_ =	shalt  }
0x7a: {  	_ =	shalt  }
0x7b: {  	_ =	shalt  }
0x7c: {  	_ =	shalt  }
0x7d: {  	_ =	shalt  }
0x7e: {  	_ =	shalt  }
0x7f: {  	_ =	shalt  }
0x80: {  	_ =	shalt  }
0x81: {  	_ =	shalt  }
0x82: {  	_ =	shalt  }
0x83: {  	_ =	shalt  }
0x84: {  	_ =	shalt  }
0x85: {  	_ =	shalt  }
0x86: {  	_ =	shalt  }
0x87: {  	_ =	shalt  }
.Lfunc_end0:
.L_simem_size_0:
called_computation_lowered:
.L_overlay_start_0:
0x88: {  	s2 =	sld [smem:$0x3FD9]  }
0x89: {  	s3 =	sld [smem:$0x3FFE];
	_ =	sdelay $0x1  }
0x8a: {  	s1 =	srdreg.scid  }
0x8b: {  	s0 =	sand.u32 $0x1, s1  }
0x8c: {  	s16 =	sshll.u32 s0, $0xA;
	s2 =	sadd.s32 s3, s2  }
0x8d: {  	s2 =	sadd.s32 s2, s16  }
0x8e: {  	[smem:$0x3FC0] =	sst s2  }
0x8f: {  	_ = 	snop  }
0x90: {  	(tm) =	ssettm $0x1  }
0x91: {  	s17 =	sld [smem:$0x3FFB];
	_ =	sdelay $0x3  }
0x92: {  	_ =	strace s17  }
0x93: {  	s2 =	sld [smem:$0x3FFC];
	_ =	sdelay $0x3  }
0x94: {  	_ =	strace s2  }
0x95: {  	s2 =	sld [smem:$0x3FFD];
	_ =	sdelay $0x3  }
0x96: {  	_ =	strace s2  }
0x97: {  	_ =	strace $0x8FFFFFFF  }
0x98: {  	s18 =	sld [smem:$0x3FDB];
	_ =	sdelay $0x1  }
0x99: {  	s19 =	simm.s32 $_scs_section_size  }
0x9a: {  	s4 =	simm.s32 $_size__tile_overlayer_lowered;
	s5 =	simm.s32 $_tile_overlayer_lowered  }
0x9b: {  	s22 =	simm.s32 $0x1BFF;
	s21 =	sshll.u32 s5, $0x1;
	s2 =	sadd.s32 s19, s18  }
0x9c: {  	s6 =	simm.s32 $0x0;
	s20 =	sshll.u32 s4, $0x1;
	s4 =	sadd.s32 s21, s2  }
0x9d: {  	[timem:s6], [sflag:s22] =	dma.local [hbm:s4], s20  }
0x9e: {  	_ =	swait.ge [sflag:s22], s20  }
0x9f: {  	s3 =	ssub.s32 $0x0, s20;
	[sflag:s22] =	ssyncset.done $0x0  }
0xa0: {  	[sflag:s22] =	ssyncadd.s32 s3;
	_ =	sdelay $0x1  }
0xa1: {  	s23 =	simm.s32 $0x1B8B  }
0xa2: {  	_ =	swait.ge [sflag:s23], $0x1  }
0xa3: {  	[sflag:s23] =	ssyncset.done $0x0  }
0xa4: {  	s25 =	simm.s32 $0x1B8E;
	s24 =	sld [smem:$0x3FFE];
	[sflag:s23] =	ssyncadd.s32 $0xFFFFFFFF  }
0xa5: {  	s26 =	simm.s32 $execute0_lowered;
	[smem:$0x3FD2] =	sst s25  }
0xa6: {  	s4 =	sshll.u32 s26, $0x1;
	_ =	strace $0x80000046;
	[dreg:$0x1] =	wrdreg $0xFFFFFFFF  }
0xa7: {  	s28 =	simm.s32 $_size_execute0_lowered;
	s2 =	sadd.s32 s2, s4;
	[dreg:$0x0] =	wrdreg $0x0  }
0xa8: {  	s4 =	sshll.u32 s28, $0x1;
	[dreg:$0x2] =	wrdreg s2  }
0xa9: {  	[dreg:$0x3] =	wrdreg s4  }
0xaa: {  	[dreg:$0x4] =	wrdreg $0xC0  }
0xab: {  	_ =	task [dreg:s6], $0x5FFFF  }
0xac: {  	[dreg:$0x1] =	wrdreg $0xFFFFFFFF  }
0xad: {  	[dreg:$0x0] =	wrdreg $0x60  }
0xae: {  	[dreg:$0x2] =	wrdreg s24  }
0xaf: {  	[dreg:$0x3] =	wrdreg $0xA4000  }
0xb0: {  	[dreg:$0x4] =	wrdreg $0x9  }
0xb1: {  	_ =	task.clear_ibuf [dreg:s6], $0x5FFFF;
	_ =	strace $0x90000046  }
0xb2: {  	s29 =	simm.s32 $0x9;
	_ =	strace $0x80000048  }
0xb3: {  	_ =	swait.ge [sflag:s29], $0x1  }
0xb4: {  	[sflag:s29] =	ssyncadd.s32 $0xFFFFFFFF  }
0xb5: {  	_ =	strace $0x90000048  }
0xb6: {  	_ =	sfence  }
0xb7: {  	s30 =	sld [smem:$0x0];
	_ =	sdelay $0x2  }
0xb8: {  	s31 =	sshll.u32 s1, $0xD;
	s1 =	sshrl.u32 s1, $0x2  }
0xb9: {  	s3 =	sand.u32 $0x4000, s31;
	s1 =	sadd.s32 s1, s30  }
0xba: {  	s0 =	sor.u32 s3, s0;
	s1 =	sshll.u32 s1, $0x11  }
0xbb: {  	s0 =	sor.u32 s1, s0  }
0xbc: {  	s0 =	sadd.s32 $0x8F2B, s0  }
0xbd: {  	[sflag:s0] =	ssyncadd.remote.s32 $0x1  }
0xbe: {  	_ =	sfence.sel $0xFFFF  }
0xbf: {  	[dreg:$0x0] =	wrdreg $0xFFFFFFFF;
	(pc) =	sbr.abs _section_cstart, $3  }
0xc0: {  	[dreg:$0x1] =	wrdreg $0xFFFFFFFF  }
0xc1: {  	_ =	task.clear_ibuf [dreg:s6], $0x2FFFF;
	_ =	strace $0x9FFFFFFF  }
0xc2: {  	(tm) =	ssettm $0x7FFFFFFF  }
0xc3: {  	_ =	shalt  }
tec
execute0_lowered:
.L_overlay_start_1:
0x0: {  	(tag) =	ssettag $0x1  }
0x1: {  	s0 =	srdreg.scid;
	s5 =	rddreg [dreg:$0x0]  }
0x2: {  	s2 =	rddreg [dreg:$0x1];
	s12 =	simm.s32 $0x5000;
	s13 =	simm.s32 $0xA180  }
0x3: {  	s14 =	simm.s32 $0x2;
	s15 =	simm.s32 $0xA000;
	s16 =	simm.s32 $0x1  }
0x4: {  	s19 =	simm.s32 $0x0;
	s4 =	sand.u32 $0x1, s0;
	s0 =	stileid.u32  }
0x5: {  	s1 =	sshll.u32 s4, $0x4;
	s7 =	sshll.u32 s0, $0x7;
	s9 =	smul.u32 $0x280, s0  }
0x6: {  	s10 =	smul.u32 $0x2800, s4;
	s4 =	ssub.s32 $0x2, s4;
	s1 =	sor.u32 s0, s1  }
0x7: {  	s17 =	sshll.u32 s0, $0x6;
	s7 =	sand.u32 $0x380, s7;
	s3 =	sshrl.u32 s1, $0x3  }
0x8: {  	s30 =	sshrl.u32 s4, $0x1;
	s17 =	sor.u32 $0x1C02, s17;
	s6 =	smul.u32 $0xC00, s3  }
0x9: {  	s1 =	rddreg [dreg:$0x2];
	s8 =	smul.u32 $0x28000, s3;
	s3 =	simm.s32 $0x0  }
0xa: {  	s28 =	sadd.s32 s9, s10;
	s31 =	ssub.s32 s4, s30;
	[smem:$0x7FF] =	sst s3  }
0xb: {  	s10 =	simm.s32 $0x80;
	s6 =	sor.u32 s7, s6;
	_ =	strace $0x80000047  }
0xc: {  	s26 =	sor.u32 s7, s8;
	s7 =	sshrl.u32 s28, $0x3;
	s6 =	sshrl.u32 s6, $0x3  }
0xd: {  	s29 =	sadd.s32 s7, s5;
	s11 =	sadd.s32 s6, s5;
	s6 =	sshrl.u32 s26, $0x3  }
0xe: {  	s8 =	sadd.s32 $0x29C00, s29;
	s6 =	sadd.s32 s6, s5;
	s7 =	sadd.s32 $0x29600, s11  }
0xf: {  	s4 =	sadd.s32 $0x1600, s6;
	s5 =	sadd.s32 $0x15600, s6;
	s6 =	sadd.s32 s9, s2  }
0x10: {  	v0 =	vimm.f32 $0.0e+00;
	s11 =	simm.s32 $0x400;
	s9 =	smax.u32 s31, $0x1;
	s18 =	sshrl.u32 s6, $0x3  }
.LBB2_1:
0x11: {  	[tilespmem:s3], [sflag:$0x1] =	stream.strided.gather [hbm4b:s4+s10], $0x5000, s11, s10, $0x38;
	[tilespmem:$0xA680] =	vst v63  }
0x12: {  	_ = 	snop  }
0x13: {  	[tilespmem:s12], [sflag:$0x1] =	stream.strided.gather [hbm4b:s5+s10], $0x5000, s11, s10, $0x38;
	[tilespmem:$0xA680] =	vst v63  }
0x14: {  	[tilespmem:$0xA180] =	vst v0  }
0x15: {  	[tilespmem:$0xA190] =	vst v0  }
0x16: {  	[tilespmem:$0xA1A0] =	vst v0  }
0x17: {  	[tilespmem:$0xA1B0] =	vst v0  }
0x18: {  	[tilespmem:$0xA1C0] =	vst v0  }
0x19: {  	[tilespmem:$0xA1D0] =	vst v0  }
0x1a: {  	[tilespmem:$0xA1E0] =	vst v0  }
0x1b: {  	[tilespmem:$0xA1F0] =	vst v0  }
0x1c: {  	[tilespmem:$0xA200] =	vst v0  }
0x1d: {  	[tilespmem:$0xA210] =	vst v0  }
0x1e: {  	[tilespmem:$0xA220] =	vst v0  }
0x1f: {  	[tilespmem:$0xA230] =	vst v0  }
0x20: {  	[tilespmem:$0xA240] =	vst v0  }
0x21: {  	[tilespmem:$0xA250] =	vst v0  }
0x22: {  	[tilespmem:$0xA260] =	vst v0  }
0x23: {  	[tilespmem:$0xA270] =	vst v0  }
0x24: {  	[tilespmem:$0xA280] =	vst v0  }
0x25: {  	[tilespmem:$0xA290] =	vst v0  }
0x26: {  	[tilespmem:$0xA2A0] =	vst v0  }
0x27: {  	[tilespmem:$0xA2B0] =	vst v0  }
0x28: {  	[tilespmem:$0xA2C0] =	vst v0  }
0x29: {  	[tilespmem:$0xA2D0] =	vst v0  }
0x2a: {  	[tilespmem:$0xA2E0] =	vst v0  }
0x2b: {  	[tilespmem:$0xA2F0] =	vst v0  }
0x2c: {  	[tilespmem:$0xA300] =	vst v0  }
0x2d: {  	[tilespmem:$0xA310] =	vst v0  }
0x2e: {  	[tilespmem:$0xA320] =	vst v0  }
0x2f: {  	[tilespmem:$0xA330] =	vst v0  }
0x30: {  	[tilespmem:$0xA340] =	vst v0  }
0x31: {  	[tilespmem:$0xA350] =	vst v0  }
0x32: {  	[tilespmem:$0xA360] =	vst v0  }
0x33: {  	[tilespmem:$0xA370] =	vst v0  }
0x34: {  	[tilespmem:$0xA380] =	vst v0  }
0x35: {  	[tilespmem:$0xA390] =	vst v0  }
0x36: {  	[tilespmem:$0xA3A0] =	vst v0  }
0x37: {  	[tilespmem:$0xA3B0] =	vst v0  }
0x38: {  	[tilespmem:$0xA3C0] =	vst v0  }
0x39: {  	[tilespmem:$0xA3D0] =	vst v0  }
0x3a: {  	[tilespmem:$0xA3E0] =	vst v0  }
0x3b: {  	[tilespmem:$0xA3F0] =	vst v0  }
0x3c: {  	[spmem:s6] =	stream.linear.scatter [tilespmem:s13], [sflag:$0x2], $0x280, $0x38;
	[tilespmem:$0xA680] =	vst v63  }
0x3d: {  	_ =	swait.ge [sflag:s14], $0x280  }
0x3e: {  	[sflag:s14] =	ssyncset.done $0x0  }
0x3f: {  	[sflag:s14] =	ssyncadd.s32 $0xFFFFFD80  }
0x40: {  	[tilespmem:s15], [sflag:$0x2] =	stream.strided.gather [hbm4b:s7+s10], $0x180, s11, s10, $0x38;
	[tilespmem:$0xA680] =	vst v63  }
0x41: {  	_ =	swait.ge [sflag:s14], $0x180  }
0x42: {  	[sflag:s14] =	ssyncset.done $0x0  }
0x43: {  	[sflag:s14] =	ssyncadd.s32 $0xFFFFFE80  }
0x44: {  	_ =	swait.ge [sflag:s16], $0x5000  }
0x45: {  	[sflag:s16] =	ssyncset.done $0x0  }
0x46: {  	[sflag:s16] =	ssyncadd.s32 $0xFFFFB000  }
0x47: {  	_ =	swait.ge [sflag:s16], $0x5000  }
0x48: {  	[sflag:s16] =	ssyncset.done $0x0  }
0x49: {  	[sflag:s16] =	ssyncadd.s32 $0xFFFFB000  }
0x4a: {  	s20 =	simm.s32 $0x5020;
	s24 =	sand.u32 $0x1F0, s3;
	[bflag:$0x0] =	sbarrier.arrive $0xFFFF  }
0x4b: {  	s23 =	simm.s32 $0x1;
	s22 =	simm.s32 $0x0;
	s21 =	simm.s32 $0x5020;
	v1 =	vld [tilespmem:s20+$0xFFFFFFF0]  }
.LBB2_2:
0x4c: {  	p0 =	sne.s32 s23, $0x13F;
	v2 =	vld [tilespmem:s24+$0xA000]  }
0x4d: {  	v3 =	vld [tilespmem:s20+$0x10]  }
0x4e: {  	v4 =	vld [tilespmem:s20+$0xFFFFFFE0]  }
0x4f: {  	v5 =	vld [tilespmem:s20+$0x0]  }
0x50: {  	v6 =	vmov s22;
	s22 =	smov.u32 s23  }
0x51: {  	v2 =	vperm.xlane v2, v6;
	_ =	sdelay $0x1  }
0x52: {  	v4 =	vmul.f32 v4, v2;
	v1 =	vmul.f32 v1, v2  }
.Ltmp0:
0x53: {  	v5 =	vmul.f32 v5, v2;
	v2 =	vmul.f32 v3, v2;
	(pc) =	sbr.rel @p0 .LBB2_2-.Ltmp0, $4  }
0x54: {  	[tilespmem:s20+$0xFFFFFFE0] =	vst v4  }
0x55: {  	[tilespmem:s20+$0xFFFFFFF0] =	vst v1  }
0x56: {  	s20 =	sadd.s32 $0x40, s20;
	[tilespmem:s21+$0x0] =	vst v5  }
0x57: {  	s23 =	sadd.s32 $0x1, s23;
	s24 =	sand.u32 $0x1F0, s22;
	v1 =	vld [tilespmem:s20+$0xFFFFFFF0];
	[tilespmem:s21+$0x10] =	vst v2;
	s21 =	smov.u32 s20  }
0x58: {  	v2 =	vld [tilespmem:s24+$0xA000];
	_ =	sdelay $0x1  }
0x59: {  	v3 =	vld [tilespmem:s20+$0xFFFFFFE0];
	_ =	sdelay $0x1  }
0x5a: {  	v4 =	vld [tilespmem:s20+$0x0];
	v5 =	vmov s22  }
0x5b: {  	v6 =	vld [tilespmem:s20+$0x10];
	v2 =	vperm.xlane v2, v5;
	_ =	sdelay $0x1  }
0x5c: {  	v3 =	vmul.f32 v3, v2  }
0x5d: {  	v1 =	vmul.f32 v1, v2  }
0x5e: {  	v4 =	vmul.f32 v4, v2;
	[tilespmem:s20+$0xFFFFFFE0] =	vst v3  }
0x5f: {  	v2 =	vmul.f32 v6, v2;
	[tilespmem:s20+$0xFFFFFFF0] =	vst v1  }
0x60: {  	[tilespmem:s21+$0x0] =	vst v4  }
0x61: {  	[tilespmem:s21+$0x10] =	vst v2  }
0x62: {  	[spmem:s2] =	stream.indirect.scatter.add.f32 [tilespmem:s12], [sflag:$0x2], $0x1, s3, s12, $0xb8;
	[tilespmem:$0xA680] =	vst v63  }
0x63: {  	_ =	swait.ge [sflag:s14], $0x5000  }
0x64: {  	s19 =	sadd.s32 $0x1, s19;
	[sflag:s14] =	ssyncset.done $0x0  }
0x65: {  	p0 =	sne.s32 s19, s9;
	[sflag:s14] =	ssyncadd.s32 $0xFFFFB000  }
.Ltmp1:
0x66: {  	[bflag:$0x0] =	sbarrier.arrive $0xFFFF;
	(pc) =	sbr.rel @p0 .LBB2_1-.Ltmp1, $4  }
0x67: {  	[hbm:s8], [sflag:s17] =	dma.local [spmem:s18], $0x50  }
0x68: {  	_ =	swait.ge [sflag:s14], $0x50  }
0x69: {  	[sflag:s14] =	ssyncset.done $0x0  }
0x6a: {  	[sflag:s14] =	ssyncadd.s32 $0xFFFFFFB0  }
0x6b: {  	_ =	sfence.sel $0x180000  }
0x6c: {  	[bflag:$0x0] =	sbarrier.arrive $0xFFFF  }
0x6d: {  	p0 =	sne.s32 s0, $0x0;
	_ =	strace $0x90000047  }
0x6e: {  	s0 =	sadd.s32 @!p0 $0x100000, s1;
	[bflag:$0x2] =	sbarrier.arrive $0xFFFF  }
0x6f: {  	[sflag:s0] =	ssyncadd.tile.s32 @!p0 $0x1;
	_ =	shalt  }
.Lfunc_end2:
_tile_overlayer_lowered:
.L_overlay_start_2:
0x70: {  	(tag) =	ssettag $0x2  }
0x71: {  	s0 =	rddreg [dreg:$0x0];
	s2 =	stileid.u32  }
0x72: {  	s1 =	rddreg [dreg:$0x1];
	p0 =	sne.s32 s2, $0x0  }
0x73: {  	s3 =	rddreg [dreg:$0x2];
	[bflag:$0x3] =	sbarrier.arrive $0xFFFF;
	s2 =	simm.s32 @!p0 $0x1C02  }
0x74: {  	[timem:s3], [sflag:s2] =	dma.local @!p0 [hbm:s0], s1  }
0x75: {  	s0 =	simm.s32 @!p0 $0x2  }
0x76: {  	_ =	swait.ge @!p0 [sflag:s0], s1  }
0x77: {  	s1 =	ssub.s32 @!p0 $0x0, s1;
	[sflag:s0] =	ssyncset.done @!p0 $0x0  }
0x78: {  	[sflag:s0] =	ssyncadd.s32 @!p0 s1  }
0x79: {  	[bflag:$0x3] =	sbarrier.arrive $0xFFFF  }
0x7a: {  	_ =	shalt  }

// kernel: kernel.7.cloned.1.call-start
scs
__scs_entry_jumppad:
0x0: {  	(pc) =	sbr.rel $0x88, $3  }
0x1: {  	(tag) =	ssettag $0x0;
	lr =	simm.s32 $0x1  }
0x2: {  	[smem:$0x3F99] =	sst lr;
	_ =	strace $0xD0000000  }
0x3: {  	_ = 	snop  }
0x4: {  	_ = 	snop  }
0x5: {  	_ = 	snop  }
0x6: {  	_ = 	snop  }
0x7: {  	_ = 	snop  }
__scs_overlays_trampoline_lowered:
0x8: {  	[smem:$0x3FA8] =	sst s0  }
0x9: {  	[smem:$0x3FA9] =	sst s1  }
0xa: {  	[smem:$0x3FAA] =	sst s2  }
0xb: {  	[smem:$0x3FAB] =	sst s3  }
0xc: {  	[smem:$0x3FAC] =	sst s4  }
0xd: {  	[smem:$0x3FAD] =	sst s5  }
0xe: {  	[smem:$0x3FAE] =	sst s6  }
0xf: {  	[smem:$0x3FAF] =	sst s7  }
0x10: {  	[smem:$0x3FB0] =	sst s8  }
0x11: {  	[smem:$0x3FB1] =	sst s9;
	s0 =	simm.s32 @!p0 $0x0  }
0x12: {  	s1 =	sld [smem:$0x3F97];
	s0 =	simm.s32 @p0 $0x1  }
0x13: {  	[smem:$0x3FB2] =	sst s0;
	s0 =	simm.s32 @!p1 $0x0  }
0x14: {  	s2 =	sld [smem:$0x3F96];
	s0 =	simm.s32 @p1 $0x1  }
0x15: {  	[smem:$0x3FB3] =	sst s0;
	s0 =	simm.s32 @!p2 $0x0  }
0x16: {  	s3 =	sld [smem:$0x3FDB];
	s0 =	simm.s32 @p2 $0x1  }
0x17: {  	s4 =	simm.s32 $0x1BF5;
	[smem:$0x3FB5] =	sst s0  }
0x18: {  	s0 =	sld [smem:$0x3F98];
	_ =	swait.ge [sflag:s4], $0x0  }
0x19: {  	s7 =	sld [smem:$0x3F99]  }
0x1a: {  	s8 =	sadd.s32 $0xFFFFE003, lr  }
0x1b: {  	s9 =	sadd.s32 $0xFFFFFEF7, lr;
	s5 =	simm.s32 $0xFFFFFFFF;
	p2 =	slt.u32 s8, $0xFFFFF086  }
0x1c: {  	p1 =	slt.u32 s9, $0xF7A;
	s5 =	simm.s32 @!p2 $0x0  }
0x1d: {  	s5 =	simm.s32 @p1 $0x1;
	p0 =	seq.s32 s7, s2  }
0x1e: {  	s7 =	smul.u32 @!p0 $0xF7A, s2;
	p2 =	seq.s32 @!p0 s5, $0x0  }
0x1f: {  	s9 =	smul.u32 $0xF7A, s1;
	s8 =	simm.s32 @!p0 $0x1BF5;
	p2 =	por !p2, p0  }
0x20: {  	[sflag:s8] =	ssyncset.s32 @!p0 $0xFFFFF086;
	s6 =	sadd.s32 @!p0 s3, s7;
	s7 =	simm.s32 @!p0 $0x108  }
0x21: {  	s3 =	sadd.s32 s3, s9;
	s6 =	sadd.s32 @!p0 $0x88, s6;
	s7 =	simm.s32 @p2 $0x1082  }
0x22: {  	[simem:s7], [sflag:s8] =	dma.local @!p0 [hbm:s6], $0xF7A  }
0x23: {  	s9 =	sor.u32 $0xD0000000, s2;
	s6 =	simm.s32 $0x108;
	_ =	swait.ge @!p0 [sflag:s8], $0x0  }
0x24: {  	s3 =	sadd.s32 $0x88, s3;
	s6 =	simm.s32 @!p1 $0x1082;
	[sflag:s4] =	ssyncset.s32 $0xFFFFF086  }
0x25: {  	[simem:s6], [sflag:s4] =	dma.local [hbm:s3], $0xF7A  }
0x26: {  	[smem:$0x3F99] =	sst s1;
	(tag) =	ssettag s2;
	_ =	strace s9  }
0x27: {  	s1 =	sld [smem:$0x3FA9]  }
0x28: {  	s2 =	sld [smem:$0x3FAA]  }
0x29: {  	s4 =	sld [smem:$0x3FAC]  }
0x2a: {  	p0 =	seq.s32 s5, $0x0;
	s5 =	sld [smem:$0x3FAD]  }
0x2b: {  	s6 =	sld [smem:$0x3FAE]  }
0x2c: {  	s7 =	sld [smem:$0x3FAF]  }
0x2d: {  	s3 =	simm.s32 $0x108;
	s8 =	sld [smem:$0x3FB0]  }
0x2e: {  	s3 =	simm.s32 @!p0 $0x1082;
	s9 =	sld [smem:$0x3FB1]  }
0x2f: {  	lr =	sadd.s32 s0, s3;
	s0 =	sld [smem:$0x3FA8]  }
0x30: {  	s3 =	sld [smem:$0x3FAB]  }
0x31: {  	[smem:$0x3FB4] =	sst s10  }
0x32: {  	s10 =	sld [smem:$0x3FB2];
	_ =	sdelay $0x3  }
0x33: {  	p0 =	seq.s32 s10, $0x1;
	s10 =	sld [smem:$0x3FB4];
	_ =	sdelay $0x3  }
0x34: {  	[smem:$0x3FB4] =	sst s10  }
0x35: {  	s10 =	sld [smem:$0x3FB3];
	_ =	sdelay $0x3  }
0x36: {  	p1 =	seq.s32 s10, $0x1;
	s10 =	sld [smem:$0x3FB4];
	_ =	sdelay $0x3  }
0x37: {  	[smem:$0x3FB4] =	sst s10  }
0x38: {  	s10 =	sld [smem:$0x3FB5]  }
0x39: {  	_ = 	snop;
	(pc) =	sbr.ind lr, $3  }
0x3a: {  	_ = 	snop  }
0x3b: {  	_ = 	snop  }
0x3c: {  	p2 =	seq.s32 s10, $0x1;
	s10 =	sld [smem:$0x3FB4]  }
0x3d: {  	_ =	shalt  }
0x3e: {  	_ =	shalt  }
0x3f: {  	_ =	shalt  }
0x40: {  	_ =	shalt  }
0x41: {  	_ =	shalt  }
0x42: {  	_ =	shalt  }
0x43: {  	_ =	shalt  }
0x44: {  	_ =	shalt  }
0x45: {  	_ =	shalt  }
0x46: {  	_ =	shalt  }
0x47: {  	_ =	shalt  }
0x48: {  	_ =	shalt  }
0x49: {  	_ =	shalt  }
0x4a: {  	_ =	shalt  }
0x4b: {  	_ =	shalt  }
0x4c: {  	_ =	shalt  }
0x4d: {  	_ =	shalt  }
0x4e: {  	_ =	shalt  }
0x4f: {  	_ =	shalt  }
0x50: {  	_ =	shalt  }
0x51: {  	_ =	shalt  }
0x52: {  	_ =	shalt  }
0x53: {  	_ =	shalt  }
0x54: {  	_ =	shalt  }
0x55: {  	_ =	shalt  }
0x56: {  	_ =	shalt  }
0x57: {  	_ =	shalt  }
0x58: {  	_ =	shalt  }
0x59: {  	_ =	shalt  }
0x5a: {  	_ =	shalt  }
0x5b: {  	_ =	shalt  }
0x5c: {  	_ =	shalt  }
0x5d: {  	_ =	shalt  }
0x5e: {  	_ =	shalt  }
0x5f: {  	_ =	shalt  }
0x60: {  	_ =	shalt  }
0x61: {  	_ =	shalt  }
0x62: {  	_ =	shalt  }
0x63: {  	_ =	shalt  }
0x64: {  	_ =	shalt  }
0x65: {  	_ =	shalt  }
0x66: {  	_ =	shalt  }
0x67: {  	_ =	shalt  }
0x68: {  	_ =	shalt  }
0x69: {  	_ =	shalt  }
0x6a: {  	_ =	shalt  }
0x6b: {  	_ =	shalt  }
0x6c: {  	_ =	shalt  }
0x6d: {  	_ =	shalt  }
0x6e: {  	_ =	shalt  }
0x6f: {  	_ =	shalt  }
0x70: {  	_ =	shalt  }
0x71: {  	_ =	shalt  }
0x72: {  	_ =	shalt  }
0x73: {  	_ =	shalt  }
0x74: {  	_ =	shalt  }
0x75: {  	_ =	shalt  }
0x76: {  	_ =	shalt  }
0x77: {  	_ =	shalt  }
0x78: {  	_ =	shalt  }
0x79: {  	_ =	shalt  }
0x7a: {  	_ =	shalt  }
0x7b: {  	_ =	shalt  }
0x7c: {  	_ =	shalt  }
0x7d: {  	_ =	shalt  }
0x7e: {  	_ =	shalt  }
0x7f: {  	_ =	shalt  }
0x80: {  	_ =	shalt  }
0x81: {  	_ =	shalt  }
0x82: {  	_ =	shalt  }
0x83: {  	_ =	shalt  }
0x84: {  	_ =	shalt  }
0x85: {  	_ =	shalt  }
0x86: {  	_ =	shalt  }
0x87: {  	_ =	shalt  }
.Lfunc_end0:
.L_simem_size_0:
called_computation.1_lowered:
.L_overlay_start_0:
0x88: {  	s2 =	sld [smem:$0x3FD9]  }
0x89: {  	s3 =	sld [smem:$0x3FFE];
	_ =	sdelay $0x1  }
0x8a: {  	s1 =	srdreg.scid  }
0x8b: {  	s0 =	sand.u32 $0x1, s1  }
0x8c: {  	s14 =	sshll.u32 s0, $0xA;
	s2 =	sadd.s32 s3, s2  }
0x8d: {  	s2 =	sadd.s32 s2, s14  }
0x8e: {  	[smem:$0x3FC0] =	sst s2  }
0x8f: {  	_ = 	snop  }
0x90: {  	s2 =	sld [smem:$0x3FD0];
	_ =	sdelay $0x2  }
0x91: {  	s15 =	simm.s32 $0xA;
	s4 =	simm.s32 $0x10  }
0x92: {  	[smem:s4], [sflag:s15] =	dma.local [hbm:s2], $0x1  }
0x93: {  	_ =	swait.eq [sflag:s15], $0x1  }
0x94: {  	[sflag:s15] =	ssyncset.done $0x0  }
0x95: {  	s16 =	sld [smem:$0x10];
	[sflag:s15] =	ssyncadd.s32 $0xFFFFFFFF  }
0x96: {  	s17 =	sld [smem:$0x11];
	(tm) =	ssettm $0x1  }
0x97: {  	s18 =	sld [smem:$0x3FFB];
	_ =	sdelay $0x3  }
0x98: {  	_ =	strace s18  }
0x99: {  	s4 =	sld [smem:$0x3FFC];
	_ =	sdelay $0x3  }
0x9a: {  	_ =	strace s4  }
0x9b: {  	s4 =	sld [smem:$0x3FFD];
	_ =	sdelay $0x3  }
0x9c: {  	_ =	strace s4  }
0x9d: {  	_ =	strace $0x8FFFFFFF  }
0x9e: {  	s19 =	sld [smem:$0x3FDB];
	_ =	sdelay $0x1  }
0x9f: {  	s5 =	simm.s32 $_scs_section_size  }
0xa0: {  	s6 =	simm.s32 $_size__tile_overlayer_lowered;
	s7 =	simm.s32 $_tile_overlayer_lowered  }
0xa1: {  	s22 =	simm.s32 $0x1BFF;
	s21 =	sshll.u32 s7, $0x1;
	s4 =	sadd.s32 s5, s19  }
0xa2: {  	s8 =	simm.s32 $0x0;
	s20 =	sshll.u32 s6, $0x1;
	s6 =	sadd.s32 s21, s4  }
0xa3: {  	[timem:s8], [sflag:s22] =	dma.local [hbm:s6], s20  }
0xa4: {  	_ =	swait.ge [sflag:s22], s20  }
0xa5: {  	s5 =	ssub.s32 $0x0, s20;
	[sflag:s22] =	ssyncset.done $0x0  }
0xa6: {  	[sflag:s22] =	ssyncadd.s32 s5;
	_ =	sdelay $0x1  }
0xa7: {  	s23 =	simm.s32 $0x1B8B  }
0xa8: {  	_ =	swait.ge [sflag:s23], $0x1  }
0xa9: {  	[sflag:s23] =	ssyncset.done $0x0  }
0xaa: {  	s25 =	simm.s32 $0x1B8E;
	s24 =	sld [smem:$0x3FFE];
	[sflag:s23] =	ssyncadd.s32 $0xFFFFFFFF  }
0xab: {  	s26 =	simm.s32 $execute0_lowered;
	[smem:$0x3FD2] =	sst s25  }
0xac: {  	s6 =	sshll.u32 s26, $0x1;
	_ =	strace $0x80000049;
	[dreg:$0x1] =	wrdreg $0xFFFFFFFF  }
0xad: {  	s28 =	simm.s32 $_size_execute0_lowered;
	s4 =	sadd.s32 s4, s6;
	[dreg:$0x0] =	wrdreg $0x0  }
0xae: {  	s6 =	sshll.u32 s28, $0x1;
	[dreg:$0x2] =	wrdreg s4  }
0xaf: {  	[dreg:$0x3] =	wrdreg s6  }
0xb0: {  	[dreg:$0x4] =	wrdreg $0xC0  }
0xb1: {  	_ =	task [dreg:s8], $0x5FFFF  }
0xb2: {  	[dreg:$0x1] =	wrdreg $0xFFFFFFFF  }
0xb3: {  	[dreg:$0x0] =	wrdreg $0x60  }
0xb4: {  	[dreg:$0x2] =	wrdreg s24  }
0xb5: {  	[dreg:$0x3] =	wrdreg s16  }
0xb6: {  	[dreg:$0x4] =	wrdreg s17  }
0xb7: {  	[dreg:$0x5] =	wrdreg $0x51000  }
0xb8: {  	[dreg:$0x6] =	wrdreg $0x53800  }
0xb9: {  	[dreg:$0x7] =	wrdreg $0x9  }
0xba: {  	_ =	task.clear_ibuf [dreg:s8], $0x8FFFF;
	_ =	strace $0x90000049  }
0xbb: {  	s29 =	simm.s32 $0x9;
	_ =	strace $0x8000004B  }
0xbc: {  	_ =	swait.ge [sflag:s29], $0x1  }
0xbd: {  	[sflag:s29] =	ssyncadd.s32 $0xFFFFFFFF  }
0xbe: {  	_ =	strace $0x9000004B  }
0xbf: {  	_ =	sfence  }
0xc0: {  	s30 =	sld [smem:$0x0];
	_ =	sdelay $0x2  }
0xc1: {  	s31 =	sshll.u32 s1, $0xD;
	s1 =	sshrl.u32 s1, $0x2  }
0xc2: {  	s3 =	sand.u32 $0x4000, s31;
	s1 =	sadd.s32 s1, s30  }
0xc3: {  	s0 =	sor.u32 s3, s0;
	s1 =	sshll.u32 s1, $0x11  }
0xc4: {  	s0 =	sor.u32 s1, s0  }
0xc5: {  	s0 =	sadd.s32 $0x8F2B, s0  }
0xc6: {  	[sflag:s0] =	ssyncadd.remote.s32 $0x1  }
0xc7: {  	_ =	sfence.sel $0xFFFF  }
0xc8: {  	[dreg:$0x0] =	wrdreg $0xFFFFFFFF;
	(pc) =	sbr.abs _section_cstart, $3  }
0xc9: {  	[dreg:$0x1] =	wrdreg $0xFFFFFFFF  }
0xca: {  	_ =	task.clear_ibuf [dreg:s8], $0x2FFFF;
	_ =	strace $0x9FFFFFFF  }
0xcb: {  	(tm) =	ssettm $0x7FFFFFFF  }
tec
execute0_lowered:
.L_overlay_start_1:
0x0: {  	(tag) =	ssettag $0x1  }
0x1: {  	v1 =	vimm.f32 $2.000000000e+01  }
0x2: {  	v0 =	vlaneseq.u32;
	v15 =	vimm.s32 $0xEDCBA987;
	v17 =	vimm.s32 $0x65432100  }
0x3: {  	v20 =	vimm.s32 $0xDCBA9876;
	v21 =	vimm.s32 $0x54321000;
	v22 =	vimm.s32 $0xE40000  }
0x4: {  	v23 =	vimm.s32 $0xBA987654;
	v24 =	vimm.s32 $0x32100000;
	vm0 =	vmmov $0x3  }
0x5: {  	vm2 =	vcmask $0x3F30;
	vm1 =	vmmov $0xf;
	v2 =	vor.u32 $0x2710, v0  }
0x6: {  	s0 =	rddreg [dreg:$0x0];
	v5 =	vor.u32 $0x2740, v0;
	v6 =	vor.u32 $0x2750, v0;
	v7 =	vor.u32 $0x2760, v0  }
0x7: {  	s3 =	rddreg [dreg:$0x3];
	s5 =	simm.s32 $0x0;
	v8 =	vor.u32 $0x2770, v0;
	v9 =	vor.u32 $0x2780, v0;
	v10 =	vor.u32 $0x2790, v0  }
0x8: {  	[smem:$0x7FF] =	sst s5;
	v11 =	vor.u32 $0x27A0, v0;
	v12 =	vor.u32 $0x27B0, v0;
	v13 =	vor.u32 $0x27C0, v0  }
0x9: {  	s4 =	rddreg [dreg:$0x4];
	v14 =	vor.u32 $0x27D0, v0;
	v18 =	vunpack.c.l.s4.s8 v15;
	v15 =	vor.u32 $0x27E0, v0;
	_ =	strace $0x8000004A  }
0xa: {  	s1 =	stileid.u32;
	v19 =	vunpack.c.l.s4.s8 v17;
	v17 =	vimm.s32 $0x0;
	(erf) = vrcp.f32 v1  }
0xb: {  	s2 =	srdreg.scid;
	s15 =	simm.s32 $0x4300;
	s16 =	simm.s32 $0x4580;
	v20 =	vunpack.c.l.s4.s8 v20;
	v21 =	vunpack.c.l.s4.s8 v21;
	v22 =	vunpack.c.l.s2.s4 v22  }
0xc: {  	s17 =	simm.s32 $0x4A80;
	s18 =	simm.s32 $0x4D00;
	s19 =	simm.s32 $0x4800;
	v23 =	vunpack.c.l.s4.s8 v23;
	v24 =	vunpack.c.l.s4.s8 v24;
	[tilespmem:$0x1FFB0] =	vst v2;
	v2 =	vor.u32 $0x2720, v0  }
0xd: {  	s20 =	simm.s32 $0x2;
	s21 =	simm.s32 $0x1;
	s22 =	simm.s32 $0x40;
	[tilespmem:$0x1FFC0] =	vst v2;
	v2 =	vor.u32 $0x2730, v0;
	v18 =	vunpack.c.0.s8.s32 v18;
	v20 =	vunpack.c.0.s8.s32 v20  }
0xe: {  	s23 =	simm.s32 $0x300;
	s24 =	simm.s32 $0x280;
	s29 =	simm.s32 $0x0;
	v19 =	vunpack.c.0.s8.s32 v19;
	v21 =	vunpack.c.0.s8.s32 v21;
	v22 =	vunpack.c.l.s4.s8 v22  }
0xf: {  	s6 =	smul.u32 $0x280, s1;
	s2 =	sand.u32 $0x1, s2;
	s7 =	sadd.s32 $0x2B200, s0;
	[tilespmem:$0x1FFD0] =	vst v2;
	v2 =	vor.u32 $0x27F0, v0;
	v18 =	vand.u32 $0xF, v18;
	v20 =	vand.u32 $0xF, v20  }
.Ltmp0:
0x10: {  	p0 =	sne.s32 s1, $0x0;
	s9 =	ssub.s32 $0x2, s2;
	v18 =	vcombine.low v19, v18;
	v19 =	vcombine.low v21, v20;
	v20 =	vunpack.c.0.s8.s32 v23;
	(pc) =	sbr.rel .LBB2_1-.Ltmp0, $4  }
0x11: {  	p1 =	sne.s32 s2, $0x0;
	s8 =	sshrl.u32 s6, $0x3;
	s10 =	sshrl.u32 s9, $0x1;
	v22 =	vunpack.c.0.s8.s32 v22;
	v21 =	vunpack.c.0.s8.s32 v24;
	v23 =	vimm.s32 $0x7060504  }
0x12: {  	v1 =	vimm.f32 $0.0e+00;
	s13 =	sadd.s32 s6, s3;
	s12 =	sadd.s32 s8, s0;
	s8 =	sadd.s32 $0x1600, s0;
	v23 =	vunpack.c.0.s8.s32 v23;
	v20 =	vand.u32 $0xF, v20  }
0x13: {  	s31 =	ssub.s32 s9, s10;
	[tilespmem:$0x1FFE0] =	vst v2;
	s9 =	sadd.s32 $0x29C00, s12;
	s10 =	sadd.s32 $0x2A100, s12;
	v24 =	vadd.s32 $0x1, v0;
	v20 =	vcombine.low v21, v20;
	v21 =	vand.u32 $0x3, v22;
	v2 =	vpop (erf)  }
0x14: {  	s11 =	sadd.s32 $0x2AC00, s12;
	s12 =	sadd.s32 $0x2A600, s12;
	s14 =	smax.u32 s31, $0x1;
	v21 =	vsel vm2, v23, v21;
	vm2 =	vmmov $0xff;
	v23 =	vimm.s32 $0x7;
	[tilespmem:$0x1FFF0] =	vst v2  }
.LBB2_13:
0x15: {  	[bflag:$0x0] =	sbarrier.arrive $0xFFFF  }
0x16: {  	[bflag:$0x0] =	sbarrier.arrive $0xFFFF  }
0x17: {  	[bflag:$0x0] =	sbarrier.arrive $0xFFFF  }
.LBB2_14:
0x18: {  	s29 =	sadd.s32 $0x1, s29  }
0x19: {  	p2 =	sne.s32 s29, s14  }
.Ltmp1:
0x1a: {  	_ = 	snop;
	(pc) =	sbr.rel @!p2 .LBB2_15-.Ltmp1, $1  }
0x1b: {  	_ =	sdelay $0x3  }
.LBB2_1:
.Ltmp2:
0x1c: {  	(pc) =	sbr.rel @p1 .LBB2_13-.Ltmp2, $1  }
0x1d: {  	_ =	sdelay $0x3  }
0x1e: {  	[tilespmem:s15], [sflag:$0x1] =	stream.linear.gather [hbm4b:s9+s5], $0x280, $0x38;
	[tilespmem:$0x5388] =	vst v63  }
0x1f: {  	_ = 	snop  }
0x20: {  	[tilespmem:s16], [sflag:$0x1] =	stream.linear.gather [hbm4b:s10+s5], $0x280, $0x38;
	[tilespmem:$0x5388] =	vst v63  }
0x21: {  	_ = 	snop  }
0x22: {  	[tilespmem:s17], [sflag:$0x1] =	stream.linear.gather [hbm4b:s11+s5], $0x280, $0x38;
	[tilespmem:$0x5388] =	vst v63  }
0x23: {  	_ = 	snop  }
0x24: {  	[tilespmem:s18], [sflag:$0x1] =	stream.linear.gather [hbm4b:s12+s5], $0x280, $0x38;
	[tilespmem:$0x5388] =	vst v63  }
0x25: {  	[tilespmem:$0x4800] =	vst v1  }
0x26: {  	[tilespmem:$0x4810] =	vst v1  }
0x27: {  	[tilespmem:$0x4820] =	vst v1  }
0x28: {  	[tilespmem:$0x4830] =	vst v1  }
0x29: {  	[tilespmem:$0x4840] =	vst v1  }
0x2a: {  	[tilespmem:$0x4850] =	vst v1  }
0x2b: {  	[tilespmem:$0x4860] =	vst v1  }
0x2c: {  	[tilespmem:$0x4870] =	vst v1  }
0x2d: {  	[tilespmem:$0x4880] =	vst v1  }
0x2e: {  	[tilespmem:$0x4890] =	vst v1  }
0x2f: {  	[tilespmem:$0x48A0] =	vst v1  }
0x30: {  	[tilespmem:$0x48B0] =	vst v1  }
0x31: {  	[tilespmem:$0x48C0] =	vst v1  }
0x32: {  	[tilespmem:$0x48D0] =	vst v1  }
0x33: {  	[tilespmem:$0x48E0] =	vst v1  }
0x34: {  	[tilespmem:$0x48F0] =	vst v1  }
0x35: {  	[tilespmem:$0x4900] =	vst v1  }
0x36: {  	[tilespmem:$0x4910] =	vst v1  }
0x37: {  	[tilespmem:$0x4920] =	vst v1  }
0x38: {  	[tilespmem:$0x4930] =	vst v1  }
0x39: {  	[tilespmem:$0x4940] =	vst v1  }
0x3a: {  	[tilespmem:$0x4950] =	vst v1  }
0x3b: {  	[tilespmem:$0x4960] =	vst v1  }
0x3c: {  	[tilespmem:$0x4970] =	vst v1  }
0x3d: {  	[tilespmem:$0x4980] =	vst v1  }
0x3e: {  	[tilespmem:$0x4990] =	vst v1  }
0x3f: {  	[tilespmem:$0x49A0] =	vst v1  }
0x40: {  	[tilespmem:$0x49B0] =	vst v1  }
0x41: {  	[tilespmem:$0x49C0] =	vst v1  }
0x42: {  	[tilespmem:$0x49D0] =	vst v1  }
0x43: {  	[tilespmem:$0x49E0] =	vst v1  }
0x44: {  	[tilespmem:$0x49F0] =	vst v1  }
0x45: {  	[tilespmem:$0x4A00] =	vst v1  }
0x46: {  	[tilespmem:$0x4A10] =	vst v1  }
0x47: {  	[tilespmem:$0x4A20] =	vst v1  }
0x48: {  	[tilespmem:$0x4A30] =	vst v1  }
0x49: {  	[tilespmem:$0x4A40] =	vst v1  }
0x4a: {  	[tilespmem:$0x4A50] =	vst v1  }
0x4b: {  	[tilespmem:$0x4A60] =	vst v1  }
0x4c: {  	[tilespmem:$0x4A70] =	vst v1  }
0x4d: {  	[spmem:s13] =	stream.linear.scatter [tilespmem:s19], [sflag:$0x2], $0x280, $0x38;
	[tilespmem:$0x5388] =	vst v63  }
0x4e: {  	_ =	swait.ge [sflag:s20], $0x280  }
0x4f: {  	[sflag:s20] =	ssyncset.done $0x0  }
0x50: {  	v26 =	vimm.f32 @!p0 $0.0e+00;
	[sflag:s20] =	ssyncadd.s32 $0xFFFFFD80  }
0x51: {  	[tilespmem:$0x5080] =	vst @!p0 v26  }
0x52: {  	[tilespmem:$0x5090] =	vst @!p0 v26  }
0x53: {  	[tilespmem:$0x50A0] =	vst @!p0 v26  }
0x54: {  	[tilespmem:$0x50B0] =	vst @!p0 v26  }
0x55: {  	[tilespmem:$0x50C0] =	vst @!p0 v26  }
0x56: {  	[tilespmem:$0x50D0] =	vst @!p0 v26  }
0x57: {  	[tilespmem:$0x50E0] =	vst @!p0 v26  }
0x58: {  	s0 =	simm.s32 @!p0 $0x5080;
	[tilespmem:$0x50F0] =	vst @!p0 v26  }
0x59: {  	[spmem:s4] =	stream.linear.scatter @!p0 [tilespmem:s0], [sflag:$0x2], $0x80, $0x38;
	[tilespmem:$0x5388] =	vst v63  }
0x5a: {  	s0 =	simm.s32 @!p0 $0x2  }
0x5b: {  	_ =	swait.ge @!p0 [sflag:s0], $0x80  }
0x5c: {  	[sflag:s0] =	ssyncset.done @!p0 $0x0  }
0x5d: {  	[sflag:s0] =	ssyncadd.s32 @!p0 $0xFFFFFF80  }
0x5e: {  	_ =	swait.ge [sflag:s21], $0x280  }
0x5f: {  	[sflag:s21] =	ssyncset.done $0x0  }
0x60: {  	[sflag:s21] =	ssyncadd.s32 $0xFFFFFD80  }
0x61: {  	_ =	swait.ge [sflag:s21], $0x280  }
0x62: {  	[sflag:s21] =	ssyncset.done $0x0  }
0x63: {  	[sflag:s21] =	ssyncadd.s32 $0xFFFFFD80  }
0x64: {  	_ =	swait.ge [sflag:s21], $0x280  }
0x65: {  	[sflag:s21] =	ssyncset.done $0x0  }
0x66: {  	[sflag:s21] =	ssyncadd.s32 $0xFFFFFD80  }
0x67: {  	_ =	swait.ge [sflag:s21], $0x280  }
0x68: {  	[sflag:s21] =	ssyncset.done $0x0  }
0x69: {  	[sflag:s21] =	ssyncadd.s32 $0xFFFFFD80  }
0x6a: {  	[tilespmem:$0x30] =	vst v5  }
0x6b: {  	[tilespmem:$0x40] =	vst v6  }
0x6c: {  	[tilespmem:$0x50] =	vst v7  }
0x6d: {  	[tilespmem:$0x60] =	vst v8  }
0x6e: {  	[tilespmem:$0x70] =	vst v9  }
0x6f: {  	[tilespmem:$0x80] =	vst v10  }
0x70: {  	[tilespmem:$0x90] =	vst v11  }
0x71: {  	[tilespmem:$0xA0] =	vst v12  }
0x72: {  	[tilespmem:$0xB0] =	vst v13  }
0x73: {  	[tilespmem:$0xC0] =	vst v14  }
0x74: {  	[tilespmem:$0xD0] =	vst v15  }
0x75: {  	[tilespmem:$0x120] =	vst v5  }
0x76: {  	[tilespmem:$0x130] =	vst v6  }
0x77: {  	[tilespmem:$0x140] =	vst v7  }
0x78: {  	[tilespmem:$0x150] =	vst v8  }
0x79: {  	[tilespmem:$0x160] =	vst v9  }
0x7a: {  	[tilespmem:$0x170] =	vst v10  }
0x7b: {  	[tilespmem:$0x180] =	vst v11  }
0x7c: {  	[tilespmem:$0x190] =	vst v12  }
0x7d: {  	[tilespmem:$0x1A0] =	vst v13  }
0x7e: {  	[tilespmem:$0x1B0] =	vst v14  }
0x7f: {  	[tilespmem:$0x1C0] =	vst v15  }
0x80: {  	[tilespmem:$0x210] =	vst v5  }
0x81: {  	[tilespmem:$0x220] =	vst v6  }
0x82: {  	[tilespmem:$0x230] =	vst v7  }
0x83: {  	[tilespmem:$0x240] =	vst v8  }
0x84: {  	[tilespmem:$0x250] =	vst v9  }
0x85: {  	[tilespmem:$0x260] =	vst v10  }
0x86: {  	v2 =	vld [tilespmem:$0x1FFB0];
	[tilespmem:$0x270] =	vst v11  }
0x87: {  	v3 =	vld [tilespmem:$0x1FFC0];
	[tilespmem:$0x280] =	vst v12  }
0x88: {  	v4 =	vld [tilespmem:$0x1FFD0];
	[tilespmem:$0x290] =	vst v13  }
0x89: {  	v16 =	vld [tilespmem:$0x1FFE0];
	[tilespmem:$0x2A0] =	vst v14  }
0x8a: {  	[tilespmem:$0x2B0] =	vst v15  }
0x8b: {  	[tilespmem:$0x0] =	vst v2  }
0x8c: {  	[tilespmem:$0x10] =	vst v3  }
0x8d: {  	[tilespmem:$0x20] =	vst v4  }
0x8e: {  	[tilespmem:$0xE0] =	vst v16  }
0x8f: {  	[tilespmem:$0xF0] =	vst v2  }
0x90: {  	[tilespmem:$0x100] =	vst v3  }
0x91: {  	[tilespmem:$0x110] =	vst v4  }
0x92: {  	[tilespmem:$0x1D0] =	vst v16  }
0x93: {  	[tilespmem:$0x1E0] =	vst v2  }
0x94: {  	[tilespmem:$0x1F0] =	vst v3  }
0x95: {  	s2 =	simm.s32 $0x4580;
	[tilespmem:$0x200] =	vst v4  }
0x96: {  	s1 =	simm.s32 $0x0;
	s31 =	simm.s32 $0x4300;
	v26 =	vld [tilespmem:s2+$0x0]  }
0x97: {  	s26 =	simm.s32 $0x10;
	s30 =	simm.s32 $0x0;
	s0 =	simm.s32 $0x0;
	v27 =	vld [tilespmem:s31+$0x0]  }
.LBB2_3:
0x98: {  	p2 =	sne.s32 s26, $0x270;
	_ =	sdelay $0x3  }
0x99: {  	v26 =	vadd.f32 v26, v27;
	_ =	sdelay $0x1  }
0x9a: {  	v26 =	vmul.f32 $9.512294530e-01, v26;
	_ =	sdelay $0x1  }
0x9b: {  	vm3 =	vge.f32 v26, $1.000000000e+00  }
0x9c: {  	v26 =	vsel vm3, $0x1, v17  }
0x9d: {  	v27 =	vperm.xlane v26, v18  }
0x9e: {  	vm3 =	veq.s32 v0, $0x0  }
0x9f: {  	v27 =	vsel vm3, $0x0, v27  }
0xa0: {  	v26 =	vadd.s32 v26, v27  }
0xa1: {  	v27 =	vperm.xlane v26, v19;
	_ =	sdelay $0x1  }
0xa2: {  	v27 =	vsel vm0, $0x0, v27  }
0xa3: {  	v26 =	vadd.s32 v27, v26  }
0xa4: {  	v27 =	vperm.xlane v26, v20;
	_ =	sdelay $0x1  }
0xa5: {  	v27 =	vsel vm1, $0x0, v27  }
0xa6: {  	v26 =	vadd.s32 v27, v26  }
0xa7: {  	v27 =	vperm.xlane v26, v21;
	_ =	sdelay $0x1  }
0xa8: {  	v27 =	vsel vm2, $0x0, v27  }
0xa9: {  	v26 =	vadd.s32 v27, v26  }
0xaa: {  	v27 =	vperm.xlane v26, v23;
	(v2sf) =	vpush v26, $0xF;
	_ =	sdelay $0x1  }
0xab: {  	vm4 =	vlt.s32 v27, v24  }
0xac: {  	v27 =	vsel vm4, $0x8, v17  }
0xad: {  	v28 =	vor.u32 $0x3, v27  }
0xae: {  	v28 =	vperm.xlane v26, v28;
	_ =	sdelay $0x1  }
0xaf: {  	v29 =	vor.u32 $0x4, v27;
	vm4 =	vlt.s32 v28, v24  }
0xb0: {  	v27 =	vsel vm4, v29, v27  }
0xb1: {  	v28 =	vor.u32 $0x1, v27  }
0xb2: {  	v28 =	vperm.xlane v26, v28;
	_ =	sdelay $0x1  }
0xb3: {  	v29 =	vor.u32 $0x2, v27;
	vm4 =	vlt.s32 v28, v24;
	v28 =	vor.u32 s1, v0  }
0xb4: {  	v27 =	vsel vm4, v29, v27;
	v29 =	vmulhi.u32 $0x88888889, v28  }
0xb5: {  	v30 =	vperm.xlane v26, v27  }
0xb6: {  	v29 =	vshrl.u32 v29, $0x7;
	s28 =	spop (v2sf)  }
0xb7: {  	vm4 =	vlt.s32 v30, v24;
	v29 =	vmul.u32 $0xF0, v29;
	s30 =	sadd.s32 s30, s28  }
0xb8: {  	v26 =	vbroadcast v26, $0xF;
	s28 =	sadd.s32 s1, s6;
	s1 =	smov.u32 s26;
	v30 =	vsel vm4, $0x1, v17  }
0xb9: {  	v30 =	vor.u32 s28, v30;
	v28 =	vsub.s32 v28, v29  }
.Ltmp3:
0xba: {  	vm4 =	vgt.s32 v26, v0;
	v26 =	vor.u32 v27, v30;
	v27 =	vadd.s32 $0x2710, v28;
	(pc) =	sbr.rel @p2 .LBB2_3-.Ltmp3, $4  }
0xbb: {  	v26 =	vsel vm4, v26, v27  }
0xbc: {  	s2 =	sadd.s32 $0x10, s2;
	[tilespmem:s0+$0x0] =	vst v26;
	s0 =	smov.u32 s30  }
0xbd: {  	s31 =	sadd.s32 $0x10, s31;
	v26 =	vld [tilespmem:s2+$0x0]  }
0xbe: {  	s26 =	sadd.s32 $0x10, s26;
	v27 =	vld [tilespmem:s31+$0x0]  }
0xbf: {  	_ =	sdelay $0x3  }
0xc0: {  	v26 =	vadd.f32 v26, v27;
	_ =	sdelay $0x1  }
0xc1: {  	v26 =	vmul.f32 $9.512294530e-01, v26;
	_ =	sdelay $0x1  }
0xc2: {  	vm4 =	vge.f32 v26, $1.000000000e+00  }
0xc3: {  	v26 =	vsel vm4, $0x1, v17  }
0xc4: {  	v27 =	vperm.xlane v26, v18;
	_ =	sdelay $0x1  }
0xc5: {  	v27 =	vsel vm3, $0x0, v27  }
0xc6: {  	v26 =	vadd.s32 v26, v27  }
0xc7: {  	v27 =	vperm.xlane v26, v19;
	_ =	sdelay $0x1  }
0xc8: {  	v27 =	vsel vm0, $0x0, v27  }
0xc9: {  	v26 =	vadd.s32 v27, v26  }
0xca: {  	v27 =	vperm.xlane v26, v20;
	_ =	sdelay $0x1  }
0xcb: {  	v27 =	vsel vm1, $0x0, v27  }
0xcc: {  	v26 =	vadd.s32 v27, v26  }
0xcd: {  	v27 =	vperm.xlane v26, v21;
	_ =	sdelay $0x1  }
0xce: {  	v27 =	vsel vm2, $0x0, v27  }
0xcf: {  	v26 =	vadd.s32 v27, v26  }
0xd0: {  	v27 =	vperm.xlane v26, v23;
	(v2sf) =	vpush v26, $0xF;
	_ =	sdelay $0x1  }
0xd1: {  	vm3 =	vlt.s32 v27, v24  }
0xd2: {  	v27 =	vsel vm3, $0x8, v17  }
0xd3: {  	v28 =	vor.u32 $0x3, v27  }
0xd4: {  	v28 =	vperm.xlane v26, v28;
	_ =	sdelay $0x1  }
0xd5: {  	v29 =	vor.u32 $0x4, v27;
	vm3 =	vlt.s32 v28, v24  }
0xd6: {  	v27 =	vsel vm3, v29, v27  }
0xd7: {  	v61 =	vor.u32 $0x1, v27  }
0xd8: {  	v28 =	vperm.xlane v26, v61;
	_ =	sdelay $0x1  }
0xd9: {  	v62 =	vor.u32 s1, v0;
	v29 =	vor.u32 $0x2, v27;
	vm3 =	vlt.s32 v28, v24  }
0xda: {  	v63 =	vmulhi.u32 $0x88888889, v62;
	v27 =	vsel vm3, v29, v27  }
0xdb: {  	v30 =	vperm.xlane v26, v27  }
0xdc: {  	v29 =	vshrl.u32 v63, $0x7;
	s2 =	spop (v2sf)  }
0xdd: {  	v29 =	vmul.u32 $0xF0, v29;
	vm3 =	vlt.s32 v30, v24;
	s31 =	sadd.s32 s30, s2  }
0xde: {  	s28 =	sadd.s32 s1, s6;
	v26 =	vbroadcast v26, $0xF;
	v30 =	vsel vm3, $0x1, v17;
	s1 =	sadd.s32 $0x3F, s31  }
0xdf: {  	v28 =	vsub.s32 v62, v29;
	v30 =	vor.u32 s28, v30;
	p2 =	slt.s32 s1, $0x40  }
.Ltmp4:
0xe0: {  	vm3 =	vgt.s32 v26, v0;
	v26 =	vor.u32 v27, v30;
	v27 =	vadd.s32 $0x2710, v28;
	(pc) =	sbr.rel @p2 .LBB2_11-.Ltmp4, $3  }
0xe1: {  	v26 =	vsel vm3, v26, v27  }
0xe2: {  	[tilespmem:s0+$0x0] =	vst v26  }
0xe3: {  	[bflag:$0x0] =	sbarrier.arrive $0xFFFF;
	_ =	sdelay $0x1  }
0xe4: {  	s0 =	sshra.s32 s1, $0x1F  }
0xe5: {  	s0 =	sshrl.u32 s0, $0x1A  }
0xe6: {  	s0 =	sadd.s32 s0, s1  }
0xe7: {  	s31 =	simm.s32 $0x0;
	s30 =	sshra.s32 s0, $0x6  }
.LBB2_6:
0xe8: {  	s0 =	sshll.u32 s31, $0x8  }
0xe9: {  	s0 =	sshra.s32 s0, $0x2  }
0xea: {  	[tilespmem:s23], [sflag:$0x1] =	stream.indirect.gather [hbm4b:s7+s22], $0x80, s0, s22, $0xb8;
	[tilespmem:$0x5388] =	vst v63  }
0xeb: {  	_ =	swait.ge [sflag:s21], $0x2000  }
0xec: {  	[sflag:s21] =	ssyncset.done $0x0  }
0xed: {  	s1 =	simm.s32 $0x0;
	[sflag:s21] =	ssyncadd.s32 $0xFFFFE000  }
0xee: {  	v26 =	vld [tilespmem:s1+$0x330]  }
0xef: {  	v28 =	vld [tilespmem:s1+$0x300]  }
0xf0: {  	v30 =	vld [tilespmem:s1+$0x310]  }
0xf1: {  	v31 =	vld [tilespmem:s1+$0x320];
	_ =	sdelay $0x1  }
0xf2: {  	s0 =	simm.s32 $0x80;
	v26 =	vtrunc.f32 v26  }
0xf3: {  	v27 =	vld [tilespmem:s0+$0x330];
	v28 =	vtrunc.f32 v28;
	v32 =	vcvt.f32.s32 v26  }
0xf4: {  	v29 =	vld [tilespmem:s0+$0x300];
	v33 =	vcvt.f32.s32 v28;
	v28 =	vtrunc.f32 v30  }
0xf5: {  	v26 =	vld [tilespmem:s0+$0x310];
	v30 =	vtrunc.f32 v31;
	v63 =	vcvt.f32.s32 v28;
	[tilespmem:s1+$0x2330] =	vst v32  }
0xf6: {  	v30 =	vcvt.f32.s32 v30;
	v28 =	vld [tilespmem:s0+$0x320];
	[tilespmem:s1+$0x2300] =	vst v33  }
0xf7: {  	s2 =	simm.s32 $0x400;
	[tilespmem:s1+$0x2310] =	vst v63  }
.LBB2_7:
0xf8: {  	s26 =	sshra.s32 s2, $0x2;
	p2 =	sne.s32 s2, $0x7E00;
	s2 =	sadd.s32 $0x200, s2;
	v31 =	vtrunc.f32 v27;
	[tilespmem:s1+$0x2320] =	vst v30  }
.Ltmp5:
0xf9: {  	s1 =	smov.u32 s0;
	v27 =	vld [tilespmem:s26+$0x330];
	v30 =	vtrunc.f32 v29;
	v31 =	vcvt.f32.s32 v31;
	s0 =	smov.u32 s26;
	(pc) =	sbr.rel @p2 .LBB2_7-.Ltmp5, $4  }
0xfa: {  	v29 =	vld [tilespmem:s0+$0x300];
	v30 =	vcvt.f32.s32 v30;
	v32 =	vtrunc.f32 v26  }
0xfb: {  	v26 =	vld [tilespmem:s0+$0x310];
	v32 =	vcvt.f32.s32 v32;
	v33 =	vtrunc.f32 v28;
	[tilespmem:s1+$0x2330] =	vst v31  }
0xfc: {  	v28 =	vld [tilespmem:s0+$0x320];
	[tilespmem:s1+$0x2300] =	vst v30;
	v30 =	vcvt.f32.s32 v33  }
0xfd: {  	[tilespmem:s1+$0x2310] =	vst v32  }
0xfe: {  	v27 =	vtrunc.f32 v27  }
0xff: {  	v29 =	vtrunc.f32 v29;
	v27 =	vcvt.f32.s32 v27  }
0x100: {  	[tilespmem:s1+$0x2320] =	vst v30;
	v29 =	vcvt.f32.s32 v29;
	v26 =	vtrunc.f32 v26  }
0x101: {  	v26 =	vcvt.f32.s32 v26;
	v28 =	vtrunc.f32 v28;
	[tilespmem:s0+$0x2330] =	vst v27  }
0x102: {  	[tilespmem:s0+$0x2300] =	vst v29;
	v27 =	vcvt.f32.s32 v28  }
0x103: {  	[tilespmem:s0+$0x2310] =	vst v26  }
0x104: {  	s2 =	simm.s32 $0x340;
	s25 =	simm.s32 $0x2300;
	[tilespmem:s0+$0x2320] =	vst v27  }
0x105: {  	[spmem:s3] =	stream.indirect.scatter.add.f32 [tilespmem:s2], [sflag:$0x1], $0x1, s25, s22, $0xb8;
	[tilespmem:$0x5388] =	vst v63  }
0x106: {  	s26 =	simm.s32 $0x3C0;
	s28 =	simm.s32 $0x2380  }
0x107: {  	[spmem:s3] =	stream.indirect.scatter.add.f32 [tilespmem:s26], [sflag:$0x1], $0x1, s28, s22, $0xb8;
	[tilespmem:$0x5388] =	vst v63  }
0x108: {  	s2 =	simm.s32 $0x440;
	s25 =	simm.s32 $0x2400  }
0x109: {  	[spmem:s3] =	stream.indirect.scatter.add.f32 [tilespmem:s2], [sflag:$0x1], $0x1, s25, s22, $0xb8;
	[tilespmem:$0x5388] =	vst v63  }
0x10a: {  	s26 =	simm.s32 $0x4C0;
	s28 =	simm.s32 $0x2480  }
0x10b: {  	[spmem:s3] =	stream.indirect.scatter.add.f32 [tilespmem:s26], [sflag:$0x1], $0x1, s28, s22, $0xb8;
	[tilespmem:$0x5388] =	vst v63  }
0x10c: {  	s2 =	simm.s32 $0x540;
	s25 =	simm.s32 $0x2500  }
0x10d: {  	[spmem:s3] =	stream.indirect.scatter.add.f32 [tilespmem:s2], [sflag:$0x1], $0x1, s25, s22, $0xb8;
	[tilespmem:$0x5388] =	vst v63  }
0x10e: {  	s26 =	simm.s32 $0x5C0;
	s28 =	simm.s32 $0x2580  }
0x10f: {  	[spmem:s3] =	stream.indirect.scatter.add.f32 [tilespmem:s26], [sflag:$0x1], $0x1, s28, s22, $0xb8;
	[tilespmem:$0x5388] =	vst v63  }
0x110: {  	s2 =	simm.s32 $0x640;
	s25 =	simm.s32 $0x2600  }
0x111: {  	[spmem:s3] =	stream.indirect.scatter.add.f32 [tilespmem:s2], [sflag:$0x1], $0x1, s25, s22, $0xb8;
	[tilespmem:$0x5388] =	vst v63  }
0x112: {  	s26 =	simm.s32 $0x6C0;
	s28 =	simm.s32 $0x2680  }
0x113: {  	[spmem:s3] =	stream.indirect.scatter.add.f32 [tilespmem:s26], [sflag:$0x1], $0x1, s28, s22, $0xb8;
	[tilespmem:$0x5388] =	vst v63  }
0x114: {  	s2 =	simm.s32 $0x740;
	s25 =	simm.s32 $0x2700  }
0x115: {  	[spmem:s3] =	stream.indirect.scatter.add.f32 [tilespmem:s2], [sflag:$0x1], $0x1, s25, s22, $0xb8;
	[tilespmem:$0x5388] =	vst v63  }
0x116: {  	s26 =	simm.s32 $0x7C0;
	s28 =	simm.s32 $0x2780  }
0x117: {  	[spmem:s3] =	stream.indirect.scatter.add.f32 [tilespmem:s26], [sflag:$0x1], $0x1, s28, s22, $0xb8;
	[tilespmem:$0x5388] =	vst v63  }
0x118: {  	s2 =	simm.s32 $0x840;
	s25 =	simm.s32 $0x2800  }
0x119: {  	[spmem:s3] =	stream.indirect.scatter.add.f32 [tilespmem:s2], [sflag:$0x1], $0x1, s25, s22, $0xb8;
	[tilespmem:$0x5388] =	vst v63  }
0x11a: {  	s26 =	simm.s32 $0x8C0;
	s28 =	simm.s32 $0x2880  }
0x11b: {  	[spmem:s3] =	stream.indirect.scatter.add.f32 [tilespmem:s26], [sflag:$0x1], $0x1, s28, s22, $0xb8;
	[tilespmem:$0x5388] =	vst v63  }
0x11c: {  	s2 =	simm.s32 $0x940;
	s25 =	simm.s32 $0x2900  }
0x11d: {  	[spmem:s3] =	stream.indirect.scatter.add.f32 [tilespmem:s2], [sflag:$0x1], $0x1, s25, s22, $0xb8;
	[tilespmem:$0x5388] =	vst v63  }
0x11e: {  	s26 =	simm.s32 $0x9C0;
	s28 =	simm.s32 $0x2980  }
0x11f: {  	[spmem:s3] =	stream.indirect.scatter.add.f32 [tilespmem:s26], [sflag:$0x1], $0x1, s28, s22, $0xb8;
	[tilespmem:$0x5388] =	vst v63  }
0x120: {  	s2 =	simm.s32 $0xA40;
	s25 =	simm.s32 $0x2A00  }
0x121: {  	[spmem:s3] =	stream.indirect.scatter.add.f32 [tilespmem:s2], [sflag:$0x1], $0x1, s25, s22, $0xb8;
	[tilespmem:$0x5388] =	vst v63  }
0x122: {  	s26 =	simm.s32 $0xAC0;
	s28 =	simm.s32 $0x2A80  }
0x123: {  	[spmem:s3] =	stream.indirect.scatter.add.f32 [tilespmem:s26], [sflag:$0x1], $0x1, s28, s22, $0xb8;
	[tilespmem:$0x5388] =	vst v63  }
0x124: {  	_ =	swait.ge [sflag:s21], $0x40  }
0x125: {  	[sflag:s21] =	ssyncset.done $0x0  }
0x126: {  	[sflag:s21] =	ssyncadd.s32 $0xFFFFFFC0  }
0x127: {  	_ =	swait.ge [sflag:s21], $0x40  }
0x128: {  	[sflag:s21] =	ssyncset.done $0x0  }
0x129: {  	[sflag:s21] =	ssyncadd.s32 $0xFFFFFFC0  }
0x12a: {  	_ =	swait.ge [sflag:s21], $0x40  }
0x12b: {  	[sflag:s21] =	ssyncset.done $0x0  }
0x12c: {  	[sflag:s21] =	ssyncadd.s32 $0xFFFFFFC0  }
0x12d: {  	_ =	swait.ge [sflag:s21], $0x40  }
0x12e: {  	[sflag:s21] =	ssyncset.done $0x0  }
0x12f: {  	[sflag:s21] =	ssyncadd.s32 $0xFFFFFFC0  }
0x130: {  	_ =	swait.ge [sflag:s21], $0x40  }
0x131: {  	[sflag:s21] =	ssyncset.done $0x0  }
0x132: {  	[sflag:s21] =	ssyncadd.s32 $0xFFFFFFC0  }
0x133: {  	_ =	swait.ge [sflag:s21], $0x40  }
0x134: {  	[sflag:s21] =	ssyncset.done $0x0  }
0x135: {  	[sflag:s21] =	ssyncadd.s32 $0xFFFFFFC0  }
0x136: {  	_ =	swait.ge [sflag:s21], $0x40  }
0x137: {  	[sflag:s21] =	ssyncset.done $0x0  }
0x138: {  	[sflag:s21] =	ssyncadd.s32 $0xFFFFFFC0  }
0x139: {  	_ =	swait.ge [sflag:s21], $0x40  }
0x13a: {  	[sflag:s21] =	ssyncset.done $0x0  }
0x13b: {  	[sflag:s21] =	ssyncadd.s32 $0xFFFFFFC0  }
0x13c: {  	_ =	swait.ge [sflag:s21], $0x40  }
0x13d: {  	[sflag:s21] =	ssyncset.done $0x0  }
0x13e: {  	[sflag:s21] =	ssyncadd.s32 $0xFFFFFFC0  }
0x13f: {  	_ =	swait.ge [sflag:s21], $0x40  }
0x140: {  	[sflag:s21] =	ssyncset.done $0x0  }
0x141: {  	[sflag:s21] =	ssyncadd.s32 $0xFFFFFFC0  }
0x142: {  	_ =	swait.ge [sflag:s21], $0x40  }
0x143: {  	[sflag:s21] =	ssyncset.done $0x0  }
0x144: {  	[sflag:s21] =	ssyncadd.s32 $0xFFFFFFC0  }
0x145: {  	_ =	swait.ge [sflag:s21], $0x40  }
0x146: {  	[sflag:s21] =	ssyncset.done $0x0  }
0x147: {  	[sflag:s21] =	ssyncadd.s32 $0xFFFFFFC0  }
0x148: {  	_ =	swait.ge [sflag:s21], $0x40  }
0x149: {  	[sflag:s21] =	ssyncset.done $0x0  }
0x14a: {  	[sflag:s21] =	ssyncadd.s32 $0xFFFFFFC0  }
0x14b: {  	_ =	swait.ge [sflag:s21], $0x40  }
0x14c: {  	[sflag:s21] =	ssyncset.done $0x0  }
0x14d: {  	[sflag:s21] =	ssyncadd.s32 $0xFFFFFFC0  }
0x14e: {  	_ =	swait.ge [sflag:s21], $0x40  }
0x14f: {  	[sflag:s21] =	ssyncset.done $0x0  }
0x150: {  	[sflag:s21] =	ssyncadd.s32 $0xFFFFFFC0  }
0x151: {  	_ =	swait.ge [sflag:s21], $0x40  }
0x152: {  	s2 =	simm.s32 $0x800;
	s26 =	simm.s32 $0x4000;
	[sflag:s21] =	ssyncset.done $0x0  }
.LBB2_9:
0x153: {  	s1 =	sadd.s32 $0x340, s2  }
0x154: {  	s28 =	sadd.s32 $0x2300, s2;
	[sflag:s21] =	ssyncadd.s32 $0xFFFFFFC0;
	s0 =	smov.u32 s26  }
0x155: {  	[spmem:s3] =	stream.indirect.scatter.add.f32 [tilespmem:s1], [sflag:$0x1], $0x1, s28, s22, $0xb8;
	[tilespmem:$0x5388] =	vst v63  }
0x156: {  	s25 =	sadd.s32 $0x2380, s2;
	s1 =	sadd.s32 $0x2000, s26;
	s28 =	sadd.s32 $0x3C0, s2  }
0x157: {  	[spmem:s3] =	stream.indirect.scatter.add.f32 [tilespmem:s28], [sflag:$0x1], $0x1, s25, s22, $0xb8;
	[tilespmem:$0x5388] =	vst v63  }
0x158: {  	p2 =	sne.s32 s26, $0x6000;
	s26 =	sadd.s32 $0x2400, s2;
	s25 =	sadd.s32 $0x440, s2  }
0x159: {  	[spmem:s3] =	stream.indirect.scatter.add.f32 [tilespmem:s25], [sflag:$0x1], $0x1, s26, s22, $0xb8;
	[tilespmem:$0x5388] =	vst v63  }
0x15a: {  	s25 =	sadd.s32 $0x4C0, s2;
	s26 =	sadd.s32 $0x2480, s2  }
0x15b: {  	[spmem:s3] =	stream.indirect.scatter.add.f32 [tilespmem:s25], [sflag:$0x1], $0x1, s26, s22, $0xb8;
	[tilespmem:$0x5388] =	vst v63  }
0x15c: {  	s25 =	sadd.s32 $0x540, s2;
	s26 =	sadd.s32 $0x2500, s2  }
0x15d: {  	[spmem:s3] =	stream.indirect.scatter.add.f32 [tilespmem:s25], [sflag:$0x1], $0x1, s26, s22, $0xb8;
	[tilespmem:$0x5388] =	vst v63  }
0x15e: {  	s25 =	sadd.s32 $0x5C0, s2;
	s26 =	sadd.s32 $0x2580, s2  }
0x15f: {  	[spmem:s3] =	stream.indirect.scatter.add.f32 [tilespmem:s25], [sflag:$0x1], $0x1, s26, s22, $0xb8;
	[tilespmem:$0x5388] =	vst v63  }
0x160: {  	s25 =	sadd.s32 $0x640, s2;
	s26 =	sadd.s32 $0x2600, s2  }
0x161: {  	[spmem:s3] =	stream.indirect.scatter.add.f32 [tilespmem:s25], [sflag:$0x1], $0x1, s26, s22, $0xb8;
	[tilespmem:$0x5388] =	vst v63  }
0x162: {  	s25 =	sadd.s32 $0x6C0, s2;
	s26 =	sadd.s32 $0x2680, s2  }
0x163: {  	[spmem:s3] =	stream.indirect.scatter.add.f32 [tilespmem:s25], [sflag:$0x1], $0x1, s26, s22, $0xb8;
	[tilespmem:$0x5388] =	vst v63  }
0x164: {  	s25 =	sadd.s32 $0x740, s2;
	s26 =	sadd.s32 $0x2700, s2  }
0x165: {  	[spmem:s3] =	stream.indirect.scatter.add.f32 [tilespmem:s25], [sflag:$0x1], $0x1, s26, s22, $0xb8;
	[tilespmem:$0x5388] =	vst v63  }
0x166: {  	s25 =	sadd.s32 $0x7C0, s2;
	s26 =	sadd.s32 $0x2780, s2  }
0x167: {  	[spmem:s3] =	stream.indirect.scatter.add.f32 [tilespmem:s25], [sflag:$0x1], $0x1, s26, s22, $0xb8;
	[tilespmem:$0x5388] =	vst v63  }
0x168: {  	s25 =	sadd.s32 $0x840, s2;
	s26 =	sadd.s32 $0x2800, s2  }
0x169: {  	[spmem:s3] =	stream.indirect.scatter.add.f32 [tilespmem:s25], [sflag:$0x1], $0x1, s26, s22, $0xb8;
	[tilespmem:$0x5388] =	vst v63  }
0x16a: {  	s25 =	sadd.s32 $0x8C0, s2;
	s26 =	sadd.s32 $0x2880, s2  }
0x16b: {  	[spmem:s3] =	stream.indirect.scatter.add.f32 [tilespmem:s25], [sflag:$0x1], $0x1, s26, s22, $0xb8;
	[tilespmem:$0x5388] =	vst v63  }
0x16c: {  	s25 =	sadd.s32 $0x940, s2;
	s26 =	sadd.s32 $0x2900, s2  }
0x16d: {  	[spmem:s3] =	stream.indirect.scatter.add.f32 [tilespmem:s25], [sflag:$0x1], $0x1, s26, s22, $0xb8;
	[tilespmem:$0x5388] =	vst v63  }
0x16e: {  	s25 =	sadd.s32 $0x9C0, s2;
	s26 =	sadd.s32 $0x2980, s2  }
0x16f: {  	[spmem:s3] =	stream.indirect.scatter.add.f32 [tilespmem:s25], [sflag:$0x1], $0x1, s26, s22, $0xb8;
	[tilespmem:$0x5388] =	vst v63  }
0x170: {  	s25 =	sadd.s32 $0xA40, s2;
	s26 =	sadd.s32 $0x2A00, s2  }
0x171: {  	[spmem:s3] =	stream.indirect.scatter.add.f32 [tilespmem:s25], [sflag:$0x1], $0x1, s26, s22, $0xb8;
	[tilespmem:$0x5388] =	vst v63  }
0x172: {  	s25 =	sadd.s32 $0xAC0, s2;
	s2 =	sadd.s32 $0x2A80, s2  }
0x173: {  	[spmem:s3] =	stream.indirect.scatter.add.f32 [tilespmem:s25], [sflag:$0x1], $0x1, s2, s22, $0xb8;
	[tilespmem:$0x5388] =	vst v63  }
0x174: {  	_ =	swait.ge [sflag:s21], $0x40  }
0x175: {  	[sflag:s21] =	ssyncset.done $0x0  }
0x176: {  	[sflag:s21] =	ssyncadd.s32 $0xFFFFFFC0  }
0x177: {  	_ =	swait.ge [sflag:s21], $0x40  }
0x178: {  	[sflag:s21] =	ssyncset.done $0x0  }
0x179: {  	[sflag:s21] =	ssyncadd.s32 $0xFFFFFFC0  }
0x17a: {  	_ =	swait.ge [sflag:s21], $0x40  }
0x17b: {  	[sflag:s21] =	ssyncset.done $0x0  }
0x17c: {  	[sflag:s21] =	ssyncadd.s32 $0xFFFFFFC0  }
0x17d: {  	_ =	swait.ge [sflag:s21], $0x40  }
0x17e: {  	[sflag:s21] =	ssyncset.done $0x0  }
0x17f: {  	[sflag:s21] =	ssyncadd.s32 $0xFFFFFFC0  }
0x180: {  	_ =	swait.ge [sflag:s21], $0x40  }
0x181: {  	[sflag:s21] =	ssyncset.done $0x0  }
0x182: {  	[sflag:s21] =	ssyncadd.s32 $0xFFFFFFC0  }
0x183: {  	_ =	swait.ge [sflag:s21], $0x40  }
0x184: {  	[sflag:s21] =	ssyncset.done $0x0  }
0x185: {  	[sflag:s21] =	ssyncadd.s32 $0xFFFFFFC0  }
0x186: {  	_ =	swait.ge [sflag:s21], $0x40  }
0x187: {  	[sflag:s21] =	ssyncset.done $0x0  }
0x188: {  	[sflag:s21] =	ssyncadd.s32 $0xFFFFFFC0  }
0x189: {  	_ =	swait.ge [sflag:s21], $0x40  }
0x18a: {  	[sflag:s21] =	ssyncset.done $0x0  }
0x18b: {  	[sflag:s21] =	ssyncadd.s32 $0xFFFFFFC0  }
0x18c: {  	_ =	swait.ge [sflag:s21], $0x40  }
0x18d: {  	[sflag:s21] =	ssyncset.done $0x0  }
0x18e: {  	[sflag:s21] =	ssyncadd.s32 $0xFFFFFFC0  }
0x18f: {  	_ =	swait.ge [sflag:s21], $0x40  }
0x190: {  	[sflag:s21] =	ssyncset.done $0x0  }
0x191: {  	[sflag:s21] =	ssyncadd.s32 $0xFFFFFFC0  }
0x192: {  	_ =	swait.ge [sflag:s21], $0x40  }
0x193: {  	[sflag:s21] =	ssyncset.done $0x0  }
0x194: {  	[sflag:s21] =	ssyncadd.s32 $0xFFFFFFC0  }
0x195: {  	_ =	swait.ge [sflag:s21], $0x40  }
0x196: {  	[sflag:s21] =	ssyncset.done $0x0  }
0x197: {  	[sflag:s21] =	ssyncadd.s32 $0xFFFFFFC0  }
0x198: {  	_ =	swait.ge [sflag:s21], $0x40  }
0x199: {  	[sflag:s21] =	ssyncset.done $0x0  }
0x19a: {  	[sflag:s21] =	ssyncadd.s32 $0xFFFFFFC0  }
0x19b: {  	_ =	swait.ge [sflag:s21], $0x40  }
0x19c: {  	[sflag:s21] =	ssyncset.done $0x0  }
0x19d: {  	[sflag:s21] =	ssyncadd.s32 $0xFFFFFFC0  }
.Ltmp6:
0x19e: {  	_ =	swait.ge [sflag:s21], $0x40;
	(pc) =	sbr.rel @p2 .LBB2_9-.Ltmp6, $4  }
0x19f: {  	[sflag:s21] =	ssyncset.done $0x0  }
0x1a0: {  	[sflag:s21] =	ssyncadd.s32 $0xFFFFFFC0  }
0x1a1: {  	_ =	swait.ge [sflag:s21], $0x40  }
0x1a2: {  	s26 =	smov.u32 s1;
	s2 =	sshra.s32 s0, $0x2;
	[sflag:s21] =	ssyncset.done $0x0  }
0x1a3: {  	s0 =	sadd.s32 $0x340, s2;
	s1 =	sadd.s32 $0x2300, s2;
	[sflag:s21] =	ssyncadd.s32 $0xFFFFFFC0  }
0x1a4: {  	[spmem:s3] =	stream.indirect.scatter.add.f32 [tilespmem:s0], [sflag:$0x1], $0x1, s1, s22, $0xb8;
	[tilespmem:$0x5388] =	vst v63  }
0x1a5: {  	s26 =	sadd.s32 $0x3C0, s2;
	s28 =	sadd.s32 $0x2380, s2  }
0x1a6: {  	[spmem:s3] =	stream.indirect.scatter.add.f32 [tilespmem:s26], [sflag:$0x1], $0x1, s28, s22, $0xb8;
	[tilespmem:$0x5388] =	vst v63  }
0x1a7: {  	s25 =	sadd.s32 $0x2400, s2;
	s1 =	sadd.s32 $0x440, s2  }
0x1a8: {  	[spmem:s3] =	stream.indirect.scatter.add.f32 [tilespmem:s1], [sflag:$0x1], $0x1, s25, s22, $0xb8;
	[tilespmem:$0x5388] =	vst v63  }
0x1a9: {  	s26 =	sadd.s32 $0x4C0, s2;
	s28 =	sadd.s32 $0x2480, s2  }
0x1aa: {  	[spmem:s3] =	stream.indirect.scatter.add.f32 [tilespmem:s26], [sflag:$0x1], $0x1, s28, s22, $0xb8;
	[tilespmem:$0x5388] =	vst v63  }
0x1ab: {  	s1 =	sadd.s32 $0x540, s2;
	s25 =	sadd.s32 $0x2500, s2  }
0x1ac: {  	[spmem:s3] =	stream.indirect.scatter.add.f32 [tilespmem:s1], [sflag:$0x1], $0x1, s25, s22, $0xb8;
	[tilespmem:$0x5388] =	vst v63  }
0x1ad: {  	s26 =	sadd.s32 $0x5C0, s2;
	s28 =	sadd.s32 $0x2580, s2  }
0x1ae: {  	[spmem:s3] =	stream.indirect.scatter.add.f32 [tilespmem:s26], [sflag:$0x1], $0x1, s28, s22, $0xb8;
	[tilespmem:$0x5388] =	vst v63  }
0x1af: {  	s1 =	sadd.s32 $0x640, s2;
	s25 =	sadd.s32 $0x2600, s2  }
0x1b0: {  	[spmem:s3] =	stream.indirect.scatter.add.f32 [tilespmem:s1], [sflag:$0x1], $0x1, s25, s22, $0xb8;
	[tilespmem:$0x5388] =	vst v63  }
0x1b1: {  	s26 =	sadd.s32 $0x6C0, s2;
	s28 =	sadd.s32 $0x2680, s2  }
0x1b2: {  	[spmem:s3] =	stream.indirect.scatter.add.f32 [tilespmem:s26], [sflag:$0x1], $0x1, s28, s22, $0xb8;
	[tilespmem:$0x5388] =	vst v63  }
0x1b3: {  	s1 =	sadd.s32 $0x740, s2;
	s25 =	sadd.s32 $0x2700, s2  }
0x1b4: {  	[spmem:s3] =	stream.indirect.scatter.add.f32 [tilespmem:s1], [sflag:$0x1], $0x1, s25, s22, $0xb8;
	[tilespmem:$0x5388] =	vst v63  }
0x1b5: {  	s26 =	sadd.s32 $0x7C0, s2;
	s28 =	sadd.s32 $0x2780, s2  }
0x1b6: {  	[spmem:s3] =	stream.indirect.scatter.add.f32 [tilespmem:s26], [sflag:$0x1], $0x1, s28, s22, $0xb8;
	[tilespmem:$0x5388] =	vst v63  }
0x1b7: {  	s1 =	sadd.s32 $0x840, s2;
	s25 =	sadd.s32 $0x2800, s2  }
0x1b8: {  	[spmem:s3] =	stream.indirect.scatter.add.f32 [tilespmem:s1], [sflag:$0x1], $0x1, s25, s22, $0xb8;
	[tilespmem:$0x5388] =	vst v63  }
0x1b9: {  	s26 =	sadd.s32 $0x8C0, s2;
	s28 =	sadd.s32 $0x2880, s2  }
0x1ba: {  	[spmem:s3] =	stream.indirect.scatter.add.f32 [tilespmem:s26], [sflag:$0x1], $0x1, s28, s22, $0xb8;
	[tilespmem:$0x5388] =	vst v63  }
0x1bb: {  	s1 =	sadd.s32 $0x940, s2;
	s25 =	sadd.s32 $0x2900, s2  }
0x1bc: {  	[spmem:s3] =	stream.indirect.scatter.add.f32 [tilespmem:s1], [sflag:$0x1], $0x1, s25, s22, $0xb8;
	[tilespmem:$0x5388] =	vst v63  }
0x1bd: {  	s26 =	sadd.s32 $0x9C0, s2;
	s28 =	sadd.s32 $0x2980, s2  }
0x1be: {  	[spmem:s3] =	stream.indirect.scatter.add.f32 [tilespmem:s26], [sflag:$0x1], $0x1, s28, s22, $0xb8;
	[tilespmem:$0x5388] =	vst v63  }
0x1bf: {  	s1 =	sadd.s32 $0xA40, s2;
	s25 =	sadd.s32 $0x2A00, s2  }
0x1c0: {  	[spmem:s3] =	stream.indirect.scatter.add.f32 [tilespmem:s1], [sflag:$0x1], $0x1, s25, s22, $0xb8;
	[tilespmem:$0x5388] =	vst v63  }
0x1c1: {  	s26 =	sadd.s32 $0xAC0, s2;
	s28 =	sadd.s32 $0x2A80, s2  }
0x1c2: {  	[spmem:s3] =	stream.indirect.scatter.add.f32 [tilespmem:s26], [sflag:$0x1], $0x1, s28, s22, $0xb8;
	[tilespmem:$0x5388] =	vst v63  }
0x1c3: {  	_ =	swait.ge [sflag:s21], $0x40  }
0x1c4: {  	[sflag:s21] =	ssyncset.done $0x0  }
0x1c5: {  	[sflag:s21] =	ssyncadd.s32 $0xFFFFFFC0  }
0x1c6: {  	_ =	swait.ge [sflag:s21], $0x40  }
0x1c7: {  	[sflag:s21] =	ssyncset.done $0x0  }
0x1c8: {  	[sflag:s21] =	ssyncadd.s32 $0xFFFFFFC0  }
0x1c9: {  	_ =	swait.ge [sflag:s21], $0x40  }
0x1ca: {  	[sflag:s21] =	ssyncset.done $0x0  }
0x1cb: {  	[sflag:s21] =	ssyncadd.s32 $0xFFFFFFC0  }
0x1cc: {  	_ =	swait.ge [sflag:s21], $0x40  }
0x1cd: {  	[sflag:s21] =	ssyncset.done $0x0  }
0x1ce: {  	[sflag:s21] =	ssyncadd.s32 $0xFFFFFFC0  }
0x1cf: {  	_ =	swait.ge [sflag:s21], $0x40  }
0x1d0: {  	[sflag:s21] =	ssyncset.done $0x0  }
0x1d1: {  	[sflag:s21] =	ssyncadd.s32 $0xFFFFFFC0  }
0x1d2: {  	_ =	swait.ge [sflag:s21], $0x40  }
0x1d3: {  	[sflag:s21] =	ssyncset.done $0x0  }
0x1d4: {  	[sflag:s21] =	ssyncadd.s32 $0xFFFFFFC0  }
0x1d5: {  	_ =	swait.ge [sflag:s21], $0x40  }
0x1d6: {  	[sflag:s21] =	ssyncset.done $0x0  }
0x1d7: {  	[sflag:s21] =	ssyncadd.s32 $0xFFFFFFC0  }
0x1d8: {  	_ =	swait.ge [sflag:s21], $0x40  }
0x1d9: {  	[sflag:s21] =	ssyncset.done $0x0  }
0x1da: {  	[sflag:s21] =	ssyncadd.s32 $0xFFFFFFC0  }
0x1db: {  	_ =	swait.ge [sflag:s21], $0x40  }
0x1dc: {  	[sflag:s21] =	ssyncset.done $0x0  }
0x1dd: {  	[sflag:s21] =	ssyncadd.s32 $0xFFFFFFC0  }
0x1de: {  	_ =	swait.ge [sflag:s21], $0x40  }
0x1df: {  	[sflag:s21] =	ssyncset.done $0x0  }
0x1e0: {  	[sflag:s21] =	ssyncadd.s32 $0xFFFFFFC0  }
0x1e1: {  	_ =	swait.ge [sflag:s21], $0x40  }
0x1e2: {  	[sflag:s21] =	ssyncset.done $0x0  }
0x1e3: {  	[sflag:s21] =	ssyncadd.s32 $0xFFFFFFC0  }
0x1e4: {  	_ =	swait.ge [sflag:s21], $0x40  }
0x1e5: {  	[sflag:s21] =	ssyncset.done $0x0  }
0x1e6: {  	[sflag:s21] =	ssyncadd.s32 $0xFFFFFFC0  }
0x1e7: {  	_ =	swait.ge [sflag:s21], $0x40  }
0x1e8: {  	[sflag:s21] =	ssyncset.done $0x0  }
0x1e9: {  	[sflag:s21] =	ssyncadd.s32 $0xFFFFFFC0  }
0x1ea: {  	_ =	swait.ge [sflag:s21], $0x40  }
0x1eb: {  	[sflag:s21] =	ssyncset.done $0x0  }
0x1ec: {  	s31 =	sadd.s32 $0x1, s31;
	[sflag:s21] =	ssyncadd.s32 $0xFFFFFFC0  }
0x1ed: {  	p2 =	sne.s32 s31, s30;
	_ =	swait.ge [sflag:s21], $0x40  }
.Ltmp7:
0x1ee: {  	[sflag:s21] =	ssyncset.done $0x0;
	(pc) =	sbr.rel @p2 .LBB2_6-.Ltmp7, $4  }
0x1ef: {  	[sflag:s21] =	ssyncadd.s32 $0xFFFFFFC0  }
0x1f0: {  	_ =	swait.ge [sflag:s21], $0x40  }
0x1f1: {  	[sflag:s21] =	ssyncset.done $0x0  }
0x1f2: {  	[sflag:s21] =	ssyncadd.s32 $0xFFFFFFC0  }
.LBB2_11:
0x1f3: {  	[bflag:$0x0] =	sbarrier.arrive $0xFFFF  }
0x1f4: {  	[tilespmem:s15], [sflag:$0x2] =	stream.linear.gather [spmem:s13], $0x280, $0x38;
	[tilespmem:$0x5388] =	vst v63  }
0x1f5: {  	_ =	swait.ge [sflag:s20], $0x280  }
0x1f6: {  	[sflag:s20] =	ssyncset.done $0x0  }
0x1f7: {  	[sflag:s20] =	ssyncadd.s32 $0xFFFFFD80  }
0x1f8: {  	v26 =	vld [tilespmem:$0x4300]  }
0x1f9: {  	v27 =	vld [tilespmem:$0x4D00]  }
0x1fa: {  	v28 =	vld [tilespmem:$0x4310]  }
0x1fb: {  	v29 =	vld [tilespmem:$0x4D10]  }
0x1fc: {  	v30 =	vld [tilespmem:$0x4320]  }
0x1fd: {  	v31 =	vld [tilespmem:$0x4D20]  }
0x1fe: {  	v32 =	vld [tilespmem:$0x4330]  }
0x1ff: {  	v33 =	vld [tilespmem:$0x4D30]  }
0x200: {  	v34 =	vld [tilespmem:$0x4340]  }
0x201: {  	v35 =	vld [tilespmem:$0x4D40]  }
0x202: {  	v36 =	vld [tilespmem:$0x4350]  }
0x203: {  	v37 =	vld [tilespmem:$0x4D50]  }
0x204: {  	v38 =	vld [tilespmem:$0x4360]  }
0x205: {  	v39 =	vld [tilespmem:$0x4D60]  }
0x206: {  	v40 =	vld [tilespmem:$0x4370]  }
0x207: {  	v41 =	vld [tilespmem:$0x4D70]  }
0x208: {  	v42 =	vld [tilespmem:$0x4380]  }
0x209: {  	v43 =	vld [tilespmem:$0x4D80]  }
0x20a: {  	v44 =	vld [tilespmem:$0x4390]  }
0x20b: {  	v45 =	vld [tilespmem:$0x4D90]  }
0x20c: {  	v46 =	vld [tilespmem:$0x43A0]  }
0x20d: {  	v47 =	vld [tilespmem:$0x4DA0]  }
0x20e: {  	v48 =	vld [tilespmem:$0x43B0]  }
0x20f: {  	v49 =	vld [tilespmem:$0x4DB0]  }
0x210: {  	v50 =	vld [tilespmem:$0x43C0]  }
0x211: {  	v51 =	vld [tilespmem:$0x4DC0]  }
0x212: {  	v52 =	vld [tilespmem:$0x43D0]  }
0x213: {  	v53 =	vld [tilespmem:$0x4DD0]  }
0x214: {  	v54 =	vld [tilespmem:$0x43E0]  }
0x215: {  	v55 =	vld [tilespmem:$0x4DE0]  }
0x216: {  	v56 =	vld [tilespmem:$0x43F0]  }
0x217: {  	v57 =	vld [tilespmem:$0x4DF0]  }
0x218: {  	v58 =	vld [tilespmem:$0x4400]  }
0x219: {  	v59 =	vld [tilespmem:$0x4E00]  }
0x21a: {  	v60 =	vld [tilespmem:$0x4410]  }
0x21b: {  	v61 =	vld [tilespmem:$0x4E10]  }
0x21c: {  	v62 =	vld [tilespmem:$0x4420]  }
0x21d: {  	v63 =	vld [tilespmem:$0x4E20]  }
0x21e: {  	v22 =	vld [tilespmem:$0x4430]  }
0x21f: {  	v25 =	vld [tilespmem:$0x4E30]  }
0x220: {  	v16 =	vld [tilespmem:$0x4440]  }
0x221: {  	v2 =	vld [tilespmem:$0x4E40];
	v26 =	vmul.f32 $9.512294530e-01, v26  }
0x222: {  	v3 =	vld [tilespmem:$0x4450];
	v28 =	vmul.f32 $9.512294530e-01, v28  }
0x223: {  	v4 =	vld [tilespmem:$0x4E50];
	vm3 =	vge.f32 v26, $1.000000000e+00;
	v26 =	vmul.f32 $9.512294530e-01, v30  }
0x224: {  	v30 =	vld [tilespmem:$0x4460];
	v27 =	vnsel vm3, $0x0, v27;
	vm3 =	vge.f32 v28, $1.000000000e+00;
	v28 =	vmul.f32 $9.512294530e-01, v32  }
0x225: {  	v32 =	vld [tilespmem:$0x4E60];
	[tilespmem:$0x4D00] =	vst v27;
	v27 =	vnsel vm3, $0x0, v29;
	vm3 =	vge.f32 v26, $1.000000000e+00;
	v26 =	vmul.f32 $9.512294530e-01, v34  }
0x226: {  	v36 =	vmul.f32 $9.512294530e-01, v36;
	v29 =	vld [tilespmem:$0x4470];
	[tilespmem:$0x4D10] =	vst v27;
	v27 =	vnsel vm3, $0x0, v31;
	vm3 =	vge.f32 v28, $1.000000000e+00  }
0x227: {  	v34 =	vld [tilespmem:$0x4E80];
	[tilespmem:$0x4D20] =	vst v27;
	v27 =	vnsel vm3, $0x0, v33;
	vm3 =	vge.f32 v26, $1.000000000e+00;
	v26 =	vmul.f32 $9.512294530e-01, v38  }
0x228: {  	v40 =	vmul.f32 $9.512294530e-01, v40;
	v31 =	vld [tilespmem:$0x4E70];
	[tilespmem:$0x4D30] =	vst v27;
	v27 =	vnsel vm3, $0x0, v35;
	vm3 =	vge.f32 v36, $1.000000000e+00  }
0x229: {  	v33 =	vld [tilespmem:$0x4480];
	[tilespmem:$0x4D40] =	vst v27;
	v27 =	vnsel vm3, $0x0, v37;
	vm3 =	vge.f32 v26, $1.000000000e+00;
	v26 =	vmul.f32 $9.512294530e-01, v42  }
0x22a: {  	v44 =	vmul.f32 $9.512294530e-01, v44;
	v38 =	vld [tilespmem:$0x4EA0];
	[tilespmem:$0x4D50] =	vst v27;
	v27 =	vnsel vm3, $0x0, v39;
	vm3 =	vge.f32 v40, $1.000000000e+00  }
0x22b: {  	v35 =	vld [tilespmem:$0x4490];
	[tilespmem:$0x4D60] =	vst v27;
	v27 =	vnsel vm3, $0x0, v41;
	vm3 =	vge.f32 v26, $1.000000000e+00  }
0x22c: {  	v36 =	vld [tilespmem:$0x4E90];
	v26 =	vmul.f32 $9.512294530e-01, v46;
	[tilespmem:$0x4D70] =	vst v27;
	v27 =	vnsel vm3, $0x0, v43;
	vm3 =	vge.f32 v44, $1.000000000e+00  }
0x22d: {  	v37 =	vld [tilespmem:$0x44A0];
	v46 =	vmul.f32 $9.512294530e-01, v48;
	[tilespmem:$0x4D80] =	vst v27;
	v27 =	vnsel vm3, $0x0, v45  }
0x22e: {  	v39 =	vld [tilespmem:$0x44B0];
	vm3 =	vge.f32 v26, $1.000000000e+00;
	v26 =	vmul.f32 $9.512294530e-01, v50;
	v50 =	vmul.f32 $9.512294530e-01, v56  }
0x22f: {  	v48 =	vld [tilespmem:$0x4EB0];
	[tilespmem:$0x4D90] =	vst v27;
	v27 =	vnsel vm3, $0x0, v47;
	vm3 =	vge.f32 v46, $1.000000000e+00;
	v47 =	vmul.f32 $9.512294530e-01, v52  }
0x230: {  	v56 =	vld [tilespmem:$0x4EE0];
	[tilespmem:$0x4DA0] =	vst v27;
	v27 =	vnsel vm3, $0x0, v49;
	vm3 =	vge.f32 v26, $1.000000000e+00;
	v26 =	vmul.f32 $9.512294530e-01, v54  }
0x231: {  	v52 =	vld [tilespmem:$0x44D0];
	[tilespmem:$0x4DB0] =	vst v27;
	v27 =	vnsel vm3, $0x0, v51;
	vm3 =	vge.f32 v47, $1.000000000e+00  }
0x232: {  	v49 =	vld [tilespmem:$0x44C0];
	[tilespmem:$0x4DC0] =	vst v27;
	v27 =	vnsel vm3, $0x0, v53;
	vm3 =	vge.f32 v26, $1.000000000e+00;
	v26 =	vmul.f32 $9.512294530e-01, v58  }
0x233: {  	v54 =	vld [tilespmem:$0x4ED0];
	v53 =	vmul.f32 $9.512294530e-01, v60;
	[tilespmem:$0x4DD0] =	vst v27;
	v27 =	vnsel vm3, $0x0, v55;
	vm3 =	vge.f32 v50, $1.000000000e+00  }
0x234: {  	v51 =	vld [tilespmem:$0x4EC0];
	[tilespmem:$0x4DE0] =	vst v27;
	v27 =	vnsel vm3, $0x0, v57;
	vm3 =	vge.f32 v26, $1.000000000e+00;
	v26 =	vmul.f32 $9.512294530e-01, v62  }
0x235: {  	v22 =	vmul.f32 $9.512294530e-01, v22;
	v58 =	vld [tilespmem:$0x4520];
	[tilespmem:$0x4DF0] =	vst v27;
	v27 =	vnsel vm3, $0x0, v59;
	vm3 =	vge.f32 v53, $1.000000000e+00  }
0x236: {  	v16 =	vmul.f32 $9.512294530e-01, v16;
	v60 =	vld [tilespmem:$0x4530];
	[tilespmem:$0x4E00] =	vst v27;
	v27 =	vnsel vm3, $0x0, v61;
	vm3 =	vge.f32 v26, $1.000000000e+00  }
0x237: {  	v3 =	vmul.f32 $9.512294530e-01, v3;
	v55 =	vld [tilespmem:$0x44E0];
	[tilespmem:$0x4E10] =	vst v27;
	v27 =	vnsel vm3, $0x0, v63;
	vm3 =	vge.f32 v22, $1.000000000e+00  }
0x238: {  	v57 =	vld [tilespmem:$0x4F10];
	[tilespmem:$0x4E20] =	vst v27;
	v25 =	vnsel vm3, $0x0, v25;
	vm3 =	vge.f32 v16, $1.000000000e+00;
	v16 =	vmul.f32 $9.512294530e-01, v30  }
0x239: {  	v62 =	vld [tilespmem:$0x4540];
	[tilespmem:$0x4E30] =	vst v25;
	v2 =	vnsel vm3, $0x0, v2;
	vm3 =	vge.f32 v3, $1.000000000e+00;
	v3 =	vmul.f32 $9.512294530e-01, v29  }
0x23a: {  	v59 =	vld [tilespmem:$0x4F20];
	[tilespmem:$0x4E40] =	vst v2;
	v2 =	vnsel vm3, $0x0, v4;
	vm3 =	vge.f32 v16, $1.000000000e+00;
	v4 =	vmul.f32 $9.512294530e-01, v33  }
0x23b: {  	v26 =	vld [tilespmem:$0x44F0];
	[tilespmem:$0x4E50] =	vst v2;
	v2 =	vnsel vm3, $0x0, v32;
	vm3 =	vge.f32 v3, $1.000000000e+00;
	v3 =	vmul.f32 $9.512294530e-01, v35  }
0x23c: {  	v61 =	vld [tilespmem:$0x4F30];
	[tilespmem:$0x4E60] =	vst v2;
	v2 =	vnsel vm3, $0x0, v31;
	vm3 =	vge.f32 v4, $1.000000000e+00;
	v4 =	vmul.f32 $9.512294530e-01, v37  }
0x23d: {  	v27 =	vld [tilespmem:$0x4500];
	[tilespmem:$0x4E70] =	vst v2;
	v2 =	vnsel vm3, $0x0, v34;
	vm3 =	vge.f32 v3, $1.000000000e+00;
	v3 =	vmul.f32 $9.512294530e-01, v39  }
0x23e: {  	v16 =	vld [tilespmem:$0x4510];
	[tilespmem:$0x4E80] =	vst v2;
	v2 =	vnsel vm3, $0x0, v36;
	vm3 =	vge.f32 v4, $1.000000000e+00;
	v4 =	vmul.f32 $9.512294530e-01, v49  }
0x23f: {  	v22 =	vld [tilespmem:$0x4EF0];
	[tilespmem:$0x4E90] =	vst v2;
	v2 =	vnsel vm3, $0x0, v38;
	vm3 =	vge.f32 v3, $1.000000000e+00;
	v3 =	vmul.f32 $9.512294530e-01, v52  }
0x240: {  	v25 =	vld [tilespmem:$0x4F00];
	[tilespmem:$0x4EA0] =	vst v2;
	v2 =	vnsel vm3, $0x0, v48;
	vm3 =	vge.f32 v4, $1.000000000e+00;
	v4 =	vmul.f32 $9.512294530e-01, v55  }
0x241: {  	[tilespmem:$0x4EB0] =	vst v2;
	v2 =	vnsel vm3, $0x0, v51;
	vm3 =	vge.f32 v3, $1.000000000e+00;
	v3 =	vmul.f32 $9.512294530e-01, v26;
	v26 =	vld [tilespmem:$0x4F40]  }
0x242: {  	[tilespmem:$0x4EC0] =	vst v2;
	v2 =	vnsel vm3, $0x0, v54;
	vm3 =	vge.f32 v4, $1.000000000e+00;
	v4 =	vmul.f32 $9.512294530e-01, v27;
	v27 =	vld [tilespmem:$0x4550]  }
0x243: {  	[tilespmem:$0x4ED0] =	vst v2;
	v2 =	vnsel vm3, $0x0, v56;
	vm3 =	vge.f32 v3, $1.000000000e+00;
	v3 =	vmul.f32 $9.512294530e-01, v16;
	v16 =	vld [tilespmem:$0x4560]  }
0x244: {  	[tilespmem:$0x4EE0] =	vst v2;
	v2 =	vnsel vm3, $0x0, v22;
	vm3 =	vge.f32 v4, $1.000000000e+00;
	v4 =	vmul.f32 $9.512294530e-01, v58;
	v22 =	vld [tilespmem:$0x4570]  }
0x245: {  	[tilespmem:$0x4EF0] =	vst v2;
	v2 =	vnsel vm3, $0x0, v25;
	vm3 =	vge.f32 v3, $1.000000000e+00;
	v3 =	vmul.f32 $9.512294530e-01, v60;
	v25 =	vld [tilespmem:$0x4F50]  }
0x246: {  	v63 =	vld [tilespmem:$0x4F60];
	[tilespmem:$0x4F00] =	vst v2;
	v2 =	vnsel vm3, $0x0, v57;
	vm3 =	vge.f32 v4, $1.000000000e+00;
	v4 =	vmul.f32 $9.512294530e-01, v62  }
0x247: {  	[tilespmem:$0x4F10] =	vst v2;
	v2 =	vnsel vm3, $0x0, v59;
	vm3 =	vge.f32 v3, $1.000000000e+00;
	v3 =	vmul.f32 $9.512294530e-01, v27;
	v27 =	vld [tilespmem:$0x4F70]  }
0x248: {  	[tilespmem:$0x4F20] =	vst v2;
	v2 =	vnsel vm3, $0x0, v61;
	vm3 =	vge.f32 v4, $1.000000000e+00;
	v4 =	vmul.f32 $9.512294530e-01, v16  }
0x249: {  	[tilespmem:$0x4F30] =	vst v2;
	v2 =	vnsel vm3, $0x0, v26;
	vm3 =	vge.f32 v3, $1.000000000e+00;
	v3 =	vmul.f32 $9.512294530e-01, v22  }
0x24a: {  	[tilespmem:$0x4F40] =	vst v2;
	v2 =	vnsel vm3, $0x0, v25;
	vm3 =	vge.f32 v4, $1.000000000e+00  }
0x24b: {  	[tilespmem:$0x4F50] =	vst v2;
	v2 =	vnsel vm3, $0x0, v63;
	vm3 =	vge.f32 v3, $1.000000000e+00  }
0x24c: {  	[tilespmem:$0x4F60] =	vst v2;
	v2 =	vnsel vm3, $0x0, v27  }
0x24d: {  	[tilespmem:$0x4F70] =	vst v2  }
0x24e: {  	[spmem:s4] =	stream.indirect.scatter.add.f32 [tilespmem:s18], [sflag:$0x2], $0x1, s17, s24, $0xb8;
	[tilespmem:$0x5388] =	vst v63  }
.Ltmp8:
0x24f: {  	_ =	swait.ge [sflag:s20], $0x280;
	(pc) =	sbr.rel @p0 .LBB2_14-.Ltmp8, $3  }
0x250: {  	[sflag:s20] =	ssyncset.done $0x0  }
0x251: {  	[sflag:s20] =	ssyncadd.s32 $0xFFFFFD80  }
0x252: {  	[bflag:$0x0] =	sbarrier.arrive $0xFFFF;
	_ =	sdelay $0x1  }
0x253: {  	s1 =	simm.s32 $0x5080  }
0x254: {  	[tilespmem:s1], [sflag:$0x2] =	stream.linear.gather [spmem:s4], $0x80, $0x38;
	[tilespmem:$0x5388] =	vst v63  }
0x255: {  	_ =	swait.ge [sflag:s20], $0x80  }
0x256: {  	[sflag:s20] =	ssyncset.done $0x0  }
0x257: {  	s0 =	simm.s32 $0x4F80;
	[sflag:s20] =	ssyncadd.s32 $0xFFFFFF80  }
0x258: {  	[tilespmem:s0], [sflag:$0x2] =	stream.linear.gather [hbm4b:s8+s5], $0x80, $0x38;
	[tilespmem:$0x5388] =	vst v63  }
0x259: {  	_ =	swait.ge [sflag:s20], $0x80  }
0x25a: {  	[sflag:s20] =	ssyncset.done $0x0  }
0x25b: {  	[sflag:s20] =	ssyncadd.s32 $0xFFFFFF80  }
0x25c: {  	v2 =	vld [tilespmem:$0x4F80];
	_ =	sdelay $0x3  }
0x25d: {  	v4 =	vld [tilespmem:$0x1FFF0]  }
0x25e: {  	v3 =	vadd.f32 $-2.000000000e+00, v2;
	_ =	sdelay $0x1  }
0x25f: {  	v3 =	vsub.f32 $0.0e+00, v3;
	_ =	sdelay $0x1  }
0x260: {  	v3 =	vmul.f32 v3, v4;
	_ =	sdelay $0x1  }
0x261: {  	v3 =	vmul.f32 $1.442695020e+00, v3;
	_ =	sdelay $0x1  }
0x262: {  	(erf) = vpow2.f32 v3  }
0x263: {  	v3 =	vld [tilespmem:$0x5080]  }
0x264: {  	v4 =	vld [tilespmem:$0x5090];
	_ =	sdelay $0x3  }
0x265: {  	v22 =	vld [tilespmem:$0x50A0];
	v16 =	vmul.f32 $9.512294530e-01, v3  }
0x266: {  	vm3 =	vge.f32 v2, $3.000000000e+00;
	v2 =	vmul.f32 $9.512294530e-01, v4  }
0x267: {  	vm4 =	vge.f32 v16, $1.000000000e+00;
	v16 =	vld [tilespmem:$0x50B0]  }
0x268: {  	v29 =	vimm.s32 $0xFFFFFFFF;
	v26 =	vld [tilespmem:$0x50C0];
	vm9 =	vge.f32 v2, $1.000000000e+00;
	vm4 =	vmand vm3, vm4;
	v25 =	vpop (erf)  }
0x269: {  	v27 =	vsel vm4, $0x2, v29;
	vm4 =	vmand vm3, vm9;
	v25 =	vnsel vm3, $0x0, v25  }
0x26a: {  	v28 =	vld [tilespmem:$0x50D0];
	[tilespmem:$0x5000] =	vst v27;
	v27 =	vsel vm4, $0x2, v29;
	v2 =	vmul.f32 v25, v3;
	v3 =	vmul.f32 $9.512294530e-01, v22  }
0x26b: {  	[tilespmem:$0x5010] =	vst v27;
	v22 =	vmul.f32 v22, v25  }
0x26c: {  	[tilespmem:$0x5080] =	vst v2;
	v2 =	vmul.f32 v25, v4;
	vm10 =	vge.f32 v3, $1.000000000e+00;
	v3 =	vmul.f32 $9.512294530e-01, v16  }
0x26d: {  	v27 =	vld [tilespmem:$0x50E0];
	v4 =	vmul.f32 $9.512294530e-01, v26;
	[tilespmem:$0x50A0] =	vst v22;
	vm4 =	vmand vm3, vm10  }
0x26e: {  	v16 =	vmul.f32 v16, v25;
	[tilespmem:$0x5090] =	vst v2;
	v2 =	vsel vm4, $0x2, v29;
	vm11 =	vge.f32 v3, $1.000000000e+00  }
0x26f: {  	vm5 =	vge.f32 v4, $1.000000000e+00;
	v3 =	vld [tilespmem:$0x50F0];
	[tilespmem:$0x5020] =	vst v2;
	vm4 =	vmand vm3, vm11;
	v2 =	vmul.f32 $9.512294530e-01, v28  }
0x270: {  	[tilespmem:$0x50B0] =	vst v16;
	vm12 =	vmand vm3, vm5;
	v4 =	vsel vm4, $0x2, v29  }
0x271: {  	[tilespmem:$0x5030] =	vst v4;
	v4 =	vsel vm12, $0x2, v29;
	vm13 =	vge.f32 v2, $1.000000000e+00;
	v2 =	vmul.f32 v26, v25  }
0x272: {  	v16 =	vmul.f32 $9.512294530e-01, v27;
	vm4 =	vmand vm3, vm13;
	[tilespmem:$0x5040] =	vst v4  }
0x273: {  	v4 =	vsel vm4, $0x2, v29;
	[tilespmem:$0x50C0] =	vst v2;
	v2 =	vmul.f32 v28, v25  }
0x274: {  	vm14 =	vge.f32 v16, $1.000000000e+00;
	v16 =	vmul.f32 $9.512294530e-01, v3;
	v3 =	vmul.f32 v3, v25;
	[tilespmem:$0x5050] =	vst v4  }
0x275: {  	vm4 =	vmand vm3, vm14;
	[tilespmem:$0x50D0] =	vst v2  }
0x276: {  	v4 =	vmul.f32 v27, v25;
	v2 =	vsel vm4, $0x2, v29;
	vm15 =	vge.f32 v16, $1.000000000e+00;
	[tilespmem:$0x50F0] =	vst v3  }
0x277: {  	[tilespmem:$0x5060] =	vst v2;
	vm3 =	vmand vm3, vm15  }
0x278: {  	[tilespmem:$0x50E0] =	vst v4;
	v2 =	vsel vm3, $0x2, v29  }
0x279: {  	s2 =	simm.s32 $0x5000;
	s30 =	rddreg [dreg:$0x1];
	[tilespmem:$0x5070] =	vst v2  }
0x27a: {  	[hbm4b:s30+s5] =	stream.linear.scatter [tilespmem:s2], [sflag:$0x2], $0x80, $0x38;
	[tilespmem:$0x5388] =	vst v63  }
0x27b: {  	_ =	swait.ge [sflag:s20], $0x80  }
0x27c: {  	[sflag:s20] =	ssyncset.done $0x0  }
0x27d: {  	[sflag:s20] =	ssyncadd.s32 $0xFFFFFF80  }
.Ltmp9:
0x27e: {  	s31 =	rddreg [dreg:$0x2];
	(pc) =	sbr.rel .LBB2_14-.Ltmp9, $4  }
0x27f: {  	[hbm4b:s31+s5] =	stream.linear.scatter [tilespmem:s1], [sflag:$0x2], $0x80, $0x38;
	[tilespmem:$0x5388] =	vst v63  }
0x280: {  	_ =	swait.ge [sflag:s20], $0x80  }
0x281: {  	[sflag:s20] =	ssyncset.done $0x0  }
0x282: {  	[sflag:s20] =	ssyncadd.s32 $0xFFFFFF80  }
.LBB2_15:
0x283: {  	_ =	sfence.sel $0x180000  }
0x284: {  	[bflag:$0x0] =	sbarrier.arrive $0xFFFF  }
0x285: {  	_ =	strace $0x9000004A  }
0x286: {  	[bflag:$0x2] =	sbarrier.arrive $0xFFFF  }
0x287: {  	s0 =	rddreg [dreg:$0x5]  }
0x288: {  	s0 =	sadd.s32 @!p0 $0x100000, s0  }
0x289: {  	[sflag:s0] =	ssyncadd.tile.s32 @!p0 $0x1;
	_ =	shalt  }
.Lfunc_end2:
_tile_overlayer_lowered:
.L_overlay_start_2:
0x28a: {  	(tag) =	ssettag $0x2  }
0x28b: {  	s0 =	rddreg [dreg:$0x0];
	s2 =	stileid.u32  }
0x28c: {  	s1 =	rddreg [dreg:$0x1];
	p0 =	sne.s32 s2, $0x0  }
0x28d: {  	s3 =	rddreg [dreg:$0x2];
	[bflag:$0x3] =	sbarrier.arrive $0xFFFF;
	s2 =	simm.s32 @!p0 $0x1C02  }
0x28e: {  	[timem:s3], [sflag:s2] =	dma.local @!p0 [hbm:s0], s1  }
0x28f: {  	s0 =	simm.s32 @!p0 $0x2  }
0x290: {  	_ =	swait.ge @!p0 [sflag:s0], s1  }
0x291: {  	s1 =	ssub.s32 @!p0 $0x0, s1;
	[sflag:s0] =	ssyncset.done @!p0 $0x0  }
0x292: {  	[sflag:s0] =	ssyncadd.s32 @!p0 s1  }
0x293: {  	[bflag:$0x3] =	sbarrier.arrive $0xFFFF  }
0x294: {  	_ =	shalt  }

</sc_bundles>
